<compile_context>
chip_gen: v7x
topology: tpu7x:2x2x1
jax: 0.10.2.dev20260603
libtpu: 0.0.44.dev20260713+nightly
codegen_flags: <defaults>
</compile_context>

<pallas_src>
import functools

import jax
import jax.numpy as jnp
from jax import lax
from jax.experimental import pallas as pl
from jax.experimental.pallas import tpu as pltpu
from jax.experimental.pallas import tpu_sc as plsc

_PRUNE_RATIO = 0.5
_NOISE_SCALE = 0.1
_TEMPERATURE = 0.5

_NC = 2
_NS = 16
_L = 16
_NB = 2048
_NBT = 512
_SENT = 0x7FFFFFFF


def _iota():
  return jnp.arange(_L, dtype=jnp.int32)


def _build(B, N, D, K):
  NW = _NC * _NS
  TPR = NW // B
  RPT = (B * K) // NW
  CH = 48
  CHUNKS = []
  r = 0
  while r < RPT:
    CHUNKS.append((r, min(CH, RPT - r)))
    r += CH
  NCH = len(CHUNKS)
  NG = N // _L
  NP = N + 4 * _L

  mesh = plsc.VectorSubcoreMesh(
      core_axis_name="c", subcore_axis_name="s",
      num_cores=_NC, num_subcores=_NS)

  @functools.partial(
      pl.kernel,
      out_type=jax.ShapeDtypeStruct((B * K, D), jnp.float32),
      mesh=mesh,
      scratch_types=[
          pltpu.VMEM((N,), jnp.float32),
          pltpu.VMEM((NP,), jnp.int32),
          pltpu.VMEM((NP,), jnp.int32),
          pltpu.VMEM((NP,), jnp.int32),
          pltpu.VMEM((NP,), jnp.int32),
          pltpu.VMEM((_NB + _L,), jnp.int32),
          pltpu.VMEM((_L, _NBT), jnp.int32),
          [pltpu.VMEM((CH,), jnp.int32) for _ in range(2)],
          [pltpu.VMEM((CH, D), jnp.float32) for _ in range(2)],
          [pltpu.SemaphoreType.DMA for _ in range(4)],
      ],
      compiler_params=pltpu.CompilerParams(needs_layout_passes=False),
  )
  def body(seq_hbm, soft_hbm, out_hbm,
           softv, key_s, idx_s, key_t, idx_t, hist, hist2,
           gidx, gbuf, sem):
    sem_r, sem_w = sem[:2], sem[2:]
    wid = lax.axis_index("c") * _NS + lax.axis_index("s")
    b = wid // TPR
    j0 = (wid % TPR) * RPT

    pltpu.sync_copy(soft_hbm.at[b], softv)

    base = jnp.min(plsc.scan_count(jnp.zeros((_L,), jnp.int32))[0])

    def soft_key(g):
      off = pl.multiple_of(g * _L, _L)
      bits = plsc.bitcast(softv[pl.ds(off, _L)], jnp.int32)
      return 0x7FFFFFFF - bits

    def zero_hist(ngroups):
      def z(v, c):
        hist[pl.ds(pl.multiple_of(v * _L, _L), _L)] = jnp.zeros((_L,), jnp.int32)
        return c
      lax.fori_loop(0, ngroups, z, 0)

    def prefix_hist(ngroups):
      def p(v, carry):
        off = pl.multiple_of(v * _L, _L)
        hv = hist[pl.ds(off, _L)]
        s = plsc.cumsum(hv)
        hist[pl.ds(off, _L)] = s - hv + carry
        return carry + jnp.max(s)
      lax.fori_loop(0, ngroups, p, jnp.int32(0))

    def z2(v, c):
      off = pl.multiple_of(v * _L, _L)
      zv = jnp.zeros((_L,), jnp.int32)
      for l in range(_L):
        hist2[l, pl.ds(off, _L)] = zv
      return c
    lax.fori_loop(0, _NBT // _L, z2, 0)
    lanes = _iota()

    def hcount(g, c):
      for u in range(4):
        d = lax.shift_right_logical(soft_key(g * 4 + u), 22)
        plsc.addupdate_scatter(hist2, [lanes, d], jnp.ones((_L,), jnp.int32))
      return c
    lax.fori_loop(0, NG // 4, hcount, 0)

    zero_hist(_NBT // _L + 1)

    def colsum(v, c):
      off = pl.multiple_of(v * _L, _L)
      acc = hist2[0, pl.ds(off, _L)]
      for l in range(1, _L):
        acc = acc + hist2[l, pl.ds(off, _L)]
      hist[pl.ds(off, _L)] = acc
      return c
    lax.fori_loop(0, _NBT // _L, colsum, 0)

    prefix_hist(_NBT // _L + 1)

    def prescan(v, carry):
      dlo, dhi, s, e = carry
      off = pl.multiple_of(v * _L, _L)
      d = v * _L + lanes
      p0 = hist[pl.ds(off, _L)]
      p1 = plsc.load_gather(hist, [d + 1])
      valid = d < _NBT
      c1 = (p1 > j0) & valid
      c2 = (p0 < j0 + RPT) & valid
      dlo = jnp.minimum(dlo, jnp.min(jnp.where(c1, d, jnp.int32(_SENT))))
      dhi = jnp.maximum(dhi, jnp.max(jnp.where(c2, d, jnp.int32(-1))))
      s = jnp.minimum(s, jnp.min(jnp.where(c1, p0, jnp.int32(_SENT))))
      e = jnp.maximum(e, jnp.max(jnp.where(c2, p1, jnp.int32(-1))))
      return dlo, dhi, s, e
    dlo, dhi, s0, e0 = lax.fori_loop(
        0, _NBT // _L + 1, prescan,
        (jnp.int32(_SENT), jnp.int32(-1), jnp.int32(_SENT), jnp.int32(-1)))
    m = e0 - s0

    def compact(g, c):
      for u in range(4):
        kk = soft_key(g * 4 + u)
        d = lax.shift_right_logical(kk, 22)
        sel = (d >= dlo) & (d <= dhi)
        cnt, last = plsc.scan_count(d)
        pos = plsc.load_gather(hist, [d]) - s0 + (cnt - base)
        plsc.store_scatter(key_s, [pos], kk, mask=sel)
        plsc.store_scatter(idx_s, [pos], (g * 4 + u) * _L + lanes, mask=sel)
        plsc.addupdate_scatter(hist, [d], cnt - base + 1, mask=last)
      return c
    lax.fori_loop(0, NG // 4, compact, 0)

    pads = m + _iota()
    plsc.store_scatter(key_s, [pads], jnp.full((_L,), _SENT, jnp.int32))
    plsc.store_scatter(idx_s, [pads], jnp.zeros((_L,), jnp.int32))
    mg = lax.shift_right_logical(m + 15, 4)

    def lpass(shift, nb, src_k, src_i, dst_k, dst_i, write_keys):
      zero_hist(nb // _L + 1)

      def hc(g, c):
        kk = src_k[pl.ds(pl.multiple_of(g * _L, _L), _L)]
        d = lax.shift_right_logical(kk, shift) & (nb - 1)
        cnt, last = plsc.scan_count(d)
        plsc.addupdate_scatter(hist, [d], cnt - base + 1, mask=last)
        return c
      lax.fori_loop(0, mg, hc, 0)

      prefix_hist(nb // _L + 1)

      def sc(g, c):
        off = pl.multiple_of(g * _L, _L)
        kk = src_k[pl.ds(off, _L)]
        ii = src_i[pl.ds(off, _L)]
        d = lax.shift_right_logical(kk, shift) & (nb - 1)
        cnt, last = plsc.scan_count(d)
        pos = plsc.load_gather(hist, [d]) + (cnt - base)
        if write_keys:
          plsc.store_scatter(dst_k, [pos], kk)
        plsc.store_scatter(dst_i, [pos], ii)
        plsc.addupdate_scatter(hist, [d], cnt - base + 1, mask=last)
        return c
      lax.fori_loop(0, mg, sc, 0)

    lpass(0, 256, key_s, idx_s, key_t, idx_t, True)
    lpass(8, 256, key_t, idx_t, key_s, idx_s, True)
    lpass(16, 256, key_s, idx_s, key_t, idx_t, True)
    lpass(24, 256, key_t, idx_t, key_s, idx_s, False)

    rowoff = b * N
    w0 = j0 - s0

    def start_read(c, u):
      cb, cn = CHUNKS[c]
      rb = w0 + cb
      for h in range(cn // _L):
        v = plsc.load_gather(idx_s, [rb + h * _L + _iota()])
        gidx[u][pl.ds(h * _L, _L)] = v + rowoff
      gi = gidx[u] if cn == CH else gidx[u].at[pl.ds(0, cn)]
      gb = gbuf[u] if cn == CH else gbuf[u].at[pl.ds(0, cn)]
      return pltpu.async_copy(seq_hbm.at[gi], gb, sem_r[u])

    def start_write(c, u):
      cb, cn = CHUNKS[c]
      gb = gbuf[u] if cn == CH else gbuf[u].at[pl.ds(0, cn)]
      return pltpu.async_copy(
          gb,
          out_hbm.at[pl.ds(pl.multiple_of(wid * RPT + cb, _L), cn)],
          sem_w[u])

    rd = [None] * NCH
    wr = [None] * NCH
    rd[0] = start_read(0, 0)
    rd[1] = start_read(1, 1)
    for c in range(NCH):
      u = c % 2
      rd[c].wait()
      wr[c] = start_write(c, u)
      if c + 2 < NCH:
        wr[c].wait()
        rd[c + 2] = start_read(c + 2, u)
    wr[NCH - 2].wait()
    wr[NCH - 1].wait()

  return body


def kernel(seq, attn_weights):
  if attn_weights.ndim == 3:
    attn_weights = jnp.squeeze(attn_weights, axis=1)
  B, N, D = seq.shape
  K = max(1, int(N * (1.0 - _PRUNE_RATIO)))
  noise = jax.random.normal(
      jax.random.key(42), attn_weights.shape, attn_weights.dtype
  ) * _NOISE_SCALE * 0.5
  soft = jax.nn.softmax((attn_weights + noise) / _TEMPERATURE, axis=-1)
  out = _build(B, N, D, K)(seq.reshape(B * N, D), soft)
  return out.reshape(B, K, D)

# --- scband reference (transcript-rebuilt; emitter-appended) ---
"""Pipeline reference for scband-privacy-aware-token-pruning-4088808866130 (READ-ONLY COPY).

The authoritative reference and input builder live on the scoring server;
editing this copy changes nothing except your own understanding.
"""

import jax, jax.numpy as jnp
import numpy as np

PRUNE_RATIO = 0.5
NOISE_SCALE = 0.1
MIXUP_ALPHA = 0.05
TEMPERATURE = 0.5


def setup_inputs(seed: int = 0) -> dict:
    key = jax.random.key(seed)
    k1, k2 = jax.random.split(key)
    seq = jax.random.normal(k1, (4, 8192, 768), dtype=jnp.float32)
    attn_weights = jax.random.uniform(k2, (4, 8192), dtype=jnp.float32)
    return {"seq": seq, "attn_weights": attn_weights}


def reference(seq, attn_weights):
    # eval-mode path of PrivacyAwareTokenPruning (module not in training mode)
    B, N, D = seq.shape
    if attn_weights.ndim == 3:
        attn_weights = jnp.squeeze(attn_weights, axis=1)
    k = max(1, int(N * (1.0 - PRUNE_RATIO)))
    # stochastic privacy noise (deterministic key for reproducibility)
    noise = jax.random.normal(jax.random.key(42), attn_weights.shape, dtype=attn_weights.dtype) * NOISE_SCALE * 0.5
    noisy_weights = attn_weights + noise
    soft_weights = jax.nn.softmax(noisy_weights / TEMPERATURE, axis=-1)
    _, top_indices = jax.lax.top_k(soft_weights, k)  # (B, k)
    # gather selected tokens: torch.gather(seq, 1, idx.expand(-1,-1,D))
    selected_tokens = jnp.take_along_axis(seq, top_indices[:, :, None], axis=1)  # (B, k, D)
    return selected_tokens

if __name__ == "__main__":
    import jax
    _d = setup_inputs()
    print(jax.jit(kernel)(*tuple(_d.values())))

</pallas_src>

<mosaic_0001>
#map = affine_map<(d0, d1) -> (0, 0)>
module attributes {stable_mosaic.version = 14 : i64} {
  func.func @body(%arg0: i32, %arg1: i32, %arg2: memref<32768x768xf32, #tpu.memory_space<hbm>>, %arg3: memref<4x8192xf32, #tpu.memory_space<hbm>>, %arg4: memref<16384x768xf32, #tpu.memory_space<hbm>>, %arg5: memref<8192xf32, #tpu.memory_space<vmem>>, %arg6: memref<8256xi32, #tpu.memory_space<vmem>>, %arg7: memref<8256xi32, #tpu.memory_space<vmem>>, %arg8: memref<8256xi32, #tpu.memory_space<vmem>>, %arg9: memref<8256xi32, #tpu.memory_space<vmem>>, %arg10: memref<2064xi32, #tpu.memory_space<vmem>>, %arg11: memref<16x512xi32, #tpu.memory_space<vmem>>, %arg12: memref<48xi32, #tpu.memory_space<vmem>>, %arg13: memref<48xi32, #tpu.memory_space<vmem>>, %arg14: memref<48x768xf32, #tpu.memory_space<vmem>>, %arg15: memref<48x768xf32, #tpu.memory_space<vmem>>, %arg16: memref<!tpu.dma_semaphore, #tpu.memory_space<semaphore_mem>>, %arg17: memref<!tpu.dma_semaphore, #tpu.memory_space<semaphore_mem>>, %arg18: memref<!tpu.dma_semaphore, #tpu.memory_space<semaphore_mem>>, %arg19: memref<!tpu.dma_semaphore, #tpu.memory_space<semaphore_mem>>) attributes {dimension_semantics = [#tpu.dimension_semantics<core_parallel>, #tpu.dimension_semantics<subcore_parallel>], iteration_bounds = array<i64: 2, 16>, scalar_prefetch = 0 : i64, scratch_operands = 15 : i64, tpu.core_type = #tpu.core_type<sc_vector_subcore>, window_params = [{transform_indices = #map}, {transform_indices = #map}, {transform_indices = #map}]} {
    %mul3A = arith.constant 16 : i32
    %mul3A_0 = arith.muli %arg0, %mul3A : i32
    %add3A = arith.addi %mul3A_0, %arg1 : i32
    %jit3A = arith.constant 8 : i32
    %div3A = arith.divsi %add3A, %jit3A : i32
    %sign3A = arith.constant 0 : i32
    %sign3A_1 = arith.cmpi sgt, %add3A, %sign3A : i32
    %sign3A_2 = arith.extui %sign3A_1 : i1 to i32
    %sign3A_3 = arith.constant 0 : i32
    %sign3A_4 = arith.cmpi slt, %add3A, %sign3A_3 : i32
    %sign3A_5 = arith.extui %sign3A_4 : i1 to i32
    %sign3A_6 = arith.subi %sign3A_2, %sign3A_5 : i32
    %sign3A_7 = arith.constant 0 : i32
    %sign3A_8 = arith.cmpi sgt, %jit3A, %sign3A_7 : i32
    %sign3A_9 = arith.extui %sign3A_8 : i1 to i32
    %sign3A_10 = arith.constant 0 : i32
    %sign3A_11 = arith.cmpi slt, %jit3A, %sign3A_10 : i32
    %sign3A_12 = arith.extui %sign3A_11 : i1 to i32
    %sign3A_13 = arith.subi %sign3A_9, %sign3A_12 : i32
    %ne3A = arith.cmpi ne, %sign3A_6, %sign3A_13 : i32
    %rem3A = arith.remsi %add3A, %jit3A : i32
    %ne3A_14 = arith.constant 0 : i32
    %ne3A_15 = arith.cmpi ne, %rem3A, %ne3A_14 : i32
    %and3A = arith.andi %ne3A, %ne3A_15 : i1
    %sub3A = arith.constant 1 : i32
    %sub3A_16 = arith.subi %div3A, %sub3A : i32
    %select_n3A = arith.select %and3A, %sub3A_16, %div3A : i32
    %jit3A_17 = arith.constant 8 : i32
    %eq3A = arith.constant 0 : i32
    %eq3A_18 = arith.cmpi eq, %jit3A_17, %eq3A : i32
    %jit3A_19 = arith.constant 1 : i32
    %select_n3A_20 = arith.select %eq3A_18, %jit3A_19, %jit3A_17 : i32
    %rem3A_21 = arith.remsi %add3A, %select_n3A_20 : i32
    %ne3A_22 = arith.constant 0 : i32
    %ne3A_23 = arith.cmpi ne, %rem3A_21, %ne3A_22 : i32
    %lt3A = arith.constant 0 : i32
    %lt3A_24 = arith.cmpi slt, %rem3A_21, %lt3A : i32
    %lt3A_25 = arith.constant 0 : i32
    %lt3A_26 = arith.cmpi slt, %select_n3A_20, %lt3A_25 : i32
    %ne3A_27 = arith.xori %lt3A_24, %lt3A_26 : i1
    %and3A_28 = arith.andi %ne3A_27, %ne3A_23 : i1
    %add3A_29 = arith.addi %rem3A_21, %select_n3A_20 : i32
    %select_n3A_30 = arith.select %and3A_28, %add3A_29, %rem3A_21 : i32
    %mul3A_31 = arith.constant 512 : i32
    %mul3A_32 = arith.muli %select_n3A_30, %mul3A_31 : i32
    "tpu.region"() ({
      %run_scoped3A = tpu.sem_alloc : memref<!tpu.dma_semaphore, #tpu.memory_space<semaphore_mem>>
      %dma_start3A_803 = arith.constant 0 : i32
      %dma_start3A_804 = tpu.memref_slice %arg3[%select_n3A, %dma_start3A_803] : memref<4x8192xf32, #tpu.memory_space<hbm>> -> memref<1x8192xf32, #tpu.memory_space<hbm>>
      %dma_start3A_805 = tpu.memref_squeeze %dma_start3A_804 : memref<1x8192xf32, #tpu.memory_space<hbm>> -> memref<8192xf32, #tpu.memory_space<hbm>>
      %dma_start3A_806 = arith.constant 0 : i32
      %dma_start3A_807 = tpu.memref_slice %arg3[%select_n3A, %dma_start3A_806] : memref<4x8192xf32, #tpu.memory_space<hbm>> -> memref<1x8192xf32, #tpu.memory_space<hbm>>
      %dma_start3A_808 = tpu.memref_squeeze %dma_start3A_807 : memref<1x8192xf32, #tpu.memory_space<hbm>> -> memref<8192xf32, #tpu.memory_space<hbm>>
      tpu.enqueue_dma source(%dma_start3A_808 : memref<8192xf32, #tpu.memory_space<hbm>>) target(%arg5 : memref<8192xf32, #tpu.memory_space<vmem>>) target_semaphore(%run_scoped3A : memref<!tpu.dma_semaphore, #tpu.memory_space<semaphore_mem>>)
      %dma_wait3A_809 = arith.constant 0 : i32
      %dma_wait3A_810 = tpu.memref_slice %arg3[%select_n3A, %dma_wait3A_809] : memref<4x8192xf32, #tpu.memory_space<hbm>> -> memref<1x8192xf32, #tpu.memory_space<hbm>>
      %dma_wait3A_811 = tpu.memref_squeeze %dma_wait3A_810 : memref<1x8192xf32, #tpu.memory_space<hbm>> -> memref<8192xf32, #tpu.memory_space<hbm>>
      %dma_wait3A_812 = arith.constant 0 : i32
      %dma_wait3A_813 = tpu.memref_slice %arg3[%select_n3A, %dma_wait3A_812] : memref<4x8192xf32, #tpu.memory_space<hbm>> -> memref<1x8192xf32, #tpu.memory_space<hbm>>
      %dma_wait3A_814 = tpu.memref_squeeze %dma_wait3A_813 : memref<1x8192xf32, #tpu.memory_space<hbm>> -> memref<8192xf32, #tpu.memory_space<hbm>>
      tpu.wait_dma2 semaphore(%run_scoped3A : memref<!tpu.dma_semaphore, #tpu.memory_space<semaphore_mem>>) src(%dma_wait3A_814 : memref<8192xf32, #tpu.memory_space<hbm>>) dst(%arg5 : memref<8192xf32, #tpu.memory_space<vmem>>)
      tpu.yield
    }) : () -> ()
    %broadcast_in_dim3A = arith.constant 0 : i32
    %broadcast_in_dim3A_33 = vector.broadcast %broadcast_in_dim3A : i32 to vector<16xi32>
    %broadcast_in_dim3A_34 = arith.constant true
    %broadcast_in_dim3A_35 = vector.broadcast %broadcast_in_dim3A_34 : i1 to vector<16xi1>
    %unique3A, %unique3A_36 = tpu.scan_count mask(%broadcast_in_dim3A_35 : vector<16xi1>) value(%broadcast_in_dim3A_33 : vector<16xi32>) : vector<16xi1>, vector<16xi32>
    %reduce_min3A = arith.constant true
    %reduce_min3A_37 = vector.broadcast %reduce_min3A : i1 to vector<16xi1>
    %reduce_min3A_38 = arith.constant -2147483648 : i32
    %reduce_min3A_39 = vector.broadcast %reduce_min3A_38 : i32 to vector<16xi32>
    %reduce_min3A_40 = arith.xori %unique3A_36, %reduce_min3A_39 : vector<16xi32>
    %reduce_min3A_41 = tpu.scan <min>, %reduce_min3A_40 masked %reduce_min3A_37 : vector<16xi32>, vector<16xi1> -> vector<16xi32>
    %reduce_min3A_42 = arith.xori %reduce_min3A_41, %reduce_min3A_39 : vector<16xi32>
    %reduce_min3A_43 = vector.extract %reduce_min3A_42[15] : i32 from vector<16xi32>
    %scan3A = arith.constant 0 : i32
    %scan3A_44 = arith.constant 0 : i32
    %scan3A_45 = arith.constant 32 : i32
    %scan3A_46 = arith.addi %scan3A_44, %scan3A_45 : i32
    %scan3A_47 = arith.constant 1 : i32
    scf.for %scan3A_803 = %scan3A_44 to %scan3A_46 step %scan3A_47  : i32 {
      %mul3A_804 = arith.constant 16 : i32
      %mul3A_805 = arith.muli %scan3A_803, %mul3A_804 : i32
      %multiple_of3A_806 = tpu.assume_multiple %mul3A_805, 16 : i32
      %broadcast_in_dim3A_807 = arith.constant 0 : i32
      %broadcast_in_dim3A_808 = vector.broadcast %broadcast_in_dim3A_807 : i32 to vector<16xi32>
      %swap3A_809 = arith.constant 0 : i32
      %swap3A_810 = arith.index_cast %swap3A_809 : i32 to index
      %swap3A_811 = arith.index_cast %multiple_of3A_806 : i32 to index
      %swap3A_812 = tpu.vector_load %arg11[%swap3A_810, %swap3A_811] {strides = array<i32>} : memref<16x512xi32, #tpu.memory_space<vmem>>, vector<16xi32>,
      tpu.vector_store %arg11[%swap3A_810, %swap3A_811], %broadcast_in_dim3A_808 {strides = array<i32>} : memref<16x512xi32, #tpu.memory_space<vmem>>, vector<16xi32>,
      %swap3A_813 = arith.constant 1 : i32
      %swap3A_814 = arith.index_cast %swap3A_813 : i32 to index
      %swap3A_815 = arith.index_cast %multiple_of3A_806 : i32 to index
      %swap3A_816 = tpu.vector_load %arg11[%swap3A_814, %swap3A_815] {strides = array<i32>} : memref<16x512xi32, #tpu.memory_space<vmem>>, vector<16xi32>,
      tpu.vector_store %arg11[%swap3A_814, %swap3A_815], %broadcast_in_dim3A_808 {strides = array<i32>} : memref<16x512xi32, #tpu.memory_space<vmem>>, vector<16xi32>,
      %swap3A_817 = arith.constant 2 : i32
      %swap3A_818 = arith.index_cast %swap3A_817 : i32 to index
      %swap3A_819 = arith.index_cast %multiple_of3A_806 : i32 to index
      %swap3A_820 = tpu.vector_load %arg11[%swap3A_818, %swap3A_819] {strides = array<i32>} : memref<16x512xi32, #tpu.memory_space<vmem>>, vector<16xi32>,
      tpu.vector_store %arg11[%swap3A_818, %swap3A_819], %broadcast_in_dim3A_808 {strides = array<i32>} : memref<16x512xi32, #tpu.memory_space<vmem>>, vector<16xi32>,
      %swap3A_821 = arith.constant 3 : i32
      %swap3A_822 = arith.index_cast %swap3A_821 : i32 to index
      %swap3A_823 = arith.index_cast %multiple_of3A_806 : i32 to index
      %swap3A_824 = tpu.vector_load %arg11[%swap3A_822, %swap3A_823] {strides = array<i32>} : memref<16x512xi32, #tpu.memory_space<vmem>>, vector<16xi32>,
      tpu.vector_store %arg11[%swap3A_822, %swap3A_823], %broadcast_in_dim3A_808 {strides = array<i32>} : memref<16x512xi32, #tpu.memory_space<vmem>>, vector<16xi32>,
      %swap3A_825 = arith.constant 4 : i32
      %swap3A_826 = arith.index_cast %swap3A_825 : i32 to index
      %swap3A_827 = arith.index_cast %multiple_of3A_806 : i32 to index
      %swap3A_828 = tpu.vector_load %arg11[%swap3A_826, %swap3A_827] {strides = array<i32>} : memref<16x512xi32, #tpu.memory_space<vmem>>, vector<16xi32>,
      tpu.vector_store %arg11[%swap3A_826, %swap3A_827], %broadcast_in_dim3A_808 {strides = array<i32>} : memref<16x512xi32, #tpu.memory_space<vmem>>, vector<16xi32>,
      %swap3A_829 = arith.constant 5 : i32
      %swap3A_830 = arith.index_cast %swap3A_829 : i32 to index
      %swap3A_831 = arith.index_cast %multiple_of3A_806 : i32 to index
      %swap3A_832 = tpu.vector_load %arg11[%swap3A_830, %swap3A_831] {strides = array<i32>} : memref<16x512xi32, #tpu.memory_space<vmem>>, vector<16xi32>,
      tpu.vector_store %arg11[%swap3A_830, %swap3A_831], %broadcast_in_dim3A_808 {strides = array<i32>} : memref<16x512xi32, #tpu.memory_space<vmem>>, vector<16xi32>,
      %swap3A_833 = arith.constant 6 : i32
      %swap3A_834 = arith.index_cast %swap3A_833 : i32 to index
      %swap3A_835 = arith.index_cast %multiple_of3A_806 : i32 to index
      %swap3A_836 = tpu.vector_load %arg11[%swap3A_834, %swap3A_835] {strides = array<i32>} : memref<16x512xi32, #tpu.memory_space<vmem>>, vector<16xi32>,
      tpu.vector_store %arg11[%swap3A_834, %swap3A_835], %broadcast_in_dim3A_808 {strides = array<i32>} : memref<16x512xi32, #tpu.memory_space<vmem>>, vector<16xi32>,
      %swap3A_837 = arith.constant 7 : i32
      %swap3A_838 = arith.index_cast %swap3A_837 : i32 to index
      %swap3A_839 = arith.index_cast %multiple_of3A_806 : i32 to index
      %swap3A_840 = tpu.vector_load %arg11[%swap3A_838, %swap3A_839] {strides = array<i32>} : memref<16x512xi32, #tpu.memory_space<vmem>>, vector<16xi32>,
      tpu.vector_store %arg11[%swap3A_838, %swap3A_839], %broadcast_in_dim3A_808 {strides = array<i32>} : memref<16x512xi32, #tpu.memory_space<vmem>>, vector<16xi32>,
      %swap3A_841 = arith.constant 8 : i32
      %swap3A_842 = arith.index_cast %swap3A_841 : i32 to index
      %swap3A_843 = arith.index_cast %multiple_of3A_806 : i32 to index
      %swap3A_844 = tpu.vector_load %arg11[%swap3A_842, %swap3A_843] {strides = array<i32>} : memref<16x512xi32, #tpu.memory_space<vmem>>, vector<16xi32>,
      tpu.vector_store %arg11[%swap3A_842, %swap3A_843], %broadcast_in_dim3A_808 {strides = array<i32>} : memref<16x512xi32, #tpu.memory_space<vmem>>, vector<16xi32>,
      %swap3A_845 = arith.constant 9 : i32
      %swap3A_846 = arith.index_cast %swap3A_845 : i32 to index
      %swap3A_847 = arith.index_cast %multiple_of3A_806 : i32 to index
      %swap3A_848 = tpu.vector_load %arg11[%swap3A_846, %swap3A_847] {strides = array<i32>} : memref<16x512xi32, #tpu.memory_space<vmem>>, vector<16xi32>,
      tpu.vector_store %arg11[%swap3A_846, %swap3A_847], %broadcast_in_dim3A_808 {strides = array<i32>} : memref<16x512xi32, #tpu.memory_space<vmem>>, vector<16xi32>,
      %swap3A_849 = arith.constant 10 : i32
      %swap3A_850 = arith.index_cast %swap3A_849 : i32 to index
      %swap3A_851 = arith.index_cast %multiple_of3A_806 : i32 to index
      %swap3A_852 = tpu.vector_load %arg11[%swap3A_850, %swap3A_851] {strides = array<i32>} : memref<16x512xi32, #tpu.memory_space<vmem>>, vector<16xi32>,
      tpu.vector_store %arg11[%swap3A_850, %swap3A_851], %broadcast_in_dim3A_808 {strides = array<i32>} : memref<16x512xi32, #tpu.memory_space<vmem>>, vector<16xi32>,
      %swap3A_853 = arith.constant 11 : i32
      %swap3A_854 = arith.index_cast %swap3A_853 : i32 to index
      %swap3A_855 = arith.index_cast %multiple_of3A_806 : i32 to index
      %swap3A_856 = tpu.vector_load %arg11[%swap3A_854, %swap3A_855] {strides = array<i32>} : memref<16x512xi32, #tpu.memory_space<vmem>>, vector<16xi32>,
      tpu.vector_store %arg11[%swap3A_854, %swap3A_855], %broadcast_in_dim3A_808 {strides = array<i32>} : memref<16x512xi32, #tpu.memory_space<vmem>>, vector<16xi32>,
      %swap3A_857 = arith.constant 12 : i32
      %swap3A_858 = arith.index_cast %swap3A_857 : i32 to index
      %swap3A_859 = arith.index_cast %multiple_of3A_806 : i32 to index
      %swap3A_860 = tpu.vector_load %arg11[%swap3A_858, %swap3A_859] {strides = array<i32>} : memref<16x512xi32, #tpu.memory_space<vmem>>, vector<16xi32>,
      tpu.vector_store %arg11[%swap3A_858, %swap3A_859], %broadcast_in_dim3A_808 {strides = array<i32>} : memref<16x512xi32, #tpu.memory_space<vmem>>, vector<16xi32>,
      %swap3A_861 = arith.constant 13 : i32
      %swap3A_862 = arith.index_cast %swap3A_861 : i32 to index
      %swap3A_863 = arith.index_cast %multiple_of3A_806 : i32 to index
      %swap3A_864 = tpu.vector_load %arg11[%swap3A_862, %swap3A_863] {strides = array<i32>} : memref<16x512xi32, #tpu.memory_space<vmem>>, vector<16xi32>,
      tpu.vector_store %arg11[%swap3A_862, %swap3A_863], %broadcast_in_dim3A_808 {strides = array<i32>} : memref<16x512xi32, #tpu.memory_space<vmem>>, vector<16xi32>,
      %swap3A_865 = arith.constant 14 : i32
      %swap3A_866 = arith.index_cast %swap3A_865 : i32 to index
      %swap3A_867 = arith.index_cast %multiple_of3A_806 : i32 to index
      %swap3A_868 = tpu.vector_load %arg11[%swap3A_866, %swap3A_867] {strides = array<i32>} : memref<16x512xi32, #tpu.memory_space<vmem>>, vector<16xi32>,
      tpu.vector_store %arg11[%swap3A_866, %swap3A_867], %broadcast_in_dim3A_808 {strides = array<i32>} : memref<16x512xi32, #tpu.memory_space<vmem>>, vector<16xi32>,
      %swap3A_869 = arith.constant 15 : i32
      %swap3A_870 = arith.index_cast %swap3A_869 : i32 to index
      %swap3A_871 = arith.index_cast %multiple_of3A_806 : i32 to index
      %swap3A_872 = tpu.vector_load %arg11[%swap3A_870, %swap3A_871] {strides = array<i32>} : memref<16x512xi32, #tpu.memory_space<vmem>>, vector<16xi32>,
      tpu.vector_store %arg11[%swap3A_870, %swap3A_871], %broadcast_in_dim3A_808 {strides = array<i32>} : memref<16x512xi32, #tpu.memory_space<vmem>>, vector<16xi32>,
    }
    %scan3A_48 = arith.constant 32 : i32
    %iota3A = tpu.iota {dimensions = array<i32: 0>} : vector<16xi32>
    %scan3A_49 = arith.constant 0 : i32
    %scan3A_50 = arith.constant 0 : i32
    %scan3A_51 = arith.constant 128 : i32
    %scan3A_52 = arith.addi %scan3A_50, %scan3A_51 : i32
    %scan3A_53 = arith.constant 1 : i32
    scf.for %scan3A_803 = %scan3A_50 to %scan3A_52 step %scan3A_53  : i32 {
      %mul3A_804 = arith.constant 4 : i32
      %mul3A_805 = arith.muli %scan3A_803, %mul3A_804 : i32
      %add3A_806 = arith.constant 0 : i32
      %add3A_807 = arith.addi %mul3A_805, %add3A_806 : i32
      %mul3A_808 = arith.constant 16 : i32
      %mul3A_809 = arith.muli %add3A_807, %mul3A_808 : i32
      %multiple_of3A_810 = tpu.assume_multiple %mul3A_809, 16 : i32
      %get3A = arith.index_cast %multiple_of3A_810 : i32 to index
      %get3A_811 = tpu.vector_load %arg5[%get3A] {strides = array<i32>} : memref<8192xf32, #tpu.memory_space<vmem>>, vector<16xf32>,
      %bitcast3A = vector.bitcast %get3A_811 : vector<16xf32> to vector<16xi32>
      %sub3A_812 = arith.constant 2147483647 : i32
      %sub3A_813 = vector.broadcast %sub3A_812 : i32 to vector<16xi32>
      %sub3A_814 = arith.subi %sub3A_813, %bitcast3A : vector<16xi32>
      %shift_right_logical3A_815 = arith.constant 22 : i32
      %shift_right_logical3A_816 = vector.broadcast %shift_right_logical3A_815 : i32 to vector<16xi32>
      %shift_right_logical3A_817 = arith.shrui %sub3A_814, %shift_right_logical3A_816 : vector<16xi32>
      %broadcast_in_dim3A_818 = arith.constant 1 : i32
      %broadcast_in_dim3A_819 = vector.broadcast %broadcast_in_dim3A_818 : i32 to vector<16xi32>
      tpu.vector_store_idx %arg11[%iota3A, %shift_right_logical3A_817], %broadcast_in_dim3A_819 {add = true} : memref<16x512xi32, #tpu.memory_space<vmem>>[vector<16xi32>, vector<16xi32>], vector<16xi32>,
      %mul3A_820 = arith.constant 4 : i32
      %mul3A_821 = arith.muli %scan3A_803, %mul3A_820 : i32
      %add3A_822 = arith.constant 1 : i32
      %add3A_823 = arith.addi %mul3A_821, %add3A_822 : i32
      %mul3A_824 = arith.constant 16 : i32
      %mul3A_825 = arith.muli %add3A_823, %mul3A_824 : i32
      %multiple_of3A_826 = tpu.assume_multiple %mul3A_825, 16 : i32
      %get3A_827 = arith.index_cast %multiple_of3A_826 : i32 to index
      %get3A_828 = tpu.vector_load %arg5[%get3A_827] {strides = array<i32>} : memref<8192xf32, #tpu.memory_space<vmem>>, vector<16xf32>,
      %bitcast3A_829 = vector.bitcast %get3A_828 : vector<16xf32> to vector<16xi32>
      %sub3A_830 = arith.constant 2147483647 : i32
      %sub3A_831 = vector.broadcast %sub3A_830 : i32 to vector<16xi32>
      %sub3A_832 = arith.subi %sub3A_831, %bitcast3A_829 : vector<16xi32>
      %shift_right_logical3A_833 = arith.constant 22 : i32
      %shift_right_logical3A_834 = vector.broadcast %shift_right_logical3A_833 : i32 to vector<16xi32>
      %shift_right_logical3A_835 = arith.shrui %sub3A_832, %shift_right_logical3A_834 : vector<16xi32>
      %broadcast_in_dim3A_836 = arith.constant 1 : i32
      %broadcast_in_dim3A_837 = vector.broadcast %broadcast_in_dim3A_836 : i32 to vector<16xi32>
      tpu.vector_store_idx %arg11[%iota3A, %shift_right_logical3A_835], %broadcast_in_dim3A_837 {add = true} : memref<16x512xi32, #tpu.memory_space<vmem>>[vector<16xi32>, vector<16xi32>], vector<16xi32>,
      %mul3A_838 = arith.constant 4 : i32
      %mul3A_839 = arith.muli %scan3A_803, %mul3A_838 : i32
      %add3A_840 = arith.constant 2 : i32
      %add3A_841 = arith.addi %mul3A_839, %add3A_840 : i32
      %mul3A_842 = arith.constant 16 : i32
      %mul3A_843 = arith.muli %add3A_841, %mul3A_842 : i32
      %multiple_of3A_844 = tpu.assume_multiple %mul3A_843, 16 : i32
      %get3A_845 = arith.index_cast %multiple_of3A_844 : i32 to index
      %get3A_846 = tpu.vector_load %arg5[%get3A_845] {strides = array<i32>} : memref<8192xf32, #tpu.memory_space<vmem>>, vector<16xf32>,
      %bitcast3A_847 = vector.bitcast %get3A_846 : vector<16xf32> to vector<16xi32>
      %sub3A_848 = arith.constant 2147483647 : i32
      %sub3A_849 = vector.broadcast %sub3A_848 : i32 to vector<16xi32>
      %sub3A_850 = arith.subi %sub3A_849, %bitcast3A_847 : vector<16xi32>
      %shift_right_logical3A_851 = arith.constant 22 : i32
      %shift_right_logical3A_852 = vector.broadcast %shift_right_logical3A_851 : i32 to vector<16xi32>
      %shift_right_logical3A_853 = arith.shrui %sub3A_850, %shift_right_logical3A_852 : vector<16xi32>
      %broadcast_in_dim3A_854 = arith.constant 1 : i32
      %broadcast_in_dim3A_855 = vector.broadcast %broadcast_in_dim3A_854 : i32 to vector<16xi32>
      tpu.vector_store_idx %arg11[%iota3A, %shift_right_logical3A_853], %broadcast_in_dim3A_855 {add = true} : memref<16x512xi32, #tpu.memory_space<vmem>>[vector<16xi32>, vector<16xi32>], vector<16xi32>,
      %mul3A_856 = arith.constant 4 : i32
      %mul3A_857 = arith.muli %scan3A_803, %mul3A_856 : i32
      %add3A_858 = arith.constant 3 : i32
      %add3A_859 = arith.addi %mul3A_857, %add3A_858 : i32
      %mul3A_860 = arith.constant 16 : i32
      %mul3A_861 = arith.muli %add3A_859, %mul3A_860 : i32
      %multiple_of3A_862 = tpu.assume_multiple %mul3A_861, 16 : i32
      %get3A_863 = arith.index_cast %multiple_of3A_862 : i32 to index
      %get3A_864 = tpu.vector_load %arg5[%get3A_863] {strides = array<i32>} : memref<8192xf32, #tpu.memory_space<vmem>>, vector<16xf32>,
      %bitcast3A_865 = vector.bitcast %get3A_864 : vector<16xf32> to vector<16xi32>
      %sub3A_866 = arith.constant 2147483647 : i32
      %sub3A_867 = vector.broadcast %sub3A_866 : i32 to vector<16xi32>
      %sub3A_868 = arith.subi %sub3A_867, %bitcast3A_865 : vector<16xi32>
      %shift_right_logical3A_869 = arith.constant 22 : i32
      %shift_right_logical3A_870 = vector.broadcast %shift_right_logical3A_869 : i32 to vector<16xi32>
      %shift_right_logical3A_871 = arith.shrui %sub3A_868, %shift_right_logical3A_870 : vector<16xi32>
      %broadcast_in_dim3A_872 = arith.constant 1 : i32
      %broadcast_in_dim3A_873 = vector.broadcast %broadcast_in_dim3A_872 : i32 to vector<16xi32>
      tpu.vector_store_idx %arg11[%iota3A, %shift_right_logical3A_871], %broadcast_in_dim3A_873 {add = true} : memref<16x512xi32, #tpu.memory_space<vmem>>[vector<16xi32>, vector<16xi32>], vector<16xi32>,
    }
    %scan3A_54 = arith.constant 128 : i32
    %scan3A_55 = arith.constant 0 : i32
    %scan3A_56 = arith.constant 0 : i32
    %scan3A_57 = arith.constant 33 : i32
    %scan3A_58 = arith.addi %scan3A_56, %scan3A_57 : i32
    %scan3A_59 = arith.constant 1 : i32
    scf.for %scan3A_803 = %scan3A_56 to %scan3A_58 step %scan3A_59  : i32 {
      %broadcast_in_dim3A_804 = arith.constant 0 : i32
      %broadcast_in_dim3A_805 = vector.broadcast %broadcast_in_dim3A_804 : i32 to vector<16xi32>
      %mul3A_806 = arith.constant 16 : i32
      %mul3A_807 = arith.muli %scan3A_803, %mul3A_806 : i32
      %multiple_of3A_808 = tpu.assume_multiple %mul3A_807, 16 : i32
      %swap3A_809 = arith.index_cast %multiple_of3A_808 : i32 to index
      %swap3A_810 = tpu.vector_load %arg10[%swap3A_809] {strides = array<i32>} : memref<2064xi32, #tpu.memory_space<vmem>>, vector<16xi32>,
      tpu.vector_store %arg10[%swap3A_809], %broadcast_in_dim3A_805 {strides = array<i32>} : memref<2064xi32, #tpu.memory_space<vmem>>, vector<16xi32>,
    }
    %scan3A_60 = arith.constant 33 : i32
    %scan3A_61 = arith.constant 0 : i32
    %scan3A_62 = arith.constant 0 : i32
    %scan3A_63 = arith.constant 32 : i32
    %scan3A_64 = arith.addi %scan3A_62, %scan3A_63 : i32
    %scan3A_65 = arith.constant 1 : i32
    scf.for %scan3A_803 = %scan3A_62 to %scan3A_64 step %scan3A_65  : i32 {
      %mul3A_804 = arith.constant 16 : i32
      %mul3A_805 = arith.muli %scan3A_803, %mul3A_804 : i32
      %multiple_of3A_806 = tpu.assume_multiple %mul3A_805, 16 : i32
      %get3A = arith.constant 0 : i32
      %get3A_807 = arith.index_cast %get3A : i32 to index
      %get3A_808 = arith.index_cast %multiple_of3A_806 : i32 to index
      %get3A_809 = tpu.vector_load %arg11[%get3A_807, %get3A_808] {strides = array<i32>} : memref<16x512xi32, #tpu.memory_space<vmem>>, vector<16xi32>,
      %get3A_810 = arith.constant 1 : i32
      %get3A_811 = arith.index_cast %get3A_810 : i32 to index
      %get3A_812 = arith.index_cast %multiple_of3A_806 : i32 to index
      %get3A_813 = tpu.vector_load %arg11[%get3A_811, %get3A_812] {strides = array<i32>} : memref<16x512xi32, #tpu.memory_space<vmem>>, vector<16xi32>,
      %add3A_814 = arith.addi %get3A_809, %get3A_813 : vector<16xi32>
      %get3A_815 = arith.constant 2 : i32
      %get3A_816 = arith.index_cast %get3A_815 : i32 to index
      %get3A_817 = arith.index_cast %multiple_of3A_806 : i32 to index
      %get3A_818 = tpu.vector_load %arg11[%get3A_816, %get3A_817] {strides = array<i32>} : memref<16x512xi32, #tpu.memory_space<vmem>>, vector<16xi32>,
      %add3A_819 = arith.addi %add3A_814, %get3A_818 : vector<16xi32>
      %get3A_820 = arith.constant 3 : i32
      %get3A_821 = arith.index_cast %get3A_820 : i32 to index
      %get3A_822 = arith.index_cast %multiple_of3A_806 : i32 to index
      %get3A_823 = tpu.vector_load %arg11[%get3A_821, %get3A_822] {strides = array<i32>} : memref<16x512xi32, #tpu.memory_space<vmem>>, vector<16xi32>,
      %add3A_824 = arith.addi %add3A_819, %get3A_823 : vector<16xi32>
      %get3A_825 = arith.constant 4 : i32
      %get3A_826 = arith.index_cast %get3A_825 : i32 to index
      %get3A_827 = arith.index_cast %multiple_of3A_806 : i32 to index
      %get3A_828 = tpu.vector_load %arg11[%get3A_826, %get3A_827] {strides = array<i32>} : memref<16x512xi32, #tpu.memory_space<vmem>>, vector<16xi32>,
      %add3A_829 = arith.addi %add3A_824, %get3A_828 : vector<16xi32>
      %get3A_830 = arith.constant 5 : i32
      %get3A_831 = arith.index_cast %get3A_830 : i32 to index
      %get3A_832 = arith.index_cast %multiple_of3A_806 : i32 to index
      %get3A_833 = tpu.vector_load %arg11[%get3A_831, %get3A_832] {strides = array<i32>} : memref<16x512xi32, #tpu.memory_space<vmem>>, vector<16xi32>,
      %add3A_834 = arith.addi %add3A_829, %get3A_833 : vector<16xi32>
      %get3A_835 = arith.constant 6 : i32
      %get3A_836 = arith.index_cast %get3A_835 : i32 to index
      %get3A_837 = arith.index_cast %multiple_of3A_806 : i32 to index
      %get3A_838 = tpu.vector_load %arg11[%get3A_836, %get3A_837] {strides = array<i32>} : memref<16x512xi32, #tpu.memory_space<vmem>>, vector<16xi32>,
      %add3A_839 = arith.addi %add3A_834, %get3A_838 : vector<16xi32>
      %get3A_840 = arith.constant 7 : i32
      %get3A_841 = arith.index_cast %get3A_840 : i32 to index
      %get3A_842 = arith.index_cast %multiple_of3A_806 : i32 to index
      %get3A_843 = tpu.vector_load %arg11[%get3A_841, %get3A_842] {strides = array<i32>} : memref<16x512xi32, #tpu.memory_space<vmem>>, vector<16xi32>,
      %add3A_844 = arith.addi %add3A_839, %get3A_843 : vector<16xi32>
      %get3A_845 = arith.constant 8 : i32
      %get3A_846 = arith.index_cast %get3A_845 : i32 to index
      %get3A_847 = arith.index_cast %multiple_of3A_806 : i32 to index
      %get3A_848 = tpu.vector_load %arg11[%get3A_846, %get3A_847] {strides = array<i32>} : memref<16x512xi32, #tpu.memory_space<vmem>>, vector<16xi32>,
      %add3A_849 = arith.addi %add3A_844, %get3A_848 : vector<16xi32>
      %get3A_850 = arith.constant 9 : i32
      %get3A_851 = arith.index_cast %get3A_850 : i32 to index
      %get3A_852 = arith.index_cast %multiple_of3A_806 : i32 to index
      %get3A_853 = tpu.vector_load %arg11[%get3A_851, %get3A_852] {strides = array<i32>} : memref<16x512xi32, #tpu.memory_space<vmem>>, vector<16xi32>,
      %add3A_854 = arith.addi %add3A_849, %get3A_853 : vector<16xi32>
      %get3A_855 = arith.constant 10 : i32
      %get3A_856 = arith.index_cast %get3A_855 : i32 to index
      %get3A_857 = arith.index_cast %multiple_of3A_806 : i32 to index
      %get3A_858 = tpu.vector_load %arg11[%get3A_856, %get3A_857] {strides = array<i32>} : memref<16x512xi32, #tpu.memory_space<vmem>>, vector<16xi32>,
      %add3A_859 = arith.addi %add3A_854, %get3A_858 : vector<16xi32>
      %get3A_860 = arith.constant 11 : i32
      %get3A_861 = arith.index_cast %get3A_860 : i32 to index
      %get3A_862 = arith.index_cast %multiple_of3A_806 : i32 to index
      %get3A_863 = tpu.vector_load %arg11[%get3A_861, %get3A_862] {strides = array<i32>} : memref<16x512xi32, #tpu.memory_space<vmem>>, vector<16xi32>,
      %add3A_864 = arith.addi %add3A_859, %get3A_863 : vector<16xi32>
      %get3A_865 = arith.constant 12 : i32
      %get3A_866 = arith.index_cast %get3A_865 : i32 to index
      %get3A_867 = arith.index_cast %multiple_of3A_806 : i32 to index
      %get3A_868 = tpu.vector_load %arg11[%get3A_866, %get3A_867] {strides = array<i32>} : memref<16x512xi32, #tpu.memory_space<vmem>>, vector<16xi32>,
      %add3A_869 = arith.addi %add3A_864, %get3A_868 : vector<16xi32>
      %get3A_870 = arith.constant 13 : i32
      %get3A_871 = arith.index_cast %get3A_870 : i32 to index
      %get3A_872 = arith.index_cast %multiple_of3A_806 : i32 to index
      %get3A_873 = tpu.vector_load %arg11[%get3A_871, %get3A_872] {strides = array<i32>} : memref<16x512xi32, #tpu.memory_space<vmem>>, vector<16xi32>,
      %add3A_874 = arith.addi %add3A_869, %get3A_873 : vector<16xi32>
      %get3A_875 = arith.constant 14 : i32
      %get3A_876 = arith.index_cast %get3A_875 : i32 to index
      %get3A_877 = arith.index_cast %multiple_of3A_806 : i32 to index
      %get3A_878 = tpu.vector_load %arg11[%get3A_876, %get3A_877] {strides = array<i32>} : memref<16x512xi32, #tpu.memory_space<vmem>>, vector<16xi32>,
      %add3A_879 = arith.addi %add3A_874, %get3A_878 : vector<16xi32>
      %get3A_880 = arith.constant 15 : i32
      %get3A_881 = arith.index_cast %get3A_880 : i32 to index
      %get3A_882 = arith.index_cast %multiple_of3A_806 : i32 to index
      %get3A_883 = tpu.vector_load %arg11[%get3A_881, %get3A_882] {strides = array<i32>} : memref<16x512xi32, #tpu.memory_space<vmem>>, vector<16xi32>,
      %add3A_884 = arith.addi %add3A_879, %get3A_883 : vector<16xi32>
      %swap3A_885 = arith.index_cast %multiple_of3A_806 : i32 to index
      %swap3A_886 = tpu.vector_load %arg10[%swap3A_885] {strides = array<i32>} : memref<2064xi32, #tpu.memory_space<vmem>>, vector<16xi32>,
      tpu.vector_store %arg10[%swap3A_885], %add3A_884 {strides = array<i32>} : memref<2064xi32, #tpu.memory_space<vmem>>, vector<16xi32>,
    }
    %scan3A_66 = arith.constant 32 : i32
    %scan3A_67 = arith.constant 0 : i32
    %scan3A_68 = arith.constant 0 : i32
    %scan3A_69 = arith.constant 33 : i32
    %scan3A_70 = arith.addi %scan3A_68, %scan3A_69 : i32
    %scan3A_71 = arith.constant 1 : i32
    %scan3A_72 = scf.for %scan3A_803 = %scan3A_68 to %scan3A_70 step %scan3A_71 iter_args(%scan3A_804 = %scan3A_67) -> (i32)  : i32 {
      %mul3A_805 = arith.constant 16 : i32
      %mul3A_806 = arith.muli %scan3A_803, %mul3A_805 : i32
      %multiple_of3A_807 = tpu.assume_multiple %mul3A_806, 16 : i32
      %get3A = arith.index_cast %multiple_of3A_807 : i32 to index
      %get3A_808 = tpu.vector_load %arg10[%get3A] {strides = array<i32>} : memref<2064xi32, #tpu.memory_space<vmem>>, vector<16xi32>,
      %broadcast_in_dim3A_809 = arith.constant true
      %broadcast_in_dim3A_810 = vector.broadcast %broadcast_in_dim3A_809 : i1 to vector<16xi1>
      %masked_cumsum3A = tpu.scan <sum>, %get3A_808 masked %broadcast_in_dim3A_810 : vector<16xi32>, vector<16xi1> -> vector<16xi32>
      %sub3A_811 = arith.subi %masked_cumsum3A, %get3A_808 : vector<16xi32>
      %add3A_812 = vector.broadcast %scan3A_804 : i32 to vector<16xi32>
      %add3A_813 = arith.addi %sub3A_811, %add3A_812 : vector<16xi32>
      %swap3A_814 = arith.index_cast %multiple_of3A_807 : i32 to index
      %swap3A_815 = tpu.vector_load %arg10[%swap3A_814] {strides = array<i32>} : memref<2064xi32, #tpu.memory_space<vmem>>, vector<16xi32>,
      tpu.vector_store %arg10[%swap3A_814], %add3A_813 {strides = array<i32>} : memref<2064xi32, #tpu.memory_space<vmem>>, vector<16xi32>,
      %reduce_max3A = arith.constant true
      %reduce_max3A_816 = vector.broadcast %reduce_max3A : i1 to vector<16xi1>
      %reduce_max3A_817 = arith.constant -2147483648 : i32
      %reduce_max3A_818 = vector.broadcast %reduce_max3A_817 : i32 to vector<16xi32>
      %reduce_max3A_819 = arith.xori %masked_cumsum3A, %reduce_max3A_818 : vector<16xi32>
      %reduce_max3A_820 = tpu.scan <max>, %reduce_max3A_819 masked %reduce_max3A_816 : vector<16xi32>, vector<16xi1> -> vector<16xi32>
      %reduce_max3A_821 = arith.xori %reduce_max3A_820, %reduce_max3A_818 : vector<16xi32>
      %reduce_max3A_822 = vector.extract %reduce_max3A_821[15] : i32 from vector<16xi32>
      %add3A_823 = arith.addi %scan3A_804, %reduce_max3A_822 : i32
      scf.yield %add3A_823 : i32
    }
    %scan3A_73 = arith.constant 33 : i32
    %scan3A_74 = arith.constant 2147483647 : i32
    %scan3A_75 = arith.constant -1 : i32
    %scan3A_76 = arith.constant 2147483647 : i32
    %scan3A_77 = arith.constant -1 : i32
    %scan3A_78 = arith.constant 0 : i32
    %scan3A_79 = arith.constant 33 : i32
    %scan3A_80 = arith.addi %scan3A_78, %scan3A_79 : i32
    %scan3A_81 = arith.constant 1 : i32
    %scan3A_82:4 = scf.for %scan3A_803 = %scan3A_78 to %scan3A_80 step %scan3A_81 iter_args(%scan3A_804 = %scan3A_74, %scan3A_805 = %scan3A_75, %scan3A_806 = %scan3A_76, %scan3A_807 = %scan3A_77) -> (i32, i32, i32, i32)  : i32 {
      %mul3A_808 = arith.constant 16 : i32
      %mul3A_809 = arith.muli %scan3A_803, %mul3A_808 : i32
      %multiple_of3A_810 = tpu.assume_multiple %mul3A_809, 16 : i32
      %mul3A_811 = arith.constant 16 : i32
      %mul3A_812 = arith.muli %scan3A_803, %mul3A_811 : i32
      %add3A_813 = vector.broadcast %mul3A_812 : i32 to vector<16xi32>
      %add3A_814 = arith.addi %add3A_813, %iota3A : vector<16xi32>
      %get3A = arith.index_cast %multiple_of3A_810 : i32 to index
      %get3A_815 = tpu.vector_load %arg10[%get3A] {strides = array<i32>} : memref<2064xi32, #tpu.memory_space<vmem>>, vector<16xi32>,
      %add3A_816 = arith.constant 1 : i32
      %add3A_817 = vector.broadcast %add3A_816 : i32 to vector<16xi32>
      %add3A_818 = arith.addi %add3A_814, %add3A_817 : vector<16xi32>
      %gather3A_819 = tpu.vector_load_idx %arg10[%add3A_818] : memref<2064xi32, #tpu.memory_space<vmem>>[vector<16xi32>], vector<16xi32>,
      %lt3A_820 = arith.constant 512 : i32
      %lt3A_821 = vector.broadcast %lt3A_820 : i32 to vector<16xi32>
      %lt3A_822 = arith.cmpi slt, %add3A_814, %lt3A_821 : vector<16xi32>
      %gt3A = vector.broadcast %mul3A_32 : i32 to vector<16xi32>
      %gt3A_823 = arith.cmpi sgt, %gather3A_819, %gt3A : vector<16xi32>
      %and3A_824 = arith.andi %gt3A_823, %lt3A_822 : vector<16xi1>
      %add3A_825 = arith.constant 512 : i32
      %add3A_826 = arith.addi %mul3A_32, %add3A_825 : i32
      %lt3A_827 = vector.broadcast %add3A_826 : i32 to vector<16xi32>
      %lt3A_828 = arith.cmpi slt, %get3A_815, %lt3A_827 : vector<16xi32>
      %and3A_829 = arith.andi %lt3A_828, %lt3A_822 : vector<16xi1>
      %jit3A_830 = arith.constant 2147483647 : i32
      %broadcast_in_dim3A_831 = vector.broadcast %jit3A_830 : i32 to vector<16xi32>
      %select_n3A_832 = arith.select %and3A_824, %add3A_814, %broadcast_in_dim3A_831 : vector<16xi1>, vector<16xi32>
      %reduce_min3A_833 = arith.constant true
      %reduce_min3A_834 = vector.broadcast %reduce_min3A_833 : i1 to vector<16xi1>
      %reduce_min3A_835 = arith.constant -2147483648 : i32
      %reduce_min3A_836 = vector.broadcast %reduce_min3A_835 : i32 to vector<16xi32>
      %reduce_min3A_837 = arith.xori %select_n3A_832, %reduce_min3A_836 : vector<16xi32>
      %reduce_min3A_838 = tpu.scan <min>, %reduce_min3A_837 masked %reduce_min3A_834 : vector<16xi32>, vector<16xi1> -> vector<16xi32>
      %reduce_min3A_839 = arith.xori %reduce_min3A_838, %reduce_min3A_836 : vector<16xi32>
      %reduce_min3A_840 = vector.extract %reduce_min3A_839[15] : i32 from vector<16xi32>
      %min3A = arith.minsi %scan3A_804, %reduce_min3A_840 : i32
      %jit3A_841 = arith.constant -1 : i32
      %broadcast_in_dim3A_842 = vector.broadcast %jit3A_841 : i32 to vector<16xi32>
      %select_n3A_843 = arith.select %and3A_829, %add3A_814, %broadcast_in_dim3A_842 : vector<16xi1>, vector<16xi32>
      %reduce_max3A = arith.constant true
      %reduce_max3A_844 = vector.broadcast %reduce_max3A : i1 to vector<16xi1>
      %reduce_max3A_845 = arith.constant -2147483648 : i32
      %reduce_max3A_846 = vector.broadcast %reduce_max3A_845 : i32 to vector<16xi32>
      %reduce_max3A_847 = arith.xori %select_n3A_843, %reduce_max3A_846 : vector<16xi32>
      %reduce_max3A_848 = tpu.scan <max>, %reduce_max3A_847 masked %reduce_max3A_844 : vector<16xi32>, vector<16xi1> -> vector<16xi32>
      %reduce_max3A_849 = arith.xori %reduce_max3A_848, %reduce_max3A_846 : vector<16xi32>
      %reduce_max3A_850 = vector.extract %reduce_max3A_849[15] : i32 from vector<16xi32>
      %max3A = arith.maxsi %scan3A_805, %reduce_max3A_850 : i32
      %jit3A_851 = arith.constant 2147483647 : i32
      %broadcast_in_dim3A_852 = vector.broadcast %jit3A_851 : i32 to vector<16xi32>
      %select_n3A_853 = arith.select %and3A_824, %get3A_815, %broadcast_in_dim3A_852 : vector<16xi1>, vector<16xi32>
      %reduce_min3A_854 = arith.constant true
      %reduce_min3A_855 = vector.broadcast %reduce_min3A_854 : i1 to vector<16xi1>
      %reduce_min3A_856 = arith.constant -2147483648 : i32
      %reduce_min3A_857 = vector.broadcast %reduce_min3A_856 : i32 to vector<16xi32>
      %reduce_min3A_858 = arith.xori %select_n3A_853, %reduce_min3A_857 : vector<16xi32>
      %reduce_min3A_859 = tpu.scan <min>, %reduce_min3A_858 masked %reduce_min3A_855 : vector<16xi32>, vector<16xi1> -> vector<16xi32>
      %reduce_min3A_860 = arith.xori %reduce_min3A_859, %reduce_min3A_857 : vector<16xi32>
      %reduce_min3A_861 = vector.extract %reduce_min3A_860[15] : i32 from vector<16xi32>
      %min3A_862 = arith.minsi %scan3A_806, %reduce_min3A_861 : i32
      %jit3A_863 = arith.constant -1 : i32
      %broadcast_in_dim3A_864 = vector.broadcast %jit3A_863 : i32 to vector<16xi32>
      %select_n3A_865 = arith.select %and3A_829, %gather3A_819, %broadcast_in_dim3A_864 : vector<16xi1>, vector<16xi32>
      %reduce_max3A_866 = arith.constant true
      %reduce_max3A_867 = vector.broadcast %reduce_max3A_866 : i1 to vector<16xi1>
      %reduce_max3A_868 = arith.constant -2147483648 : i32
      %reduce_max3A_869 = vector.broadcast %reduce_max3A_868 : i32 to vector<16xi32>
      %reduce_max3A_870 = arith.xori %select_n3A_865, %reduce_max3A_869 : vector<16xi32>
      %reduce_max3A_871 = tpu.scan <max>, %reduce_max3A_870 masked %reduce_max3A_867 : vector<16xi32>, vector<16xi1> -> vector<16xi32>
      %reduce_max3A_872 = arith.xori %reduce_max3A_871, %reduce_max3A_869 : vector<16xi32>
      %reduce_max3A_873 = vector.extract %reduce_max3A_872[15] : i32 from vector<16xi32>
      %max3A_874 = arith.maxsi %scan3A_807, %reduce_max3A_873 : i32
      scf.yield %min3A, %max3A, %min3A_862, %max3A_874 : i32, i32, i32, i32
    }
    %scan3A_83 = arith.constant 33 : i32
    %sub3A_84 = arith.subi %scan3A_82#3, %scan3A_82#2 : i32
    %scan3A_85 = arith.constant 0 : i32
    %scan3A_86 = arith.constant 0 : i32
    %scan3A_87 = arith.constant 128 : i32
    %scan3A_88 = arith.addi %scan3A_86, %scan3A_87 : i32
    %scan3A_89 = arith.constant 1 : i32
    scf.for %scan3A_803 = %scan3A_86 to %scan3A_88 step %scan3A_89  : i32 {
      %mul3A_804 = arith.constant 4 : i32
      %mul3A_805 = arith.muli %scan3A_803, %mul3A_804 : i32
      %add3A_806 = arith.constant 0 : i32
      %add3A_807 = arith.addi %mul3A_805, %add3A_806 : i32
      %mul3A_808 = arith.constant 16 : i32
      %mul3A_809 = arith.muli %add3A_807, %mul3A_808 : i32
      %multiple_of3A_810 = tpu.assume_multiple %mul3A_809, 16 : i32
      %get3A = arith.index_cast %multiple_of3A_810 : i32 to index
      %get3A_811 = tpu.vector_load %arg5[%get3A] {strides = array<i32>} : memref<8192xf32, #tpu.memory_space<vmem>>, vector<16xf32>,
      %bitcast3A = vector.bitcast %get3A_811 : vector<16xf32> to vector<16xi32>
      %sub3A_812 = arith.constant 2147483647 : i32
      %sub3A_813 = vector.broadcast %sub3A_812 : i32 to vector<16xi32>
      %sub3A_814 = arith.subi %sub3A_813, %bitcast3A : vector<16xi32>
      %shift_right_logical3A_815 = arith.constant 22 : i32
      %shift_right_logical3A_816 = vector.broadcast %shift_right_logical3A_815 : i32 to vector<16xi32>
      %shift_right_logical3A_817 = arith.shrui %sub3A_814, %shift_right_logical3A_816 : vector<16xi32>
      %ge3A = vector.broadcast %scan3A_82#0 : i32 to vector<16xi32>
      %ge3A_818 = arith.cmpi sge, %shift_right_logical3A_817, %ge3A : vector<16xi32>
      %le3A = vector.broadcast %scan3A_82#1 : i32 to vector<16xi32>
      %le3A_819 = arith.cmpi sle, %shift_right_logical3A_817, %le3A : vector<16xi32>
      %and3A_820 = arith.andi %ge3A_818, %le3A_819 : vector<16xi1>
      %broadcast_in_dim3A_821 = arith.constant true
      %broadcast_in_dim3A_822 = vector.broadcast %broadcast_in_dim3A_821 : i1 to vector<16xi1>
      %unique3A_823, %unique3A_824 = tpu.scan_count mask(%broadcast_in_dim3A_822 : vector<16xi1>) value(%shift_right_logical3A_817 : vector<16xi32>) : vector<16xi1>, vector<16xi32>
      %gather3A_825 = tpu.vector_load_idx %arg10[%shift_right_logical3A_817] : memref<2064xi32, #tpu.memory_space<vmem>>[vector<16xi32>], vector<16xi32>,
      %sub3A_826 = vector.broadcast %scan3A_82#2 : i32 to vector<16xi32>
      %sub3A_827 = arith.subi %gather3A_825, %sub3A_826 : vector<16xi32>
      %sub3A_828 = vector.broadcast %reduce_min3A_43 : i32 to vector<16xi32>
      %sub3A_829 = arith.subi %unique3A_824, %sub3A_828 : vector<16xi32>
      %add3A_830 = arith.addi %sub3A_827, %sub3A_829 : vector<16xi32>
      tpu.vector_store_idx %arg6[%add3A_830], %sub3A_814 masked %and3A_820 : memref<8256xi32, #tpu.memory_space<vmem>>[vector<16xi32>], vector<16xi32>, vector<16xi1>
      %mul3A_831 = arith.constant 4 : i32
      %mul3A_832 = arith.muli %scan3A_803, %mul3A_831 : i32
      %add3A_833 = arith.constant 0 : i32
      %add3A_834 = arith.addi %mul3A_832, %add3A_833 : i32
      %mul3A_835 = arith.constant 16 : i32
      %mul3A_836 = arith.muli %add3A_834, %mul3A_835 : i32
      %add3A_837 = vector.broadcast %mul3A_836 : i32 to vector<16xi32>
      %add3A_838 = arith.addi %add3A_837, %iota3A : vector<16xi32>
      tpu.vector_store_idx %arg7[%add3A_830], %add3A_838 masked %and3A_820 : memref<8256xi32, #tpu.memory_space<vmem>>[vector<16xi32>], vector<16xi32>, vector<16xi1>
      %sub3A_839 = vector.broadcast %reduce_min3A_43 : i32 to vector<16xi32>
      %sub3A_840 = arith.subi %unique3A_824, %sub3A_839 : vector<16xi32>
      %add3A_841 = arith.constant 1 : i32
      %add3A_842 = vector.broadcast %add3A_841 : i32 to vector<16xi32>
      %add3A_843 = arith.addi %sub3A_840, %add3A_842 : vector<16xi32>
      tpu.vector_store_idx %arg10[%shift_right_logical3A_817], %add3A_843 masked %unique3A_823 {add = true} : memref<2064xi32, #tpu.memory_space<vmem>>[vector<16xi32>], vector<16xi32>, vector<16xi1>
      %mul3A_844 = arith.constant 4 : i32
      %mul3A_845 = arith.muli %scan3A_803, %mul3A_844 : i32
      %add3A_846 = arith.constant 1 : i32
      %add3A_847 = arith.addi %mul3A_845, %add3A_846 : i32
      %mul3A_848 = arith.constant 16 : i32
      %mul3A_849 = arith.muli %add3A_847, %mul3A_848 : i32
      %multiple_of3A_850 = tpu.assume_multiple %mul3A_849, 16 : i32
      %get3A_851 = arith.index_cast %multiple_of3A_850 : i32 to index
      %get3A_852 = tpu.vector_load %arg5[%get3A_851] {strides = array<i32>} : memref<8192xf32, #tpu.memory_space<vmem>>, vector<16xf32>,
      %bitcast3A_853 = vector.bitcast %get3A_852 : vector<16xf32> to vector<16xi32>
      %sub3A_854 = arith.constant 2147483647 : i32
      %sub3A_855 = vector.broadcast %sub3A_854 : i32 to vector<16xi32>
      %sub3A_856 = arith.subi %sub3A_855, %bitcast3A_853 : vector<16xi32>
      %shift_right_logical3A_857 = arith.constant 22 : i32
      %shift_right_logical3A_858 = vector.broadcast %shift_right_logical3A_857 : i32 to vector<16xi32>
      %shift_right_logical3A_859 = arith.shrui %sub3A_856, %shift_right_logical3A_858 : vector<16xi32>
      %ge3A_860 = vector.broadcast %scan3A_82#0 : i32 to vector<16xi32>
      %ge3A_861 = arith.cmpi sge, %shift_right_logical3A_859, %ge3A_860 : vector<16xi32>
      %le3A_862 = vector.broadcast %scan3A_82#1 : i32 to vector<16xi32>
      %le3A_863 = arith.cmpi sle, %shift_right_logical3A_859, %le3A_862 : vector<16xi32>
      %and3A_864 = arith.andi %ge3A_861, %le3A_863 : vector<16xi1>
      %broadcast_in_dim3A_865 = arith.constant true
      %broadcast_in_dim3A_866 = vector.broadcast %broadcast_in_dim3A_865 : i1 to vector<16xi1>
      %unique3A_867, %unique3A_868 = tpu.scan_count mask(%broadcast_in_dim3A_866 : vector<16xi1>) value(%shift_right_logical3A_859 : vector<16xi32>) : vector<16xi1>, vector<16xi32>
      %gather3A_869 = tpu.vector_load_idx %arg10[%shift_right_logical3A_859] : memref<2064xi32, #tpu.memory_space<vmem>>[vector<16xi32>], vector<16xi32>,
      %sub3A_870 = vector.broadcast %scan3A_82#2 : i32 to vector<16xi32>
      %sub3A_871 = arith.subi %gather3A_869, %sub3A_870 : vector<16xi32>
      %sub3A_872 = vector.broadcast %reduce_min3A_43 : i32 to vector<16xi32>
      %sub3A_873 = arith.subi %unique3A_868, %sub3A_872 : vector<16xi32>
      %add3A_874 = arith.addi %sub3A_871, %sub3A_873 : vector<16xi32>
      tpu.vector_store_idx %arg6[%add3A_874], %sub3A_856 masked %and3A_864 : memref<8256xi32, #tpu.memory_space<vmem>>[vector<16xi32>], vector<16xi32>, vector<16xi1>
      %mul3A_875 = arith.constant 4 : i32
      %mul3A_876 = arith.muli %scan3A_803, %mul3A_875 : i32
      %add3A_877 = arith.constant 1 : i32
      %add3A_878 = arith.addi %mul3A_876, %add3A_877 : i32
      %mul3A_879 = arith.constant 16 : i32
      %mul3A_880 = arith.muli %add3A_878, %mul3A_879 : i32
      %add3A_881 = vector.broadcast %mul3A_880 : i32 to vector<16xi32>
      %add3A_882 = arith.addi %add3A_881, %iota3A : vector<16xi32>
      tpu.vector_store_idx %arg7[%add3A_874], %add3A_882 masked %and3A_864 : memref<8256xi32, #tpu.memory_space<vmem>>[vector<16xi32>], vector<16xi32>, vector<16xi1>
      %sub3A_883 = vector.broadcast %reduce_min3A_43 : i32 to vector<16xi32>
      %sub3A_884 = arith.subi %unique3A_868, %sub3A_883 : vector<16xi32>
      %add3A_885 = arith.constant 1 : i32
      %add3A_886 = vector.broadcast %add3A_885 : i32 to vector<16xi32>
      %add3A_887 = arith.addi %sub3A_884, %add3A_886 : vector<16xi32>
      tpu.vector_store_idx %arg10[%shift_right_logical3A_859], %add3A_887 masked %unique3A_867 {add = true} : memref<2064xi32, #tpu.memory_space<vmem>>[vector<16xi32>], vector<16xi32>, vector<16xi1>
      %mul3A_888 = arith.constant 4 : i32
      %mul3A_889 = arith.muli %scan3A_803, %mul3A_888 : i32
      %add3A_890 = arith.constant 2 : i32
      %add3A_891 = arith.addi %mul3A_889, %add3A_890 : i32
      %mul3A_892 = arith.constant 16 : i32
      %mul3A_893 = arith.muli %add3A_891, %mul3A_892 : i32
      %multiple_of3A_894 = tpu.assume_multiple %mul3A_893, 16 : i32
      %get3A_895 = arith.index_cast %multiple_of3A_894 : i32 to index
      %get3A_896 = tpu.vector_load %arg5[%get3A_895] {strides = array<i32>} : memref<8192xf32, #tpu.memory_space<vmem>>, vector<16xf32>,
      %bitcast3A_897 = vector.bitcast %get3A_896 : vector<16xf32> to vector<16xi32>
      %sub3A_898 = arith.constant 2147483647 : i32
      %sub3A_899 = vector.broadcast %sub3A_898 : i32 to vector<16xi32>
      %sub3A_900 = arith.subi %sub3A_899, %bitcast3A_897 : vector<16xi32>
      %shift_right_logical3A_901 = arith.constant 22 : i32
      %shift_right_logical3A_902 = vector.broadcast %shift_right_logical3A_901 : i32 to vector<16xi32>
      %shift_right_logical3A_903 = arith.shrui %sub3A_900, %shift_right_logical3A_902 : vector<16xi32>
      %ge3A_904 = vector.broadcast %scan3A_82#0 : i32 to vector<16xi32>
      %ge3A_905 = arith.cmpi sge, %shift_right_logical3A_903, %ge3A_904 : vector<16xi32>
      %le3A_906 = vector.broadcast %scan3A_82#1 : i32 to vector<16xi32>
      %le3A_907 = arith.cmpi sle, %shift_right_logical3A_903, %le3A_906 : vector<16xi32>
      %and3A_908 = arith.andi %ge3A_905, %le3A_907 : vector<16xi1>
      %broadcast_in_dim3A_909 = arith.constant true
      %broadcast_in_dim3A_910 = vector.broadcast %broadcast_in_dim3A_909 : i1 to vector<16xi1>
      %unique3A_911, %unique3A_912 = tpu.scan_count mask(%broadcast_in_dim3A_910 : vector<16xi1>) value(%shift_right_logical3A_903 : vector<16xi32>) : vector<16xi1>, vector<16xi32>
      %gather3A_913 = tpu.vector_load_idx %arg10[%shift_right_logical3A_903] : memref<2064xi32, #tpu.memory_space<vmem>>[vector<16xi32>], vector<16xi32>,
      %sub3A_914 = vector.broadcast %scan3A_82#2 : i32 to vector<16xi32>
      %sub3A_915 = arith.subi %gather3A_913, %sub3A_914 : vector<16xi32>
      %sub3A_916 = vector.broadcast %reduce_min3A_43 : i32 to vector<16xi32>
      %sub3A_917 = arith.subi %unique3A_912, %sub3A_916 : vector<16xi32>
      %add3A_918 = arith.addi %sub3A_915, %sub3A_917 : vector<16xi32>
      tpu.vector_store_idx %arg6[%add3A_918], %sub3A_900 masked %and3A_908 : memref<8256xi32, #tpu.memory_space<vmem>>[vector<16xi32>], vector<16xi32>, vector<16xi1>
      %mul3A_919 = arith.constant 4 : i32
      %mul3A_920 = arith.muli %scan3A_803, %mul3A_919 : i32
      %add3A_921 = arith.constant 2 : i32
      %add3A_922 = arith.addi %mul3A_920, %add3A_921 : i32
      %mul3A_923 = arith.constant 16 : i32
      %mul3A_924 = arith.muli %add3A_922, %mul3A_923 : i32
      %add3A_925 = vector.broadcast %mul3A_924 : i32 to vector<16xi32>
      %add3A_926 = arith.addi %add3A_925, %iota3A : vector<16xi32>
      tpu.vector_store_idx %arg7[%add3A_918], %add3A_926 masked %and3A_908 : memref<8256xi32, #tpu.memory_space<vmem>>[vector<16xi32>], vector<16xi32>, vector<16xi1>
      %sub3A_927 = vector.broadcast %reduce_min3A_43 : i32 to vector<16xi32>
      %sub3A_928 = arith.subi %unique3A_912, %sub3A_927 : vector<16xi32>
      %add3A_929 = arith.constant 1 : i32
      %add3A_930 = vector.broadcast %add3A_929 : i32 to vector<16xi32>
      %add3A_931 = arith.addi %sub3A_928, %add3A_930 : vector<16xi32>
      tpu.vector_store_idx %arg10[%shift_right_logical3A_903], %add3A_931 masked %unique3A_911 {add = true} : memref<2064xi32, #tpu.memory_space<vmem>>[vector<16xi32>], vector<16xi32>, vector<16xi1>
      %mul3A_932 = arith.constant 4 : i32
      %mul3A_933 = arith.muli %scan3A_803, %mul3A_932 : i32
      %add3A_934 = arith.constant 3 : i32
      %add3A_935 = arith.addi %mul3A_933, %add3A_934 : i32
      %mul3A_936 = arith.constant 16 : i32
      %mul3A_937 = arith.muli %add3A_935, %mul3A_936 : i32
      %multiple_of3A_938 = tpu.assume_multiple %mul3A_937, 16 : i32
      %get3A_939 = arith.index_cast %multiple_of3A_938 : i32 to index
      %get3A_940 = tpu.vector_load %arg5[%get3A_939] {strides = array<i32>} : memref<8192xf32, #tpu.memory_space<vmem>>, vector<16xf32>,
      %bitcast3A_941 = vector.bitcast %get3A_940 : vector<16xf32> to vector<16xi32>
      %sub3A_942 = arith.constant 2147483647 : i32
      %sub3A_943 = vector.broadcast %sub3A_942 : i32 to vector<16xi32>
      %sub3A_944 = arith.subi %sub3A_943, %bitcast3A_941 : vector<16xi32>
      %shift_right_logical3A_945 = arith.constant 22 : i32
      %shift_right_logical3A_946 = vector.broadcast %shift_right_logical3A_945 : i32 to vector<16xi32>
      %shift_right_logical3A_947 = arith.shrui %sub3A_944, %shift_right_logical3A_946 : vector<16xi32>
      %ge3A_948 = vector.broadcast %scan3A_82#0 : i32 to vector<16xi32>
      %ge3A_949 = arith.cmpi sge, %shift_right_logical3A_947, %ge3A_948 : vector<16xi32>
      %le3A_950 = vector.broadcast %scan3A_82#1 : i32 to vector<16xi32>
      %le3A_951 = arith.cmpi sle, %shift_right_logical3A_947, %le3A_950 : vector<16xi32>
      %and3A_952 = arith.andi %ge3A_949, %le3A_951 : vector<16xi1>
      %broadcast_in_dim3A_953 = arith.constant true
      %broadcast_in_dim3A_954 = vector.broadcast %broadcast_in_dim3A_953 : i1 to vector<16xi1>
      %unique3A_955, %unique3A_956 = tpu.scan_count mask(%broadcast_in_dim3A_954 : vector<16xi1>) value(%shift_right_logical3A_947 : vector<16xi32>) : vector<16xi1>, vector<16xi32>
      %gather3A_957 = tpu.vector_load_idx %arg10[%shift_right_logical3A_947] : memref<2064xi32, #tpu.memory_space<vmem>>[vector<16xi32>], vector<16xi32>,
      %sub3A_958 = vector.broadcast %scan3A_82#2 : i32 to vector<16xi32>
      %sub3A_959 = arith.subi %gather3A_957, %sub3A_958 : vector<16xi32>
      %sub3A_960 = vector.broadcast %reduce_min3A_43 : i32 to vector<16xi32>
      %sub3A_961 = arith.subi %unique3A_956, %sub3A_960 : vector<16xi32>
      %add3A_962 = arith.addi %sub3A_959, %sub3A_961 : vector<16xi32>
      tpu.vector_store_idx %arg6[%add3A_962], %sub3A_944 masked %and3A_952 : memref<8256xi32, #tpu.memory_space<vmem>>[vector<16xi32>], vector<16xi32>, vector<16xi1>
      %mul3A_963 = arith.constant 4 : i32
      %mul3A_964 = arith.muli %scan3A_803, %mul3A_963 : i32
      %add3A_965 = arith.constant 3 : i32
      %add3A_966 = arith.addi %mul3A_964, %add3A_965 : i32
      %mul3A_967 = arith.constant 16 : i32
      %mul3A_968 = arith.muli %add3A_966, %mul3A_967 : i32
      %add3A_969 = vector.broadcast %mul3A_968 : i32 to vector<16xi32>
      %add3A_970 = arith.addi %add3A_969, %iota3A : vector<16xi32>
      tpu.vector_store_idx %arg7[%add3A_962], %add3A_970 masked %and3A_952 : memref<8256xi32, #tpu.memory_space<vmem>>[vector<16xi32>], vector<16xi32>, vector<16xi1>
      %sub3A_971 = vector.broadcast %reduce_min3A_43 : i32 to vector<16xi32>
      %sub3A_972 = arith.subi %unique3A_956, %sub3A_971 : vector<16xi32>
      %add3A_973 = arith.constant 1 : i32
      %add3A_974 = vector.broadcast %add3A_973 : i32 to vector<16xi32>
      %add3A_975 = arith.addi %sub3A_972, %add3A_974 : vector<16xi32>
      tpu.vector_store_idx %arg10[%shift_right_logical3A_947], %add3A_975 masked %unique3A_955 {add = true} : memref<2064xi32, #tpu.memory_space<vmem>>[vector<16xi32>], vector<16xi32>, vector<16xi1>
    }
    %scan3A_90 = arith.constant 128 : i32
    %iota3A_91 = tpu.iota {dimensions = array<i32: 0>} : vector<16xi32>
    %add3A_92 = vector.broadcast %sub3A_84 : i32 to vector<16xi32>
    %add3A_93 = arith.addi %add3A_92, %iota3A_91 : vector<16xi32>
    %broadcast_in_dim3A_94 = arith.constant 2147483647 : i32
    %broadcast_in_dim3A_95 = vector.broadcast %broadcast_in_dim3A_94 : i32 to vector<16xi32>
    tpu.vector_store_idx %arg6[%add3A_93], %broadcast_in_dim3A_95 : memref<8256xi32, #tpu.memory_space<vmem>>[vector<16xi32>], vector<16xi32>,
    %broadcast_in_dim3A_96 = arith.constant 0 : i32
    %broadcast_in_dim3A_97 = vector.broadcast %broadcast_in_dim3A_96 : i32 to vector<16xi32>
    tpu.vector_store_idx %arg7[%add3A_93], %broadcast_in_dim3A_97 : memref<8256xi32, #tpu.memory_space<vmem>>[vector<16xi32>], vector<16xi32>,
    %add3A_98 = arith.constant 15 : i32
    %add3A_99 = arith.addi %sub3A_84, %add3A_98 : i32
    %shift_right_logical3A = arith.constant 4 : i32
    %shift_right_logical3A_100 = arith.shrui %add3A_99, %shift_right_logical3A : i32
    %scan3A_101 = arith.constant 0 : i32
    %scan3A_102 = arith.constant 0 : i32
    %scan3A_103 = arith.constant 17 : i32
    %scan3A_104 = arith.addi %scan3A_102, %scan3A_103 : i32
    %scan3A_105 = arith.constant 1 : i32
    scf.for %scan3A_803 = %scan3A_102 to %scan3A_104 step %scan3A_105  : i32 {
      %broadcast_in_dim3A_804 = arith.constant 0 : i32
      %broadcast_in_dim3A_805 = vector.broadcast %broadcast_in_dim3A_804 : i32 to vector<16xi32>
      %mul3A_806 = arith.constant 16 : i32
      %mul3A_807 = arith.muli %scan3A_803, %mul3A_806 : i32
      %multiple_of3A_808 = tpu.assume_multiple %mul3A_807, 16 : i32
      %swap3A_809 = arith.index_cast %multiple_of3A_808 : i32 to index
      %swap3A_810 = tpu.vector_load %arg10[%swap3A_809] {strides = array<i32>} : memref<2064xi32, #tpu.memory_space<vmem>>, vector<16xi32>,
      tpu.vector_store %arg10[%swap3A_809], %broadcast_in_dim3A_805 {strides = array<i32>} : memref<2064xi32, #tpu.memory_space<vmem>>, vector<16xi32>,
    }
    %scan3A_106 = arith.constant 17 : i32
    %while3A = arith.constant 0 : i32
    %while3A_107 = arith.constant 0 : i32
    %while3A_108 = arith.subi %shift_right_logical3A_100, %while3A_107 : i32
    %while3A_109 = arith.addi %while3A_107, %while3A_108 : i32
    %while3A_110 = arith.constant 1 : i32
    %while3A_111 = arith.divsi %while3A_108, %while3A_110 : i32
    %while3A_112 = arith.muli %while3A_111, %while3A_110 : i32
    %while3A_113 = arith.addi %while3A_107, %while3A_112 : i32
    %while3A_114 = arith.constant 1 : i32
    scf.for %while3A_803 = %while3A_107 to %while3A_113 step %while3A_114  : i32 {
      %mul3A_804 = arith.constant 16 : i32
      %mul3A_805 = arith.muli %while3A_803, %mul3A_804 : i32
      %multiple_of3A_806 = tpu.assume_multiple %mul3A_805, 16 : i32
      %get3A = arith.index_cast %multiple_of3A_806 : i32 to index
      %get3A_807 = tpu.vector_load %arg6[%get3A] {strides = array<i32>} : memref<8256xi32, #tpu.memory_space<vmem>>, vector<16xi32>,
      %shift_right_logical3A_808 = arith.constant 0 : i32
      %shift_right_logical3A_809 = vector.broadcast %shift_right_logical3A_808 : i32 to vector<16xi32>
      %shift_right_logical3A_810 = arith.shrui %get3A_807, %shift_right_logical3A_809 : vector<16xi32>
      %and3A_811 = arith.constant 255 : i32
      %and3A_812 = vector.broadcast %and3A_811 : i32 to vector<16xi32>
      %and3A_813 = arith.andi %shift_right_logical3A_810, %and3A_812 : vector<16xi32>
      %broadcast_in_dim3A_814 = arith.constant true
      %broadcast_in_dim3A_815 = vector.broadcast %broadcast_in_dim3A_814 : i1 to vector<16xi1>
      %unique3A_816, %unique3A_817 = tpu.scan_count mask(%broadcast_in_dim3A_815 : vector<16xi1>) value(%and3A_813 : vector<16xi32>) : vector<16xi1>, vector<16xi32>
      %sub3A_818 = vector.broadcast %reduce_min3A_43 : i32 to vector<16xi32>
      %sub3A_819 = arith.subi %unique3A_817, %sub3A_818 : vector<16xi32>
      %add3A_820 = arith.constant 1 : i32
      %add3A_821 = vector.broadcast %add3A_820 : i32 to vector<16xi32>
      %add3A_822 = arith.addi %sub3A_819, %add3A_821 : vector<16xi32>
      tpu.vector_store_idx %arg10[%and3A_813], %add3A_822 masked %unique3A_816 {add = true} : memref<2064xi32, #tpu.memory_space<vmem>>[vector<16xi32>], vector<16xi32>, vector<16xi1>
    }
    %while3A_115 = arith.constant 1 : i32
    scf.for %while3A_803 = %while3A_113 to %while3A_109 step %while3A_115  : i32 {
      %mul3A_804 = arith.constant 16 : i32
      %mul3A_805 = arith.muli %while3A_803, %mul3A_804 : i32
      %multiple_of3A_806 = tpu.assume_multiple %mul3A_805, 16 : i32
      %get3A = arith.index_cast %multiple_of3A_806 : i32 to index
      %get3A_807 = tpu.vector_load %arg6[%get3A] {strides = array<i32>} : memref<8256xi32, #tpu.memory_space<vmem>>, vector<16xi32>,
      %shift_right_logical3A_808 = arith.constant 0 : i32
      %shift_right_logical3A_809 = vector.broadcast %shift_right_logical3A_808 : i32 to vector<16xi32>
      %shift_right_logical3A_810 = arith.shrui %get3A_807, %shift_right_logical3A_809 : vector<16xi32>
      %and3A_811 = arith.constant 255 : i32
      %and3A_812 = vector.broadcast %and3A_811 : i32 to vector<16xi32>
      %and3A_813 = arith.andi %shift_right_logical3A_810, %and3A_812 : vector<16xi32>
      %broadcast_in_dim3A_814 = arith.constant true
      %broadcast_in_dim3A_815 = vector.broadcast %broadcast_in_dim3A_814 : i1 to vector<16xi1>
      %unique3A_816, %unique3A_817 = tpu.scan_count mask(%broadcast_in_dim3A_815 : vector<16xi1>) value(%and3A_813 : vector<16xi32>) : vector<16xi1>, vector<16xi32>
      %sub3A_818 = vector.broadcast %reduce_min3A_43 : i32 to vector<16xi32>
      %sub3A_819 = arith.subi %unique3A_817, %sub3A_818 : vector<16xi32>
      %add3A_820 = arith.constant 1 : i32
      %add3A_821 = vector.broadcast %add3A_820 : i32 to vector<16xi32>
      %add3A_822 = arith.addi %sub3A_819, %add3A_821 : vector<16xi32>
      tpu.vector_store_idx %arg10[%and3A_813], %add3A_822 masked %unique3A_816 {add = true} : memref<2064xi32, #tpu.memory_space<vmem>>[vector<16xi32>], vector<16xi32>, vector<16xi1>
    }
    %scan3A_116 = arith.constant 0 : i32
    %scan3A_117 = arith.constant 0 : i32
    %scan3A_118 = arith.constant 17 : i32
    %scan3A_119 = arith.addi %scan3A_117, %scan3A_118 : i32
    %scan3A_120 = arith.constant 1 : i32
    %scan3A_121 = scf.for %scan3A_803 = %scan3A_117 to %scan3A_119 step %scan3A_120 iter_args(%scan3A_804 = %scan3A_116) -> (i32)  : i32 {
      %mul3A_805 = arith.constant 16 : i32
      %mul3A_806 = arith.muli %scan3A_803, %mul3A_805 : i32
      %multiple_of3A_807 = tpu.assume_multiple %mul3A_806, 16 : i32
      %get3A = arith.index_cast %multiple_of3A_807 : i32 to index
      %get3A_808 = tpu.vector_load %arg10[%get3A] {strides = array<i32>} : memref<2064xi32, #tpu.memory_space<vmem>>, vector<16xi32>,
      %broadcast_in_dim3A_809 = arith.constant true
      %broadcast_in_dim3A_810 = vector.broadcast %broadcast_in_dim3A_809 : i1 to vector<16xi1>
      %masked_cumsum3A = tpu.scan <sum>, %get3A_808 masked %broadcast_in_dim3A_810 : vector<16xi32>, vector<16xi1> -> vector<16xi32>
      %sub3A_811 = arith.subi %masked_cumsum3A, %get3A_808 : vector<16xi32>
      %add3A_812 = vector.broadcast %scan3A_804 : i32 to vector<16xi32>
      %add3A_813 = arith.addi %sub3A_811, %add3A_812 : vector<16xi32>
      %swap3A_814 = arith.index_cast %multiple_of3A_807 : i32 to index
      %swap3A_815 = tpu.vector_load %arg10[%swap3A_814] {strides = array<i32>} : memref<2064xi32, #tpu.memory_space<vmem>>, vector<16xi32>,
      tpu.vector_store %arg10[%swap3A_814], %add3A_813 {strides = array<i32>} : memref<2064xi32, #tpu.memory_space<vmem>>, vector<16xi32>,
      %reduce_max3A = arith.constant true
      %reduce_max3A_816 = vector.broadcast %reduce_max3A : i1 to vector<16xi1>
      %reduce_max3A_817 = arith.constant -2147483648 : i32
      %reduce_max3A_818 = vector.broadcast %reduce_max3A_817 : i32 to vector<16xi32>
      %reduce_max3A_819 = arith.xori %masked_cumsum3A, %reduce_max3A_818 : vector<16xi32>
      %reduce_max3A_820 = tpu.scan <max>, %reduce_max3A_819 masked %reduce_max3A_816 : vector<16xi32>, vector<16xi1> -> vector<16xi32>
      %reduce_max3A_821 = arith.xori %reduce_max3A_820, %reduce_max3A_818 : vector<16xi32>
      %reduce_max3A_822 = vector.extract %reduce_max3A_821[15] : i32 from vector<16xi32>
      %add3A_823 = arith.addi %scan3A_804, %reduce_max3A_822 : i32
      scf.yield %add3A_823 : i32
    }
    %scan3A_122 = arith.constant 17 : i32
    %while3A_123 = arith.constant 0 : i32
    %while3A_124 = arith.constant 0 : i32
    %while3A_125 = arith.subi %shift_right_logical3A_100, %while3A_124 : i32
    %while3A_126 = arith.addi %while3A_124, %while3A_125 : i32
    %while3A_127 = arith.constant 1 : i32
    %while3A_128 = arith.divsi %while3A_125, %while3A_127 : i32
    %while3A_129 = arith.muli %while3A_128, %while3A_127 : i32
    %while3A_130 = arith.addi %while3A_124, %while3A_129 : i32
    %while3A_131 = arith.constant 1 : i32
    scf.for %while3A_803 = %while3A_124 to %while3A_130 step %while3A_131  : i32 {
      %mul3A_804 = arith.constant 16 : i32
      %mul3A_805 = arith.muli %while3A_803, %mul3A_804 : i32
      %multiple_of3A_806 = tpu.assume_multiple %mul3A_805, 16 : i32
      %get3A = arith.index_cast %multiple_of3A_806 : i32 to index
      %get3A_807 = tpu.vector_load %arg6[%get3A] {strides = array<i32>} : memref<8256xi32, #tpu.memory_space<vmem>>, vector<16xi32>,
      %get3A_808 = arith.index_cast %multiple_of3A_806 : i32 to index
      %get3A_809 = tpu.vector_load %arg7[%get3A_808] {strides = array<i32>} : memref<8256xi32, #tpu.memory_space<vmem>>, vector<16xi32>,
      %shift_right_logical3A_810 = arith.constant 0 : i32
      %shift_right_logical3A_811 = vector.broadcast %shift_right_logical3A_810 : i32 to vector<16xi32>
      %shift_right_logical3A_812 = arith.shrui %get3A_807, %shift_right_logical3A_811 : vector<16xi32>
      %and3A_813 = arith.constant 255 : i32
      %and3A_814 = vector.broadcast %and3A_813 : i32 to vector<16xi32>
      %and3A_815 = arith.andi %shift_right_logical3A_812, %and3A_814 : vector<16xi32>
      %broadcast_in_dim3A_816 = arith.constant true
      %broadcast_in_dim3A_817 = vector.broadcast %broadcast_in_dim3A_816 : i1 to vector<16xi1>
      %unique3A_818, %unique3A_819 = tpu.scan_count mask(%broadcast_in_dim3A_817 : vector<16xi1>) value(%and3A_815 : vector<16xi32>) : vector<16xi1>, vector<16xi32>
      %gather3A_820 = tpu.vector_load_idx %arg10[%and3A_815] : memref<2064xi32, #tpu.memory_space<vmem>>[vector<16xi32>], vector<16xi32>,
      %sub3A_821 = vector.broadcast %reduce_min3A_43 : i32 to vector<16xi32>
      %sub3A_822 = arith.subi %unique3A_819, %sub3A_821 : vector<16xi32>
      %add3A_823 = arith.addi %gather3A_820, %sub3A_822 : vector<16xi32>
      tpu.vector_store_idx %arg8[%add3A_823], %get3A_807 : memref<8256xi32, #tpu.memory_space<vmem>>[vector<16xi32>], vector<16xi32>,
      tpu.vector_store_idx %arg9[%add3A_823], %get3A_809 : memref<8256xi32, #tpu.memory_space<vmem>>[vector<16xi32>], vector<16xi32>,
      %sub3A_824 = vector.broadcast %reduce_min3A_43 : i32 to vector<16xi32>
      %sub3A_825 = arith.subi %unique3A_819, %sub3A_824 : vector<16xi32>
      %add3A_826 = arith.constant 1 : i32
      %add3A_827 = vector.broadcast %add3A_826 : i32 to vector<16xi32>
      %add3A_828 = arith.addi %sub3A_825, %add3A_827 : vector<16xi32>
      tpu.vector_store_idx %arg10[%and3A_815], %add3A_828 masked %unique3A_818 {add = true} : memref<2064xi32, #tpu.memory_space<vmem>>[vector<16xi32>], vector<16xi32>, vector<16xi1>
    }
    %while3A_132 = arith.constant 1 : i32
    scf.for %while3A_803 = %while3A_130 to %while3A_126 step %while3A_132  : i32 {
      %mul3A_804 = arith.constant 16 : i32
      %mul3A_805 = arith.muli %while3A_803, %mul3A_804 : i32
      %multiple_of3A_806 = tpu.assume_multiple %mul3A_805, 16 : i32
      %get3A = arith.index_cast %multiple_of3A_806 : i32 to index
      %get3A_807 = tpu.vector_load %arg6[%get3A] {strides = array<i32>} : memref<8256xi32, #tpu.memory_space<vmem>>, vector<16xi32>,
      %get3A_808 = arith.index_cast %multiple_of3A_806 : i32 to index
      %get3A_809 = tpu.vector_load %arg7[%get3A_808] {strides = array<i32>} : memref<8256xi32, #tpu.memory_space<vmem>>, vector<16xi32>,
      %shift_right_logical3A_810 = arith.constant 0 : i32
      %shift_right_logical3A_811 = vector.broadcast %shift_right_logical3A_810 : i32 to vector<16xi32>
      %shift_right_logical3A_812 = arith.shrui %get3A_807, %shift_right_logical3A_811 : vector<16xi32>
      %and3A_813 = arith.constant 255 : i32
      %and3A_814 = vector.broadcast %and3A_813 : i32 to vector<16xi32>
      %and3A_815 = arith.andi %shift_right_logical3A_812, %and3A_814 : vector<16xi32>
      %broadcast_in_dim3A_816 = arith.constant true
      %broadcast_in_dim3A_817 = vector.broadcast %broadcast_in_dim3A_816 : i1 to vector<16xi1>
      %unique3A_818, %unique3A_819 = tpu.scan_count mask(%broadcast_in_dim3A_817 : vector<16xi1>) value(%and3A_815 : vector<16xi32>) : vector<16xi1>, vector<16xi32>
      %gather3A_820 = tpu.vector_load_idx %arg10[%and3A_815] : memref<2064xi32, #tpu.memory_space<vmem>>[vector<16xi32>], vector<16xi32>,
      %sub3A_821 = vector.broadcast %reduce_min3A_43 : i32 to vector<16xi32>
      %sub3A_822 = arith.subi %unique3A_819, %sub3A_821 : vector<16xi32>
      %add3A_823 = arith.addi %gather3A_820, %sub3A_822 : vector<16xi32>
      tpu.vector_store_idx %arg8[%add3A_823], %get3A_807 : memref<8256xi32, #tpu.memory_space<vmem>>[vector<16xi32>], vector<16xi32>,
      tpu.vector_store_idx %arg9[%add3A_823], %get3A_809 : memref<8256xi32, #tpu.memory_space<vmem>>[vector<16xi32>], vector<16xi32>,
      %sub3A_824 = vector.broadcast %reduce_min3A_43 : i32 to vector<16xi32>
      %sub3A_825 = arith.subi %unique3A_819, %sub3A_824 : vector<16xi32>
      %add3A_826 = arith.constant 1 : i32
      %add3A_827 = vector.broadcast %add3A_826 : i32 to vector<16xi32>
      %add3A_828 = arith.addi %sub3A_825, %add3A_827 : vector<16xi32>
      tpu.vector_store_idx %arg10[%and3A_815], %add3A_828 masked %unique3A_818 {add = true} : memref<2064xi32, #tpu.memory_space<vmem>>[vector<16xi32>], vector<16xi32>, vector<16xi1>
    }
    %scan3A_133 = arith.constant 0 : i32
    %scan3A_134 = arith.constant 0 : i32
    %scan3A_135 = arith.constant 17 : i32
    %scan3A_136 = arith.addi %scan3A_134, %scan3A_135 : i32
    %scan3A_137 = arith.constant 1 : i32
    scf.for %scan3A_803 = %scan3A_134 to %scan3A_136 step %scan3A_137  : i32 {
      %broadcast_in_dim3A_804 = arith.constant 0 : i32
      %broadcast_in_dim3A_805 = vector.broadcast %broadcast_in_dim3A_804 : i32 to vector<16xi32>
      %mul3A_806 = arith.constant 16 : i32
      %mul3A_807 = arith.muli %scan3A_803, %mul3A_806 : i32
      %multiple_of3A_808 = tpu.assume_multiple %mul3A_807, 16 : i32
      %swap3A_809 = arith.index_cast %multiple_of3A_808 : i32 to index
      %swap3A_810 = tpu.vector_load %arg10[%swap3A_809] {strides = array<i32>} : memref<2064xi32, #tpu.memory_space<vmem>>, vector<16xi32>,
      tpu.vector_store %arg10[%swap3A_809], %broadcast_in_dim3A_805 {strides = array<i32>} : memref<2064xi32, #tpu.memory_space<vmem>>, vector<16xi32>,
    }
    %scan3A_138 = arith.constant 17 : i32
    %while3A_139 = arith.constant 0 : i32
    %while3A_140 = arith.constant 0 : i32
    %while3A_141 = arith.subi %shift_right_logical3A_100, %while3A_140 : i32
    %while3A_142 = arith.addi %while3A_140, %while3A_141 : i32
    %while3A_143 = arith.constant 1 : i32
    %while3A_144 = arith.divsi %while3A_141, %while3A_143 : i32
    %while3A_145 = arith.muli %while3A_144, %while3A_143 : i32
    %while3A_146 = arith.addi %while3A_140, %while3A_145 : i32
    %while3A_147 = arith.constant 1 : i32
    scf.for %while3A_803 = %while3A_140 to %while3A_146 step %while3A_147  : i32 {
      %mul3A_804 = arith.constant 16 : i32
      %mul3A_805 = arith.muli %while3A_803, %mul3A_804 : i32
      %multiple_of3A_806 = tpu.assume_multiple %mul3A_805, 16 : i32
      %get3A = arith.index_cast %multiple_of3A_806 : i32 to index
      %get3A_807 = tpu.vector_load %arg8[%get3A] {strides = array<i32>} : memref<8256xi32, #tpu.memory_space<vmem>>, vector<16xi32>,
      %shift_right_logical3A_808 = arith.constant 8 : i32
      %shift_right_logical3A_809 = vector.broadcast %shift_right_logical3A_808 : i32 to vector<16xi32>
      %shift_right_logical3A_810 = arith.shrui %get3A_807, %shift_right_logical3A_809 : vector<16xi32>
      %and3A_811 = arith.constant 255 : i32
      %and3A_812 = vector.broadcast %and3A_811 : i32 to vector<16xi32>
      %and3A_813 = arith.andi %shift_right_logical3A_810, %and3A_812 : vector<16xi32>
      %broadcast_in_dim3A_814 = arith.constant true
      %broadcast_in_dim3A_815 = vector.broadcast %broadcast_in_dim3A_814 : i1 to vector<16xi1>
      %unique3A_816, %unique3A_817 = tpu.scan_count mask(%broadcast_in_dim3A_815 : vector<16xi1>) value(%and3A_813 : vector<16xi32>) : vector<16xi1>, vector<16xi32>
      %sub3A_818 = vector.broadcast %reduce_min3A_43 : i32 to vector<16xi32>
      %sub3A_819 = arith.subi %unique3A_817, %sub3A_818 : vector<16xi32>
      %add3A_820 = arith.constant 1 : i32
      %add3A_821 = vector.broadcast %add3A_820 : i32 to vector<16xi32>
      %add3A_822 = arith.addi %sub3A_819, %add3A_821 : vector<16xi32>
      tpu.vector_store_idx %arg10[%and3A_813], %add3A_822 masked %unique3A_816 {add = true} : memref<2064xi32, #tpu.memory_space<vmem>>[vector<16xi32>], vector<16xi32>, vector<16xi1>
    }
    %while3A_148 = arith.constant 1 : i32
    scf.for %while3A_803 = %while3A_146 to %while3A_142 step %while3A_148  : i32 {
      %mul3A_804 = arith.constant 16 : i32
      %mul3A_805 = arith.muli %while3A_803, %mul3A_804 : i32
      %multiple_of3A_806 = tpu.assume_multiple %mul3A_805, 16 : i32
      %get3A = arith.index_cast %multiple_of3A_806 : i32 to index
      %get3A_807 = tpu.vector_load %arg8[%get3A] {strides = array<i32>} : memref<8256xi32, #tpu.memory_space<vmem>>, vector<16xi32>,
      %shift_right_logical3A_808 = arith.constant 8 : i32
      %shift_right_logical3A_809 = vector.broadcast %shift_right_logical3A_808 : i32 to vector<16xi32>
      %shift_right_logical3A_810 = arith.shrui %get3A_807, %shift_right_logical3A_809 : vector<16xi32>
      %and3A_811 = arith.constant 255 : i32
      %and3A_812 = vector.broadcast %and3A_811 : i32 to vector<16xi32>
      %and3A_813 = arith.andi %shift_right_logical3A_810, %and3A_812 : vector<16xi32>
      %broadcast_in_dim3A_814 = arith.constant true
      %broadcast_in_dim3A_815 = vector.broadcast %broadcast_in_dim3A_814 : i1 to vector<16xi1>
      %unique3A_816, %unique3A_817 = tpu.scan_count mask(%broadcast_in_dim3A_815 : vector<16xi1>) value(%and3A_813 : vector<16xi32>) : vector<16xi1>, vector<16xi32>
      %sub3A_818 = vector.broadcast %reduce_min3A_43 : i32 to vector<16xi32>
      %sub3A_819 = arith.subi %unique3A_817, %sub3A_818 : vector<16xi32>
      %add3A_820 = arith.constant 1 : i32
      %add3A_821 = vector.broadcast %add3A_820 : i32 to vector<16xi32>
      %add3A_822 = arith.addi %sub3A_819, %add3A_821 : vector<16xi32>
      tpu.vector_store_idx %arg10[%and3A_813], %add3A_822 masked %unique3A_816 {add = true} : memref<2064xi32, #tpu.memory_space<vmem>>[vector<16xi32>], vector<16xi32>, vector<16xi1>
    }
    %scan3A_149 = arith.constant 0 : i32
    %scan3A_150 = arith.constant 0 : i32
    %scan3A_151 = arith.constant 17 : i32
    %scan3A_152 = arith.addi %scan3A_150, %scan3A_151 : i32
    %scan3A_153 = arith.constant 1 : i32
    %scan3A_154 = scf.for %scan3A_803 = %scan3A_150 to %scan3A_152 step %scan3A_153 iter_args(%scan3A_804 = %scan3A_149) -> (i32)  : i32 {
      %mul3A_805 = arith.constant 16 : i32
      %mul3A_806 = arith.muli %scan3A_803, %mul3A_805 : i32
      %multiple_of3A_807 = tpu.assume_multiple %mul3A_806, 16 : i32
      %get3A = arith.index_cast %multiple_of3A_807 : i32 to index
      %get3A_808 = tpu.vector_load %arg10[%get3A] {strides = array<i32>} : memref<2064xi32, #tpu.memory_space<vmem>>, vector<16xi32>,
      %broadcast_in_dim3A_809 = arith.constant true
      %broadcast_in_dim3A_810 = vector.broadcast %broadcast_in_dim3A_809 : i1 to vector<16xi1>
      %masked_cumsum3A = tpu.scan <sum>, %get3A_808 masked %broadcast_in_dim3A_810 : vector<16xi32>, vector<16xi1> -> vector<16xi32>
      %sub3A_811 = arith.subi %masked_cumsum3A, %get3A_808 : vector<16xi32>
      %add3A_812 = vector.broadcast %scan3A_804 : i32 to vector<16xi32>
      %add3A_813 = arith.addi %sub3A_811, %add3A_812 : vector<16xi32>
      %swap3A_814 = arith.index_cast %multiple_of3A_807 : i32 to index
      %swap3A_815 = tpu.vector_load %arg10[%swap3A_814] {strides = array<i32>} : memref<2064xi32, #tpu.memory_space<vmem>>, vector<16xi32>,
      tpu.vector_store %arg10[%swap3A_814], %add3A_813 {strides = array<i32>} : memref<2064xi32, #tpu.memory_space<vmem>>, vector<16xi32>,
      %reduce_max3A = arith.constant true
      %reduce_max3A_816 = vector.broadcast %reduce_max3A : i1 to vector<16xi1>
      %reduce_max3A_817 = arith.constant -2147483648 : i32
      %reduce_max3A_818 = vector.broadcast %reduce_max3A_817 : i32 to vector<16xi32>
      %reduce_max3A_819 = arith.xori %masked_cumsum3A, %reduce_max3A_818 : vector<16xi32>
      %reduce_max3A_820 = tpu.scan <max>, %reduce_max3A_819 masked %reduce_max3A_816 : vector<16xi32>, vector<16xi1> -> vector<16xi32>
      %reduce_max3A_821 = arith.xori %reduce_max3A_820, %reduce_max3A_818 : vector<16xi32>
      %reduce_max3A_822 = vector.extract %reduce_max3A_821[15] : i32 from vector<16xi32>
      %add3A_823 = arith.addi %scan3A_804, %reduce_max3A_822 : i32
      scf.yield %add3A_823 : i32
    }
    %scan3A_155 = arith.constant 17 : i32
    %while3A_156 = arith.constant 0 : i32
    %while3A_157 = arith.constant 0 : i32
    %while3A_158 = arith.subi %shift_right_logical3A_100, %while3A_157 : i32
    %while3A_159 = arith.addi %while3A_157, %while3A_158 : i32
    %while3A_160 = arith.constant 1 : i32
    %while3A_161 = arith.divsi %while3A_158, %while3A_160 : i32
    %while3A_162 = arith.muli %while3A_161, %while3A_160 : i32
    %while3A_163 = arith.addi %while3A_157, %while3A_162 : i32
    %while3A_164 = arith.constant 1 : i32
    scf.for %while3A_803 = %while3A_157 to %while3A_163 step %while3A_164  : i32 {
      %mul3A_804 = arith.constant 16 : i32
      %mul3A_805 = arith.muli %while3A_803, %mul3A_804 : i32
      %multiple_of3A_806 = tpu.assume_multiple %mul3A_805, 16 : i32
      %get3A = arith.index_cast %multiple_of3A_806 : i32 to index
      %get3A_807 = tpu.vector_load %arg8[%get3A] {strides = array<i32>} : memref<8256xi32, #tpu.memory_space<vmem>>, vector<16xi32>,
      %get3A_808 = arith.index_cast %multiple_of3A_806 : i32 to index
      %get3A_809 = tpu.vector_load %arg9[%get3A_808] {strides = array<i32>} : memref<8256xi32, #tpu.memory_space<vmem>>, vector<16xi32>,
      %shift_right_logical3A_810 = arith.constant 8 : i32
      %shift_right_logical3A_811 = vector.broadcast %shift_right_logical3A_810 : i32 to vector<16xi32>
      %shift_right_logical3A_812 = arith.shrui %get3A_807, %shift_right_logical3A_811 : vector<16xi32>
      %and3A_813 = arith.constant 255 : i32
      %and3A_814 = vector.broadcast %and3A_813 : i32 to vector<16xi32>
      %and3A_815 = arith.andi %shift_right_logical3A_812, %and3A_814 : vector<16xi32>
      %broadcast_in_dim3A_816 = arith.constant true
      %broadcast_in_dim3A_817 = vector.broadcast %broadcast_in_dim3A_816 : i1 to vector<16xi1>
      %unique3A_818, %unique3A_819 = tpu.scan_count mask(%broadcast_in_dim3A_817 : vector<16xi1>) value(%and3A_815 : vector<16xi32>) : vector<16xi1>, vector<16xi32>
      %gather3A_820 = tpu.vector_load_idx %arg10[%and3A_815] : memref<2064xi32, #tpu.memory_space<vmem>>[vector<16xi32>], vector<16xi32>,
      %sub3A_821 = vector.broadcast %reduce_min3A_43 : i32 to vector<16xi32>
      %sub3A_822 = arith.subi %unique3A_819, %sub3A_821 : vector<16xi32>
      %add3A_823 = arith.addi %gather3A_820, %sub3A_822 : vector<16xi32>
      tpu.vector_store_idx %arg6[%add3A_823], %get3A_807 : memref<8256xi32, #tpu.memory_space<vmem>>[vector<16xi32>], vector<16xi32>,
      tpu.vector_store_idx %arg7[%add3A_823], %get3A_809 : memref<8256xi32, #tpu.memory_space<vmem>>[vector<16xi32>], vector<16xi32>,
      %sub3A_824 = vector.broadcast %reduce_min3A_43 : i32 to vector<16xi32>
      %sub3A_825 = arith.subi %unique3A_819, %sub3A_824 : vector<16xi32>
      %add3A_826 = arith.constant 1 : i32
      %add3A_827 = vector.broadcast %add3A_826 : i32 to vector<16xi32>
      %add3A_828 = arith.addi %sub3A_825, %add3A_827 : vector<16xi32>
      tpu.vector_store_idx %arg10[%and3A_815], %add3A_828 masked %unique3A_818 {add = true} : memref<2064xi32, #tpu.memory_space<vmem>>[vector<16xi32>], vector<16xi32>, vector<16xi1>
    }
    %while3A_165 = arith.constant 1 : i32
    scf.for %while3A_803 = %while3A_163 to %while3A_159 step %while3A_165  : i32 {
      %mul3A_804 = arith.constant 16 : i32
      %mul3A_805 = arith.muli %while3A_803, %mul3A_804 : i32
      %multiple_of3A_806 = tpu.assume_multiple %mul3A_805, 16 : i32
      %get3A = arith.index_cast %multiple_of3A_806 : i32 to index
      %get3A_807 = tpu.vector_load %arg8[%get3A] {strides = array<i32>} : memref<8256xi32, #tpu.memory_space<vmem>>, vector<16xi32>,
      %get3A_808 = arith.index_cast %multiple_of3A_806 : i32 to index
      %get3A_809 = tpu.vector_load %arg9[%get3A_808] {strides = array<i32>} : memref<8256xi32, #tpu.memory_space<vmem>>, vector<16xi32>,
      %shift_right_logical3A_810 = arith.constant 8 : i32
      %shift_right_logical3A_811 = vector.broadcast %shift_right_logical3A_810 : i32 to vector<16xi32>
      %shift_right_logical3A_812 = arith.shrui %get3A_807, %shift_right_logical3A_811 : vector<16xi32>
      %and3A_813 = arith.constant 255 : i32
      %and3A_814 = vector.broadcast %and3A_813 : i32 to vector<16xi32>
      %and3A_815 = arith.andi %shift_right_logical3A_812, %and3A_814 : vector<16xi32>
      %broadcast_in_dim3A_816 = arith.constant true
      %broadcast_in_dim3A_817 = vector.broadcast %broadcast_in_dim3A_816 : i1 to vector<16xi1>
      %unique3A_818, %unique3A_819 = tpu.scan_count mask(%broadcast_in_dim3A_817 : vector<16xi1>) value(%and3A_815 : vector<16xi32>) : vector<16xi1>, vector<16xi32>
      %gather3A_820 = tpu.vector_load_idx %arg10[%and3A_815] : memref<2064xi32, #tpu.memory_space<vmem>>[vector<16xi32>], vector<16xi32>,
      %sub3A_821 = vector.broadcast %reduce_min3A_43 : i32 to vector<16xi32>
      %sub3A_822 = arith.subi %unique3A_819, %sub3A_821 : vector<16xi32>
      %add3A_823 = arith.addi %gather3A_820, %sub3A_822 : vector<16xi32>
      tpu.vector_store_idx %arg6[%add3A_823], %get3A_807 : memref<8256xi32, #tpu.memory_space<vmem>>[vector<16xi32>], vector<16xi32>,
      tpu.vector_store_idx %arg7[%add3A_823], %get3A_809 : memref<8256xi32, #tpu.memory_space<vmem>>[vector<16xi32>], vector<16xi32>,
      %sub3A_824 = vector.broadcast %reduce_min3A_43 : i32 to vector<16xi32>
      %sub3A_825 = arith.subi %unique3A_819, %sub3A_824 : vector<16xi32>
      %add3A_826 = arith.constant 1 : i32
      %add3A_827 = vector.broadcast %add3A_826 : i32 to vector<16xi32>
      %add3A_828 = arith.addi %sub3A_825, %add3A_827 : vector<16xi32>
      tpu.vector_store_idx %arg10[%and3A_815], %add3A_828 masked %unique3A_818 {add = true} : memref<2064xi32, #tpu.memory_space<vmem>>[vector<16xi32>], vector<16xi32>, vector<16xi1>
    }
    %scan3A_166 = arith.constant 0 : i32
    %scan3A_167 = arith.constant 0 : i32
    %scan3A_168 = arith.constant 17 : i32
    %scan3A_169 = arith.addi %scan3A_167, %scan3A_168 : i32
    %scan3A_170 = arith.constant 1 : i32
    scf.for %scan3A_803 = %scan3A_167 to %scan3A_169 step %scan3A_170  : i32 {
      %broadcast_in_dim3A_804 = arith.constant 0 : i32
      %broadcast_in_dim3A_805 = vector.broadcast %broadcast_in_dim3A_804 : i32 to vector<16xi32>
      %mul3A_806 = arith.constant 16 : i32
      %mul3A_807 = arith.muli %scan3A_803, %mul3A_806 : i32
      %multiple_of3A_808 = tpu.assume_multiple %mul3A_807, 16 : i32
      %swap3A_809 = arith.index_cast %multiple_of3A_808 : i32 to index
      %swap3A_810 = tpu.vector_load %arg10[%swap3A_809] {strides = array<i32>} : memref<2064xi32, #tpu.memory_space<vmem>>, vector<16xi32>,
      tpu.vector_store %arg10[%swap3A_809], %broadcast_in_dim3A_805 {strides = array<i32>} : memref<2064xi32, #tpu.memory_space<vmem>>, vector<16xi32>,
    }
    %scan3A_171 = arith.constant 17 : i32
    %while3A_172 = arith.constant 0 : i32
    %while3A_173 = arith.constant 0 : i32
    %while3A_174 = arith.subi %shift_right_logical3A_100, %while3A_173 : i32
    %while3A_175 = arith.addi %while3A_173, %while3A_174 : i32
    %while3A_176 = arith.constant 1 : i32
    %while3A_177 = arith.divsi %while3A_174, %while3A_176 : i32
    %while3A_178 = arith.muli %while3A_177, %while3A_176 : i32
    %while3A_179 = arith.addi %while3A_173, %while3A_178 : i32
    %while3A_180 = arith.constant 1 : i32
    scf.for %while3A_803 = %while3A_173 to %while3A_179 step %while3A_180  : i32 {
      %mul3A_804 = arith.constant 16 : i32
      %mul3A_805 = arith.muli %while3A_803, %mul3A_804 : i32
      %multiple_of3A_806 = tpu.assume_multiple %mul3A_805, 16 : i32
      %get3A = arith.index_cast %multiple_of3A_806 : i32 to index
      %get3A_807 = tpu.vector_load %arg6[%get3A] {strides = array<i32>} : memref<8256xi32, #tpu.memory_space<vmem>>, vector<16xi32>,
      %shift_right_logical3A_808 = arith.constant 16 : i32
      %shift_right_logical3A_809 = vector.broadcast %shift_right_logical3A_808 : i32 to vector<16xi32>
      %shift_right_logical3A_810 = arith.shrui %get3A_807, %shift_right_logical3A_809 : vector<16xi32>
      %and3A_811 = arith.constant 255 : i32
      %and3A_812 = vector.broadcast %and3A_811 : i32 to vector<16xi32>
      %and3A_813 = arith.andi %shift_right_logical3A_810, %and3A_812 : vector<16xi32>
      %broadcast_in_dim3A_814 = arith.constant true
      %broadcast_in_dim3A_815 = vector.broadcast %broadcast_in_dim3A_814 : i1 to vector<16xi1>
      %unique3A_816, %unique3A_817 = tpu.scan_count mask(%broadcast_in_dim3A_815 : vector<16xi1>) value(%and3A_813 : vector<16xi32>) : vector<16xi1>, vector<16xi32>
      %sub3A_818 = vector.broadcast %reduce_min3A_43 : i32 to vector<16xi32>
      %sub3A_819 = arith.subi %unique3A_817, %sub3A_818 : vector<16xi32>
      %add3A_820 = arith.constant 1 : i32
      %add3A_821 = vector.broadcast %add3A_820 : i32 to vector<16xi32>
      %add3A_822 = arith.addi %sub3A_819, %add3A_821 : vector<16xi32>
      tpu.vector_store_idx %arg10[%and3A_813], %add3A_822 masked %unique3A_816 {add = true} : memref<2064xi32, #tpu.memory_space<vmem>>[vector<16xi32>], vector<16xi32>, vector<16xi1>
    }
    %while3A_181 = arith.constant 1 : i32
    scf.for %while3A_803 = %while3A_179 to %while3A_175 step %while3A_181  : i32 {
      %mul3A_804 = arith.constant 16 : i32
      %mul3A_805 = arith.muli %while3A_803, %mul3A_804 : i32
      %multiple_of3A_806 = tpu.assume_multiple %mul3A_805, 16 : i32
      %get3A = arith.index_cast %multiple_of3A_806 : i32 to index
      %get3A_807 = tpu.vector_load %arg6[%get3A] {strides = array<i32>} : memref<8256xi32, #tpu.memory_space<vmem>>, vector<16xi32>,
      %shift_right_logical3A_808 = arith.constant 16 : i32
      %shift_right_logical3A_809 = vector.broadcast %shift_right_logical3A_808 : i32 to vector<16xi32>
      %shift_right_logical3A_810 = arith.shrui %get3A_807, %shift_right_logical3A_809 : vector<16xi32>
      %and3A_811 = arith.constant 255 : i32
      %and3A_812 = vector.broadcast %and3A_811 : i32 to vector<16xi32>
      %and3A_813 = arith.andi %shift_right_logical3A_810, %and3A_812 : vector<16xi32>
      %broadcast_in_dim3A_814 = arith.constant true
      %broadcast_in_dim3A_815 = vector.broadcast %broadcast_in_dim3A_814 : i1 to vector<16xi1>
      %unique3A_816, %unique3A_817 = tpu.scan_count mask(%broadcast_in_dim3A_815 : vector<16xi1>) value(%and3A_813 : vector<16xi32>) : vector<16xi1>, vector<16xi32>
      %sub3A_818 = vector.broadcast %reduce_min3A_43 : i32 to vector<16xi32>
      %sub3A_819 = arith.subi %unique3A_817, %sub3A_818 : vector<16xi32>
      %add3A_820 = arith.constant 1 : i32
      %add3A_821 = vector.broadcast %add3A_820 : i32 to vector<16xi32>
      %add3A_822 = arith.addi %sub3A_819, %add3A_821 : vector<16xi32>
      tpu.vector_store_idx %arg10[%and3A_813], %add3A_822 masked %unique3A_816 {add = true} : memref<2064xi32, #tpu.memory_space<vmem>>[vector<16xi32>], vector<16xi32>, vector<16xi1>
    }
    %scan3A_182 = arith.constant 0 : i32
    %scan3A_183 = arith.constant 0 : i32
    %scan3A_184 = arith.constant 17 : i32
    %scan3A_185 = arith.addi %scan3A_183, %scan3A_184 : i32
    %scan3A_186 = arith.constant 1 : i32
    %scan3A_187 = scf.for %scan3A_803 = %scan3A_183 to %scan3A_185 step %scan3A_186 iter_args(%scan3A_804 = %scan3A_182) -> (i32)  : i32 {
      %mul3A_805 = arith.constant 16 : i32
      %mul3A_806 = arith.muli %scan3A_803, %mul3A_805 : i32
      %multiple_of3A_807 = tpu.assume_multiple %mul3A_806, 16 : i32
      %get3A = arith.index_cast %multiple_of3A_807 : i32 to index
      %get3A_808 = tpu.vector_load %arg10[%get3A] {strides = array<i32>} : memref<2064xi32, #tpu.memory_space<vmem>>, vector<16xi32>,
      %broadcast_in_dim3A_809 = arith.constant true
      %broadcast_in_dim3A_810 = vector.broadcast %broadcast_in_dim3A_809 : i1 to vector<16xi1>
      %masked_cumsum3A = tpu.scan <sum>, %get3A_808 masked %broadcast_in_dim3A_810 : vector<16xi32>, vector<16xi1> -> vector<16xi32>
      %sub3A_811 = arith.subi %masked_cumsum3A, %get3A_808 : vector<16xi32>
      %add3A_812 = vector.broadcast %scan3A_804 : i32 to vector<16xi32>
      %add3A_813 = arith.addi %sub3A_811, %add3A_812 : vector<16xi32>
      %swap3A_814 = arith.index_cast %multiple_of3A_807 : i32 to index
      %swap3A_815 = tpu.vector_load %arg10[%swap3A_814] {strides = array<i32>} : memref<2064xi32, #tpu.memory_space<vmem>>, vector<16xi32>,
      tpu.vector_store %arg10[%swap3A_814], %add3A_813 {strides = array<i32>} : memref<2064xi32, #tpu.memory_space<vmem>>, vector<16xi32>,
      %reduce_max3A = arith.constant true
      %reduce_max3A_816 = vector.broadcast %reduce_max3A : i1 to vector<16xi1>
      %reduce_max3A_817 = arith.constant -2147483648 : i32
      %reduce_max3A_818 = vector.broadcast %reduce_max3A_817 : i32 to vector<16xi32>
      %reduce_max3A_819 = arith.xori %masked_cumsum3A, %reduce_max3A_818 : vector<16xi32>
      %reduce_max3A_820 = tpu.scan <max>, %reduce_max3A_819 masked %reduce_max3A_816 : vector<16xi32>, vector<16xi1> -> vector<16xi32>
      %reduce_max3A_821 = arith.xori %reduce_max3A_820, %reduce_max3A_818 : vector<16xi32>
      %reduce_max3A_822 = vector.extract %reduce_max3A_821[15] : i32 from vector<16xi32>
      %add3A_823 = arith.addi %scan3A_804, %reduce_max3A_822 : i32
      scf.yield %add3A_823 : i32
    }
    %scan3A_188 = arith.constant 17 : i32
    %while3A_189 = arith.constant 0 : i32
    %while3A_190 = arith.constant 0 : i32
    %while3A_191 = arith.subi %shift_right_logical3A_100, %while3A_190 : i32
    %while3A_192 = arith.addi %while3A_190, %while3A_191 : i32
    %while3A_193 = arith.constant 1 : i32
    %while3A_194 = arith.divsi %while3A_191, %while3A_193 : i32
    %while3A_195 = arith.muli %while3A_194, %while3A_193 : i32
    %while3A_196 = arith.addi %while3A_190, %while3A_195 : i32
    %while3A_197 = arith.constant 1 : i32
    scf.for %while3A_803 = %while3A_190 to %while3A_196 step %while3A_197  : i32 {
      %mul3A_804 = arith.constant 16 : i32
      %mul3A_805 = arith.muli %while3A_803, %mul3A_804 : i32
      %multiple_of3A_806 = tpu.assume_multiple %mul3A_805, 16 : i32
      %get3A = arith.index_cast %multiple_of3A_806 : i32 to index
      %get3A_807 = tpu.vector_load %arg6[%get3A] {strides = array<i32>} : memref<8256xi32, #tpu.memory_space<vmem>>, vector<16xi32>,
      %get3A_808 = arith.index_cast %multiple_of3A_806 : i32 to index
      %get3A_809 = tpu.vector_load %arg7[%get3A_808] {strides = array<i32>} : memref<8256xi32, #tpu.memory_space<vmem>>, vector<16xi32>,
      %shift_right_logical3A_810 = arith.constant 16 : i32
      %shift_right_logical3A_811 = vector.broadcast %shift_right_logical3A_810 : i32 to vector<16xi32>
      %shift_right_logical3A_812 = arith.shrui %get3A_807, %shift_right_logical3A_811 : vector<16xi32>
      %and3A_813 = arith.constant 255 : i32
      %and3A_814 = vector.broadcast %and3A_813 : i32 to vector<16xi32>
      %and3A_815 = arith.andi %shift_right_logical3A_812, %and3A_814 : vector<16xi32>
      %broadcast_in_dim3A_816 = arith.constant true
      %broadcast_in_dim3A_817 = vector.broadcast %broadcast_in_dim3A_816 : i1 to vector<16xi1>
      %unique3A_818, %unique3A_819 = tpu.scan_count mask(%broadcast_in_dim3A_817 : vector<16xi1>) value(%and3A_815 : vector<16xi32>) : vector<16xi1>, vector<16xi32>
      %gather3A_820 = tpu.vector_load_idx %arg10[%and3A_815] : memref<2064xi32, #tpu.memory_space<vmem>>[vector<16xi32>], vector<16xi32>,
      %sub3A_821 = vector.broadcast %reduce_min3A_43 : i32 to vector<16xi32>
      %sub3A_822 = arith.subi %unique3A_819, %sub3A_821 : vector<16xi32>
      %add3A_823 = arith.addi %gather3A_820, %sub3A_822 : vector<16xi32>
      tpu.vector_store_idx %arg8[%add3A_823], %get3A_807 : memref<8256xi32, #tpu.memory_space<vmem>>[vector<16xi32>], vector<16xi32>,
      tpu.vector_store_idx %arg9[%add3A_823], %get3A_809 : memref<8256xi32, #tpu.memory_space<vmem>>[vector<16xi32>], vector<16xi32>,
      %sub3A_824 = vector.broadcast %reduce_min3A_43 : i32 to vector<16xi32>
      %sub3A_825 = arith.subi %unique3A_819, %sub3A_824 : vector<16xi32>
      %add3A_826 = arith.constant 1 : i32
      %add3A_827 = vector.broadcast %add3A_826 : i32 to vector<16xi32>
      %add3A_828 = arith.addi %sub3A_825, %add3A_827 : vector<16xi32>
      tpu.vector_store_idx %arg10[%and3A_815], %add3A_828 masked %unique3A_818 {add = true} : memref<2064xi32, #tpu.memory_space<vmem>>[vector<16xi32>], vector<16xi32>, vector<16xi1>
    }
    %while3A_198 = arith.constant 1 : i32
    scf.for %while3A_803 = %while3A_196 to %while3A_192 step %while3A_198  : i32 {
      %mul3A_804 = arith.constant 16 : i32
      %mul3A_805 = arith.muli %while3A_803, %mul3A_804 : i32
      %multiple_of3A_806 = tpu.assume_multiple %mul3A_805, 16 : i32
      %get3A = arith.index_cast %multiple_of3A_806 : i32 to index
      %get3A_807 = tpu.vector_load %arg6[%get3A] {strides = array<i32>} : memref<8256xi32, #tpu.memory_space<vmem>>, vector<16xi32>,
      %get3A_808 = arith.index_cast %multiple_of3A_806 : i32 to index
      %get3A_809 = tpu.vector_load %arg7[%get3A_808] {strides = array<i32>} : memref<8256xi32, #tpu.memory_space<vmem>>, vector<16xi32>,
      %shift_right_logical3A_810 = arith.constant 16 : i32
      %shift_right_logical3A_811 = vector.broadcast %shift_right_logical3A_810 : i32 to vector<16xi32>
      %shift_right_logical3A_812 = arith.shrui %get3A_807, %shift_right_logical3A_811 : vector<16xi32>
      %and3A_813 = arith.constant 255 : i32
      %and3A_814 = vector.broadcast %and3A_813 : i32 to vector<16xi32>
      %and3A_815 = arith.andi %shift_right_logical3A_812, %and3A_814 : vector<16xi32>
      %broadcast_in_dim3A_816 = arith.constant true
      %broadcast_in_dim3A_817 = vector.broadcast %broadcast_in_dim3A_816 : i1 to vector<16xi1>
      %unique3A_818, %unique3A_819 = tpu.scan_count mask(%broadcast_in_dim3A_817 : vector<16xi1>) value(%and3A_815 : vector<16xi32>) : vector<16xi1>, vector<16xi32>
      %gather3A_820 = tpu.vector_load_idx %arg10[%and3A_815] : memref<2064xi32, #tpu.memory_space<vmem>>[vector<16xi32>], vector<16xi32>,
      %sub3A_821 = vector.broadcast %reduce_min3A_43 : i32 to vector<16xi32>
      %sub3A_822 = arith.subi %unique3A_819, %sub3A_821 : vector<16xi32>
      %add3A_823 = arith.addi %gather3A_820, %sub3A_822 : vector<16xi32>
      tpu.vector_store_idx %arg8[%add3A_823], %get3A_807 : memref<8256xi32, #tpu.memory_space<vmem>>[vector<16xi32>], vector<16xi32>,
      tpu.vector_store_idx %arg9[%add3A_823], %get3A_809 : memref<8256xi32, #tpu.memory_space<vmem>>[vector<16xi32>], vector<16xi32>,
      %sub3A_824 = vector.broadcast %reduce_min3A_43 : i32 to vector<16xi32>
      %sub3A_825 = arith.subi %unique3A_819, %sub3A_824 : vector<16xi32>
      %add3A_826 = arith.constant 1 : i32
      %add3A_827 = vector.broadcast %add3A_826 : i32 to vector<16xi32>
      %add3A_828 = arith.addi %sub3A_825, %add3A_827 : vector<16xi32>
      tpu.vector_store_idx %arg10[%and3A_815], %add3A_828 masked %unique3A_818 {add = true} : memref<2064xi32, #tpu.memory_space<vmem>>[vector<16xi32>], vector<16xi32>, vector<16xi1>
    }
    %scan3A_199 = arith.constant 0 : i32
    %scan3A_200 = arith.constant 0 : i32
    %scan3A_201 = arith.constant 17 : i32
    %scan3A_202 = arith.addi %scan3A_200, %scan3A_201 : i32
    %scan3A_203 = arith.constant 1 : i32
    scf.for %scan3A_803 = %scan3A_200 to %scan3A_202 step %scan3A_203  : i32 {
      %broadcast_in_dim3A_804 = arith.constant 0 : i32
      %broadcast_in_dim3A_805 = vector.broadcast %broadcast_in_dim3A_804 : i32 to vector<16xi32>
      %mul3A_806 = arith.constant 16 : i32
      %mul3A_807 = arith.muli %scan3A_803, %mul3A_806 : i32
      %multiple_of3A_808 = tpu.assume_multiple %mul3A_807, 16 : i32
      %swap3A_809 = arith.index_cast %multiple_of3A_808 : i32 to index
      %swap3A_810 = tpu.vector_load %arg10[%swap3A_809] {strides = array<i32>} : memref<2064xi32, #tpu.memory_space<vmem>>, vector<16xi32>,
      tpu.vector_store %arg10[%swap3A_809], %broadcast_in_dim3A_805 {strides = array<i32>} : memref<2064xi32, #tpu.memory_space<vmem>>, vector<16xi32>,
    }
    %scan3A_204 = arith.constant 17 : i32
    %while3A_205 = arith.constant 0 : i32
    %while3A_206 = arith.constant 0 : i32
    %while3A_207 = arith.subi %shift_right_logical3A_100, %while3A_206 : i32
    %while3A_208 = arith.addi %while3A_206, %while3A_207 : i32
    %while3A_209 = arith.constant 1 : i32
    %while3A_210 = arith.divsi %while3A_207, %while3A_209 : i32
    %while3A_211 = arith.muli %while3A_210, %while3A_209 : i32
    %while3A_212 = arith.addi %while3A_206, %while3A_211 : i32
    %while3A_213 = arith.constant 1 : i32
    scf.for %while3A_803 = %while3A_206 to %while3A_212 step %while3A_213  : i32 {
      %mul3A_804 = arith.constant 16 : i32
      %mul3A_805 = arith.muli %while3A_803, %mul3A_804 : i32
      %multiple_of3A_806 = tpu.assume_multiple %mul3A_805, 16 : i32
      %get3A = arith.index_cast %multiple_of3A_806 : i32 to index
      %get3A_807 = tpu.vector_load %arg8[%get3A] {strides = array<i32>} : memref<8256xi32, #tpu.memory_space<vmem>>, vector<16xi32>,
      %shift_right_logical3A_808 = arith.constant 24 : i32
      %shift_right_logical3A_809 = vector.broadcast %shift_right_logical3A_808 : i32 to vector<16xi32>
      %shift_right_logical3A_810 = arith.shrui %get3A_807, %shift_right_logical3A_809 : vector<16xi32>
      %and3A_811 = arith.constant 255 : i32
      %and3A_812 = vector.broadcast %and3A_811 : i32 to vector<16xi32>
      %and3A_813 = arith.andi %shift_right_logical3A_810, %and3A_812 : vector<16xi32>
      %broadcast_in_dim3A_814 = arith.constant true
      %broadcast_in_dim3A_815 = vector.broadcast %broadcast_in_dim3A_814 : i1 to vector<16xi1>
      %unique3A_816, %unique3A_817 = tpu.scan_count mask(%broadcast_in_dim3A_815 : vector<16xi1>) value(%and3A_813 : vector<16xi32>) : vector<16xi1>, vector<16xi32>
      %sub3A_818 = vector.broadcast %reduce_min3A_43 : i32 to vector<16xi32>
      %sub3A_819 = arith.subi %unique3A_817, %sub3A_818 : vector<16xi32>
      %add3A_820 = arith.constant 1 : i32
      %add3A_821 = vector.broadcast %add3A_820 : i32 to vector<16xi32>
      %add3A_822 = arith.addi %sub3A_819, %add3A_821 : vector<16xi32>
      tpu.vector_store_idx %arg10[%and3A_813], %add3A_822 masked %unique3A_816 {add = true} : memref<2064xi32, #tpu.memory_space<vmem>>[vector<16xi32>], vector<16xi32>, vector<16xi1>
    }
    %while3A_214 = arith.constant 1 : i32
    scf.for %while3A_803 = %while3A_212 to %while3A_208 step %while3A_214  : i32 {
      %mul3A_804 = arith.constant 16 : i32
      %mul3A_805 = arith.muli %while3A_803, %mul3A_804 : i32
      %multiple_of3A_806 = tpu.assume_multiple %mul3A_805, 16 : i32
      %get3A = arith.index_cast %multiple_of3A_806 : i32 to index
      %get3A_807 = tpu.vector_load %arg8[%get3A] {strides = array<i32>} : memref<8256xi32, #tpu.memory_space<vmem>>, vector<16xi32>,
      %shift_right_logical3A_808 = arith.constant 24 : i32
      %shift_right_logical3A_809 = vector.broadcast %shift_right_logical3A_808 : i32 to vector<16xi32>
      %shift_right_logical3A_810 = arith.shrui %get3A_807, %shift_right_logical3A_809 : vector<16xi32>
      %and3A_811 = arith.constant 255 : i32
      %and3A_812 = vector.broadcast %and3A_811 : i32 to vector<16xi32>
      %and3A_813 = arith.andi %shift_right_logical3A_810, %and3A_812 : vector<16xi32>
      %broadcast_in_dim3A_814 = arith.constant true
      %broadcast_in_dim3A_815 = vector.broadcast %broadcast_in_dim3A_814 : i1 to vector<16xi1>
      %unique3A_816, %unique3A_817 = tpu.scan_count mask(%broadcast_in_dim3A_815 : vector<16xi1>) value(%and3A_813 : vector<16xi32>) : vector<16xi1>, vector<16xi32>
      %sub3A_818 = vector.broadcast %reduce_min3A_43 : i32 to vector<16xi32>
      %sub3A_819 = arith.subi %unique3A_817, %sub3A_818 : vector<16xi32>
      %add3A_820 = arith.constant 1 : i32
      %add3A_821 = vector.broadcast %add3A_820 : i32 to vector<16xi32>
      %add3A_822 = arith.addi %sub3A_819, %add3A_821 : vector<16xi32>
      tpu.vector_store_idx %arg10[%and3A_813], %add3A_822 masked %unique3A_816 {add = true} : memref<2064xi32, #tpu.memory_space<vmem>>[vector<16xi32>], vector<16xi32>, vector<16xi1>
    }
    %scan3A_215 = arith.constant 0 : i32
    %scan3A_216 = arith.constant 0 : i32
    %scan3A_217 = arith.constant 17 : i32
    %scan3A_218 = arith.addi %scan3A_216, %scan3A_217 : i32
    %scan3A_219 = arith.constant 1 : i32
    %scan3A_220 = scf.for %scan3A_803 = %scan3A_216 to %scan3A_218 step %scan3A_219 iter_args(%scan3A_804 = %scan3A_215) -> (i32)  : i32 {
      %mul3A_805 = arith.constant 16 : i32
      %mul3A_806 = arith.muli %scan3A_803, %mul3A_805 : i32
      %multiple_of3A_807 = tpu.assume_multiple %mul3A_806, 16 : i32
      %get3A = arith.index_cast %multiple_of3A_807 : i32 to index
      %get3A_808 = tpu.vector_load %arg10[%get3A] {strides = array<i32>} : memref<2064xi32, #tpu.memory_space<vmem>>, vector<16xi32>,
      %broadcast_in_dim3A_809 = arith.constant true
      %broadcast_in_dim3A_810 = vector.broadcast %broadcast_in_dim3A_809 : i1 to vector<16xi1>
      %masked_cumsum3A = tpu.scan <sum>, %get3A_808 masked %broadcast_in_dim3A_810 : vector<16xi32>, vector<16xi1> -> vector<16xi32>
      %sub3A_811 = arith.subi %masked_cumsum3A, %get3A_808 : vector<16xi32>
      %add3A_812 = vector.broadcast %scan3A_804 : i32 to vector<16xi32>
      %add3A_813 = arith.addi %sub3A_811, %add3A_812 : vector<16xi32>
      %swap3A_814 = arith.index_cast %multiple_of3A_807 : i32 to index
      %swap3A_815 = tpu.vector_load %arg10[%swap3A_814] {strides = array<i32>} : memref<2064xi32, #tpu.memory_space<vmem>>, vector<16xi32>,
      tpu.vector_store %arg10[%swap3A_814], %add3A_813 {strides = array<i32>} : memref<2064xi32, #tpu.memory_space<vmem>>, vector<16xi32>,
      %reduce_max3A = arith.constant true
      %reduce_max3A_816 = vector.broadcast %reduce_max3A : i1 to vector<16xi1>
      %reduce_max3A_817 = arith.constant -2147483648 : i32
      %reduce_max3A_818 = vector.broadcast %reduce_max3A_817 : i32 to vector<16xi32>
      %reduce_max3A_819 = arith.xori %masked_cumsum3A, %reduce_max3A_818 : vector<16xi32>
      %reduce_max3A_820 = tpu.scan <max>, %reduce_max3A_819 masked %reduce_max3A_816 : vector<16xi32>, vector<16xi1> -> vector<16xi32>
      %reduce_max3A_821 = arith.xori %reduce_max3A_820, %reduce_max3A_818 : vector<16xi32>
      %reduce_max3A_822 = vector.extract %reduce_max3A_821[15] : i32 from vector<16xi32>
      %add3A_823 = arith.addi %scan3A_804, %reduce_max3A_822 : i32
      scf.yield %add3A_823 : i32
    }
    %scan3A_221 = arith.constant 17 : i32
    %while3A_222 = arith.constant 0 : i32
    %while3A_223 = arith.constant 0 : i32
    %while3A_224 = arith.subi %shift_right_logical3A_100, %while3A_223 : i32
    %while3A_225 = arith.addi %while3A_223, %while3A_224 : i32
    %while3A_226 = arith.constant 1 : i32
    %while3A_227 = arith.divsi %while3A_224, %while3A_226 : i32
    %while3A_228 = arith.muli %while3A_227, %while3A_226 : i32
    %while3A_229 = arith.addi %while3A_223, %while3A_228 : i32
    %while3A_230 = arith.constant 1 : i32
    scf.for %while3A_803 = %while3A_223 to %while3A_229 step %while3A_230  : i32 {
      %mul3A_804 = arith.constant 16 : i32
      %mul3A_805 = arith.muli %while3A_803, %mul3A_804 : i32
      %multiple_of3A_806 = tpu.assume_multiple %mul3A_805, 16 : i32
      %get3A = arith.index_cast %multiple_of3A_806 : i32 to index
      %get3A_807 = tpu.vector_load %arg8[%get3A] {strides = array<i32>} : memref<8256xi32, #tpu.memory_space<vmem>>, vector<16xi32>,
      %get3A_808 = arith.index_cast %multiple_of3A_806 : i32 to index
      %get3A_809 = tpu.vector_load %arg9[%get3A_808] {strides = array<i32>} : memref<8256xi32, #tpu.memory_space<vmem>>, vector<16xi32>,
      %shift_right_logical3A_810 = arith.constant 24 : i32
      %shift_right_logical3A_811 = vector.broadcast %shift_right_logical3A_810 : i32 to vector<16xi32>
      %shift_right_logical3A_812 = arith.shrui %get3A_807, %shift_right_logical3A_811 : vector<16xi32>
      %and3A_813 = arith.constant 255 : i32
      %and3A_814 = vector.broadcast %and3A_813 : i32 to vector<16xi32>
      %and3A_815 = arith.andi %shift_right_logical3A_812, %and3A_814 : vector<16xi32>
      %broadcast_in_dim3A_816 = arith.constant true
      %broadcast_in_dim3A_817 = vector.broadcast %broadcast_in_dim3A_816 : i1 to vector<16xi1>
      %unique3A_818, %unique3A_819 = tpu.scan_count mask(%broadcast_in_dim3A_817 : vector<16xi1>) value(%and3A_815 : vector<16xi32>) : vector<16xi1>, vector<16xi32>
      %gather3A_820 = tpu.vector_load_idx %arg10[%and3A_815] : memref<2064xi32, #tpu.memory_space<vmem>>[vector<16xi32>], vector<16xi32>,
      %sub3A_821 = vector.broadcast %reduce_min3A_43 : i32 to vector<16xi32>
      %sub3A_822 = arith.subi %unique3A_819, %sub3A_821 : vector<16xi32>
      %add3A_823 = arith.addi %gather3A_820, %sub3A_822 : vector<16xi32>
      tpu.vector_store_idx %arg7[%add3A_823], %get3A_809 : memref<8256xi32, #tpu.memory_space<vmem>>[vector<16xi32>], vector<16xi32>,
      %sub3A_824 = vector.broadcast %reduce_min3A_43 : i32 to vector<16xi32>
      %sub3A_825 = arith.subi %unique3A_819, %sub3A_824 : vector<16xi32>
      %add3A_826 = arith.constant 1 : i32
      %add3A_827 = vector.broadcast %add3A_826 : i32 to vector<16xi32>
      %add3A_828 = arith.addi %sub3A_825, %add3A_827 : vector<16xi32>
      tpu.vector_store_idx %arg10[%and3A_815], %add3A_828 masked %unique3A_818 {add = true} : memref<2064xi32, #tpu.memory_space<vmem>>[vector<16xi32>], vector<16xi32>, vector<16xi1>
    }
    %while3A_231 = arith.constant 1 : i32
    scf.for %while3A_803 = %while3A_229 to %while3A_225 step %while3A_231  : i32 {
      %mul3A_804 = arith.constant 16 : i32
      %mul3A_805 = arith.muli %while3A_803, %mul3A_804 : i32
      %multiple_of3A_806 = tpu.assume_multiple %mul3A_805, 16 : i32
      %get3A = arith.index_cast %multiple_of3A_806 : i32 to index
      %get3A_807 = tpu.vector_load %arg8[%get3A] {strides = array<i32>} : memref<8256xi32, #tpu.memory_space<vmem>>, vector<16xi32>,
      %get3A_808 = arith.index_cast %multiple_of3A_806 : i32 to index
      %get3A_809 = tpu.vector_load %arg9[%get3A_808] {strides = array<i32>} : memref<8256xi32, #tpu.memory_space<vmem>>, vector<16xi32>,
      %shift_right_logical3A_810 = arith.constant 24 : i32
      %shift_right_logical3A_811 = vector.broadcast %shift_right_logical3A_810 : i32 to vector<16xi32>
      %shift_right_logical3A_812 = arith.shrui %get3A_807, %shift_right_logical3A_811 : vector<16xi32>
      %and3A_813 = arith.constant 255 : i32
      %and3A_814 = vector.broadcast %and3A_813 : i32 to vector<16xi32>
      %and3A_815 = arith.andi %shift_right_logical3A_812, %and3A_814 : vector<16xi32>
      %broadcast_in_dim3A_816 = arith.constant true
      %broadcast_in_dim3A_817 = vector.broadcast %broadcast_in_dim3A_816 : i1 to vector<16xi1>
      %unique3A_818, %unique3A_819 = tpu.scan_count mask(%broadcast_in_dim3A_817 : vector<16xi1>) value(%and3A_815 : vector<16xi32>) : vector<16xi1>, vector<16xi32>
      %gather3A_820 = tpu.vector_load_idx %arg10[%and3A_815] : memref<2064xi32, #tpu.memory_space<vmem>>[vector<16xi32>], vector<16xi32>,
      %sub3A_821 = vector.broadcast %reduce_min3A_43 : i32 to vector<16xi32>
      %sub3A_822 = arith.subi %unique3A_819, %sub3A_821 : vector<16xi32>
      %add3A_823 = arith.addi %gather3A_820, %sub3A_822 : vector<16xi32>
      tpu.vector_store_idx %arg7[%add3A_823], %get3A_809 : memref<8256xi32, #tpu.memory_space<vmem>>[vector<16xi32>], vector<16xi32>,
      %sub3A_824 = vector.broadcast %reduce_min3A_43 : i32 to vector<16xi32>
      %sub3A_825 = arith.subi %unique3A_819, %sub3A_824 : vector<16xi32>
      %add3A_826 = arith.constant 1 : i32
      %add3A_827 = vector.broadcast %add3A_826 : i32 to vector<16xi32>
      %add3A_828 = arith.addi %sub3A_825, %add3A_827 : vector<16xi32>
      tpu.vector_store_idx %arg10[%and3A_815], %add3A_828 masked %unique3A_818 {add = true} : memref<2064xi32, #tpu.memory_space<vmem>>[vector<16xi32>], vector<16xi32>, vector<16xi1>
    }
    %mul3A_232 = arith.constant 8192 : i32
    %mul3A_233 = arith.muli %select_n3A, %mul3A_232 : i32
    %sub3A_234 = arith.subi %mul3A_32, %scan3A_82#2 : i32
    %add3A_235 = arith.constant 0 : i32
    %add3A_236 = arith.addi %sub3A_234, %add3A_235 : i32
    %add3A_237 = arith.constant 0 : i32
    %add3A_238 = arith.addi %add3A_236, %add3A_237 : i32
    %iota3A_239 = tpu.iota {dimensions = array<i32: 0>} : vector<16xi32>
    %add3A_240 = vector.broadcast %add3A_238 : i32 to vector<16xi32>
    %add3A_241 = arith.addi %add3A_240, %iota3A_239 : vector<16xi32>
    %gather3A = tpu.vector_load_idx %arg7[%add3A_241] : memref<8256xi32, #tpu.memory_space<vmem>>[vector<16xi32>], vector<16xi32>,
    %add3A_242 = vector.broadcast %mul3A_233 : i32 to vector<16xi32>
    %add3A_243 = arith.addi %gather3A, %add3A_242 : vector<16xi32>
    %swap3A = arith.constant 0 : index
    %swap3A_244 = tpu.vector_load %arg12[%swap3A] {strides = array<i32>} : memref<48xi32, #tpu.memory_space<vmem>>, vector<16xi32>,
    tpu.vector_store %arg12[%swap3A], %add3A_243 {strides = array<i32>} : memref<48xi32, #tpu.memory_space<vmem>>, vector<16xi32>,
    %add3A_245 = arith.constant 16 : i32
    %add3A_246 = arith.addi %add3A_236, %add3A_245 : i32
    %iota3A_247 = tpu.iota {dimensions = array<i32: 0>} : vector<16xi32>
    %add3A_248 = vector.broadcast %add3A_246 : i32 to vector<16xi32>
    %add3A_249 = arith.addi %add3A_248, %iota3A_247 : vector<16xi32>
    %gather3A_250 = tpu.vector_load_idx %arg7[%add3A_249] : memref<8256xi32, #tpu.memory_space<vmem>>[vector<16xi32>], vector<16xi32>,
    %add3A_251 = vector.broadcast %mul3A_233 : i32 to vector<16xi32>
    %add3A_252 = arith.addi %gather3A_250, %add3A_251 : vector<16xi32>
    %swap3A_253 = arith.constant 16 : index
    %swap3A_254 = tpu.vector_load %arg12[%swap3A_253] {strides = array<i32>} : memref<48xi32, #tpu.memory_space<vmem>>, vector<16xi32>,
    tpu.vector_store %arg12[%swap3A_253], %add3A_252 {strides = array<i32>} : memref<48xi32, #tpu.memory_space<vmem>>, vector<16xi32>,
    %add3A_255 = arith.constant 32 : i32
    %add3A_256 = arith.addi %add3A_236, %add3A_255 : i32
    %iota3A_257 = tpu.iota {dimensions = array<i32: 0>} : vector<16xi32>
    %add3A_258 = vector.broadcast %add3A_256 : i32 to vector<16xi32>
    %add3A_259 = arith.addi %add3A_258, %iota3A_257 : vector<16xi32>
    %gather3A_260 = tpu.vector_load_idx %arg7[%add3A_259] : memref<8256xi32, #tpu.memory_space<vmem>>[vector<16xi32>], vector<16xi32>,
    %add3A_261 = vector.broadcast %mul3A_233 : i32 to vector<16xi32>
    %add3A_262 = arith.addi %gather3A_260, %add3A_261 : vector<16xi32>
    %swap3A_263 = arith.constant 32 : index
    %swap3A_264 = tpu.vector_load %arg12[%swap3A_263] {strides = array<i32>} : memref<48xi32, #tpu.memory_space<vmem>>, vector<16xi32>,
    tpu.vector_store %arg12[%swap3A_263], %add3A_262 {strides = array<i32>} : memref<48xi32, #tpu.memory_space<vmem>>, vector<16xi32>,
    %dma_start3A = arith.constant 0 : i32
    %dma_start3A_265 = arith.constant 0 : i32
    %dma_start3A_266 = tpu.memref_slice %arg2[%dma_start3A, %dma_start3A_265] : memref<32768x768xf32, #tpu.memory_space<hbm>> -> memref<32768x768xf32, #tpu.memory_space<hbm>>
    tpu.enqueue_indirect_dma source(%dma_start3A_266 : memref<32768x768xf32, #tpu.memory_space<hbm>>) target(%arg14 : memref<48x768xf32, #tpu.memory_space<vmem>>) offsets(%arg12 : memref<48xi32, #tpu.memory_space<vmem>>) semaphore(%arg16 : memref<!tpu.dma_semaphore, #tpu.memory_space<semaphore_mem>>)
    %add3A_267 = arith.constant 48 : i32
    %add3A_268 = arith.addi %sub3A_234, %add3A_267 : i32
    %add3A_269 = arith.constant 0 : i32
    %add3A_270 = arith.addi %add3A_268, %add3A_269 : i32
    %iota3A_271 = tpu.iota {dimensions = array<i32: 0>} : vector<16xi32>
    %add3A_272 = vector.broadcast %add3A_270 : i32 to vector<16xi32>
    %add3A_273 = arith.addi %add3A_272, %iota3A_271 : vector<16xi32>
    %gather3A_274 = tpu.vector_load_idx %arg7[%add3A_273] : memref<8256xi32, #tpu.memory_space<vmem>>[vector<16xi32>], vector<16xi32>,
    %add3A_275 = vector.broadcast %mul3A_233 : i32 to vector<16xi32>
    %add3A_276 = arith.addi %gather3A_274, %add3A_275 : vector<16xi32>
    %swap3A_277 = arith.constant 0 : index
    %swap3A_278 = tpu.vector_load %arg13[%swap3A_277] {strides = array<i32>} : memref<48xi32, #tpu.memory_space<vmem>>, vector<16xi32>,
    tpu.vector_store %arg13[%swap3A_277], %add3A_276 {strides = array<i32>} : memref<48xi32, #tpu.memory_space<vmem>>, vector<16xi32>,
    %add3A_279 = arith.constant 16 : i32
    %add3A_280 = arith.addi %add3A_268, %add3A_279 : i32
    %iota3A_281 = tpu.iota {dimensions = array<i32: 0>} : vector<16xi32>
    %add3A_282 = vector.broadcast %add3A_280 : i32 to vector<16xi32>
    %add3A_283 = arith.addi %add3A_282, %iota3A_281 : vector<16xi32>
    %gather3A_284 = tpu.vector_load_idx %arg7[%add3A_283] : memref<8256xi32, #tpu.memory_space<vmem>>[vector<16xi32>], vector<16xi32>,
    %add3A_285 = vector.broadcast %mul3A_233 : i32 to vector<16xi32>
    %add3A_286 = arith.addi %gather3A_284, %add3A_285 : vector<16xi32>
    %swap3A_287 = arith.constant 16 : index
    %swap3A_288 = tpu.vector_load %arg13[%swap3A_287] {strides = array<i32>} : memref<48xi32, #tpu.memory_space<vmem>>, vector<16xi32>,
    tpu.vector_store %arg13[%swap3A_287], %add3A_286 {strides = array<i32>} : memref<48xi32, #tpu.memory_space<vmem>>, vector<16xi32>,
    %add3A_289 = arith.constant 32 : i32
    %add3A_290 = arith.addi %add3A_268, %add3A_289 : i32
    %iota3A_291 = tpu.iota {dimensions = array<i32: 0>} : vector<16xi32>
    %add3A_292 = vector.broadcast %add3A_290 : i32 to vector<16xi32>
    %add3A_293 = arith.addi %add3A_292, %iota3A_291 : vector<16xi32>
    %gather3A_294 = tpu.vector_load_idx %arg7[%add3A_293] : memref<8256xi32, #tpu.memory_space<vmem>>[vector<16xi32>], vector<16xi32>,
    %add3A_295 = vector.broadcast %mul3A_233 : i32 to vector<16xi32>
    %add3A_296 = arith.addi %gather3A_294, %add3A_295 : vector<16xi32>
    %swap3A_297 = arith.constant 32 : index
    %swap3A_298 = tpu.vector_load %arg13[%swap3A_297] {strides = array<i32>} : memref<48xi32, #tpu.memory_space<vmem>>, vector<16xi32>,
    tpu.vector_store %arg13[%swap3A_297], %add3A_296 {strides = array<i32>} : memref<48xi32, #tpu.memory_space<vmem>>, vector<16xi32>,
    %dma_start3A_299 = arith.constant 0 : i32
    %dma_start3A_300 = arith.constant 0 : i32
    %dma_start3A_301 = tpu.memref_slice %arg2[%dma_start3A_299, %dma_start3A_300] : memref<32768x768xf32, #tpu.memory_space<hbm>> -> memref<32768x768xf32, #tpu.memory_space<hbm>>
    tpu.enqueue_indirect_dma source(%dma_start3A_301 : memref<32768x768xf32, #tpu.memory_space<hbm>>) target(%arg15 : memref<48x768xf32, #tpu.memory_space<vmem>>) offsets(%arg13 : memref<48xi32, #tpu.memory_space<vmem>>) semaphore(%arg17 : memref<!tpu.dma_semaphore, #tpu.memory_space<semaphore_mem>>)
    %dma_wait3A = arith.constant 0 : i32
    %dma_wait3A_302 = arith.constant 0 : i32
    %dma_wait3A_303 = tpu.memref_slice %arg2[%dma_wait3A, %dma_wait3A_302] : memref<32768x768xf32, #tpu.memory_space<hbm>> -> memref<32768x768xf32, #tpu.memory_space<hbm>>
    tpu.wait_indirect_dma semaphore(%arg16 : memref<!tpu.dma_semaphore, #tpu.memory_space<semaphore_mem>>) src(%dma_wait3A_303 : memref<32768x768xf32, #tpu.memory_space<hbm>>) dst(%arg14 : memref<48x768xf32, #tpu.memory_space<vmem>>)
    %mul3A_304 = arith.constant 512 : i32
    %mul3A_305 = arith.muli %add3A, %mul3A_304 : i32
    %add3A_306 = arith.constant 0 : i32
    %add3A_307 = arith.addi %mul3A_305, %add3A_306 : i32
    %multiple_of3A = tpu.assume_multiple %add3A_307, 16 : i32
    %dma_start3A_308 = arith.constant 0 : i32
    %dma_start3A_309 = tpu.memref_slice %arg4[%multiple_of3A, %dma_start3A_308] : memref<16384x768xf32, #tpu.memory_space<hbm>> -> memref<48x768xf32, #tpu.memory_space<hbm>>
    %dma_start3A_310 = arith.constant 0 : i32
    %dma_start3A_311 = tpu.memref_slice %arg4[%multiple_of3A, %dma_start3A_310] : memref<16384x768xf32, #tpu.memory_space<hbm>> -> memref<48x768xf32, #tpu.memory_space<hbm>>
    tpu.enqueue_dma source(%arg14 : memref<48x768xf32, #tpu.memory_space<vmem>>) target(%dma_start3A_311 : memref<48x768xf32, #tpu.memory_space<hbm>>) target_semaphore(%arg18 : memref<!tpu.dma_semaphore, #tpu.memory_space<semaphore_mem>>)
    %dma_wait3A_312 = arith.constant 0 : i32
    %dma_wait3A_313 = tpu.memref_slice %arg4[%multiple_of3A, %dma_wait3A_312] : memref<16384x768xf32, #tpu.memory_space<hbm>> -> memref<48x768xf32, #tpu.memory_space<hbm>>
    %dma_wait3A_314 = arith.constant 0 : i32
    %dma_wait3A_315 = tpu.memref_slice %arg4[%multiple_of3A, %dma_wait3A_314] : memref<16384x768xf32, #tpu.memory_space<hbm>> -> memref<48x768xf32, #tpu.memory_space<hbm>>
    tpu.wait_dma2 semaphore(%arg18 : memref<!tpu.dma_semaphore, #tpu.memory_space<semaphore_mem>>) src(%arg14 : memref<48x768xf32, #tpu.memory_space<vmem>>) dst(%dma_wait3A_315 : memref<48x768xf32, #tpu.memory_space<hbm>>)
    %add3A_316 = arith.constant 96 : i32
    %add3A_317 = arith.addi %sub3A_234, %add3A_316 : i32
    %add3A_318 = arith.constant 0 : i32
    %add3A_319 = arith.addi %add3A_317, %add3A_318 : i32
    %iota3A_320 = tpu.iota {dimensions = array<i32: 0>} : vector<16xi32>
    %add3A_321 = vector.broadcast %add3A_319 : i32 to vector<16xi32>
    %add3A_322 = arith.addi %add3A_321, %iota3A_320 : vector<16xi32>
    %gather3A_323 = tpu.vector_load_idx %arg7[%add3A_322] : memref<8256xi32, #tpu.memory_space<vmem>>[vector<16xi32>], vector<16xi32>,
    %add3A_324 = vector.broadcast %mul3A_233 : i32 to vector<16xi32>
    %add3A_325 = arith.addi %gather3A_323, %add3A_324 : vector<16xi32>
    %swap3A_326 = arith.constant 0 : index
    %swap3A_327 = tpu.vector_load %arg12[%swap3A_326] {strides = array<i32>} : memref<48xi32, #tpu.memory_space<vmem>>, vector<16xi32>,
    tpu.vector_store %arg12[%swap3A_326], %add3A_325 {strides = array<i32>} : memref<48xi32, #tpu.memory_space<vmem>>, vector<16xi32>,
    %add3A_328 = arith.constant 16 : i32
    %add3A_329 = arith.addi %add3A_317, %add3A_328 : i32
    %iota3A_330 = tpu.iota {dimensions = array<i32: 0>} : vector<16xi32>
    %add3A_331 = vector.broadcast %add3A_329 : i32 to vector<16xi32>
    %add3A_332 = arith.addi %add3A_331, %iota3A_330 : vector<16xi32>
    %gather3A_333 = tpu.vector_load_idx %arg7[%add3A_332] : memref<8256xi32, #tpu.memory_space<vmem>>[vector<16xi32>], vector<16xi32>,
    %add3A_334 = vector.broadcast %mul3A_233 : i32 to vector<16xi32>
    %add3A_335 = arith.addi %gather3A_333, %add3A_334 : vector<16xi32>
    %swap3A_336 = arith.constant 16 : index
    %swap3A_337 = tpu.vector_load %arg12[%swap3A_336] {strides = array<i32>} : memref<48xi32, #tpu.memory_space<vmem>>, vector<16xi32>,
    tpu.vector_store %arg12[%swap3A_336], %add3A_335 {strides = array<i32>} : memref<48xi32, #tpu.memory_space<vmem>>, vector<16xi32>,
    %add3A_338 = arith.constant 32 : i32
    %add3A_339 = arith.addi %add3A_317, %add3A_338 : i32
    %iota3A_340 = tpu.iota {dimensions = array<i32: 0>} : vector<16xi32>
    %add3A_341 = vector.broadcast %add3A_339 : i32 to vector<16xi32>
    %add3A_342 = arith.addi %add3A_341, %iota3A_340 : vector<16xi32>
    %gather3A_343 = tpu.vector_load_idx %arg7[%add3A_342] : memref<8256xi32, #tpu.memory_space<vmem>>[vector<16xi32>], vector<16xi32>,
    %add3A_344 = vector.broadcast %mul3A_233 : i32 to vector<16xi32>
    %add3A_345 = arith.addi %gather3A_343, %add3A_344 : vector<16xi32>
    %swap3A_346 = arith.constant 32 : index
    %swap3A_347 = tpu.vector_load %arg12[%swap3A_346] {strides = array<i32>} : memref<48xi32, #tpu.memory_space<vmem>>, vector<16xi32>,
    tpu.vector_store %arg12[%swap3A_346], %add3A_345 {strides = array<i32>} : memref<48xi32, #tpu.memory_space<vmem>>, vector<16xi32>,
    %dma_start3A_348 = arith.constant 0 : i32
    %dma_start3A_349 = arith.constant 0 : i32
    %dma_start3A_350 = tpu.memref_slice %arg2[%dma_start3A_348, %dma_start3A_349] : memref<32768x768xf32, #tpu.memory_space<hbm>> -> memref<32768x768xf32, #tpu.memory_space<hbm>>
    tpu.enqueue_indirect_dma source(%dma_start3A_350 : memref<32768x768xf32, #tpu.memory_space<hbm>>) target(%arg14 : memref<48x768xf32, #tpu.memory_space<vmem>>) offsets(%arg12 : memref<48xi32, #tpu.memory_space<vmem>>) semaphore(%arg16 : memref<!tpu.dma_semaphore, #tpu.memory_space<semaphore_mem>>)
    %dma_wait3A_351 = arith.constant 0 : i32
    %dma_wait3A_352 = arith.constant 0 : i32
    %dma_wait3A_353 = tpu.memref_slice %arg2[%dma_wait3A_351, %dma_wait3A_352] : memref<32768x768xf32, #tpu.memory_space<hbm>> -> memref<32768x768xf32, #tpu.memory_space<hbm>>
    tpu.wait_indirect_dma semaphore(%arg17 : memref<!tpu.dma_semaphore, #tpu.memory_space<semaphore_mem>>) src(%dma_wait3A_353 : memref<32768x768xf32, #tpu.memory_space<hbm>>) dst(%arg15 : memref<48x768xf32, #tpu.memory_space<vmem>>)
    %mul3A_354 = arith.constant 512 : i32
    %mul3A_355 = arith.muli %add3A, %mul3A_354 : i32
    %add3A_356 = arith.constant 48 : i32
    %add3A_357 = arith.addi %mul3A_355, %add3A_356 : i32
    %multiple_of3A_358 = tpu.assume_multiple %add3A_357, 16 : i32
    %dma_start3A_359 = arith.constant 0 : i32
    %dma_start3A_360 = tpu.memref_slice %arg4[%multiple_of3A_358, %dma_start3A_359] : memref<16384x768xf32, #tpu.memory_space<hbm>> -> memref<48x768xf32, #tpu.memory_space<hbm>>
    %dma_start3A_361 = arith.constant 0 : i32
    %dma_start3A_362 = tpu.memref_slice %arg4[%multiple_of3A_358, %dma_start3A_361] : memref<16384x768xf32, #tpu.memory_space<hbm>> -> memref<48x768xf32, #tpu.memory_space<hbm>>
    tpu.enqueue_dma source(%arg15 : memref<48x768xf32, #tpu.memory_space<vmem>>) target(%dma_start3A_362 : memref<48x768xf32, #tpu.memory_space<hbm>>) target_semaphore(%arg19 : memref<!tpu.dma_semaphore, #tpu.memory_space<semaphore_mem>>)
    %dma_wait3A_363 = arith.constant 0 : i32
    %dma_wait3A_364 = tpu.memref_slice %arg4[%multiple_of3A_358, %dma_wait3A_363] : memref<16384x768xf32, #tpu.memory_space<hbm>> -> memref<48x768xf32, #tpu.memory_space<hbm>>
    %dma_wait3A_365 = arith.constant 0 : i32
    %dma_wait3A_366 = tpu.memref_slice %arg4[%multiple_of3A_358, %dma_wait3A_365] : memref<16384x768xf32, #tpu.memory_space<hbm>> -> memref<48x768xf32, #tpu.memory_space<hbm>>
    tpu.wait_dma2 semaphore(%arg19 : memref<!tpu.dma_semaphore, #tpu.memory_space<semaphore_mem>>) src(%arg15 : memref<48x768xf32, #tpu.memory_space<vmem>>) dst(%dma_wait3A_366 : memref<48x768xf32, #tpu.memory_space<hbm>>)
    %add3A_367 = arith.constant 144 : i32
    %add3A_368 = arith.addi %sub3A_234, %add3A_367 : i32
    %add3A_369 = arith.constant 0 : i32
    %add3A_370 = arith.addi %add3A_368, %add3A_369 : i32
    %iota3A_371 = tpu.iota {dimensions = array<i32: 0>} : vector<16xi32>
    %add3A_372 = vector.broadcast %add3A_370 : i32 to vector<16xi32>
    %add3A_373 = arith.addi %add3A_372, %iota3A_371 : vector<16xi32>
    %gather3A_374 = tpu.vector_load_idx %arg7[%add3A_373] : memref<8256xi32, #tpu.memory_space<vmem>>[vector<16xi32>], vector<16xi32>,
    %add3A_375 = vector.broadcast %mul3A_233 : i32 to vector<16xi32>
    %add3A_376 = arith.addi %gather3A_374, %add3A_375 : vector<16xi32>
    %swap3A_377 = arith.constant 0 : index
    %swap3A_378 = tpu.vector_load %arg13[%swap3A_377] {strides = array<i32>} : memref<48xi32, #tpu.memory_space<vmem>>, vector<16xi32>,
    tpu.vector_store %arg13[%swap3A_377], %add3A_376 {strides = array<i32>} : memref<48xi32, #tpu.memory_space<vmem>>, vector<16xi32>,
    %add3A_379 = arith.constant 16 : i32
    %add3A_380 = arith.addi %add3A_368, %add3A_379 : i32
    %iota3A_381 = tpu.iota {dimensions = array<i32: 0>} : vector<16xi32>
    %add3A_382 = vector.broadcast %add3A_380 : i32 to vector<16xi32>
    %add3A_383 = arith.addi %add3A_382, %iota3A_381 : vector<16xi32>
    %gather3A_384 = tpu.vector_load_idx %arg7[%add3A_383] : memref<8256xi32, #tpu.memory_space<vmem>>[vector<16xi32>], vector<16xi32>,
    %add3A_385 = vector.broadcast %mul3A_233 : i32 to vector<16xi32>
    %add3A_386 = arith.addi %gather3A_384, %add3A_385 : vector<16xi32>
    %swap3A_387 = arith.constant 16 : index
    %swap3A_388 = tpu.vector_load %arg13[%swap3A_387] {strides = array<i32>} : memref<48xi32, #tpu.memory_space<vmem>>, vector<16xi32>,
    tpu.vector_store %arg13[%swap3A_387], %add3A_386 {strides = array<i32>} : memref<48xi32, #tpu.memory_space<vmem>>, vector<16xi32>,
    %add3A_389 = arith.constant 32 : i32
    %add3A_390 = arith.addi %add3A_368, %add3A_389 : i32
    %iota3A_391 = tpu.iota {dimensions = array<i32: 0>} : vector<16xi32>
    %add3A_392 = vector.broadcast %add3A_390 : i32 to vector<16xi32>
    %add3A_393 = arith.addi %add3A_392, %iota3A_391 : vector<16xi32>
    %gather3A_394 = tpu.vector_load_idx %arg7[%add3A_393] : memref<8256xi32, #tpu.memory_space<vmem>>[vector<16xi32>], vector<16xi32>,
    %add3A_395 = vector.broadcast %mul3A_233 : i32 to vector<16xi32>
    %add3A_396 = arith.addi %gather3A_394, %add3A_395 : vector<16xi32>
    %swap3A_397 = arith.constant 32 : index
    %swap3A_398 = tpu.vector_load %arg13[%swap3A_397] {strides = array<i32>} : memref<48xi32, #tpu.memory_space<vmem>>, vector<16xi32>,
    tpu.vector_store %arg13[%swap3A_397], %add3A_396 {strides = array<i32>} : memref<48xi32, #tpu.memory_space<vmem>>, vector<16xi32>,
    %dma_start3A_399 = arith.constant 0 : i32
    %dma_start3A_400 = arith.constant 0 : i32
    %dma_start3A_401 = tpu.memref_slice %arg2[%dma_start3A_399, %dma_start3A_400] : memref<32768x768xf32, #tpu.memory_space<hbm>> -> memref<32768x768xf32, #tpu.memory_space<hbm>>
    tpu.enqueue_indirect_dma source(%dma_start3A_401 : memref<32768x768xf32, #tpu.memory_space<hbm>>) target(%arg15 : memref<48x768xf32, #tpu.memory_space<vmem>>) offsets(%arg13 : memref<48xi32, #tpu.memory_space<vmem>>) semaphore(%arg17 : memref<!tpu.dma_semaphore, #tpu.memory_space<semaphore_mem>>)
    %dma_wait3A_402 = arith.constant 0 : i32
    %dma_wait3A_403 = arith.constant 0 : i32
    %dma_wait3A_404 = tpu.memref_slice %arg2[%dma_wait3A_402, %dma_wait3A_403] : memref<32768x768xf32, #tpu.memory_space<hbm>> -> memref<32768x768xf32, #tpu.memory_space<hbm>>
    tpu.wait_indirect_dma semaphore(%arg16 : memref<!tpu.dma_semaphore, #tpu.memory_space<semaphore_mem>>) src(%dma_wait3A_404 : memref<32768x768xf32, #tpu.memory_space<hbm>>) dst(%arg14 : memref<48x768xf32, #tpu.memory_space<vmem>>)
    %mul3A_405 = arith.constant 512 : i32
    %mul3A_406 = arith.muli %add3A, %mul3A_405 : i32
    %add3A_407 = arith.constant 96 : i32
    %add3A_408 = arith.addi %mul3A_406, %add3A_407 : i32
    %multiple_of3A_409 = tpu.assume_multiple %add3A_408, 16 : i32
    %dma_start3A_410 = arith.constant 0 : i32
    %dma_start3A_411 = tpu.memref_slice %arg4[%multiple_of3A_409, %dma_start3A_410] : memref<16384x768xf32, #tpu.memory_space<hbm>> -> memref<48x768xf32, #tpu.memory_space<hbm>>
    %dma_start3A_412 = arith.constant 0 : i32
    %dma_start3A_413 = tpu.memref_slice %arg4[%multiple_of3A_409, %dma_start3A_412] : memref<16384x768xf32, #tpu.memory_space<hbm>> -> memref<48x768xf32, #tpu.memory_space<hbm>>
    tpu.enqueue_dma source(%arg14 : memref<48x768xf32, #tpu.memory_space<vmem>>) target(%dma_start3A_413 : memref<48x768xf32, #tpu.memory_space<hbm>>) target_semaphore(%arg18 : memref<!tpu.dma_semaphore, #tpu.memory_space<semaphore_mem>>)
    %dma_wait3A_414 = arith.constant 0 : i32
    %dma_wait3A_415 = tpu.memref_slice %arg4[%multiple_of3A_409, %dma_wait3A_414] : memref<16384x768xf32, #tpu.memory_space<hbm>> -> memref<48x768xf32, #tpu.memory_space<hbm>>
    %dma_wait3A_416 = arith.constant 0 : i32
    %dma_wait3A_417 = tpu.memref_slice %arg4[%multiple_of3A_409, %dma_wait3A_416] : memref<16384x768xf32, #tpu.memory_space<hbm>> -> memref<48x768xf32, #tpu.memory_space<hbm>>
    tpu.wait_dma2 semaphore(%arg18 : memref<!tpu.dma_semaphore, #tpu.memory_space<semaphore_mem>>) src(%arg14 : memref<48x768xf32, #tpu.memory_space<vmem>>) dst(%dma_wait3A_417 : memref<48x768xf32, #tpu.memory_space<hbm>>)
    %add3A_418 = arith.constant 192 : i32
    %add3A_419 = arith.addi %sub3A_234, %add3A_418 : i32
    %add3A_420 = arith.constant 0 : i32
    %add3A_421 = arith.addi %add3A_419, %add3A_420 : i32
    %iota3A_422 = tpu.iota {dimensions = array<i32: 0>} : vector<16xi32>
    %add3A_423 = vector.broadcast %add3A_421 : i32 to vector<16xi32>
    %add3A_424 = arith.addi %add3A_423, %iota3A_422 : vector<16xi32>
    %gather3A_425 = tpu.vector_load_idx %arg7[%add3A_424] : memref<8256xi32, #tpu.memory_space<vmem>>[vector<16xi32>], vector<16xi32>,
    %add3A_426 = vector.broadcast %mul3A_233 : i32 to vector<16xi32>
    %add3A_427 = arith.addi %gather3A_425, %add3A_426 : vector<16xi32>
    %swap3A_428 = arith.constant 0 : index
    %swap3A_429 = tpu.vector_load %arg12[%swap3A_428] {strides = array<i32>} : memref<48xi32, #tpu.memory_space<vmem>>, vector<16xi32>,
    tpu.vector_store %arg12[%swap3A_428], %add3A_427 {strides = array<i32>} : memref<48xi32, #tpu.memory_space<vmem>>, vector<16xi32>,
    %add3A_430 = arith.constant 16 : i32
    %add3A_431 = arith.addi %add3A_419, %add3A_430 : i32
    %iota3A_432 = tpu.iota {dimensions = array<i32: 0>} : vector<16xi32>
    %add3A_433 = vector.broadcast %add3A_431 : i32 to vector<16xi32>
    %add3A_434 = arith.addi %add3A_433, %iota3A_432 : vector<16xi32>
    %gather3A_435 = tpu.vector_load_idx %arg7[%add3A_434] : memref<8256xi32, #tpu.memory_space<vmem>>[vector<16xi32>], vector<16xi32>,
    %add3A_436 = vector.broadcast %mul3A_233 : i32 to vector<16xi32>
    %add3A_437 = arith.addi %gather3A_435, %add3A_436 : vector<16xi32>
    %swap3A_438 = arith.constant 16 : index
    %swap3A_439 = tpu.vector_load %arg12[%swap3A_438] {strides = array<i32>} : memref<48xi32, #tpu.memory_space<vmem>>, vector<16xi32>,
    tpu.vector_store %arg12[%swap3A_438], %add3A_437 {strides = array<i32>} : memref<48xi32, #tpu.memory_space<vmem>>, vector<16xi32>,
    %add3A_440 = arith.constant 32 : i32
    %add3A_441 = arith.addi %add3A_419, %add3A_440 : i32
    %iota3A_442 = tpu.iota {dimensions = array<i32: 0>} : vector<16xi32>
    %add3A_443 = vector.broadcast %add3A_441 : i32 to vector<16xi32>
    %add3A_444 = arith.addi %add3A_443, %iota3A_442 : vector<16xi32>
    %gather3A_445 = tpu.vector_load_idx %arg7[%add3A_444] : memref<8256xi32, #tpu.memory_space<vmem>>[vector<16xi32>], vector<16xi32>,
    %add3A_446 = vector.broadcast %mul3A_233 : i32 to vector<16xi32>
    %add3A_447 = arith.addi %gather3A_445, %add3A_446 : vector<16xi32>
    %swap3A_448 = arith.constant 32 : index
    %swap3A_449 = tpu.vector_load %arg12[%swap3A_448] {strides = array<i32>} : memref<48xi32, #tpu.memory_space<vmem>>, vector<16xi32>,
    tpu.vector_store %arg12[%swap3A_448], %add3A_447 {strides = array<i32>} : memref<48xi32, #tpu.memory_space<vmem>>, vector<16xi32>,
    %dma_start3A_450 = arith.constant 0 : i32
    %dma_start3A_451 = arith.constant 0 : i32
    %dma_start3A_452 = tpu.memref_slice %arg2[%dma_start3A_450, %dma_start3A_451] : memref<32768x768xf32, #tpu.memory_space<hbm>> -> memref<32768x768xf32, #tpu.memory_space<hbm>>
    tpu.enqueue_indirect_dma source(%dma_start3A_452 : memref<32768x768xf32, #tpu.memory_space<hbm>>) target(%arg14 : memref<48x768xf32, #tpu.memory_space<vmem>>) offsets(%arg12 : memref<48xi32, #tpu.memory_space<vmem>>) semaphore(%arg16 : memref<!tpu.dma_semaphore, #tpu.memory_space<semaphore_mem>>)
    %dma_wait3A_453 = arith.constant 0 : i32
    %dma_wait3A_454 = arith.constant 0 : i32
    %dma_wait3A_455 = tpu.memref_slice %arg2[%dma_wait3A_453, %dma_wait3A_454] : memref<32768x768xf32, #tpu.memory_space<hbm>> -> memref<32768x768xf32, #tpu.memory_space<hbm>>
    tpu.wait_indirect_dma semaphore(%arg17 : memref<!tpu.dma_semaphore, #tpu.memory_space<semaphore_mem>>) src(%dma_wait3A_455 : memref<32768x768xf32, #tpu.memory_space<hbm>>) dst(%arg15 : memref<48x768xf32, #tpu.memory_space<vmem>>)
    %mul3A_456 = arith.constant 512 : i32
    %mul3A_457 = arith.muli %add3A, %mul3A_456 : i32
    %add3A_458 = arith.constant 144 : i32
    %add3A_459 = arith.addi %mul3A_457, %add3A_458 : i32
    %multiple_of3A_460 = tpu.assume_multiple %add3A_459, 16 : i32
    %dma_start3A_461 = arith.constant 0 : i32
    %dma_start3A_462 = tpu.memref_slice %arg4[%multiple_of3A_460, %dma_start3A_461] : memref<16384x768xf32, #tpu.memory_space<hbm>> -> memref<48x768xf32, #tpu.memory_space<hbm>>
    %dma_start3A_463 = arith.constant 0 : i32
    %dma_start3A_464 = tpu.memref_slice %arg4[%multiple_of3A_460, %dma_start3A_463] : memref<16384x768xf32, #tpu.memory_space<hbm>> -> memref<48x768xf32, #tpu.memory_space<hbm>>
    tpu.enqueue_dma source(%arg15 : memref<48x768xf32, #tpu.memory_space<vmem>>) target(%dma_start3A_464 : memref<48x768xf32, #tpu.memory_space<hbm>>) target_semaphore(%arg19 : memref<!tpu.dma_semaphore, #tpu.memory_space<semaphore_mem>>)
    %dma_wait3A_465 = arith.constant 0 : i32
    %dma_wait3A_466 = tpu.memref_slice %arg4[%multiple_of3A_460, %dma_wait3A_465] : memref<16384x768xf32, #tpu.memory_space<hbm>> -> memref<48x768xf32, #tpu.memory_space<hbm>>
    %dma_wait3A_467 = arith.constant 0 : i32
    %dma_wait3A_468 = tpu.memref_slice %arg4[%multiple_of3A_460, %dma_wait3A_467] : memref<16384x768xf32, #tpu.memory_space<hbm>> -> memref<48x768xf32, #tpu.memory_space<hbm>>
    tpu.wait_dma2 semaphore(%arg19 : memref<!tpu.dma_semaphore, #tpu.memory_space<semaphore_mem>>) src(%arg15 : memref<48x768xf32, #tpu.memory_space<vmem>>) dst(%dma_wait3A_468 : memref<48x768xf32, #tpu.memory_space<hbm>>)
    %add3A_469 = arith.constant 240 : i32
    %add3A_470 = arith.addi %sub3A_234, %add3A_469 : i32
    %add3A_471 = arith.constant 0 : i32
    %add3A_472 = arith.addi %add3A_470, %add3A_471 : i32
    %iota3A_473 = tpu.iota {dimensions = array<i32: 0>} : vector<16xi32>
    %add3A_474 = vector.broadcast %add3A_472 : i32 to vector<16xi32>
    %add3A_475 = arith.addi %add3A_474, %iota3A_473 : vector<16xi32>
    %gather3A_476 = tpu.vector_load_idx %arg7[%add3A_475] : memref<8256xi32, #tpu.memory_space<vmem>>[vector<16xi32>], vector<16xi32>,
    %add3A_477 = vector.broadcast %mul3A_233 : i32 to vector<16xi32>
    %add3A_478 = arith.addi %gather3A_476, %add3A_477 : vector<16xi32>
    %swap3A_479 = arith.constant 0 : index
    %swap3A_480 = tpu.vector_load %arg13[%swap3A_479] {strides = array<i32>} : memref<48xi32, #tpu.memory_space<vmem>>, vector<16xi32>,
    tpu.vector_store %arg13[%swap3A_479], %add3A_478 {strides = array<i32>} : memref<48xi32, #tpu.memory_space<vmem>>, vector<16xi32>,
    %add3A_481 = arith.constant 16 : i32
    %add3A_482 = arith.addi %add3A_470, %add3A_481 : i32
    %iota3A_483 = tpu.iota {dimensions = array<i32: 0>} : vector<16xi32>
    %add3A_484 = vector.broadcast %add3A_482 : i32 to vector<16xi32>
    %add3A_485 = arith.addi %add3A_484, %iota3A_483 : vector<16xi32>
    %gather3A_486 = tpu.vector_load_idx %arg7[%add3A_485] : memref<8256xi32, #tpu.memory_space<vmem>>[vector<16xi32>], vector<16xi32>,
    %add3A_487 = vector.broadcast %mul3A_233 : i32 to vector<16xi32>
    %add3A_488 = arith.addi %gather3A_486, %add3A_487 : vector<16xi32>
    %swap3A_489 = arith.constant 16 : index
    %swap3A_490 = tpu.vector_load %arg13[%swap3A_489] {strides = array<i32>} : memref<48xi32, #tpu.memory_space<vmem>>, vector<16xi32>,
    tpu.vector_store %arg13[%swap3A_489], %add3A_488 {strides = array<i32>} : memref<48xi32, #tpu.memory_space<vmem>>, vector<16xi32>,
    %add3A_491 = arith.constant 32 : i32
    %add3A_492 = arith.addi %add3A_470, %add3A_491 : i32
    %iota3A_493 = tpu.iota {dimensions = array<i32: 0>} : vector<16xi32>
    %add3A_494 = vector.broadcast %add3A_492 : i32 to vector<16xi32>
    %add3A_495 = arith.addi %add3A_494, %iota3A_493 : vector<16xi32>
    %gather3A_496 = tpu.vector_load_idx %arg7[%add3A_495] : memref<8256xi32, #tpu.memory_space<vmem>>[vector<16xi32>], vector<16xi32>,
    %add3A_497 = vector.broadcast %mul3A_233 : i32 to vector<16xi32>
    %add3A_498 = arith.addi %gather3A_496, %add3A_497 : vector<16xi32>
    %swap3A_499 = arith.constant 32 : index
    %swap3A_500 = tpu.vector_load %arg13[%swap3A_499] {strides = array<i32>} : memref<48xi32, #tpu.memory_space<vmem>>, vector<16xi32>,
    tpu.vector_store %arg13[%swap3A_499], %add3A_498 {strides = array<i32>} : memref<48xi32, #tpu.memory_space<vmem>>, vector<16xi32>,
    %dma_start3A_501 = arith.constant 0 : i32
    %dma_start3A_502 = arith.constant 0 : i32
    %dma_start3A_503 = tpu.memref_slice %arg2[%dma_start3A_501, %dma_start3A_502] : memref<32768x768xf32, #tpu.memory_space<hbm>> -> memref<32768x768xf32, #tpu.memory_space<hbm>>
    tpu.enqueue_indirect_dma source(%dma_start3A_503 : memref<32768x768xf32, #tpu.memory_space<hbm>>) target(%arg15 : memref<48x768xf32, #tpu.memory_space<vmem>>) offsets(%arg13 : memref<48xi32, #tpu.memory_space<vmem>>) semaphore(%arg17 : memref<!tpu.dma_semaphore, #tpu.memory_space<semaphore_mem>>)
    %dma_wait3A_504 = arith.constant 0 : i32
    %dma_wait3A_505 = arith.constant 0 : i32
    %dma_wait3A_506 = tpu.memref_slice %arg2[%dma_wait3A_504, %dma_wait3A_505] : memref<32768x768xf32, #tpu.memory_space<hbm>> -> memref<32768x768xf32, #tpu.memory_space<hbm>>
    tpu.wait_indirect_dma semaphore(%arg16 : memref<!tpu.dma_semaphore, #tpu.memory_space<semaphore_mem>>) src(%dma_wait3A_506 : memref<32768x768xf32, #tpu.memory_space<hbm>>) dst(%arg14 : memref<48x768xf32, #tpu.memory_space<vmem>>)
    %mul3A_507 = arith.constant 512 : i32
    %mul3A_508 = arith.muli %add3A, %mul3A_507 : i32
    %add3A_509 = arith.constant 192 : i32
    %add3A_510 = arith.addi %mul3A_508, %add3A_509 : i32
    %multiple_of3A_511 = tpu.assume_multiple %add3A_510, 16 : i32
    %dma_start3A_512 = arith.constant 0 : i32
    %dma_start3A_513 = tpu.memref_slice %arg4[%multiple_of3A_511, %dma_start3A_512] : memref<16384x768xf32, #tpu.memory_space<hbm>> -> memref<48x768xf32, #tpu.memory_space<hbm>>
    %dma_start3A_514 = arith.constant 0 : i32
    %dma_start3A_515 = tpu.memref_slice %arg4[%multiple_of3A_511, %dma_start3A_514] : memref<16384x768xf32, #tpu.memory_space<hbm>> -> memref<48x768xf32, #tpu.memory_space<hbm>>
    tpu.enqueue_dma source(%arg14 : memref<48x768xf32, #tpu.memory_space<vmem>>) target(%dma_start3A_515 : memref<48x768xf32, #tpu.memory_space<hbm>>) target_semaphore(%arg18 : memref<!tpu.dma_semaphore, #tpu.memory_space<semaphore_mem>>)
    %dma_wait3A_516 = arith.constant 0 : i32
    %dma_wait3A_517 = tpu.memref_slice %arg4[%multiple_of3A_511, %dma_wait3A_516] : memref<16384x768xf32, #tpu.memory_space<hbm>> -> memref<48x768xf32, #tpu.memory_space<hbm>>
    %dma_wait3A_518 = arith.constant 0 : i32
    %dma_wait3A_519 = tpu.memref_slice %arg4[%multiple_of3A_511, %dma_wait3A_518] : memref<16384x768xf32, #tpu.memory_space<hbm>> -> memref<48x768xf32, #tpu.memory_space<hbm>>
    tpu.wait_dma2 semaphore(%arg18 : memref<!tpu.dma_semaphore, #tpu.memory_space<semaphore_mem>>) src(%arg14 : memref<48x768xf32, #tpu.memory_space<vmem>>) dst(%dma_wait3A_519 : memref<48x768xf32, #tpu.memory_space<hbm>>)
    %add3A_520 = arith.constant 288 : i32
    %add3A_521 = arith.addi %sub3A_234, %add3A_520 : i32
    %add3A_522 = arith.constant 0 : i32
    %add3A_523 = arith.addi %add3A_521, %add3A_522 : i32
    %iota3A_524 = tpu.iota {dimensions = array<i32: 0>} : vector<16xi32>
    %add3A_525 = vector.broadcast %add3A_523 : i32 to vector<16xi32>
    %add3A_526 = arith.addi %add3A_525, %iota3A_524 : vector<16xi32>
    %gather3A_527 = tpu.vector_load_idx %arg7[%add3A_526] : memref<8256xi32, #tpu.memory_space<vmem>>[vector<16xi32>], vector<16xi32>,
    %add3A_528 = vector.broadcast %mul3A_233 : i32 to vector<16xi32>
    %add3A_529 = arith.addi %gather3A_527, %add3A_528 : vector<16xi32>
    %swap3A_530 = arith.constant 0 : index
    %swap3A_531 = tpu.vector_load %arg12[%swap3A_530] {strides = array<i32>} : memref<48xi32, #tpu.memory_space<vmem>>, vector<16xi32>,
    tpu.vector_store %arg12[%swap3A_530], %add3A_529 {strides = array<i32>} : memref<48xi32, #tpu.memory_space<vmem>>, vector<16xi32>,
    %add3A_532 = arith.constant 16 : i32
    %add3A_533 = arith.addi %add3A_521, %add3A_532 : i32
    %iota3A_534 = tpu.iota {dimensions = array<i32: 0>} : vector<16xi32>
    %add3A_535 = vector.broadcast %add3A_533 : i32 to vector<16xi32>
    %add3A_536 = arith.addi %add3A_535, %iota3A_534 : vector<16xi32>
    %gather3A_537 = tpu.vector_load_idx %arg7[%add3A_536] : memref<8256xi32, #tpu.memory_space<vmem>>[vector<16xi32>], vector<16xi32>,
    %add3A_538 = vector.broadcast %mul3A_233 : i32 to vector<16xi32>
    %add3A_539 = arith.addi %gather3A_537, %add3A_538 : vector<16xi32>
    %swap3A_540 = arith.constant 16 : index
    %swap3A_541 = tpu.vector_load %arg12[%swap3A_540] {strides = array<i32>} : memref<48xi32, #tpu.memory_space<vmem>>, vector<16xi32>,
    tpu.vector_store %arg12[%swap3A_540], %add3A_539 {strides = array<i32>} : memref<48xi32, #tpu.memory_space<vmem>>, vector<16xi32>,
    %add3A_542 = arith.constant 32 : i32
    %add3A_543 = arith.addi %add3A_521, %add3A_542 : i32
    %iota3A_544 = tpu.iota {dimensions = array<i32: 0>} : vector<16xi32>
    %add3A_545 = vector.broadcast %add3A_543 : i32 to vector<16xi32>
    %add3A_546 = arith.addi %add3A_545, %iota3A_544 : vector<16xi32>
    %gather3A_547 = tpu.vector_load_idx %arg7[%add3A_546] : memref<8256xi32, #tpu.memory_space<vmem>>[vector<16xi32>], vector<16xi32>,
    %add3A_548 = vector.broadcast %mul3A_233 : i32 to vector<16xi32>
    %add3A_549 = arith.addi %gather3A_547, %add3A_548 : vector<16xi32>
    %swap3A_550 = arith.constant 32 : index
    %swap3A_551 = tpu.vector_load %arg12[%swap3A_550] {strides = array<i32>} : memref<48xi32, #tpu.memory_space<vmem>>, vector<16xi32>,
    tpu.vector_store %arg12[%swap3A_550], %add3A_549 {strides = array<i32>} : memref<48xi32, #tpu.memory_space<vmem>>, vector<16xi32>,
    %dma_start3A_552 = arith.constant 0 : i32
    %dma_start3A_553 = arith.constant 0 : i32
    %dma_start3A_554 = tpu.memref_slice %arg2[%dma_start3A_552, %dma_start3A_553] : memref<32768x768xf32, #tpu.memory_space<hbm>> -> memref<32768x768xf32, #tpu.memory_space<hbm>>
    tpu.enqueue_indirect_dma source(%dma_start3A_554 : memref<32768x768xf32, #tpu.memory_space<hbm>>) target(%arg14 : memref<48x768xf32, #tpu.memory_space<vmem>>) offsets(%arg12 : memref<48xi32, #tpu.memory_space<vmem>>) semaphore(%arg16 : memref<!tpu.dma_semaphore, #tpu.memory_space<semaphore_mem>>)
    %dma_wait3A_555 = arith.constant 0 : i32
    %dma_wait3A_556 = arith.constant 0 : i32
    %dma_wait3A_557 = tpu.memref_slice %arg2[%dma_wait3A_555, %dma_wait3A_556] : memref<32768x768xf32, #tpu.memory_space<hbm>> -> memref<32768x768xf32, #tpu.memory_space<hbm>>
    tpu.wait_indirect_dma semaphore(%arg17 : memref<!tpu.dma_semaphore, #tpu.memory_space<semaphore_mem>>) src(%dma_wait3A_557 : memref<32768x768xf32, #tpu.memory_space<hbm>>) dst(%arg15 : memref<48x768xf32, #tpu.memory_space<vmem>>)
    %mul3A_558 = arith.constant 512 : i32
    %mul3A_559 = arith.muli %add3A, %mul3A_558 : i32
    %add3A_560 = arith.constant 240 : i32
    %add3A_561 = arith.addi %mul3A_559, %add3A_560 : i32
    %multiple_of3A_562 = tpu.assume_multiple %add3A_561, 16 : i32
    %dma_start3A_563 = arith.constant 0 : i32
    %dma_start3A_564 = tpu.memref_slice %arg4[%multiple_of3A_562, %dma_start3A_563] : memref<16384x768xf32, #tpu.memory_space<hbm>> -> memref<48x768xf32, #tpu.memory_space<hbm>>
    %dma_start3A_565 = arith.constant 0 : i32
    %dma_start3A_566 = tpu.memref_slice %arg4[%multiple_of3A_562, %dma_start3A_565] : memref<16384x768xf32, #tpu.memory_space<hbm>> -> memref<48x768xf32, #tpu.memory_space<hbm>>
    tpu.enqueue_dma source(%arg15 : memref<48x768xf32, #tpu.memory_space<vmem>>) target(%dma_start3A_566 : memref<48x768xf32, #tpu.memory_space<hbm>>) target_semaphore(%arg19 : memref<!tpu.dma_semaphore, #tpu.memory_space<semaphore_mem>>)
    %dma_wait3A_567 = arith.constant 0 : i32
    %dma_wait3A_568 = tpu.memref_slice %arg4[%multiple_of3A_562, %dma_wait3A_567] : memref<16384x768xf32, #tpu.memory_space<hbm>> -> memref<48x768xf32, #tpu.memory_space<hbm>>
    %dma_wait3A_569 = arith.constant 0 : i32
    %dma_wait3A_570 = tpu.memref_slice %arg4[%multiple_of3A_562, %dma_wait3A_569] : memref<16384x768xf32, #tpu.memory_space<hbm>> -> memref<48x768xf32, #tpu.memory_space<hbm>>
    tpu.wait_dma2 semaphore(%arg19 : memref<!tpu.dma_semaphore, #tpu.memory_space<semaphore_mem>>) src(%arg15 : memref<48x768xf32, #tpu.memory_space<vmem>>) dst(%dma_wait3A_570 : memref<48x768xf32, #tpu.memory_space<hbm>>)
    %add3A_571 = arith.constant 336 : i32
    %add3A_572 = arith.addi %sub3A_234, %add3A_571 : i32
    %add3A_573 = arith.constant 0 : i32
    %add3A_574 = arith.addi %add3A_572, %add3A_573 : i32
    %iota3A_575 = tpu.iota {dimensions = array<i32: 0>} : vector<16xi32>
    %add3A_576 = vector.broadcast %add3A_574 : i32 to vector<16xi32>
    %add3A_577 = arith.addi %add3A_576, %iota3A_575 : vector<16xi32>
    %gather3A_578 = tpu.vector_load_idx %arg7[%add3A_577] : memref<8256xi32, #tpu.memory_space<vmem>>[vector<16xi32>], vector<16xi32>,
    %add3A_579 = vector.broadcast %mul3A_233 : i32 to vector<16xi32>
    %add3A_580 = arith.addi %gather3A_578, %add3A_579 : vector<16xi32>
    %swap3A_581 = arith.constant 0 : index
    %swap3A_582 = tpu.vector_load %arg13[%swap3A_581] {strides = array<i32>} : memref<48xi32, #tpu.memory_space<vmem>>, vector<16xi32>,
    tpu.vector_store %arg13[%swap3A_581], %add3A_580 {strides = array<i32>} : memref<48xi32, #tpu.memory_space<vmem>>, vector<16xi32>,
    %add3A_583 = arith.constant 16 : i32
    %add3A_584 = arith.addi %add3A_572, %add3A_583 : i32
    %iota3A_585 = tpu.iota {dimensions = array<i32: 0>} : vector<16xi32>
    %add3A_586 = vector.broadcast %add3A_584 : i32 to vector<16xi32>
    %add3A_587 = arith.addi %add3A_586, %iota3A_585 : vector<16xi32>
    %gather3A_588 = tpu.vector_load_idx %arg7[%add3A_587] : memref<8256xi32, #tpu.memory_space<vmem>>[vector<16xi32>], vector<16xi32>,
    %add3A_589 = vector.broadcast %mul3A_233 : i32 to vector<16xi32>
    %add3A_590 = arith.addi %gather3A_588, %add3A_589 : vector<16xi32>
    %swap3A_591 = arith.constant 16 : index
    %swap3A_592 = tpu.vector_load %arg13[%swap3A_591] {strides = array<i32>} : memref<48xi32, #tpu.memory_space<vmem>>, vector<16xi32>,
    tpu.vector_store %arg13[%swap3A_591], %add3A_590 {strides = array<i32>} : memref<48xi32, #tpu.memory_space<vmem>>, vector<16xi32>,
    %add3A_593 = arith.constant 32 : i32
    %add3A_594 = arith.addi %add3A_572, %add3A_593 : i32
    %iota3A_595 = tpu.iota {dimensions = array<i32: 0>} : vector<16xi32>
    %add3A_596 = vector.broadcast %add3A_594 : i32 to vector<16xi32>
    %add3A_597 = arith.addi %add3A_596, %iota3A_595 : vector<16xi32>
    %gather3A_598 = tpu.vector_load_idx %arg7[%add3A_597] : memref<8256xi32, #tpu.memory_space<vmem>>[vector<16xi32>], vector<16xi32>,
    %add3A_599 = vector.broadcast %mul3A_233 : i32 to vector<16xi32>
    %add3A_600 = arith.addi %gather3A_598, %add3A_599 : vector<16xi32>
    %swap3A_601 = arith.constant 32 : index
    %swap3A_602 = tpu.vector_load %arg13[%swap3A_601] {strides = array<i32>} : memref<48xi32, #tpu.memory_space<vmem>>, vector<16xi32>,
    tpu.vector_store %arg13[%swap3A_601], %add3A_600 {strides = array<i32>} : memref<48xi32, #tpu.memory_space<vmem>>, vector<16xi32>,
    %dma_start3A_603 = arith.constant 0 : i32
    %dma_start3A_604 = arith.constant 0 : i32
    %dma_start3A_605 = tpu.memref_slice %arg2[%dma_start3A_603, %dma_start3A_604] : memref<32768x768xf32, #tpu.memory_space<hbm>> -> memref<32768x768xf32, #tpu.memory_space<hbm>>
    tpu.enqueue_indirect_dma source(%dma_start3A_605 : memref<32768x768xf32, #tpu.memory_space<hbm>>) target(%arg15 : memref<48x768xf32, #tpu.memory_space<vmem>>) offsets(%arg13 : memref<48xi32, #tpu.memory_space<vmem>>) semaphore(%arg17 : memref<!tpu.dma_semaphore, #tpu.memory_space<semaphore_mem>>)
    %dma_wait3A_606 = arith.constant 0 : i32
    %dma_wait3A_607 = arith.constant 0 : i32
    %dma_wait3A_608 = tpu.memref_slice %arg2[%dma_wait3A_606, %dma_wait3A_607] : memref<32768x768xf32, #tpu.memory_space<hbm>> -> memref<32768x768xf32, #tpu.memory_space<hbm>>
    tpu.wait_indirect_dma semaphore(%arg16 : memref<!tpu.dma_semaphore, #tpu.memory_space<semaphore_mem>>) src(%dma_wait3A_608 : memref<32768x768xf32, #tpu.memory_space<hbm>>) dst(%arg14 : memref<48x768xf32, #tpu.memory_space<vmem>>)
    %mul3A_609 = arith.constant 512 : i32
    %mul3A_610 = arith.muli %add3A, %mul3A_609 : i32
    %add3A_611 = arith.constant 288 : i32
    %add3A_612 = arith.addi %mul3A_610, %add3A_611 : i32
    %multiple_of3A_613 = tpu.assume_multiple %add3A_612, 16 : i32
    %dma_start3A_614 = arith.constant 0 : i32
    %dma_start3A_615 = tpu.memref_slice %arg4[%multiple_of3A_613, %dma_start3A_614] : memref<16384x768xf32, #tpu.memory_space<hbm>> -> memref<48x768xf32, #tpu.memory_space<hbm>>
    %dma_start3A_616 = arith.constant 0 : i32
    %dma_start3A_617 = tpu.memref_slice %arg4[%multiple_of3A_613, %dma_start3A_616] : memref<16384x768xf32, #tpu.memory_space<hbm>> -> memref<48x768xf32, #tpu.memory_space<hbm>>
    tpu.enqueue_dma source(%arg14 : memref<48x768xf32, #tpu.memory_space<vmem>>) target(%dma_start3A_617 : memref<48x768xf32, #tpu.memory_space<hbm>>) target_semaphore(%arg18 : memref<!tpu.dma_semaphore, #tpu.memory_space<semaphore_mem>>)
    %dma_wait3A_618 = arith.constant 0 : i32
    %dma_wait3A_619 = tpu.memref_slice %arg4[%multiple_of3A_613, %dma_wait3A_618] : memref<16384x768xf32, #tpu.memory_space<hbm>> -> memref<48x768xf32, #tpu.memory_space<hbm>>
    %dma_wait3A_620 = arith.constant 0 : i32
    %dma_wait3A_621 = tpu.memref_slice %arg4[%multiple_of3A_613, %dma_wait3A_620] : memref<16384x768xf32, #tpu.memory_space<hbm>> -> memref<48x768xf32, #tpu.memory_space<hbm>>
    tpu.wait_dma2 semaphore(%arg18 : memref<!tpu.dma_semaphore, #tpu.memory_space<semaphore_mem>>) src(%arg14 : memref<48x768xf32, #tpu.memory_space<vmem>>) dst(%dma_wait3A_621 : memref<48x768xf32, #tpu.memory_space<hbm>>)
    %add3A_622 = arith.constant 384 : i32
    %add3A_623 = arith.addi %sub3A_234, %add3A_622 : i32
    %add3A_624 = arith.constant 0 : i32
    %add3A_625 = arith.addi %add3A_623, %add3A_624 : i32
    %iota3A_626 = tpu.iota {dimensions = array<i32: 0>} : vector<16xi32>
    %add3A_627 = vector.broadcast %add3A_625 : i32 to vector<16xi32>
    %add3A_628 = arith.addi %add3A_627, %iota3A_626 : vector<16xi32>
    %gather3A_629 = tpu.vector_load_idx %arg7[%add3A_628] : memref<8256xi32, #tpu.memory_space<vmem>>[vector<16xi32>], vector<16xi32>,
    %add3A_630 = vector.broadcast %mul3A_233 : i32 to vector<16xi32>
    %add3A_631 = arith.addi %gather3A_629, %add3A_630 : vector<16xi32>
    %swap3A_632 = arith.constant 0 : index
    %swap3A_633 = tpu.vector_load %arg12[%swap3A_632] {strides = array<i32>} : memref<48xi32, #tpu.memory_space<vmem>>, vector<16xi32>,
    tpu.vector_store %arg12[%swap3A_632], %add3A_631 {strides = array<i32>} : memref<48xi32, #tpu.memory_space<vmem>>, vector<16xi32>,
    %add3A_634 = arith.constant 16 : i32
    %add3A_635 = arith.addi %add3A_623, %add3A_634 : i32
    %iota3A_636 = tpu.iota {dimensions = array<i32: 0>} : vector<16xi32>
    %add3A_637 = vector.broadcast %add3A_635 : i32 to vector<16xi32>
    %add3A_638 = arith.addi %add3A_637, %iota3A_636 : vector<16xi32>
    %gather3A_639 = tpu.vector_load_idx %arg7[%add3A_638] : memref<8256xi32, #tpu.memory_space<vmem>>[vector<16xi32>], vector<16xi32>,
    %add3A_640 = vector.broadcast %mul3A_233 : i32 to vector<16xi32>
    %add3A_641 = arith.addi %gather3A_639, %add3A_640 : vector<16xi32>
    %swap3A_642 = arith.constant 16 : index
    %swap3A_643 = tpu.vector_load %arg12[%swap3A_642] {strides = array<i32>} : memref<48xi32, #tpu.memory_space<vmem>>, vector<16xi32>,
    tpu.vector_store %arg12[%swap3A_642], %add3A_641 {strides = array<i32>} : memref<48xi32, #tpu.memory_space<vmem>>, vector<16xi32>,
    %add3A_644 = arith.constant 32 : i32
    %add3A_645 = arith.addi %add3A_623, %add3A_644 : i32
    %iota3A_646 = tpu.iota {dimensions = array<i32: 0>} : vector<16xi32>
    %add3A_647 = vector.broadcast %add3A_645 : i32 to vector<16xi32>
    %add3A_648 = arith.addi %add3A_647, %iota3A_646 : vector<16xi32>
    %gather3A_649 = tpu.vector_load_idx %arg7[%add3A_648] : memref<8256xi32, #tpu.memory_space<vmem>>[vector<16xi32>], vector<16xi32>,
    %add3A_650 = vector.broadcast %mul3A_233 : i32 to vector<16xi32>
    %add3A_651 = arith.addi %gather3A_649, %add3A_650 : vector<16xi32>
    %swap3A_652 = arith.constant 32 : index
    %swap3A_653 = tpu.vector_load %arg12[%swap3A_652] {strides = array<i32>} : memref<48xi32, #tpu.memory_space<vmem>>, vector<16xi32>,
    tpu.vector_store %arg12[%swap3A_652], %add3A_651 {strides = array<i32>} : memref<48xi32, #tpu.memory_space<vmem>>, vector<16xi32>,
    %dma_start3A_654 = arith.constant 0 : i32
    %dma_start3A_655 = arith.constant 0 : i32
    %dma_start3A_656 = tpu.memref_slice %arg2[%dma_start3A_654, %dma_start3A_655] : memref<32768x768xf32, #tpu.memory_space<hbm>> -> memref<32768x768xf32, #tpu.memory_space<hbm>>
    tpu.enqueue_indirect_dma source(%dma_start3A_656 : memref<32768x768xf32, #tpu.memory_space<hbm>>) target(%arg14 : memref<48x768xf32, #tpu.memory_space<vmem>>) offsets(%arg12 : memref<48xi32, #tpu.memory_space<vmem>>) semaphore(%arg16 : memref<!tpu.dma_semaphore, #tpu.memory_space<semaphore_mem>>)
    %dma_wait3A_657 = arith.constant 0 : i32
    %dma_wait3A_658 = arith.constant 0 : i32
    %dma_wait3A_659 = tpu.memref_slice %arg2[%dma_wait3A_657, %dma_wait3A_658] : memref<32768x768xf32, #tpu.memory_space<hbm>> -> memref<32768x768xf32, #tpu.memory_space<hbm>>
    tpu.wait_indirect_dma semaphore(%arg17 : memref<!tpu.dma_semaphore, #tpu.memory_space<semaphore_mem>>) src(%dma_wait3A_659 : memref<32768x768xf32, #tpu.memory_space<hbm>>) dst(%arg15 : memref<48x768xf32, #tpu.memory_space<vmem>>)
    %mul3A_660 = arith.constant 512 : i32
    %mul3A_661 = arith.muli %add3A, %mul3A_660 : i32
    %add3A_662 = arith.constant 336 : i32
    %add3A_663 = arith.addi %mul3A_661, %add3A_662 : i32
    %multiple_of3A_664 = tpu.assume_multiple %add3A_663, 16 : i32
    %dma_start3A_665 = arith.constant 0 : i32
    %dma_start3A_666 = tpu.memref_slice %arg4[%multiple_of3A_664, %dma_start3A_665] : memref<16384x768xf32, #tpu.memory_space<hbm>> -> memref<48x768xf32, #tpu.memory_space<hbm>>
    %dma_start3A_667 = arith.constant 0 : i32
    %dma_start3A_668 = tpu.memref_slice %arg4[%multiple_of3A_664, %dma_start3A_667] : memref<16384x768xf32, #tpu.memory_space<hbm>> -> memref<48x768xf32, #tpu.memory_space<hbm>>
    tpu.enqueue_dma source(%arg15 : memref<48x768xf32, #tpu.memory_space<vmem>>) target(%dma_start3A_668 : memref<48x768xf32, #tpu.memory_space<hbm>>) target_semaphore(%arg19 : memref<!tpu.dma_semaphore, #tpu.memory_space<semaphore_mem>>)
    %dma_wait3A_669 = arith.constant 0 : i32
    %dma_wait3A_670 = tpu.memref_slice %arg4[%multiple_of3A_664, %dma_wait3A_669] : memref<16384x768xf32, #tpu.memory_space<hbm>> -> memref<48x768xf32, #tpu.memory_space<hbm>>
    %dma_wait3A_671 = arith.constant 0 : i32
    %dma_wait3A_672 = tpu.memref_slice %arg4[%multiple_of3A_664, %dma_wait3A_671] : memref<16384x768xf32, #tpu.memory_space<hbm>> -> memref<48x768xf32, #tpu.memory_space<hbm>>
    tpu.wait_dma2 semaphore(%arg19 : memref<!tpu.dma_semaphore, #tpu.memory_space<semaphore_mem>>) src(%arg15 : memref<48x768xf32, #tpu.memory_space<vmem>>) dst(%dma_wait3A_672 : memref<48x768xf32, #tpu.memory_space<hbm>>)
    %add3A_673 = arith.constant 432 : i32
    %add3A_674 = arith.addi %sub3A_234, %add3A_673 : i32
    %add3A_675 = arith.constant 0 : i32
    %add3A_676 = arith.addi %add3A_674, %add3A_675 : i32
    %iota3A_677 = tpu.iota {dimensions = array<i32: 0>} : vector<16xi32>
    %add3A_678 = vector.broadcast %add3A_676 : i32 to vector<16xi32>
    %add3A_679 = arith.addi %add3A_678, %iota3A_677 : vector<16xi32>
    %gather3A_680 = tpu.vector_load_idx %arg7[%add3A_679] : memref<8256xi32, #tpu.memory_space<vmem>>[vector<16xi32>], vector<16xi32>,
    %add3A_681 = vector.broadcast %mul3A_233 : i32 to vector<16xi32>
    %add3A_682 = arith.addi %gather3A_680, %add3A_681 : vector<16xi32>
    %swap3A_683 = arith.constant 0 : index
    %swap3A_684 = tpu.vector_load %arg13[%swap3A_683] {strides = array<i32>} : memref<48xi32, #tpu.memory_space<vmem>>, vector<16xi32>,
    tpu.vector_store %arg13[%swap3A_683], %add3A_682 {strides = array<i32>} : memref<48xi32, #tpu.memory_space<vmem>>, vector<16xi32>,
    %add3A_685 = arith.constant 16 : i32
    %add3A_686 = arith.addi %add3A_674, %add3A_685 : i32
    %iota3A_687 = tpu.iota {dimensions = array<i32: 0>} : vector<16xi32>
    %add3A_688 = vector.broadcast %add3A_686 : i32 to vector<16xi32>
    %add3A_689 = arith.addi %add3A_688, %iota3A_687 : vector<16xi32>
    %gather3A_690 = tpu.vector_load_idx %arg7[%add3A_689] : memref<8256xi32, #tpu.memory_space<vmem>>[vector<16xi32>], vector<16xi32>,
    %add3A_691 = vector.broadcast %mul3A_233 : i32 to vector<16xi32>
    %add3A_692 = arith.addi %gather3A_690, %add3A_691 : vector<16xi32>
    %swap3A_693 = arith.constant 16 : index
    %swap3A_694 = tpu.vector_load %arg13[%swap3A_693] {strides = array<i32>} : memref<48xi32, #tpu.memory_space<vmem>>, vector<16xi32>,
    tpu.vector_store %arg13[%swap3A_693], %add3A_692 {strides = array<i32>} : memref<48xi32, #tpu.memory_space<vmem>>, vector<16xi32>,
    %add3A_695 = arith.constant 32 : i32
    %add3A_696 = arith.addi %add3A_674, %add3A_695 : i32
    %iota3A_697 = tpu.iota {dimensions = array<i32: 0>} : vector<16xi32>
    %add3A_698 = vector.broadcast %add3A_696 : i32 to vector<16xi32>
    %add3A_699 = arith.addi %add3A_698, %iota3A_697 : vector<16xi32>
    %gather3A_700 = tpu.vector_load_idx %arg7[%add3A_699] : memref<8256xi32, #tpu.memory_space<vmem>>[vector<16xi32>], vector<16xi32>,
    %add3A_701 = vector.broadcast %mul3A_233 : i32 to vector<16xi32>
    %add3A_702 = arith.addi %gather3A_700, %add3A_701 : vector<16xi32>
    %swap3A_703 = arith.constant 32 : index
    %swap3A_704 = tpu.vector_load %arg13[%swap3A_703] {strides = array<i32>} : memref<48xi32, #tpu.memory_space<vmem>>, vector<16xi32>,
    tpu.vector_store %arg13[%swap3A_703], %add3A_702 {strides = array<i32>} : memref<48xi32, #tpu.memory_space<vmem>>, vector<16xi32>,
    %dma_start3A_705 = arith.constant 0 : i32
    %dma_start3A_706 = arith.constant 0 : i32
    %dma_start3A_707 = tpu.memref_slice %arg2[%dma_start3A_705, %dma_start3A_706] : memref<32768x768xf32, #tpu.memory_space<hbm>> -> memref<32768x768xf32, #tpu.memory_space<hbm>>
    tpu.enqueue_indirect_dma source(%dma_start3A_707 : memref<32768x768xf32, #tpu.memory_space<hbm>>) target(%arg15 : memref<48x768xf32, #tpu.memory_space<vmem>>) offsets(%arg13 : memref<48xi32, #tpu.memory_space<vmem>>) semaphore(%arg17 : memref<!tpu.dma_semaphore, #tpu.memory_space<semaphore_mem>>)
    %dma_wait3A_708 = arith.constant 0 : i32
    %dma_wait3A_709 = arith.constant 0 : i32
    %dma_wait3A_710 = tpu.memref_slice %arg2[%dma_wait3A_708, %dma_wait3A_709] : memref<32768x768xf32, #tpu.memory_space<hbm>> -> memref<32768x768xf32, #tpu.memory_space<hbm>>
    tpu.wait_indirect_dma semaphore(%arg16 : memref<!tpu.dma_semaphore, #tpu.memory_space<semaphore_mem>>) src(%dma_wait3A_710 : memref<32768x768xf32, #tpu.memory_space<hbm>>) dst(%arg14 : memref<48x768xf32, #tpu.memory_space<vmem>>)
    %mul3A_711 = arith.constant 512 : i32
    %mul3A_712 = arith.muli %add3A, %mul3A_711 : i32
    %add3A_713 = arith.constant 384 : i32
    %add3A_714 = arith.addi %mul3A_712, %add3A_713 : i32
    %multiple_of3A_715 = tpu.assume_multiple %add3A_714, 16 : i32
    %dma_start3A_716 = arith.constant 0 : i32
    %dma_start3A_717 = tpu.memref_slice %arg4[%multiple_of3A_715, %dma_start3A_716] : memref<16384x768xf32, #tpu.memory_space<hbm>> -> memref<48x768xf32, #tpu.memory_space<hbm>>
    %dma_start3A_718 = arith.constant 0 : i32
    %dma_start3A_719 = tpu.memref_slice %arg4[%multiple_of3A_715, %dma_start3A_718] : memref<16384x768xf32, #tpu.memory_space<hbm>> -> memref<48x768xf32, #tpu.memory_space<hbm>>
    tpu.enqueue_dma source(%arg14 : memref<48x768xf32, #tpu.memory_space<vmem>>) target(%dma_start3A_719 : memref<48x768xf32, #tpu.memory_space<hbm>>) target_semaphore(%arg18 : memref<!tpu.dma_semaphore, #tpu.memory_space<semaphore_mem>>)
    %dma_wait3A_720 = arith.constant 0 : i32
    %dma_wait3A_721 = tpu.memref_slice %arg4[%multiple_of3A_715, %dma_wait3A_720] : memref<16384x768xf32, #tpu.memory_space<hbm>> -> memref<48x768xf32, #tpu.memory_space<hbm>>
    %dma_wait3A_722 = arith.constant 0 : i32
    %dma_wait3A_723 = tpu.memref_slice %arg4[%multiple_of3A_715, %dma_wait3A_722] : memref<16384x768xf32, #tpu.memory_space<hbm>> -> memref<48x768xf32, #tpu.memory_space<hbm>>
    tpu.wait_dma2 semaphore(%arg18 : memref<!tpu.dma_semaphore, #tpu.memory_space<semaphore_mem>>) src(%arg14 : memref<48x768xf32, #tpu.memory_space<vmem>>) dst(%dma_wait3A_723 : memref<48x768xf32, #tpu.memory_space<hbm>>)
    %add3A_724 = arith.constant 480 : i32
    %add3A_725 = arith.addi %sub3A_234, %add3A_724 : i32
    %add3A_726 = arith.constant 0 : i32
    %add3A_727 = arith.addi %add3A_725, %add3A_726 : i32
    %iota3A_728 = tpu.iota {dimensions = array<i32: 0>} : vector<16xi32>
    %add3A_729 = vector.broadcast %add3A_727 : i32 to vector<16xi32>
    %add3A_730 = arith.addi %add3A_729, %iota3A_728 : vector<16xi32>
    %gather3A_731 = tpu.vector_load_idx %arg7[%add3A_730] : memref<8256xi32, #tpu.memory_space<vmem>>[vector<16xi32>], vector<16xi32>,
    %add3A_732 = vector.broadcast %mul3A_233 : i32 to vector<16xi32>
    %add3A_733 = arith.addi %gather3A_731, %add3A_732 : vector<16xi32>
    %swap3A_734 = arith.constant 0 : index
    %swap3A_735 = tpu.vector_load %arg12[%swap3A_734] {strides = array<i32>} : memref<48xi32, #tpu.memory_space<vmem>>, vector<16xi32>,
    tpu.vector_store %arg12[%swap3A_734], %add3A_733 {strides = array<i32>} : memref<48xi32, #tpu.memory_space<vmem>>, vector<16xi32>,
    %add3A_736 = arith.constant 16 : i32
    %add3A_737 = arith.addi %add3A_725, %add3A_736 : i32
    %iota3A_738 = tpu.iota {dimensions = array<i32: 0>} : vector<16xi32>
    %add3A_739 = vector.broadcast %add3A_737 : i32 to vector<16xi32>
    %add3A_740 = arith.addi %add3A_739, %iota3A_738 : vector<16xi32>
    %gather3A_741 = tpu.vector_load_idx %arg7[%add3A_740] : memref<8256xi32, #tpu.memory_space<vmem>>[vector<16xi32>], vector<16xi32>,
    %add3A_742 = vector.broadcast %mul3A_233 : i32 to vector<16xi32>
    %add3A_743 = arith.addi %gather3A_741, %add3A_742 : vector<16xi32>
    %swap3A_744 = arith.constant 16 : index
    %swap3A_745 = tpu.vector_load %arg12[%swap3A_744] {strides = array<i32>} : memref<48xi32, #tpu.memory_space<vmem>>, vector<16xi32>,
    tpu.vector_store %arg12[%swap3A_744], %add3A_743 {strides = array<i32>} : memref<48xi32, #tpu.memory_space<vmem>>, vector<16xi32>,
    %dma_start3A_746 = arith.constant 0 : i32
    %dma_start3A_747 = arith.constant 0 : i32
    %dma_start3A_748 = tpu.memref_slice %arg14[%dma_start3A_746, %dma_start3A_747] : memref<48x768xf32, #tpu.memory_space<vmem>> -> memref<32x768xf32, #tpu.memory_space<vmem>>
    %dma_start3A_749 = arith.constant 0 : i32
    %dma_start3A_750 = tpu.memref_slice %arg12[%dma_start3A_749] : memref<48xi32, #tpu.memory_space<vmem>> -> memref<32xi32, #tpu.memory_space<vmem>>
    %dma_start3A_751 = arith.constant 0 : i32
    %dma_start3A_752 = arith.constant 0 : i32
    %dma_start3A_753 = tpu.memref_slice %arg2[%dma_start3A_751, %dma_start3A_752] : memref<32768x768xf32, #tpu.memory_space<hbm>> -> memref<32768x768xf32, #tpu.memory_space<hbm>>
    tpu.enqueue_indirect_dma source(%dma_start3A_753 : memref<32768x768xf32, #tpu.memory_space<hbm>>) target(%dma_start3A_748 : memref<32x768xf32, #tpu.memory_space<vmem>>) offsets(%dma_start3A_750 : memref<32xi32, #tpu.memory_space<vmem>>) semaphore(%arg16 : memref<!tpu.dma_semaphore, #tpu.memory_space<semaphore_mem>>)
    %dma_wait3A_754 = arith.constant 0 : i32
    %dma_wait3A_755 = arith.constant 0 : i32
    %dma_wait3A_756 = tpu.memref_slice %arg2[%dma_wait3A_754, %dma_wait3A_755] : memref<32768x768xf32, #tpu.memory_space<hbm>> -> memref<32768x768xf32, #tpu.memory_space<hbm>>
    tpu.wait_indirect_dma semaphore(%arg17 : memref<!tpu.dma_semaphore, #tpu.memory_space<semaphore_mem>>) src(%dma_wait3A_756 : memref<32768x768xf32, #tpu.memory_space<hbm>>) dst(%arg15 : memref<48x768xf32, #tpu.memory_space<vmem>>)
    %mul3A_757 = arith.constant 512 : i32
    %mul3A_758 = arith.muli %add3A, %mul3A_757 : i32
    %add3A_759 = arith.constant 432 : i32
    %add3A_760 = arith.addi %mul3A_758, %add3A_759 : i32
    %multiple_of3A_761 = tpu.assume_multiple %add3A_760, 16 : i32
    %dma_start3A_762 = arith.constant 0 : i32
    %dma_start3A_763 = tpu.memref_slice %arg4[%multiple_of3A_761, %dma_start3A_762] : memref<16384x768xf32, #tpu.memory_space<hbm>> -> memref<48x768xf32, #tpu.memory_space<hbm>>
    %dma_start3A_764 = arith.constant 0 : i32
    %dma_start3A_765 = tpu.memref_slice %arg4[%multiple_of3A_761, %dma_start3A_764] : memref<16384x768xf32, #tpu.memory_space<hbm>> -> memref<48x768xf32, #tpu.memory_space<hbm>>
    tpu.enqueue_dma source(%arg15 : memref<48x768xf32, #tpu.memory_space<vmem>>) target(%dma_start3A_765 : memref<48x768xf32, #tpu.memory_space<hbm>>) target_semaphore(%arg19 : memref<!tpu.dma_semaphore, #tpu.memory_space<semaphore_mem>>)
    %dma_wait3A_766 = arith.constant 0 : i32
    %dma_wait3A_767 = arith.constant 0 : i32
    %dma_wait3A_768 = tpu.memref_slice %arg14[%dma_wait3A_766, %dma_wait3A_767] : memref<48x768xf32, #tpu.memory_space<vmem>> -> memref<32x768xf32, #tpu.memory_space<vmem>>
    %dma_wait3A_769 = arith.constant 0 : i32
    %dma_wait3A_770 = tpu.memref_slice %arg12[%dma_wait3A_769] : memref<48xi32, #tpu.memory_space<vmem>> -> memref<32xi32, #tpu.memory_space<vmem>>
    %dma_wait3A_771 = arith.constant 0 : i32
    %dma_wait3A_772 = arith.constant 0 : i32
    %dma_wait3A_773 = tpu.memref_slice %arg2[%dma_wait3A_771, %dma_wait3A_772] : memref<32768x768xf32, #tpu.memory_space<hbm>> -> memref<32768x768xf32, #tpu.memory_space<hbm>>
    tpu.wait_indirect_dma semaphore(%arg16 : memref<!tpu.dma_semaphore, #tpu.memory_space<semaphore_mem>>) src(%dma_wait3A_773 : memref<32768x768xf32, #tpu.memory_space<hbm>>) dst(%dma_wait3A_768 : memref<32x768xf32, #tpu.memory_space<vmem>>)
    %mul3A_774 = arith.constant 512 : i32
    %mul3A_775 = arith.muli %add3A, %mul3A_774 : i32
    %add3A_776 = arith.constant 480 : i32
    %add3A_777 = arith.addi %mul3A_775, %add3A_776 : i32
    %multiple_of3A_778 = tpu.assume_multiple %add3A_777, 16 : i32
    %dma_start3A_779 = arith.constant 0 : i32
    %dma_start3A_780 = arith.constant 0 : i32
    %dma_start3A_781 = tpu.memref_slice %arg14[%dma_start3A_779, %dma_start3A_780] : memref<48x768xf32, #tpu.memory_space<vmem>> -> memref<32x768xf32, #tpu.memory_space<vmem>>
    %dma_start3A_782 = arith.constant 0 : i32
    %dma_start3A_783 = tpu.memref_slice %arg4[%multiple_of3A_778, %dma_start3A_782] : memref<16384x768xf32, #tpu.memory_space<hbm>> -> memref<32x768xf32, #tpu.memory_space<hbm>>
    %dma_start3A_784 = arith.constant 0 : i32
    %dma_start3A_785 = tpu.memref_slice %arg4[%multiple_of3A_778, %dma_start3A_784] : memref<16384x768xf32, #tpu.memory_space<hbm>> -> memref<32x768xf32, #tpu.memory_space<hbm>>
    %dma_start3A_786 = arith.constant 0 : i32
    %dma_start3A_787 = arith.constant 0 : i32
    %dma_start3A_788 = tpu.memref_slice %arg14[%dma_start3A_786, %dma_start3A_787] : memref<48x768xf32, #tpu.memory_space<vmem>> -> memref<32x768xf32, #tpu.memory_space<vmem>>
    tpu.enqueue_dma source(%dma_start3A_788 : memref<32x768xf32, #tpu.memory_space<vmem>>) target(%dma_start3A_785 : memref<32x768xf32, #tpu.memory_space<hbm>>) target_semaphore(%arg18 : memref<!tpu.dma_semaphore, #tpu.memory_space<semaphore_mem>>)
    %dma_wait3A_789 = arith.constant 0 : i32
    %dma_wait3A_790 = tpu.memref_slice %arg4[%multiple_of3A_761, %dma_wait3A_789] : memref<16384x768xf32, #tpu.memory_space<hbm>> -> memref<48x768xf32, #tpu.memory_space<hbm>>
    %dma_wait3A_791 = arith.constant 0 : i32
    %dma_wait3A_792 = tpu.memref_slice %arg4[%multiple_of3A_761, %dma_wait3A_791] : memref<16384x768xf32, #tpu.memory_space<hbm>> -> memref<48x768xf32, #tpu.memory_space<hbm>>
    tpu.wait_dma2 semaphore(%arg19 : memref<!tpu.dma_semaphore, #tpu.memory_space<semaphore_mem>>) src(%arg15 : memref<48x768xf32, #tpu.memory_space<vmem>>) dst(%dma_wait3A_792 : memref<48x768xf32, #tpu.memory_space<hbm>>)
    %dma_wait3A_793 = arith.constant 0 : i32
    %dma_wait3A_794 = arith.constant 0 : i32
    %dma_wait3A_795 = tpu.memref_slice %arg14[%dma_wait3A_793, %dma_wait3A_794] : memref<48x768xf32, #tpu.memory_space<vmem>> -> memref<32x768xf32, #tpu.memory_space<vmem>>
    %dma_wait3A_796 = arith.constant 0 : i32
    %dma_wait3A_797 = tpu.memref_slice %arg4[%multiple_of3A_778, %dma_wait3A_796] : memref<16384x768xf32, #tpu.memory_space<hbm>> -> memref<32x768xf32, #tpu.memory_space<hbm>>
    %dma_wait3A_798 = arith.constant 0 : i32
    %dma_wait3A_799 = tpu.memref_slice %arg4[%multiple_of3A_778, %dma_wait3A_798] : memref<16384x768xf32, #tpu.memory_space<hbm>> -> memref<32x768xf32, #tpu.memory_space<hbm>>
    %dma_wait3A_800 = arith.constant 0 : i32
    %dma_wait3A_801 = arith.constant 0 : i32
    %dma_wait3A_802 = tpu.memref_slice %arg14[%dma_wait3A_800, %dma_wait3A_801] : memref<48x768xf32, #tpu.memory_space<vmem>> -> memref<32x768xf32, #tpu.memory_space<vmem>>
    tpu.wait_dma2 semaphore(%arg18 : memref<!tpu.dma_semaphore, #tpu.memory_space<semaphore_mem>>) src(%dma_wait3A_802 : memref<32x768xf32, #tpu.memory_space<vmem>>) dst(%dma_wait3A_799 : memref<32x768xf32, #tpu.memory_space<hbm>>)
    return
  }
}

</mosaic_0001>

<sc_bundles>
// kernel: kernel.3.cloned.1.call-start
scs
__scs_entry_jumppad:
0x0: {  	(pc) =	sbr.rel $0x88, $3  }
0x1: {  	(tag) =	ssettag $0x0;
	lr =	simm.s32 $0x1  }
0x2: {  	[smem:$0x3F9F] =	sst lr;
	_ =	strace $0xD0000000  }
0x3: {  	_ = 	snop  }
0x4: {  	_ = 	snop  }
0x5: {  	_ = 	snop  }
0x6: {  	_ = 	snop  }
0x7: {  	_ = 	snop  }
__scs_overlays_trampoline_lowered:
0x8: {  	[smem:$0x3FAE] =	sst s0  }
0x9: {  	[smem:$0x3FAF] =	sst s1  }
0xa: {  	[smem:$0x3FB0] =	sst s2  }
0xb: {  	[smem:$0x3FB1] =	sst s3  }
0xc: {  	[smem:$0x3FB2] =	sst s4  }
0xd: {  	[smem:$0x3FB3] =	sst s5  }
0xe: {  	[smem:$0x3FB4] =	sst s6  }
0xf: {  	[smem:$0x3FB5] =	sst s7  }
0x10: {  	[smem:$0x3FB6] =	sst s8  }
0x11: {  	[smem:$0x3FB7] =	sst s9;
	s0 =	simm.s32 @!p0 $0x0  }
0x12: {  	s1 =	sld [smem:$0x3F9D];
	s0 =	simm.s32 @p0 $0x1  }
0x13: {  	[smem:$0x3FB8] =	sst s0;
	s0 =	simm.s32 @!p1 $0x0  }
0x14: {  	s2 =	sld [smem:$0x3F9C];
	s0 =	simm.s32 @p1 $0x1  }
0x15: {  	[smem:$0x3FB9] =	sst s0;
	s0 =	simm.s32 @!p2 $0x0  }
0x16: {  	s3 =	sld [smem:$0x3FDB];
	s0 =	simm.s32 @p2 $0x1  }
0x17: {  	s4 =	simm.s32 $0x1BF5;
	[smem:$0x3FBB] =	sst s0  }
0x18: {  	s0 =	sld [smem:$0x3F9E];
	_ =	swait.ge [sflag:s4], $0x0  }
0x19: {  	s7 =	sld [smem:$0x3F9F]  }
0x1a: {  	s8 =	sadd.s32 $0xFFFFE003, lr  }
0x1b: {  	s9 =	sadd.s32 $0xFFFFFEF7, lr;
	s5 =	simm.s32 $0xFFFFFFFF;
	p2 =	slt.u32 s8, $0xFFFFF086  }
0x1c: {  	p1 =	slt.u32 s9, $0xF7A;
	s5 =	simm.s32 @!p2 $0x0  }
0x1d: {  	s5 =	simm.s32 @p1 $0x1;
	p0 =	seq.s32 s7, s2  }
0x1e: {  	s7 =	smul.u32 @!p0 $0xF7A, s2;
	p2 =	seq.s32 @!p0 s5, $0x0  }
0x1f: {  	s9 =	smul.u32 $0xF7A, s1;
	s8 =	simm.s32 @!p0 $0x1BF5;
	p2 =	por !p2, p0  }
0x20: {  	[sflag:s8] =	ssyncset.s32 @!p0 $0xFFFFF086;
	s6 =	sadd.s32 @!p0 s3, s7;
	s7 =	simm.s32 @!p0 $0x108  }
0x21: {  	s3 =	sadd.s32 s3, s9;
	s6 =	sadd.s32 @!p0 $0x88, s6;
	s7 =	simm.s32 @p2 $0x1082  }
0x22: {  	[simem:s7], [sflag:s8] =	dma.local @!p0 [hbm:s6], $0xF7A  }
0x23: {  	s9 =	sor.u32 $0xD0000000, s2;
	s6 =	simm.s32 $0x108;
	_ =	swait.ge @!p0 [sflag:s8], $0x0  }
0x24: {  	s3 =	sadd.s32 $0x88, s3;
	s6 =	simm.s32 @!p1 $0x1082;
	[sflag:s4] =	ssyncset.s32 $0xFFFFF086  }
0x25: {  	[simem:s6], [sflag:s4] =	dma.local [hbm:s3], $0xF7A  }
0x26: {  	[smem:$0x3F9F] =	sst s1;
	(tag) =	ssettag s2;
	_ =	strace s9  }
0x27: {  	s1 =	sld [smem:$0x3FAF]  }
0x28: {  	s2 =	sld [smem:$0x3FB0]  }
0x29: {  	s4 =	sld [smem:$0x3FB2]  }
0x2a: {  	p0 =	seq.s32 s5, $0x0;
	s5 =	sld [smem:$0x3FB3]  }
0x2b: {  	s6 =	sld [smem:$0x3FB4]  }
0x2c: {  	s7 =	sld [smem:$0x3FB5]  }
0x2d: {  	s3 =	simm.s32 $0x108;
	s8 =	sld [smem:$0x3FB6]  }
0x2e: {  	s3 =	simm.s32 @!p0 $0x1082;
	s9 =	sld [smem:$0x3FB7]  }
0x2f: {  	lr =	sadd.s32 s0, s3;
	s0 =	sld [smem:$0x3FAE]  }
0x30: {  	s3 =	sld [smem:$0x3FB1]  }
0x31: {  	[smem:$0x3FBA] =	sst s10  }
0x32: {  	s10 =	sld [smem:$0x3FB8];
	_ =	sdelay $0x3  }
0x33: {  	p0 =	seq.s32 s10, $0x1;
	s10 =	sld [smem:$0x3FBA];
	_ =	sdelay $0x3  }
0x34: {  	[smem:$0x3FBA] =	sst s10  }
0x35: {  	s10 =	sld [smem:$0x3FB9];
	_ =	sdelay $0x3  }
0x36: {  	p1 =	seq.s32 s10, $0x1;
	s10 =	sld [smem:$0x3FBA];
	_ =	sdelay $0x3  }
0x37: {  	[smem:$0x3FBA] =	sst s10  }
0x38: {  	s10 =	sld [smem:$0x3FBB]  }
0x39: {  	_ = 	snop;
	(pc) =	sbr.ind lr, $3  }
0x3a: {  	_ = 	snop  }
0x3b: {  	_ = 	snop  }
0x3c: {  	p2 =	seq.s32 s10, $0x1;
	s10 =	sld [smem:$0x3FBA]  }
0x3d: {  	_ =	shalt  }
0x3e: {  	_ =	shalt  }
0x3f: {  	_ =	shalt  }
0x40: {  	_ =	shalt  }
0x41: {  	_ =	shalt  }
0x42: {  	_ =	shalt  }
0x43: {  	_ =	shalt  }
0x44: {  	_ =	shalt  }
0x45: {  	_ =	shalt  }
0x46: {  	_ =	shalt  }
0x47: {  	_ =	shalt  }
0x48: {  	_ =	shalt  }
0x49: {  	_ =	shalt  }
0x4a: {  	_ =	shalt  }
0x4b: {  	_ =	shalt  }
0x4c: {  	_ =	shalt  }
0x4d: {  	_ =	shalt  }
0x4e: {  	_ =	shalt  }
0x4f: {  	_ =	shalt  }
0x50: {  	_ =	shalt  }
0x51: {  	_ =	shalt  }
0x52: {  	_ =	shalt  }
0x53: {  	_ =	shalt  }
0x54: {  	_ =	shalt  }
0x55: {  	_ =	shalt  }
0x56: {  	_ =	shalt  }
0x57: {  	_ =	shalt  }
0x58: {  	_ =	shalt  }
0x59: {  	_ =	shalt  }
0x5a: {  	_ =	shalt  }
0x5b: {  	_ =	shalt  }
0x5c: {  	_ =	shalt  }
0x5d: {  	_ =	shalt  }
0x5e: {  	_ =	shalt  }
0x5f: {  	_ =	shalt  }
0x60: {  	_ =	shalt  }
0x61: {  	_ =	shalt  }
0x62: {  	_ =	shalt  }
0x63: {  	_ =	shalt  }
0x64: {  	_ =	shalt  }
0x65: {  	_ =	shalt  }
0x66: {  	_ =	shalt  }
0x67: {  	_ =	shalt  }
0x68: {  	_ =	shalt  }
0x69: {  	_ =	shalt  }
0x6a: {  	_ =	shalt  }
0x6b: {  	_ =	shalt  }
0x6c: {  	_ =	shalt  }
0x6d: {  	_ =	shalt  }
0x6e: {  	_ =	shalt  }
0x6f: {  	_ =	shalt  }
0x70: {  	_ =	shalt  }
0x71: {  	_ =	shalt  }
0x72: {  	_ =	shalt  }
0x73: {  	_ =	shalt  }
0x74: {  	_ =	shalt  }
0x75: {  	_ =	shalt  }
0x76: {  	_ =	shalt  }
0x77: {  	_ =	shalt  }
0x78: {  	_ =	shalt  }
0x79: {  	_ =	shalt  }
0x7a: {  	_ =	shalt  }
0x7b: {  	_ =	shalt  }
0x7c: {  	_ =	shalt  }
0x7d: {  	_ =	shalt  }
0x7e: {  	_ =	shalt  }
0x7f: {  	_ =	shalt  }
0x80: {  	_ =	shalt  }
0x81: {  	_ =	shalt  }
0x82: {  	_ =	shalt  }
0x83: {  	_ =	shalt  }
0x84: {  	_ =	shalt  }
0x85: {  	_ =	shalt  }
0x86: {  	_ =	shalt  }
0x87: {  	_ =	shalt  }
.Lfunc_end0:
.L_simem_size_0:
called_computation_lowered:
.L_overlay_start_0:
0x88: {  	s2 =	sld [smem:$0x3FD9]  }
0x89: {  	s3 =	sld [smem:$0x3FFE];
	_ =	sdelay $0x1  }
0x8a: {  	s1 =	srdreg.scid  }
0x8b: {  	s0 =	sand.u32 $0x1, s1  }
0x8c: {  	s17 =	sshll.u32 s0, $0xA;
	s2 =	sadd.s32 s3, s2  }
0x8d: {  	s2 =	sadd.s32 s2, s17  }
0x8e: {  	[smem:$0x3FC6] =	sst s2  }
0x8f: {  	_ = 	snop  }
0x90: {  	s2 =	sld [smem:$0x3FC9]  }
0x91: {  	s18 =	sld [smem:$0x3FD0];
	(tm) =	ssettm $0x1  }
0x92: {  	s4 =	sld [smem:$0x3FFB];
	_ =	sdelay $0x3  }
0x93: {  	_ =	strace s4  }
0x94: {  	s4 =	sld [smem:$0x3FFC];
	_ =	sdelay $0x3  }
0x95: {  	_ =	strace s4  }
0x96: {  	s4 =	sld [smem:$0x3FFD];
	_ =	sdelay $0x3  }
0x97: {  	_ =	strace s4  }
0x98: {  	_ =	strace $0x8FFFFFFF  }
0x99: {  	s19 =	sld [smem:$0x3FDB];
	_ =	sdelay $0x1  }
0x9a: {  	s5 =	simm.s32 $_scs_section_size  }
0x9b: {  	s6 =	simm.s32 $_size__tile_overlayer_lowered;
	s7 =	simm.s32 $_tile_overlayer_lowered  }
0x9c: {  	s22 =	simm.s32 $0x1BFF;
	s21 =	sshll.u32 s7, $0x1;
	s4 =	sadd.s32 s5, s19  }
0x9d: {  	s8 =	simm.s32 $0x0;
	s20 =	sshll.u32 s6, $0x1;
	s6 =	sadd.s32 s21, s4  }
0x9e: {  	[timem:s8], [sflag:s22] =	dma.local [hbm:s6], s20  }
0x9f: {  	_ =	swait.ge [sflag:s22], s20  }
0xa0: {  	s5 =	ssub.s32 $0x0, s20;
	[sflag:s22] =	ssyncset.done $0x0  }
0xa1: {  	[sflag:s22] =	ssyncadd.s32 s5;
	_ =	sdelay $0x1  }
0xa2: {  	s23 =	simm.s32 $0x1B8B  }
0xa3: {  	_ =	swait.ge [sflag:s23], $0x1  }
0xa4: {  	[sflag:s23] =	ssyncset.done $0x0  }
0xa5: {  	s25 =	simm.s32 $0x1B8E;
	s24 =	sld [smem:$0x3FFE];
	[sflag:s23] =	ssyncadd.s32 $0xFFFFFFFF  }
0xa6: {  	s26 =	simm.s32 $execute0_lowered;
	[smem:$0x3FD2] =	sst s25  }
0xa7: {  	s6 =	sshll.u32 s26, $0x1;
	_ =	strace $0x80000046;
	[dreg:$0x1] =	wrdreg $0xFFFFFFFF  }
0xa8: {  	s28 =	simm.s32 $_size_execute0_lowered;
	s4 =	sadd.s32 s4, s6;
	[dreg:$0x0] =	wrdreg $0x0  }
0xa9: {  	s6 =	sshll.u32 s28, $0x1;
	[dreg:$0x2] =	wrdreg s4  }
0xaa: {  	[dreg:$0x3] =	wrdreg s6  }
0xab: {  	[dreg:$0x4] =	wrdreg $0xC0  }
0xac: {  	_ =	task [dreg:s8], $0x5FFFF  }
0xad: {  	[dreg:$0x1] =	wrdreg $0xFFFFFFFF  }
0xae: {  	[dreg:$0x0] =	wrdreg $0x60  }
0xaf: {  	[dreg:$0x2] =	wrdreg s2  }
0xb0: {  	[dreg:$0x3] =	wrdreg s24  }
0xb1: {  	[dreg:$0x4] =	wrdreg s18  }
0xb2: {  	[dreg:$0x5] =	wrdreg $0x9  }
0xb3: {  	_ =	task.clear_ibuf [dreg:s8], $0x6FFFF;
	_ =	strace $0x90000046  }
0xb4: {  	s29 =	simm.s32 $0x9;
	_ =	strace $0x80000048  }
0xb5: {  	_ =	swait.ge [sflag:s29], $0x1  }
0xb6: {  	[sflag:s29] =	ssyncadd.s32 $0xFFFFFFFF  }
0xb7: {  	_ =	strace $0x90000048  }
0xb8: {  	_ =	sfence  }
0xb9: {  	s30 =	sld [smem:$0x0];
	_ =	sdelay $0x2  }
0xba: {  	s31 =	sshll.u32 s1, $0xD;
	s1 =	sshrl.u32 s1, $0x2  }
0xbb: {  	s3 =	sand.u32 $0x4000, s31;
	s1 =	sadd.s32 s1, s30  }
0xbc: {  	s0 =	sor.u32 s3, s0;
	s1 =	sshll.u32 s1, $0x11  }
0xbd: {  	s0 =	sor.u32 s1, s0  }
0xbe: {  	s0 =	sadd.s32 $0x8F2B, s0  }
0xbf: {  	[sflag:s0] =	ssyncadd.remote.s32 $0x1  }
0xc0: {  	_ =	sfence.sel $0xFFFF  }
0xc1: {  	[dreg:$0x0] =	wrdreg $0xFFFFFFFF;
	(pc) =	sbr.abs _section_cstart, $3  }
0xc2: {  	[dreg:$0x1] =	wrdreg $0xFFFFFFFF  }
0xc3: {  	_ =	task.clear_ibuf [dreg:s8], $0x2FFFF;
	_ =	strace $0x9FFFFFFF  }
0xc4: {  	(tm) =	ssettm $0x7FFFFFFF  }
0xc5: {  	_ =	shalt  }
tec
execute0_lowered:
.L_overlay_start_1:
0x0: {  	(tag) =	ssettag $0x1  }
0x1: {  	s15 =	rddreg [dreg:$0x0]  }
0x2: {  	s3 =	rddreg [dreg:$0x1];
	s2 =	simm.s32 $0x0  }
0x3: {  	[smem:$0x7FF] =	sst s2  }
0x4: {  	s5 =	rddreg [dreg:$0x2];
	v0 =	vimm.s32 $0x0;
	_ =	strace $0x80000047  }
0x5: {  	(xrf1) =	vunique.msk.u32 $0xffff, v0;
	_ =	sdelay $0xd  }
0x6: {  	_, v1, _ =	vpop (xrf1)  }
0x7: {  	v1 =	vxor.u32 $0x80000000, v1  }
0x8: {  	(xrf0) =	vmin.scan.msk.u32 $0xffff, v1;
	_ =	sdelay $0x3  }
0x9: {  	s0 =	srdreg.scid  }
0xa: {  	s0 =	sand.u32 $0x1, s0  }
0xb: {  	s7 =	stileid.u32;
	s4 =	sshll.u32 s0, $0x4;
	v1, _, _ =	vpop (xrf0)  }
0xc: {  	s28 =	simm.s32 $0x4080;
	s6 =	sor.u32 s7, s4;
	s7 =	sand.u32 $0x7, s7;
	(v2sf) =	vpush v1, $0xF  }
0xd: {  	s13 =	simm.s32 $0x0;
	p0 =	seq.s32 s6, $0x0;
	p1 =	sne.s32 s7, $0x0  }
0xe: {  	s9 =	ssub.s32 $0x2, s0;
	s4 =	simm.s32 $0x1;
	p0 =	por !p1, !p0  }
0xf: {  	s16 =	sshrl.u32 s9, $0x1;
	s8 =	sshrl.u32 s6, $0x3;
	p0 =	por !p0, !p0  }
0x10: {  	vm0 =	vcmask $0x300;
	s11 =	sshll.u32 s7, $0x9;
	s21 =	smul.u32 $0xC000, s6;
	s4 =	simm.s32 @!p0 $0x0;
	v1 =	vimm.s32 $0x1380  }
0x11: {  	s6 =	smul.u32 $0x60000, s6;
	[dreg:$0x4] =	wrdreg s11;
	s4 =	ssub.s32 s8, s4;
	v1 =	vsel vm0, $0x0, v1;
	vm0 =	vcmask $0x704  }
0x12: {  	s8 =	ssub.s32 s9, s16;
	s17 =	sshll.u32 s4, $0xD;
	s4 =	sshll.u32 s4, $0x7;
	v1 =	vsel vm0, $0x80, v1;
	vm0 =	vcmask $0xB08  }
0x13: {  	s31 =	smax.u32 s8, $0x1;
	s18 =	sand.u32 $0xFFFF8000, s17;
	s10 =	sand.u32 $0x180, s4;
	v1 =	vsel vm0, $0x100, v1;
	vm0 =	vcmask $0xF0C  }
0x14: {  	[dreg:$0x11] =	wrdreg s31;
	s19 =	sor.u32 s10, s18;
	s10 =	sadd.s32 s5, s21;
	v1 =	vsel vm0, $0x180, v1;
	vm0 =	vcmask $0x1310  }
0x15: {  	s14 =	sadd.s32 $0x200, s11;
	s12 =	sadd.s32 $0x1200, s10;
	[dreg:$0x6] =	wrdreg s10;
	v1 =	vsel vm0, $0x200, v1;
	vm0 =	vcmask $0x1714  }
0x16: {  	s6 =	sshrl.u32 s6, $0x3;
	s23 =	sadd.s32 $0x2400, s10;
	[dreg:$0x7] =	wrdreg s12;
	v1 =	vsel vm0, $0x280, v1;
	vm0 =	vcmask $0x1B18  }
0x17: {  	s5 =	sadd.s32 s5, s6;
	s10 =	sadd.s32 $0x3600, s10;
	[dreg:$0x8] =	wrdreg s23;
	v1 =	vsel vm0, $0x300, v1;
	vm0 =	vcmask $0x1F1C  }
0x18: {  	s9 =	sadd.s32 $0x200, s15;
	s6 =	sadd.s32 $0x4800, s5;
	[dreg:$0x9] =	wrdreg s10;
	v1 =	vsel vm0, $0x380, v1;
	vm0 =	vcmask $0x2320  }
0x19: {  	s7 =	sshrl.u32 s19, $0x3;
	s24 =	sadd.s32 $0x5A00, s5;
	[dreg:$0xa] =	wrdreg s6;
	v2 =	vsel vm0, $0x1000, v1;
	vm0 =	vcmask $0x2724  }
0x1a: {  	v8 =	vimm.s32 $0x1;
	s25 =	sadd.s32 $0x6C00, s5;
	s26 =	sadd.s32 $0x7E00, s5;
	[dreg:$0xb] =	wrdreg s24;
	v3 =	vsel vm0, $0x1080, v2;
	vm0 =	vcmask $0x2B28  }
0x1b: {  	v11 =	vimm.s32 $0x7FFFFFFF;
	s29 =	sadd.s32 $0x9000, s5;
	[dreg:$0xc] =	wrdreg s25;
	v4 =	vsel vm0, $0x1100, v3;
	vm0 =	vcmask $0x2F2C;
	s20 =	spop (v2sf)  }
0x1c: {  	s30 =	sadd.s32 $0xA200, s5;
	[dreg:$0xd] =	wrdreg s26;
	v1 =	vmov s14;
	v3 =	vmov s17;
	v5 =	vsel vm0, $0x1180, v4;
	s22 =	sxor.u32 $0x80000000, s20  }
.Ltmp0:
0x1d: {  	s5 =	sadd.s32 $0xB400, s5;
	[dreg:$0xe] =	wrdreg s29;
	vm0 =	vcmask $0x3330;
	v4 =	vmov s11;
	v2 =	vmov s22;
	(pc) =	sbr.rel .LBB2_1-.Ltmp0, $4  }
0x1e: {  	s19 =	simm.s32 $0x1;
	s3 =	sadd.s32 s3, s7;
	[dreg:$0xf] =	wrdreg s30;
	v5 =	vsel vm0, $0x1200, v5;
	vm0 =	vcmask $0x3734;
	v6 =	vsub.s32 $0x1, v2  }
0x1f: {  	s7 =	sadd.s32 $0x100, s15;
	[dreg:$0x10] =	wrdreg s5;
	s24 =	simm.s32 $0xAA80;
	v7 =	vsel vm0, $0x1280, v5;
	vm0 =	vcmask $0x3B38;
	v5 =	vbroadcast v6, $0x0  }
0x20: {  	s25 =	simm.s32 $0xA200;
	s26 =	simm.s32 $0x2000;
	s23 =	simm.s32 $0x6100;
	v6 =	vsel vm0, $0x1300, v7;
	v7 =	vlaneseq.u32;
	vm0 =	vmmov $0xffff  }
0x21: {  	s5 =	simm.s32 $0xCB80;
	[dreg:$0x5] =	wrdreg s3;
	s14 =	simm.s32 $0x8180;
	v9 =	vadd.s32 $0x1, v7;
	v10 =	vor.u32 $0x80000000, v7;
	v12 =	vand.u32 $0x7, v7  }
.LBB2_39:
0x22: {  	s3 =	simm.s32 $0x8180  }
.LBB2_55:
0x23: {  	v13 =	vshrl.u32 v13, $0x18  }
0x24: {  	(xrf1) =	vunique.msk.u32 $0xffff, v13;
	_ =	sdelay $0xa  }
0x25: {  	v14 =	vld.idx.msk [tilespmem:v13+s25+$0x0], $0xffff;
	_ =	sdelay $0x2  }
0x26: {  	s3 =	sadd.s32 @p0 $0x10, s3;
	_, v15, vm1 =	vpop (xrf1)  }
0x27: {  	s0 =	smov.u32 @p0 s3;
	v15 =	vsub.s32 v15, v2  }
0x28: {  	v16 =	vld [tilespmem:s0+$0x0];
	v14 =	vadd.s32 v14, v15;
	_ =	sdelay $0x4  }
0x29: {  	[tilespmem:v14+s28+$0x0] =	vst.idx.msk $0xffff, v16;
	v14 =	vadd.s32 $0x1, v15  }
0x2a: {  	s13 =	smov.u32 s1;
	[tilespmem:v13+s25+$0x0] =	vst.idx.add.s32.msk vm1, v14  }
.LBB2_56:
0x2b: {  	s0 =	rddreg [dreg:$0x4]  }
0x2c: {  	s16 =	ssub.s32 s0, s16  }
0x2d: {  	v13 =	vadd.s32 s16, v7;
	_ =	sdelay $0x4  }
0x2e: {  	v13 =	vld.idx.msk [tilespmem:v13+s28+$0x0], $0xffff  }
0x2f: {  	s0 =	sadd.s32 $0x10, s16  }
0x30: {  	v14 =	vadd.s32 s0, v7;
	_ =	sdelay $0x2  }
0x31: {  	v15 =	vadd.s32 v3, v13  }
0x32: {  	[tilespmem:$0xCA80] =	vst v15  }
0x33: {  	v14 =	vld.idx.msk [tilespmem:v14+s28+$0x0], $0xffff  }
0x34: {  	s20 =	sadd.s32 $0x20, s16  }
0x35: {  	v16 =	vadd.s32 s20, v7  }
0x36: {  	v15 =	vshrl.u32 v15, $0x3  }
0x37: {  	v15 =	vmul.u32 $0x30, v15  }
0x38: {  	v13 =	vand.u32 $0x7, v13;
	v14 =	vadd.s32 v3, v14  }
0x39: {  	v15 =	vor.u32 v13, v15;
	v13 =	vshrl.u32 v7, $0x3;
	[tilespmem:$0xCA90] =	vst v14  }
0x3a: {  	v54 =	vperm.xlane v15, v12;
	v13 =	vmul.u32 $0x8, v13;
	v14 =	vld.idx.msk [tilespmem:v16+s28+$0x0], $0xffff;
	_ =	sdelay $0x1  }
0x3b: {  	v16 =	vadd.s32 v13, v54;
	_ =	sdelay $0x2  }
0x3c: {  	v17 =	vadd.s32 v3, v14;
	v14 =	vor.u32 $0x8, v7  }
0x3d: {  	[tilespmem:$0xCAA0] =	vst v17;
	v15 =	vperm.xlane v15, v14  }
0x3e: {  	[tilespmem:s5], [sflag:$0x1] =	stream.indirect_vreg.gather [hbm4b:s15+s2], $0x80, v16, vm0, $0xb8;
	[tilespmem:$0x1EB80] =	vst v63  }
0x3f: {  	s21 =	simm.s32 $0xD380;
	v15 =	vadd.s32 v13, v15  }
0x40: {  	[tilespmem:s21], [sflag:$0x1] =	stream.indirect_vreg.gather [hbm4b:s7+s2], $0x80, v16, vm0, $0xb8;
	[tilespmem:$0x1EB80] =	vst v63  }
0x41: {  	s22 =	simm.s32 $0xDB80  }
0x42: {  	[tilespmem:s22], [sflag:$0x1] =	stream.indirect_vreg.gather [hbm4b:s9+s2], $0x80, v16, vm0, $0xb8;
	[tilespmem:$0x1EB80] =	vst v63  }
0x43: {  	s29 =	simm.s32 $0xE380  }
0x44: {  	[tilespmem:s29], [sflag:$0x1] =	stream.indirect_vreg.gather [hbm4b:s15+s2], $0x80, v15, vm0, $0xb8;
	[tilespmem:$0x1EB80] =	vst v63  }
0x45: {  	s30 =	simm.s32 $0xEB80  }
0x46: {  	[tilespmem:s30], [sflag:$0x1] =	stream.indirect_vreg.gather [hbm4b:s7+s2], $0x80, v15, vm0, $0xb8;
	[tilespmem:$0x1EB80] =	vst v63  }
0x47: {  	s31 =	simm.s32 $0xF380  }
0x48: {  	[tilespmem:s31], [sflag:$0x1] =	stream.indirect_vreg.gather [hbm4b:s9+s2], $0x80, v15, vm0, $0xb8;
	[tilespmem:$0x1EB80] =	vst v63  }
0x49: {  	v15 =	vld [tilespmem:$0xCA90];
	_ =	sdelay $0x4  }
0x4a: {  	v55 =	vshrl.u32 v15, $0x3  }
0x4b: {  	v16 =	vmul.u32 $0x30, v55  }
0x4c: {  	v15 =	vand.u32 $0x7, v15  }
0x4d: {  	v15 =	vor.u32 v15, v16  }
0x4e: {  	v16 =	vperm.xlane v15, v12;
	_ =	sdelay $0x1  }
0x4f: {  	v16 =	vadd.s32 v13, v16;
	_ =	sdelay $0x3  }
0x50: {  	s1 =	simm.s32 $0xFB80;
	v15 =	vperm.xlane v15, v14  }
0x51: {  	[tilespmem:s1], [sflag:$0x1] =	stream.indirect_vreg.gather [hbm4b:s15+s2], $0x80, v16, vm0, $0xb8;
	[tilespmem:$0x1EB80] =	vst v63  }
0x52: {  	s3 =	simm.s32 $0x10380;
	v15 =	vadd.s32 v13, v15  }
0x53: {  	[tilespmem:s3], [sflag:$0x1] =	stream.indirect_vreg.gather [hbm4b:s7+s2], $0x80, v16, vm0, $0xb8;
	[tilespmem:$0x1EB80] =	vst v63  }
0x54: {  	s4 =	simm.s32 $0x10B80  }
0x55: {  	[tilespmem:s4], [sflag:$0x1] =	stream.indirect_vreg.gather [hbm4b:s9+s2], $0x80, v16, vm0, $0xb8;
	[tilespmem:$0x1EB80] =	vst v63  }
0x56: {  	s6 =	simm.s32 $0x11380  }
0x57: {  	[tilespmem:s6], [sflag:$0x1] =	stream.indirect_vreg.gather [hbm4b:s15+s2], $0x80, v15, vm0, $0xb8;
	[tilespmem:$0x1EB80] =	vst v63  }
0x58: {  	s8 =	simm.s32 $0x11B80  }
0x59: {  	[tilespmem:s8], [sflag:$0x1] =	stream.indirect_vreg.gather [hbm4b:s7+s2], $0x80, v15, vm0, $0xb8;
	[tilespmem:$0x1EB80] =	vst v63  }
0x5a: {  	s10 =	simm.s32 $0x12380  }
0x5b: {  	[tilespmem:s10], [sflag:$0x1] =	stream.indirect_vreg.gather [hbm4b:s9+s2], $0x80, v15, vm0, $0xb8;
	[tilespmem:$0x1EB80] =	vst v63  }
0x5c: {  	v15 =	vld [tilespmem:$0xCAA0];
	_ =	sdelay $0x4  }
0x5d: {  	v56 =	vshrl.u32 v15, $0x3  }
0x5e: {  	v16 =	vmul.u32 $0x30, v56  }
0x5f: {  	v15 =	vand.u32 $0x7, v15  }
0x60: {  	v15 =	vor.u32 v15, v16  }
0x61: {  	v16 =	vperm.xlane v15, v12;
	_ =	sdelay $0x1  }
0x62: {  	v16 =	vadd.s32 v13, v16;
	_ =	sdelay $0x3  }
0x63: {  	s11 =	simm.s32 $0x12B80;
	v15 =	vperm.xlane v15, v14  }
0x64: {  	[tilespmem:s11], [sflag:$0x1] =	stream.indirect_vreg.gather [hbm4b:s15+s2], $0x80, v16, vm0, $0xb8;
	[tilespmem:$0x1EB80] =	vst v63  }
0x65: {  	s29 =	simm.s32 $0x13380;
	v15 =	vadd.s32 v13, v15  }
0x66: {  	[tilespmem:s29], [sflag:$0x1] =	stream.indirect_vreg.gather [hbm4b:s7+s2], $0x80, v16, vm0, $0xb8;
	[tilespmem:$0x1EB80] =	vst v63  }
0x67: {  	s1 =	simm.s32 $0x13B80  }
0x68: {  	[tilespmem:s1], [sflag:$0x1] =	stream.indirect_vreg.gather [hbm4b:s9+s2], $0x80, v16, vm0, $0xb8;
	[tilespmem:$0x1EB80] =	vst v63  }
0x69: {  	s3 =	sadd.s32 $0x30, s16;
	s1 =	simm.s32 $0x14380  }
0x6a: {  	v57 =	vadd.s32 s3, v7;
	[tilespmem:s1], [sflag:$0x1] =	stream.indirect_vreg.gather [hbm4b:s15+s2], $0x80, v15, vm0, $0xb8;
	[tilespmem:$0x1EB80] =	vst v63  }
0x6b: {  	s4 =	simm.s32 $0x14B80  }
0x6c: {  	[tilespmem:s4], [sflag:$0x1] =	stream.indirect_vreg.gather [hbm4b:s7+s2], $0x80, v15, vm0, $0xb8;
	[tilespmem:$0x1EB80] =	vst v63  }
0x6d: {  	s6 =	simm.s32 $0x15380  }
0x6e: {  	[tilespmem:s6], [sflag:$0x1] =	stream.indirect_vreg.gather [hbm4b:s9+s2], $0x80, v15, vm0, $0xb8;
	[tilespmem:$0x1EB80] =	vst v63  }
0x6f: {  	v15 =	vld.idx.msk [tilespmem:v57+s28+$0x0], $0xffff  }
0x70: {  	s1 =	sadd.s32 $0x40, s16  }
0x71: {  	v58 =	vadd.s32 s1, v7;
	_ =	sdelay $0x2  }
0x72: {  	v59 =	vadd.s32 v3, v15  }
0x73: {  	[tilespmem:$0xCB00] =	vst v59  }
0x74: {  	v16 =	vld.idx.msk [tilespmem:v58+s28+$0x0], $0xffff  }
0x75: {  	s6 =	sadd.s32 $0x50, s16  }
0x76: {  	v18 =	vadd.s32 s6, v7  }
0x77: {  	v17 =	vshrl.u32 v59, $0x3  }
0x78: {  	v17 =	vmul.u32 $0x30, v17  }
0x79: {  	v15 =	vand.u32 $0x7, v15;
	v16 =	vadd.s32 v3, v16  }
0x7a: {  	v15 =	vor.u32 v15, v17;
	[tilespmem:$0xCB10] =	vst v16  }
0x7b: {  	v17 =	vperm.xlane v15, v12;
	v16 =	vld.idx.msk [tilespmem:v18+s28+$0x0], $0xffff;
	_ =	sdelay $0x1  }
0x7c: {  	v17 =	vadd.s32 v13, v17;
	_ =	sdelay $0x2  }
0x7d: {  	v16 =	vadd.s32 v3, v16  }
0x7e: {  	s6 =	simm.s32 $0x15B80;
	v15 =	vperm.xlane v15, v14;
	[tilespmem:$0xCB20] =	vst v16  }
0x7f: {  	[tilespmem:s6], [sflag:$0x2] =	stream.indirect_vreg.gather [hbm4b:s15+s2], $0x80, v17, vm0, $0xb8;
	[tilespmem:$0x1EB80] =	vst v63  }
0x80: {  	s1 =	simm.s32 $0x16380;
	v15 =	vadd.s32 v13, v15  }
0x81: {  	[tilespmem:s1], [sflag:$0x2] =	stream.indirect_vreg.gather [hbm4b:s7+s2], $0x80, v17, vm0, $0xb8;
	[tilespmem:$0x1EB80] =	vst v63  }
0x82: {  	s1 =	simm.s32 $0x16B80  }
0x83: {  	[tilespmem:s1], [sflag:$0x2] =	stream.indirect_vreg.gather [hbm4b:s9+s2], $0x80, v17, vm0, $0xb8;
	[tilespmem:$0x1EB80] =	vst v63  }
0x84: {  	s1 =	simm.s32 $0x17380  }
0x85: {  	[tilespmem:s1], [sflag:$0x2] =	stream.indirect_vreg.gather [hbm4b:s15+s2], $0x80, v15, vm0, $0xb8;
	[tilespmem:$0x1EB80] =	vst v63  }
0x86: {  	s1 =	simm.s32 $0x17B80  }
0x87: {  	[tilespmem:s1], [sflag:$0x2] =	stream.indirect_vreg.gather [hbm4b:s7+s2], $0x80, v15, vm0, $0xb8;
	[tilespmem:$0x1EB80] =	vst v63  }
0x88: {  	s1 =	simm.s32 $0x18380  }
0x89: {  	[tilespmem:s1], [sflag:$0x2] =	stream.indirect_vreg.gather [hbm4b:s9+s2], $0x80, v15, vm0, $0xb8;
	[tilespmem:$0x1EB80] =	vst v63  }
0x8a: {  	v15 =	vld [tilespmem:$0xCB10];
	_ =	sdelay $0x4  }
0x8b: {  	v60 =	vshrl.u32 v15, $0x3  }
0x8c: {  	v16 =	vmul.u32 $0x30, v60  }
0x8d: {  	v15 =	vand.u32 $0x7, v15  }
0x8e: {  	v15 =	vor.u32 v15, v16  }
0x8f: {  	v16 =	vperm.xlane v15, v12;
	_ =	sdelay $0x1  }
0x90: {  	v16 =	vadd.s32 v13, v16;
	_ =	sdelay $0x3  }
0x91: {  	s1 =	simm.s32 $0x18B80;
	v15 =	vperm.xlane v15, v14  }
0x92: {  	[tilespmem:s1], [sflag:$0x2] =	stream.indirect_vreg.gather [hbm4b:s15+s2], $0x80, v16, vm0, $0xb8;
	[tilespmem:$0x1EB80] =	vst v63  }
0x93: {  	v15 =	vadd.s32 v13, v15;
	s1 =	simm.s32 $0x19380  }
0x94: {  	[tilespmem:s1], [sflag:$0x2] =	stream.indirect_vreg.gather [hbm4b:s7+s2], $0x80, v16, vm0, $0xb8;
	[tilespmem:$0x1EB80] =	vst v63  }
0x95: {  	s1 =	simm.s32 $0x19B80  }
0x96: {  	[tilespmem:s1], [sflag:$0x2] =	stream.indirect_vreg.gather [hbm4b:s9+s2], $0x80, v16, vm0, $0xb8;
	[tilespmem:$0x1EB80] =	vst v63  }
0x97: {  	s1 =	simm.s32 $0x1A380  }
0x98: {  	[tilespmem:s1], [sflag:$0x2] =	stream.indirect_vreg.gather [hbm4b:s15+s2], $0x80, v15, vm0, $0xb8;
	[tilespmem:$0x1EB80] =	vst v63  }
0x99: {  	s1 =	simm.s32 $0x1AB80  }
0x9a: {  	[tilespmem:s1], [sflag:$0x2] =	stream.indirect_vreg.gather [hbm4b:s7+s2], $0x80, v15, vm0, $0xb8;
	[tilespmem:$0x1EB80] =	vst v63  }
0x9b: {  	s1 =	simm.s32 $0x1B380  }
0x9c: {  	[tilespmem:s1], [sflag:$0x2] =	stream.indirect_vreg.gather [hbm4b:s9+s2], $0x80, v15, vm0, $0xb8;
	[tilespmem:$0x1EB80] =	vst v63  }
0x9d: {  	v15 =	vld [tilespmem:$0xCB20];
	_ =	sdelay $0x4  }
0x9e: {  	v61 =	vshrl.u32 v15, $0x3  }
0x9f: {  	v16 =	vmul.u32 $0x30, v61  }
0xa0: {  	v15 =	vand.u32 $0x7, v15  }
0xa1: {  	v15 =	vor.u32 v15, v16  }
0xa2: {  	v16 =	vperm.xlane v15, v12;
	_ =	sdelay $0x1  }
0xa3: {  	v16 =	vadd.s32 v13, v16;
	_ =	sdelay $0x3  }
0xa4: {  	s1 =	simm.s32 $0x1BB80;
	v15 =	vperm.xlane v15, v14  }
0xa5: {  	[tilespmem:s1], [sflag:$0x2] =	stream.indirect_vreg.gather [hbm4b:s15+s2], $0x80, v16, vm0, $0xb8;
	[tilespmem:$0x1EB80] =	vst v63  }
0xa6: {  	v15 =	vadd.s32 v13, v15;
	s1 =	simm.s32 $0x1C380  }
0xa7: {  	[tilespmem:s1], [sflag:$0x2] =	stream.indirect_vreg.gather [hbm4b:s7+s2], $0x80, v16, vm0, $0xb8;
	[tilespmem:$0x1EB80] =	vst v63  }
0xa8: {  	s1 =	simm.s32 $0x1CB80  }
0xa9: {  	[tilespmem:s1], [sflag:$0x2] =	stream.indirect_vreg.gather [hbm4b:s9+s2], $0x80, v16, vm0, $0xb8;
	[tilespmem:$0x1EB80] =	vst v63  }
0xaa: {  	s1 =	simm.s32 $0x1D380  }
0xab: {  	[tilespmem:s1], [sflag:$0x2] =	stream.indirect_vreg.gather [hbm4b:s15+s2], $0x80, v15, vm0, $0xb8;
	[tilespmem:$0x1EB80] =	vst v63  }
0xac: {  	s1 =	simm.s32 $0x1DB80  }
0xad: {  	[tilespmem:s1], [sflag:$0x2] =	stream.indirect_vreg.gather [hbm4b:s7+s2], $0x80, v15, vm0, $0xb8;
	[tilespmem:$0x1EB80] =	vst v63  }
0xae: {  	s1 =	simm.s32 $0x1E380  }
0xaf: {  	[tilespmem:s1], [sflag:$0x2] =	stream.indirect_vreg.gather [hbm4b:s9+s2], $0x80, v15, vm0, $0xb8;
	[tilespmem:$0x1EB80] =	vst v63  }
0xb0: {  	_ =	swait.ge [sflag:s19], $0x9000  }
0xb1: {  	s1 =	sadd.s32 $0x60, s16;
	[sflag:s19] =	ssyncset.done $0x0  }
0xb2: {  	v15 =	vadd.s32 s1, v7;
	s1 =	rddreg [dreg:$0x6];
	[sflag:s19] =	ssyncadd.s32 $0xFFFF7000  }
0xb3: {  	[hbm4b:s1+s2] =	stream.linear.scatter [tilespmem:s5], [sflag:$0x3], $0x9000, $0x38;
	[tilespmem:$0x1EB80] =	vst v63  }
0xb4: {  	s1 =	simm.s32 $0x3  }
0xb5: {  	_ =	swait.ge [sflag:s1], $0x9000  }
0xb6: {  	[sflag:s1] =	ssyncset.done $0x0  }
0xb7: {  	[sflag:s1] =	ssyncadd.s32 $0xFFFF7000  }
0xb8: {  	v15 =	vld.idx.msk [tilespmem:v15+s28+$0x0], $0xffff  }
0xb9: {  	s0 =	sadd.s32 $0x70, s16  }
0xba: {  	v62 =	vadd.s32 s0, v7;
	_ =	sdelay $0x2  }
0xbb: {  	v63 =	vadd.s32 v3, v15  }
0xbc: {  	[tilespmem:$0xCA80] =	vst v63  }
0xbd: {  	v16 =	vld.idx.msk [tilespmem:v62+s28+$0x0], $0xffff  }
0xbe: {  	s0 =	sadd.s32 $0x80, s16  }
0xbf: {  	v21 =	vadd.s32 s0, v7  }
0xc0: {  	v17 =	vshrl.u32 v63, $0x3  }
0xc1: {  	v17 =	vmul.u32 $0x30, v17  }
0xc2: {  	v15 =	vand.u32 $0x7, v15;
	v16 =	vadd.s32 v3, v16  }
0xc3: {  	v15 =	vor.u32 v15, v17;
	[tilespmem:$0xCA90] =	vst v16  }
0xc4: {  	v17 =	vperm.xlane v15, v12;
	v16 =	vld.idx.msk [tilespmem:v21+s28+$0x0], $0xffff;
	_ =	sdelay $0x1  }
0xc5: {  	v17 =	vadd.s32 v13, v17;
	_ =	sdelay $0x2  }
0xc6: {  	v16 =	vadd.s32 v3, v16  }
0xc7: {  	v15 =	vperm.xlane v15, v14;
	[tilespmem:$0xCAA0] =	vst v16  }
0xc8: {  	[tilespmem:s5], [sflag:$0x1] =	stream.indirect_vreg.gather [hbm4b:s15+s2], $0x80, v17, vm0, $0xb8;
	[tilespmem:$0x1EB80] =	vst v63  }
0xc9: {  	s20 =	simm.s32 $0xD380;
	v15 =	vadd.s32 v13, v15  }
0xca: {  	[tilespmem:s20], [sflag:$0x1] =	stream.indirect_vreg.gather [hbm4b:s7+s2], $0x80, v17, vm0, $0xb8;
	[tilespmem:$0x1EB80] =	vst v63  }
0xcb: {  	s21 =	simm.s32 $0xDB80  }
0xcc: {  	[tilespmem:s21], [sflag:$0x1] =	stream.indirect_vreg.gather [hbm4b:s9+s2], $0x80, v17, vm0, $0xb8;
	[tilespmem:$0x1EB80] =	vst v63  }
0xcd: {  	s22 =	simm.s32 $0xE380  }
0xce: {  	[tilespmem:s22], [sflag:$0x1] =	stream.indirect_vreg.gather [hbm4b:s15+s2], $0x80, v15, vm0, $0xb8;
	[tilespmem:$0x1EB80] =	vst v63  }
0xcf: {  	s30 =	simm.s32 $0xEB80  }
0xd0: {  	[tilespmem:s30], [sflag:$0x1] =	stream.indirect_vreg.gather [hbm4b:s7+s2], $0x80, v15, vm0, $0xb8;
	[tilespmem:$0x1EB80] =	vst v63  }
0xd1: {  	s12 =	simm.s32 $0xF380  }
0xd2: {  	[tilespmem:s12], [sflag:$0x1] =	stream.indirect_vreg.gather [hbm4b:s9+s2], $0x80, v15, vm0, $0xb8;
	[tilespmem:$0x1EB80] =	vst v63  }
0xd3: {  	v15 =	vld [tilespmem:$0xCA90];
	_ =	sdelay $0x4  }
0xd4: {  	v22 =	vshrl.u32 v15, $0x3  }
0xd5: {  	v16 =	vmul.u32 $0x30, v22  }
0xd6: {  	v15 =	vand.u32 $0x7, v15  }
0xd7: {  	v15 =	vor.u32 v15, v16  }
0xd8: {  	v16 =	vperm.xlane v15, v12;
	_ =	sdelay $0x1  }
0xd9: {  	v16 =	vadd.s32 v13, v16;
	_ =	sdelay $0x3  }
0xda: {  	s17 =	simm.s32 $0xFB80;
	v15 =	vperm.xlane v15, v14  }
0xdb: {  	[tilespmem:s17], [sflag:$0x1] =	stream.indirect_vreg.gather [hbm4b:s15+s2], $0x80, v16, vm0, $0xb8;
	[tilespmem:$0x1EB80] =	vst v63  }
0xdc: {  	s31 =	simm.s32 $0x10380;
	v15 =	vadd.s32 v13, v15  }
0xdd: {  	[tilespmem:s31], [sflag:$0x1] =	stream.indirect_vreg.gather [hbm4b:s7+s2], $0x80, v16, vm0, $0xb8;
	[tilespmem:$0x1EB80] =	vst v63  }
0xde: {  	s12 =	simm.s32 $0x10B80  }
0xdf: {  	[tilespmem:s12], [sflag:$0x1] =	stream.indirect_vreg.gather [hbm4b:s9+s2], $0x80, v16, vm0, $0xb8;
	[tilespmem:$0x1EB80] =	vst v63  }
0xe0: {  	s17 =	simm.s32 $0x11380  }
0xe1: {  	[tilespmem:s17], [sflag:$0x1] =	stream.indirect_vreg.gather [hbm4b:s15+s2], $0x80, v15, vm0, $0xb8;
	[tilespmem:$0x1EB80] =	vst v63  }
0xe2: {  	s31 =	simm.s32 $0x11B80  }
0xe3: {  	[tilespmem:s31], [sflag:$0x1] =	stream.indirect_vreg.gather [hbm4b:s7+s2], $0x80, v15, vm0, $0xb8;
	[tilespmem:$0x1EB80] =	vst v63  }
0xe4: {  	s18 =	simm.s32 $0x12380  }
0xe5: {  	[tilespmem:s18], [sflag:$0x1] =	stream.indirect_vreg.gather [hbm4b:s9+s2], $0x80, v15, vm0, $0xb8;
	[tilespmem:$0x1EB80] =	vst v63  }
0xe6: {  	v15 =	vld [tilespmem:$0xCAA0];
	_ =	sdelay $0x4  }
0xe7: {  	v23 =	vshrl.u32 v15, $0x3  }
0xe8: {  	v16 =	vmul.u32 $0x30, v23  }
0xe9: {  	v15 =	vand.u32 $0x7, v15  }
0xea: {  	v15 =	vor.u32 v15, v16  }
0xeb: {  	v16 =	vperm.xlane v15, v12;
	_ =	sdelay $0x1  }
0xec: {  	v16 =	vadd.s32 v13, v16;
	_ =	sdelay $0x3  }
0xed: {  	s10 =	simm.s32 $0x12B80;
	v15 =	vperm.xlane v15, v14  }
0xee: {  	[tilespmem:s10], [sflag:$0x1] =	stream.indirect_vreg.gather [hbm4b:s15+s2], $0x80, v16, vm0, $0xb8;
	[tilespmem:$0x1EB80] =	vst v63  }
0xef: {  	s29 =	simm.s32 $0x13380;
	v15 =	vadd.s32 v13, v15  }
0xf0: {  	[tilespmem:s29], [sflag:$0x1] =	stream.indirect_vreg.gather [hbm4b:s7+s2], $0x80, v16, vm0, $0xb8;
	[tilespmem:$0x1EB80] =	vst v63  }
0xf1: {  	s11 =	simm.s32 $0x13B80  }
0xf2: {  	[tilespmem:s11], [sflag:$0x1] =	stream.indirect_vreg.gather [hbm4b:s9+s2], $0x80, v16, vm0, $0xb8;
	[tilespmem:$0x1EB80] =	vst v63  }
0xf3: {  	s8 =	simm.s32 $0x14380  }
0xf4: {  	[tilespmem:s8], [sflag:$0x1] =	stream.indirect_vreg.gather [hbm4b:s15+s2], $0x80, v15, vm0, $0xb8;
	[tilespmem:$0x1EB80] =	vst v63  }
0xf5: {  	s4 =	simm.s32 $0x14B80  }
0xf6: {  	[tilespmem:s4], [sflag:$0x1] =	stream.indirect_vreg.gather [hbm4b:s7+s2], $0x80, v15, vm0, $0xb8;
	[tilespmem:$0x1EB80] =	vst v63  }
0xf7: {  	s3 =	simm.s32 $0x15380  }
0xf8: {  	[tilespmem:s3], [sflag:$0x1] =	stream.indirect_vreg.gather [hbm4b:s9+s2], $0x80, v15, vm0, $0xb8;
	[tilespmem:$0x1EB80] =	vst v63  }
0xf9: {  	s3 =	simm.s32 $0x2  }
0xfa: {  	_ =	swait.ge [sflag:s3], $0x9000  }
0xfb: {  	s8 =	sadd.s32 $0x90, s16;
	[sflag:s3] =	ssyncset.done $0x0  }
0xfc: {  	s4 =	simm.s32 $0x4;
	v15 =	vadd.s32 s8, v7;
	s10 =	rddreg [dreg:$0x7];
	[sflag:s3] =	ssyncadd.s32 $0xFFFF7000  }
0xfd: {  	[hbm4b:s10+s2] =	stream.linear.scatter [tilespmem:s6], [sflag:$0x4], $0x9000, $0x38;
	[tilespmem:$0x1EB80] =	vst v63  }
0xfe: {  	_ =	swait.ge [sflag:s4], $0x9000  }
0xff: {  	[sflag:s4] =	ssyncset.done $0x0  }
0x100: {  	[sflag:s4] =	ssyncadd.s32 $0xFFFF7000  }
0x101: {  	v15 =	vld.idx.msk [tilespmem:v15+s28+$0x0], $0xffff  }
0x102: {  	s11 =	sadd.s32 $0xA0, s16  }
0x103: {  	v24 =	vadd.s32 s11, v7;
	_ =	sdelay $0x2  }
0x104: {  	v25 =	vadd.s32 v3, v15  }
0x105: {  	[tilespmem:$0xCB00] =	vst v25  }
0x106: {  	v16 =	vld.idx.msk [tilespmem:v24+s28+$0x0], $0xffff  }
0x107: {  	s18 =	sadd.s32 $0xB0, s16  }
0x108: {  	v26 =	vadd.s32 s18, v7  }
0x109: {  	v17 =	vshrl.u32 v25, $0x3  }
0x10a: {  	v17 =	vmul.u32 $0x30, v17  }
0x10b: {  	v15 =	vand.u32 $0x7, v15;
	v16 =	vadd.s32 v3, v16  }
0x10c: {  	v15 =	vor.u32 v15, v17;
	[tilespmem:$0xCB10] =	vst v16  }
0x10d: {  	v17 =	vperm.xlane v15, v12;
	v16 =	vld.idx.msk [tilespmem:v26+s28+$0x0], $0xffff;
	_ =	sdelay $0x1  }
0x10e: {  	v17 =	vadd.s32 v13, v17;
	_ =	sdelay $0x2  }
0x10f: {  	v16 =	vadd.s32 v3, v16  }
0x110: {  	v15 =	vperm.xlane v15, v14;
	[tilespmem:$0xCB20] =	vst v16  }
0x111: {  	[tilespmem:s6], [sflag:$0x2] =	stream.indirect_vreg.gather [hbm4b:s15+s2], $0x80, v17, vm0, $0xb8;
	[tilespmem:$0x1EB80] =	vst v63  }
0x112: {  	s29 =	simm.s32 $0x16380;
	v15 =	vadd.s32 v13, v15  }
0x113: {  	[tilespmem:s29], [sflag:$0x2] =	stream.indirect_vreg.gather [hbm4b:s7+s2], $0x80, v17, vm0, $0xb8;
	[tilespmem:$0x1EB80] =	vst v63  }
0x114: {  	s8 =	simm.s32 $0x16B80  }
0x115: {  	[tilespmem:s8], [sflag:$0x2] =	stream.indirect_vreg.gather [hbm4b:s9+s2], $0x80, v17, vm0, $0xb8;
	[tilespmem:$0x1EB80] =	vst v63  }
0x116: {  	s10 =	simm.s32 $0x17380  }
0x117: {  	[tilespmem:s10], [sflag:$0x2] =	stream.indirect_vreg.gather [hbm4b:s15+s2], $0x80, v15, vm0, $0xb8;
	[tilespmem:$0x1EB80] =	vst v63  }
0x118: {  	s11 =	simm.s32 $0x17B80  }
0x119: {  	[tilespmem:s11], [sflag:$0x2] =	stream.indirect_vreg.gather [hbm4b:s7+s2], $0x80, v15, vm0, $0xb8;
	[tilespmem:$0x1EB80] =	vst v63  }
0x11a: {  	s29 =	simm.s32 $0x18380  }
0x11b: {  	[tilespmem:s29], [sflag:$0x2] =	stream.indirect_vreg.gather [hbm4b:s9+s2], $0x80, v15, vm0, $0xb8;
	[tilespmem:$0x1EB80] =	vst v63  }
0x11c: {  	v15 =	vld [tilespmem:$0xCB10];
	_ =	sdelay $0x4  }
0x11d: {  	v27 =	vshrl.u32 v15, $0x3  }
0x11e: {  	v16 =	vmul.u32 $0x30, v27  }
0x11f: {  	v15 =	vand.u32 $0x7, v15  }
0x120: {  	v15 =	vor.u32 v15, v16  }
0x121: {  	v16 =	vperm.xlane v15, v12;
	_ =	sdelay $0x1  }
0x122: {  	v16 =	vadd.s32 v13, v16;
	_ =	sdelay $0x3  }
0x123: {  	s29 =	simm.s32 $0x18B80;
	v15 =	vperm.xlane v15, v14  }
0x124: {  	[tilespmem:s29], [sflag:$0x2] =	stream.indirect_vreg.gather [hbm4b:s15+s2], $0x80, v16, vm0, $0xb8;
	[tilespmem:$0x1EB80] =	vst v63  }
0x125: {  	v15 =	vadd.s32 v13, v15;
	s29 =	simm.s32 $0x19380  }
0x126: {  	[tilespmem:s29], [sflag:$0x2] =	stream.indirect_vreg.gather [hbm4b:s7+s2], $0x80, v16, vm0, $0xb8;
	[tilespmem:$0x1EB80] =	vst v63  }
0x127: {  	s0 =	simm.s32 $0x19B80  }
0x128: {  	[tilespmem:s0], [sflag:$0x2] =	stream.indirect_vreg.gather [hbm4b:s9+s2], $0x80, v16, vm0, $0xb8;
	[tilespmem:$0x1EB80] =	vst v63  }
0x129: {  	s0 =	simm.s32 $0x1A380  }
0x12a: {  	[tilespmem:s0], [sflag:$0x2] =	stream.indirect_vreg.gather [hbm4b:s15+s2], $0x80, v15, vm0, $0xb8;
	[tilespmem:$0x1EB80] =	vst v63  }
0x12b: {  	s0 =	simm.s32 $0x1AB80  }
0x12c: {  	[tilespmem:s0], [sflag:$0x2] =	stream.indirect_vreg.gather [hbm4b:s7+s2], $0x80, v15, vm0, $0xb8;
	[tilespmem:$0x1EB80] =	vst v63  }
0x12d: {  	s0 =	simm.s32 $0x1B380  }
0x12e: {  	[tilespmem:s0], [sflag:$0x2] =	stream.indirect_vreg.gather [hbm4b:s9+s2], $0x80, v15, vm0, $0xb8;
	[tilespmem:$0x1EB80] =	vst v63  }
0x12f: {  	v15 =	vld [tilespmem:$0xCB20];
	_ =	sdelay $0x4  }
0x130: {  	v28 =	vshrl.u32 v15, $0x3  }
0x131: {  	v16 =	vmul.u32 $0x30, v28  }
0x132: {  	v15 =	vand.u32 $0x7, v15  }
0x133: {  	v15 =	vor.u32 v15, v16  }
0x134: {  	v16 =	vperm.xlane v15, v12;
	_ =	sdelay $0x1  }
0x135: {  	v16 =	vadd.s32 v13, v16;
	_ =	sdelay $0x3  }
0x136: {  	s0 =	simm.s32 $0x1BB80;
	v15 =	vperm.xlane v15, v14  }
0x137: {  	[tilespmem:s0], [sflag:$0x2] =	stream.indirect_vreg.gather [hbm4b:s15+s2], $0x80, v16, vm0, $0xb8;
	[tilespmem:$0x1EB80] =	vst v63  }
0x138: {  	v15 =	vadd.s32 v13, v15;
	s0 =	simm.s32 $0x1C380  }
0x139: {  	[tilespmem:s0], [sflag:$0x2] =	stream.indirect_vreg.gather [hbm4b:s7+s2], $0x80, v16, vm0, $0xb8;
	[tilespmem:$0x1EB80] =	vst v63  }
0x13a: {  	s0 =	simm.s32 $0x1CB80  }
0x13b: {  	[tilespmem:s0], [sflag:$0x2] =	stream.indirect_vreg.gather [hbm4b:s9+s2], $0x80, v16, vm0, $0xb8;
	[tilespmem:$0x1EB80] =	vst v63  }
0x13c: {  	s0 =	simm.s32 $0x1D380  }
0x13d: {  	[tilespmem:s0], [sflag:$0x2] =	stream.indirect_vreg.gather [hbm4b:s15+s2], $0x80, v15, vm0, $0xb8;
	[tilespmem:$0x1EB80] =	vst v63  }
0x13e: {  	s0 =	simm.s32 $0x1DB80  }
0x13f: {  	[tilespmem:s0], [sflag:$0x2] =	stream.indirect_vreg.gather [hbm4b:s7+s2], $0x80, v15, vm0, $0xb8;
	[tilespmem:$0x1EB80] =	vst v63  }
0x140: {  	s0 =	simm.s32 $0x1E380  }
0x141: {  	[tilespmem:s0], [sflag:$0x2] =	stream.indirect_vreg.gather [hbm4b:s9+s2], $0x80, v15, vm0, $0xb8;
	[tilespmem:$0x1EB80] =	vst v63  }
0x142: {  	_ =	swait.ge [sflag:s19], $0x9000  }
0x143: {  	s0 =	sadd.s32 $0xC0, s16;
	[sflag:s19] =	ssyncset.done $0x0  }
0x144: {  	v15 =	vadd.s32 s0, v7;
	s0 =	rddreg [dreg:$0x8];
	[sflag:s19] =	ssyncadd.s32 $0xFFFF7000  }
0x145: {  	[hbm4b:s0+s2] =	stream.linear.scatter [tilespmem:s5], [sflag:$0x3], $0x9000, $0x38;
	[tilespmem:$0x1EB80] =	vst v63  }
0x146: {  	_ =	swait.ge [sflag:s1], $0x9000  }
0x147: {  	[sflag:s1] =	ssyncset.done $0x0  }
0x148: {  	[sflag:s1] =	ssyncadd.s32 $0xFFFF7000  }
0x149: {  	v15 =	vld.idx.msk [tilespmem:v15+s28+$0x0], $0xffff  }
0x14a: {  	s0 =	sadd.s32 $0xD0, s16  }
0x14b: {  	v29 =	vadd.s32 s0, v7;
	_ =	sdelay $0x2  }
0x14c: {  	v30 =	vadd.s32 v3, v15  }
0x14d: {  	[tilespmem:$0xCA80] =	vst v30  }
0x14e: {  	v16 =	vld.idx.msk [tilespmem:v29+s28+$0x0], $0xffff  }
0x14f: {  	s0 =	sadd.s32 $0xE0, s16  }
0x150: {  	v31 =	vadd.s32 s0, v7  }
0x151: {  	v17 =	vshrl.u32 v30, $0x3  }
0x152: {  	v17 =	vmul.u32 $0x30, v17  }
0x153: {  	v15 =	vand.u32 $0x7, v15;
	v16 =	vadd.s32 v3, v16  }
0x154: {  	v15 =	vor.u32 v15, v17;
	[tilespmem:$0xCA90] =	vst v16  }
0x155: {  	v17 =	vperm.xlane v15, v12;
	v16 =	vld.idx.msk [tilespmem:v31+s28+$0x0], $0xffff;
	_ =	sdelay $0x1  }
0x156: {  	v17 =	vadd.s32 v13, v17;
	_ =	sdelay $0x2  }
0x157: {  	v16 =	vadd.s32 v3, v16  }
0x158: {  	v15 =	vperm.xlane v15, v14;
	[tilespmem:$0xCAA0] =	vst v16  }
0x159: {  	[tilespmem:s5], [sflag:$0x1] =	stream.indirect_vreg.gather [hbm4b:s15+s2], $0x80, v17, vm0, $0xb8;
	[tilespmem:$0x1EB80] =	vst v63  }
0x15a: {  	s20 =	simm.s32 $0xD380;
	v15 =	vadd.s32 v13, v15  }
0x15b: {  	[tilespmem:s20], [sflag:$0x1] =	stream.indirect_vreg.gather [hbm4b:s7+s2], $0x80, v17, vm0, $0xb8;
	[tilespmem:$0x1EB80] =	vst v63  }
0x15c: {  	s21 =	simm.s32 $0xDB80  }
0x15d: {  	[tilespmem:s21], [sflag:$0x1] =	stream.indirect_vreg.gather [hbm4b:s9+s2], $0x80, v17, vm0, $0xb8;
	[tilespmem:$0x1EB80] =	vst v63  }
0x15e: {  	s22 =	simm.s32 $0xE380  }
0x15f: {  	[tilespmem:s22], [sflag:$0x1] =	stream.indirect_vreg.gather [hbm4b:s15+s2], $0x80, v15, vm0, $0xb8;
	[tilespmem:$0x1EB80] =	vst v63  }
0x160: {  	s0 =	simm.s32 $0xEB80  }
0x161: {  	[tilespmem:s0], [sflag:$0x1] =	stream.indirect_vreg.gather [hbm4b:s7+s2], $0x80, v15, vm0, $0xb8;
	[tilespmem:$0x1EB80] =	vst v63  }
0x162: {  	s0 =	simm.s32 $0xF380  }
0x163: {  	[tilespmem:s0], [sflag:$0x1] =	stream.indirect_vreg.gather [hbm4b:s9+s2], $0x80, v15, vm0, $0xb8;
	[tilespmem:$0x1EB80] =	vst v63  }
0x164: {  	v15 =	vld [tilespmem:$0xCA90];
	_ =	sdelay $0x4  }
0x165: {  	v32 =	vshrl.u32 v15, $0x3  }
0x166: {  	v16 =	vmul.u32 $0x30, v32  }
0x167: {  	v15 =	vand.u32 $0x7, v15  }
0x168: {  	v15 =	vor.u32 v15, v16  }
0x169: {  	v16 =	vperm.xlane v15, v12;
	_ =	sdelay $0x1  }
0x16a: {  	v16 =	vadd.s32 v13, v16;
	_ =	sdelay $0x3  }
0x16b: {  	s0 =	simm.s32 $0xFB80;
	v15 =	vperm.xlane v15, v14  }
0x16c: {  	[tilespmem:s0], [sflag:$0x1] =	stream.indirect_vreg.gather [hbm4b:s15+s2], $0x80, v16, vm0, $0xb8;
	[tilespmem:$0x1EB80] =	vst v63  }
0x16d: {  	s30 =	simm.s32 $0x10380;
	v15 =	vadd.s32 v13, v15  }
0x16e: {  	[tilespmem:s30], [sflag:$0x1] =	stream.indirect_vreg.gather [hbm4b:s7+s2], $0x80, v16, vm0, $0xb8;
	[tilespmem:$0x1EB80] =	vst v63  }
0x16f: {  	s12 =	simm.s32 $0x10B80  }
0x170: {  	[tilespmem:s12], [sflag:$0x1] =	stream.indirect_vreg.gather [hbm4b:s9+s2], $0x80, v16, vm0, $0xb8;
	[tilespmem:$0x1EB80] =	vst v63  }
0x171: {  	s17 =	simm.s32 $0x11380  }
0x172: {  	[tilespmem:s17], [sflag:$0x1] =	stream.indirect_vreg.gather [hbm4b:s15+s2], $0x80, v15, vm0, $0xb8;
	[tilespmem:$0x1EB80] =	vst v63  }
0x173: {  	s0 =	simm.s32 $0x11B80  }
0x174: {  	[tilespmem:s0], [sflag:$0x1] =	stream.indirect_vreg.gather [hbm4b:s7+s2], $0x80, v15, vm0, $0xb8;
	[tilespmem:$0x1EB80] =	vst v63  }
0x175: {  	s31 =	simm.s32 $0x12380  }
0x176: {  	[tilespmem:s31], [sflag:$0x1] =	stream.indirect_vreg.gather [hbm4b:s9+s2], $0x80, v15, vm0, $0xb8;
	[tilespmem:$0x1EB80] =	vst v63  }
0x177: {  	v15 =	vld [tilespmem:$0xCAA0];
	_ =	sdelay $0x4  }
0x178: {  	v33 =	vshrl.u32 v15, $0x3  }
0x179: {  	v16 =	vmul.u32 $0x30, v33  }
0x17a: {  	v15 =	vand.u32 $0x7, v15  }
0x17b: {  	v15 =	vor.u32 v15, v16  }
0x17c: {  	v16 =	vperm.xlane v15, v12;
	_ =	sdelay $0x1  }
0x17d: {  	v16 =	vadd.s32 v13, v16;
	_ =	sdelay $0x3  }
0x17e: {  	s0 =	simm.s32 $0x12B80;
	v15 =	vperm.xlane v15, v14  }
0x17f: {  	[tilespmem:s0], [sflag:$0x1] =	stream.indirect_vreg.gather [hbm4b:s15+s2], $0x80, v16, vm0, $0xb8;
	[tilespmem:$0x1EB80] =	vst v63  }
0x180: {  	v15 =	vadd.s32 v13, v15;
	s0 =	simm.s32 $0x13380  }
0x181: {  	[tilespmem:s0], [sflag:$0x1] =	stream.indirect_vreg.gather [hbm4b:s7+s2], $0x80, v16, vm0, $0xb8;
	[tilespmem:$0x1EB80] =	vst v63  }
0x182: {  	s0 =	simm.s32 $0x13B80  }
0x183: {  	[tilespmem:s0], [sflag:$0x1] =	stream.indirect_vreg.gather [hbm4b:s9+s2], $0x80, v16, vm0, $0xb8;
	[tilespmem:$0x1EB80] =	vst v63  }
0x184: {  	s0 =	simm.s32 $0x14380  }
0x185: {  	[tilespmem:s0], [sflag:$0x1] =	stream.indirect_vreg.gather [hbm4b:s15+s2], $0x80, v15, vm0, $0xb8;
	[tilespmem:$0x1EB80] =	vst v63  }
0x186: {  	s0 =	simm.s32 $0x14B80  }
0x187: {  	[tilespmem:s0], [sflag:$0x1] =	stream.indirect_vreg.gather [hbm4b:s7+s2], $0x80, v15, vm0, $0xb8;
	[tilespmem:$0x1EB80] =	vst v63  }
0x188: {  	s0 =	simm.s32 $0x15380  }
0x189: {  	[tilespmem:s0], [sflag:$0x1] =	stream.indirect_vreg.gather [hbm4b:s9+s2], $0x80, v15, vm0, $0xb8;
	[tilespmem:$0x1EB80] =	vst v63  }
0x18a: {  	_ =	swait.ge [sflag:s3], $0x9000  }
0x18b: {  	s0 =	sadd.s32 $0xF0, s16;
	[sflag:s3] =	ssyncset.done $0x0  }
0x18c: {  	v15 =	vadd.s32 s0, v7;
	s0 =	rddreg [dreg:$0x9];
	[sflag:s3] =	ssyncadd.s32 $0xFFFF7000  }
0x18d: {  	[hbm4b:s0+s2] =	stream.linear.scatter [tilespmem:s6], [sflag:$0x4], $0x9000, $0x38;
	[tilespmem:$0x1EB80] =	vst v63  }
0x18e: {  	_ =	swait.ge [sflag:s4], $0x9000  }
0x18f: {  	[sflag:s4] =	ssyncset.done $0x0  }
0x190: {  	[sflag:s4] =	ssyncadd.s32 $0xFFFF7000  }
0x191: {  	v15 =	vld.idx.msk [tilespmem:v15+s28+$0x0], $0xffff  }
0x192: {  	s0 =	sadd.s32 $0x100, s16  }
0x193: {  	v34 =	vadd.s32 s0, v7;
	_ =	sdelay $0x2  }
0x194: {  	v35 =	vadd.s32 v3, v15  }
0x195: {  	[tilespmem:$0xCB00] =	vst v35  }
0x196: {  	v16 =	vld.idx.msk [tilespmem:v34+s28+$0x0], $0xffff  }
0x197: {  	s0 =	sadd.s32 $0x110, s16  }
0x198: {  	v36 =	vadd.s32 s0, v7  }
0x199: {  	v17 =	vshrl.u32 v35, $0x3  }
0x19a: {  	v17 =	vmul.u32 $0x30, v17  }
0x19b: {  	v15 =	vand.u32 $0x7, v15;
	v16 =	vadd.s32 v3, v16  }
0x19c: {  	v15 =	vor.u32 v15, v17;
	[tilespmem:$0xCB10] =	vst v16  }
0x19d: {  	v17 =	vperm.xlane v15, v12;
	v16 =	vld.idx.msk [tilespmem:v36+s28+$0x0], $0xffff;
	_ =	sdelay $0x1  }
0x19e: {  	v17 =	vadd.s32 v13, v17;
	_ =	sdelay $0x2  }
0x19f: {  	v16 =	vadd.s32 v3, v16  }
0x1a0: {  	v15 =	vperm.xlane v15, v14;
	[tilespmem:$0xCB20] =	vst v16  }
0x1a1: {  	[tilespmem:s6], [sflag:$0x2] =	stream.indirect_vreg.gather [hbm4b:s15+s2], $0x80, v17, vm0, $0xb8;
	[tilespmem:$0x1EB80] =	vst v63  }
0x1a2: {  	s18 =	simm.s32 $0x16380;
	v15 =	vadd.s32 v13, v15  }
0x1a3: {  	[tilespmem:s18], [sflag:$0x2] =	stream.indirect_vreg.gather [hbm4b:s7+s2], $0x80, v17, vm0, $0xb8;
	[tilespmem:$0x1EB80] =	vst v63  }
0x1a4: {  	s8 =	simm.s32 $0x16B80  }
0x1a5: {  	[tilespmem:s8], [sflag:$0x2] =	stream.indirect_vreg.gather [hbm4b:s9+s2], $0x80, v17, vm0, $0xb8;
	[tilespmem:$0x1EB80] =	vst v63  }
0x1a6: {  	s10 =	simm.s32 $0x17380  }
0x1a7: {  	[tilespmem:s10], [sflag:$0x2] =	stream.indirect_vreg.gather [hbm4b:s15+s2], $0x80, v15, vm0, $0xb8;
	[tilespmem:$0x1EB80] =	vst v63  }
0x1a8: {  	s11 =	simm.s32 $0x17B80  }
0x1a9: {  	[tilespmem:s11], [sflag:$0x2] =	stream.indirect_vreg.gather [hbm4b:s7+s2], $0x80, v15, vm0, $0xb8;
	[tilespmem:$0x1EB80] =	vst v63  }
0x1aa: {  	s8 =	simm.s32 $0x18380  }
0x1ab: {  	[tilespmem:s8], [sflag:$0x2] =	stream.indirect_vreg.gather [hbm4b:s9+s2], $0x80, v15, vm0, $0xb8;
	[tilespmem:$0x1EB80] =	vst v63  }
0x1ac: {  	v15 =	vld [tilespmem:$0xCB10];
	_ =	sdelay $0x4  }
0x1ad: {  	v37 =	vshrl.u32 v15, $0x3  }
0x1ae: {  	v16 =	vmul.u32 $0x30, v37  }
0x1af: {  	v15 =	vand.u32 $0x7, v15  }
0x1b0: {  	v15 =	vor.u32 v15, v16  }
0x1b1: {  	v16 =	vperm.xlane v15, v12;
	_ =	sdelay $0x1  }
0x1b2: {  	v16 =	vadd.s32 v13, v16;
	_ =	sdelay $0x3  }
0x1b3: {  	s8 =	simm.s32 $0x18B80;
	v15 =	vperm.xlane v15, v14  }
0x1b4: {  	[tilespmem:s8], [sflag:$0x2] =	stream.indirect_vreg.gather [hbm4b:s15+s2], $0x80, v16, vm0, $0xb8;
	[tilespmem:$0x1EB80] =	vst v63  }
0x1b5: {  	s29 =	simm.s32 $0x19380;
	v15 =	vadd.s32 v13, v15  }
0x1b6: {  	[tilespmem:s29], [sflag:$0x2] =	stream.indirect_vreg.gather [hbm4b:s7+s2], $0x80, v16, vm0, $0xb8;
	[tilespmem:$0x1EB80] =	vst v63  }
0x1b7: {  	s8 =	simm.s32 $0x19B80  }
0x1b8: {  	[tilespmem:s8], [sflag:$0x2] =	stream.indirect_vreg.gather [hbm4b:s9+s2], $0x80, v16, vm0, $0xb8;
	[tilespmem:$0x1EB80] =	vst v63  }
0x1b9: {  	s8 =	simm.s32 $0x1A380  }
0x1ba: {  	[tilespmem:s8], [sflag:$0x2] =	stream.indirect_vreg.gather [hbm4b:s15+s2], $0x80, v15, vm0, $0xb8;
	[tilespmem:$0x1EB80] =	vst v63  }
0x1bb: {  	s8 =	simm.s32 $0x1AB80  }
0x1bc: {  	[tilespmem:s8], [sflag:$0x2] =	stream.indirect_vreg.gather [hbm4b:s7+s2], $0x80, v15, vm0, $0xb8;
	[tilespmem:$0x1EB80] =	vst v63  }
0x1bd: {  	s8 =	simm.s32 $0x1B380  }
0x1be: {  	[tilespmem:s8], [sflag:$0x2] =	stream.indirect_vreg.gather [hbm4b:s9+s2], $0x80, v15, vm0, $0xb8;
	[tilespmem:$0x1EB80] =	vst v63  }
0x1bf: {  	v15 =	vld [tilespmem:$0xCB20];
	_ =	sdelay $0x4  }
0x1c0: {  	v38 =	vshrl.u32 v15, $0x3  }
0x1c1: {  	v16 =	vmul.u32 $0x30, v38  }
0x1c2: {  	v15 =	vand.u32 $0x7, v15  }
0x1c3: {  	v15 =	vor.u32 v15, v16  }
0x1c4: {  	v16 =	vperm.xlane v15, v12;
	_ =	sdelay $0x1  }
0x1c5: {  	v16 =	vadd.s32 v13, v16;
	_ =	sdelay $0x3  }
0x1c6: {  	s8 =	simm.s32 $0x1BB80;
	v15 =	vperm.xlane v15, v14  }
0x1c7: {  	[tilespmem:s8], [sflag:$0x2] =	stream.indirect_vreg.gather [hbm4b:s15+s2], $0x80, v16, vm0, $0xb8;
	[tilespmem:$0x1EB80] =	vst v63  }
0x1c8: {  	v15 =	vadd.s32 v13, v15;
	s8 =	simm.s32 $0x1C380  }
0x1c9: {  	[tilespmem:s8], [sflag:$0x2] =	stream.indirect_vreg.gather [hbm4b:s7+s2], $0x80, v16, vm0, $0xb8;
	[tilespmem:$0x1EB80] =	vst v63  }
0x1ca: {  	s8 =	simm.s32 $0x1CB80  }
0x1cb: {  	[tilespmem:s8], [sflag:$0x2] =	stream.indirect_vreg.gather [hbm4b:s9+s2], $0x80, v16, vm0, $0xb8;
	[tilespmem:$0x1EB80] =	vst v63  }
0x1cc: {  	s8 =	simm.s32 $0x1D380  }
0x1cd: {  	[tilespmem:s8], [sflag:$0x2] =	stream.indirect_vreg.gather [hbm4b:s15+s2], $0x80, v15, vm0, $0xb8;
	[tilespmem:$0x1EB80] =	vst v63  }
0x1ce: {  	s8 =	simm.s32 $0x1DB80  }
0x1cf: {  	[tilespmem:s8], [sflag:$0x2] =	stream.indirect_vreg.gather [hbm4b:s7+s2], $0x80, v15, vm0, $0xb8;
	[tilespmem:$0x1EB80] =	vst v63  }
0x1d0: {  	s8 =	simm.s32 $0x1E380  }
0x1d1: {  	[tilespmem:s8], [sflag:$0x2] =	stream.indirect_vreg.gather [hbm4b:s9+s2], $0x80, v15, vm0, $0xb8;
	[tilespmem:$0x1EB80] =	vst v63  }
0x1d2: {  	_ =	swait.ge [sflag:s19], $0x9000  }
0x1d3: {  	s8 =	sadd.s32 $0x120, s16;
	[sflag:s19] =	ssyncset.done $0x0  }
0x1d4: {  	v15 =	vadd.s32 s8, v7;
	s8 =	rddreg [dreg:$0xa];
	[sflag:s19] =	ssyncadd.s32 $0xFFFF7000  }
0x1d5: {  	[hbm4b:s8+s2] =	stream.linear.scatter [tilespmem:s5], [sflag:$0x3], $0x9000, $0x38;
	[tilespmem:$0x1EB80] =	vst v63  }
0x1d6: {  	_ =	swait.ge [sflag:s1], $0x9000  }
0x1d7: {  	[sflag:s1] =	ssyncset.done $0x0  }
0x1d8: {  	[sflag:s1] =	ssyncadd.s32 $0xFFFF7000  }
0x1d9: {  	v15 =	vld.idx.msk [tilespmem:v15+s28+$0x0], $0xffff  }
0x1da: {  	s8 =	sadd.s32 $0x130, s16  }
0x1db: {  	v39 =	vadd.s32 s8, v7;
	_ =	sdelay $0x2  }
0x1dc: {  	v40 =	vadd.s32 v3, v15  }
0x1dd: {  	[tilespmem:$0xCA80] =	vst v40  }
0x1de: {  	v16 =	vld.idx.msk [tilespmem:v39+s28+$0x0], $0xffff  }
0x1df: {  	s8 =	sadd.s32 $0x140, s16  }
0x1e0: {  	v41 =	vadd.s32 s8, v7  }
0x1e1: {  	v17 =	vshrl.u32 v40, $0x3  }
0x1e2: {  	v17 =	vmul.u32 $0x30, v17  }
0x1e3: {  	v15 =	vand.u32 $0x7, v15;
	v16 =	vadd.s32 v3, v16  }
0x1e4: {  	v15 =	vor.u32 v15, v17;
	[tilespmem:$0xCA90] =	vst v16  }
0x1e5: {  	v17 =	vperm.xlane v15, v12;
	v16 =	vld.idx.msk [tilespmem:v41+s28+$0x0], $0xffff;
	_ =	sdelay $0x1  }
0x1e6: {  	v17 =	vadd.s32 v13, v17;
	_ =	sdelay $0x2  }
0x1e7: {  	v16 =	vadd.s32 v3, v16  }
0x1e8: {  	v15 =	vperm.xlane v15, v14;
	[tilespmem:$0xCAA0] =	vst v16  }
0x1e9: {  	[tilespmem:s5], [sflag:$0x1] =	stream.indirect_vreg.gather [hbm4b:s15+s2], $0x80, v17, vm0, $0xb8;
	[tilespmem:$0x1EB80] =	vst v63  }
0x1ea: {  	s20 =	simm.s32 $0xD380;
	v15 =	vadd.s32 v13, v15  }
0x1eb: {  	[tilespmem:s20], [sflag:$0x1] =	stream.indirect_vreg.gather [hbm4b:s7+s2], $0x80, v17, vm0, $0xb8;
	[tilespmem:$0x1EB80] =	vst v63  }
0x1ec: {  	s21 =	simm.s32 $0xDB80  }
0x1ed: {  	[tilespmem:s21], [sflag:$0x1] =	stream.indirect_vreg.gather [hbm4b:s9+s2], $0x80, v17, vm0, $0xb8;
	[tilespmem:$0x1EB80] =	vst v63  }
0x1ee: {  	s22 =	simm.s32 $0xE380  }
0x1ef: {  	[tilespmem:s22], [sflag:$0x1] =	stream.indirect_vreg.gather [hbm4b:s15+s2], $0x80, v15, vm0, $0xb8;
	[tilespmem:$0x1EB80] =	vst v63  }
0x1f0: {  	s20 =	simm.s32 $0xEB80  }
0x1f1: {  	[tilespmem:s20], [sflag:$0x1] =	stream.indirect_vreg.gather [hbm4b:s7+s2], $0x80, v15, vm0, $0xb8;
	[tilespmem:$0x1EB80] =	vst v63  }
0x1f2: {  	s21 =	simm.s32 $0xF380  }
0x1f3: {  	[tilespmem:s21], [sflag:$0x1] =	stream.indirect_vreg.gather [hbm4b:s9+s2], $0x80, v15, vm0, $0xb8;
	[tilespmem:$0x1EB80] =	vst v63  }
0x1f4: {  	v15 =	vld [tilespmem:$0xCA90];
	_ =	sdelay $0x4  }
0x1f5: {  	v42 =	vshrl.u32 v15, $0x3  }
0x1f6: {  	v16 =	vmul.u32 $0x30, v42  }
0x1f7: {  	v15 =	vand.u32 $0x7, v15  }
0x1f8: {  	v15 =	vor.u32 v15, v16  }
0x1f9: {  	v16 =	vperm.xlane v15, v12;
	_ =	sdelay $0x1  }
0x1fa: {  	v16 =	vadd.s32 v13, v16;
	_ =	sdelay $0x3  }
0x1fb: {  	s22 =	simm.s32 $0xFB80;
	v15 =	vperm.xlane v15, v14  }
0x1fc: {  	[tilespmem:s22], [sflag:$0x1] =	stream.indirect_vreg.gather [hbm4b:s15+s2], $0x80, v16, vm0, $0xb8;
	[tilespmem:$0x1EB80] =	vst v63  }
0x1fd: {  	s30 =	simm.s32 $0x10380;
	v15 =	vadd.s32 v13, v15  }
0x1fe: {  	[tilespmem:s30], [sflag:$0x1] =	stream.indirect_vreg.gather [hbm4b:s7+s2], $0x80, v16, vm0, $0xb8;
	[tilespmem:$0x1EB80] =	vst v63  }
0x1ff: {  	s12 =	simm.s32 $0x10B80  }
0x200: {  	[tilespmem:s12], [sflag:$0x1] =	stream.indirect_vreg.gather [hbm4b:s9+s2], $0x80, v16, vm0, $0xb8;
	[tilespmem:$0x1EB80] =	vst v63  }
0x201: {  	s17 =	simm.s32 $0x11380  }
0x202: {  	[tilespmem:s17], [sflag:$0x1] =	stream.indirect_vreg.gather [hbm4b:s15+s2], $0x80, v15, vm0, $0xb8;
	[tilespmem:$0x1EB80] =	vst v63  }
0x203: {  	s8 =	simm.s32 $0x11B80  }
0x204: {  	[tilespmem:s8], [sflag:$0x1] =	stream.indirect_vreg.gather [hbm4b:s7+s2], $0x80, v15, vm0, $0xb8;
	[tilespmem:$0x1EB80] =	vst v63  }
0x205: {  	s31 =	simm.s32 $0x12380  }
0x206: {  	[tilespmem:s31], [sflag:$0x1] =	stream.indirect_vreg.gather [hbm4b:s9+s2], $0x80, v15, vm0, $0xb8;
	[tilespmem:$0x1EB80] =	vst v63  }
0x207: {  	v15 =	vld [tilespmem:$0xCAA0];
	_ =	sdelay $0x4  }
0x208: {  	v43 =	vshrl.u32 v15, $0x3  }
0x209: {  	v16 =	vmul.u32 $0x30, v43  }
0x20a: {  	v15 =	vand.u32 $0x7, v15  }
0x20b: {  	v15 =	vor.u32 v15, v16  }
0x20c: {  	v16 =	vperm.xlane v15, v12;
	_ =	sdelay $0x1  }
0x20d: {  	v16 =	vadd.s32 v13, v16;
	_ =	sdelay $0x3  }
0x20e: {  	s12 =	simm.s32 $0x12B80;
	v15 =	vperm.xlane v15, v14  }
0x20f: {  	[tilespmem:s12], [sflag:$0x1] =	stream.indirect_vreg.gather [hbm4b:s15+s2], $0x80, v16, vm0, $0xb8;
	[tilespmem:$0x1EB80] =	vst v63  }
0x210: {  	s17 =	simm.s32 $0x13380;
	v15 =	vadd.s32 v13, v15  }
0x211: {  	[tilespmem:s17], [sflag:$0x1] =	stream.indirect_vreg.gather [hbm4b:s7+s2], $0x80, v16, vm0, $0xb8;
	[tilespmem:$0x1EB80] =	vst v63  }
0x212: {  	s22 =	simm.s32 $0x13B80  }
0x213: {  	[tilespmem:s22], [sflag:$0x1] =	stream.indirect_vreg.gather [hbm4b:s9+s2], $0x80, v16, vm0, $0xb8;
	[tilespmem:$0x1EB80] =	vst v63  }
0x214: {  	s30 =	simm.s32 $0x14380  }
0x215: {  	[tilespmem:s30], [sflag:$0x1] =	stream.indirect_vreg.gather [hbm4b:s15+s2], $0x80, v15, vm0, $0xb8;
	[tilespmem:$0x1EB80] =	vst v63  }
0x216: {  	s31 =	simm.s32 $0x14B80  }
0x217: {  	[tilespmem:s31], [sflag:$0x1] =	stream.indirect_vreg.gather [hbm4b:s7+s2], $0x80, v15, vm0, $0xb8;
	[tilespmem:$0x1EB80] =	vst v63  }
0x218: {  	s8 =	simm.s32 $0x15380  }
0x219: {  	[tilespmem:s8], [sflag:$0x1] =	stream.indirect_vreg.gather [hbm4b:s9+s2], $0x80, v15, vm0, $0xb8;
	[tilespmem:$0x1EB80] =	vst v63  }
0x21a: {  	_ =	swait.ge [sflag:s3], $0x9000  }
0x21b: {  	s12 =	sadd.s32 $0x150, s16;
	[sflag:s3] =	ssyncset.done $0x0  }
0x21c: {  	v15 =	vadd.s32 s12, v7;
	s17 =	rddreg [dreg:$0xb];
	[sflag:s3] =	ssyncadd.s32 $0xFFFF7000  }
0x21d: {  	[hbm4b:s17+s2] =	stream.linear.scatter [tilespmem:s6], [sflag:$0x4], $0x9000, $0x38;
	[tilespmem:$0x1EB80] =	vst v63  }
0x21e: {  	_ =	swait.ge [sflag:s4], $0x9000  }
0x21f: {  	[sflag:s4] =	ssyncset.done $0x0  }
0x220: {  	[sflag:s4] =	ssyncadd.s32 $0xFFFF7000  }
0x221: {  	v15 =	vld.idx.msk [tilespmem:v15+s28+$0x0], $0xffff  }
0x222: {  	s22 =	sadd.s32 $0x160, s16  }
0x223: {  	v44 =	vadd.s32 s22, v7;
	_ =	sdelay $0x2  }
0x224: {  	v45 =	vadd.s32 v3, v15  }
0x225: {  	[tilespmem:$0xCB00] =	vst v45  }
0x226: {  	v16 =	vld.idx.msk [tilespmem:v44+s28+$0x0], $0xffff  }
0x227: {  	s30 =	sadd.s32 $0x170, s16  }
0x228: {  	v46 =	vadd.s32 s30, v7  }
0x229: {  	v17 =	vshrl.u32 v45, $0x3  }
0x22a: {  	v17 =	vmul.u32 $0x30, v17  }
0x22b: {  	v15 =	vand.u32 $0x7, v15;
	v16 =	vadd.s32 v3, v16  }
0x22c: {  	v15 =	vor.u32 v15, v17;
	[tilespmem:$0xCB10] =	vst v16  }
0x22d: {  	v17 =	vperm.xlane v15, v12;
	v16 =	vld.idx.msk [tilespmem:v46+s28+$0x0], $0xffff;
	_ =	sdelay $0x1  }
0x22e: {  	v17 =	vadd.s32 v13, v17;
	_ =	sdelay $0x2  }
0x22f: {  	v16 =	vadd.s32 v3, v16  }
0x230: {  	v15 =	vperm.xlane v15, v14;
	[tilespmem:$0xCB20] =	vst v16  }
0x231: {  	[tilespmem:s6], [sflag:$0x2] =	stream.indirect_vreg.gather [hbm4b:s15+s2], $0x80, v17, vm0, $0xb8;
	[tilespmem:$0x1EB80] =	vst v63  }
0x232: {  	s18 =	simm.s32 $0x16380;
	v15 =	vadd.s32 v13, v15  }
0x233: {  	[tilespmem:s18], [sflag:$0x2] =	stream.indirect_vreg.gather [hbm4b:s7+s2], $0x80, v17, vm0, $0xb8;
	[tilespmem:$0x1EB80] =	vst v63  }
0x234: {  	s8 =	simm.s32 $0x16B80  }
0x235: {  	[tilespmem:s8], [sflag:$0x2] =	stream.indirect_vreg.gather [hbm4b:s9+s2], $0x80, v17, vm0, $0xb8;
	[tilespmem:$0x1EB80] =	vst v63  }
0x236: {  	s10 =	simm.s32 $0x17380  }
0x237: {  	[tilespmem:s10], [sflag:$0x2] =	stream.indirect_vreg.gather [hbm4b:s15+s2], $0x80, v15, vm0, $0xb8;
	[tilespmem:$0x1EB80] =	vst v63  }
0x238: {  	s11 =	simm.s32 $0x17B80  }
0x239: {  	[tilespmem:s11], [sflag:$0x2] =	stream.indirect_vreg.gather [hbm4b:s7+s2], $0x80, v15, vm0, $0xb8;
	[tilespmem:$0x1EB80] =	vst v63  }
0x23a: {  	s11 =	simm.s32 $0x18380  }
0x23b: {  	[tilespmem:s11], [sflag:$0x2] =	stream.indirect_vreg.gather [hbm4b:s9+s2], $0x80, v15, vm0, $0xb8;
	[tilespmem:$0x1EB80] =	vst v63  }
0x23c: {  	v15 =	vld [tilespmem:$0xCB10];
	_ =	sdelay $0x4  }
0x23d: {  	v47 =	vshrl.u32 v15, $0x3  }
0x23e: {  	v16 =	vmul.u32 $0x30, v47  }
0x23f: {  	v15 =	vand.u32 $0x7, v15  }
0x240: {  	v15 =	vor.u32 v15, v16  }
0x241: {  	v16 =	vperm.xlane v15, v12;
	_ =	sdelay $0x1  }
0x242: {  	v16 =	vadd.s32 v13, v16;
	_ =	sdelay $0x3  }
0x243: {  	s12 =	simm.s32 $0x18B80;
	v15 =	vperm.xlane v15, v14  }
0x244: {  	[tilespmem:s12], [sflag:$0x2] =	stream.indirect_vreg.gather [hbm4b:s15+s2], $0x80, v16, vm0, $0xb8;
	[tilespmem:$0x1EB80] =	vst v63  }
0x245: {  	s29 =	simm.s32 $0x19380;
	v15 =	vadd.s32 v13, v15  }
0x246: {  	[tilespmem:s29], [sflag:$0x2] =	stream.indirect_vreg.gather [hbm4b:s7+s2], $0x80, v16, vm0, $0xb8;
	[tilespmem:$0x1EB80] =	vst v63  }
0x247: {  	s17 =	simm.s32 $0x19B80  }
0x248: {  	[tilespmem:s17], [sflag:$0x2] =	stream.indirect_vreg.gather [hbm4b:s9+s2], $0x80, v16, vm0, $0xb8;
	[tilespmem:$0x1EB80] =	vst v63  }
0x249: {  	s18 =	simm.s32 $0x1A380  }
0x24a: {  	[tilespmem:s18], [sflag:$0x2] =	stream.indirect_vreg.gather [hbm4b:s15+s2], $0x80, v15, vm0, $0xb8;
	[tilespmem:$0x1EB80] =	vst v63  }
0x24b: {  	s22 =	simm.s32 $0x1AB80  }
0x24c: {  	[tilespmem:s22], [sflag:$0x2] =	stream.indirect_vreg.gather [hbm4b:s7+s2], $0x80, v15, vm0, $0xb8;
	[tilespmem:$0x1EB80] =	vst v63  }
0x24d: {  	s29 =	simm.s32 $0x1B380  }
0x24e: {  	[tilespmem:s29], [sflag:$0x2] =	stream.indirect_vreg.gather [hbm4b:s9+s2], $0x80, v15, vm0, $0xb8;
	[tilespmem:$0x1EB80] =	vst v63  }
0x24f: {  	v15 =	vld [tilespmem:$0xCB20];
	_ =	sdelay $0x4  }
0x250: {  	v48 =	vshrl.u32 v15, $0x3  }
0x251: {  	v16 =	vmul.u32 $0x30, v48  }
0x252: {  	v15 =	vand.u32 $0x7, v15  }
0x253: {  	v15 =	vor.u32 v15, v16  }
0x254: {  	v16 =	vperm.xlane v15, v12;
	_ =	sdelay $0x1  }
0x255: {  	v16 =	vadd.s32 v13, v16;
	_ =	sdelay $0x3  }
0x256: {  	s30 =	simm.s32 $0x1BB80;
	v15 =	vperm.xlane v15, v14  }
0x257: {  	[tilespmem:s30], [sflag:$0x2] =	stream.indirect_vreg.gather [hbm4b:s15+s2], $0x80, v16, vm0, $0xb8;
	[tilespmem:$0x1EB80] =	vst v63  }
0x258: {  	s8 =	simm.s32 $0x1C380;
	v15 =	vadd.s32 v13, v15  }
0x259: {  	[tilespmem:s8], [sflag:$0x2] =	stream.indirect_vreg.gather [hbm4b:s7+s2], $0x80, v16, vm0, $0xb8;
	[tilespmem:$0x1EB80] =	vst v63  }
0x25a: {  	s10 =	simm.s32 $0x1CB80  }
0x25b: {  	[tilespmem:s10], [sflag:$0x2] =	stream.indirect_vreg.gather [hbm4b:s9+s2], $0x80, v16, vm0, $0xb8;
	[tilespmem:$0x1EB80] =	vst v63  }
0x25c: {  	s11 =	simm.s32 $0x1D380  }
0x25d: {  	[tilespmem:s11], [sflag:$0x2] =	stream.indirect_vreg.gather [hbm4b:s15+s2], $0x80, v15, vm0, $0xb8;
	[tilespmem:$0x1EB80] =	vst v63  }
0x25e: {  	s12 =	simm.s32 $0x1DB80  }
0x25f: {  	[tilespmem:s12], [sflag:$0x2] =	stream.indirect_vreg.gather [hbm4b:s7+s2], $0x80, v15, vm0, $0xb8;
	[tilespmem:$0x1EB80] =	vst v63  }
0x260: {  	s17 =	simm.s32 $0x1E380  }
0x261: {  	[tilespmem:s17], [sflag:$0x2] =	stream.indirect_vreg.gather [hbm4b:s9+s2], $0x80, v15, vm0, $0xb8;
	[tilespmem:$0x1EB80] =	vst v63  }
0x262: {  	_ =	swait.ge [sflag:s19], $0x9000  }
0x263: {  	s18 =	sadd.s32 $0x180, s16;
	[sflag:s19] =	ssyncset.done $0x0  }
0x264: {  	v15 =	vadd.s32 s18, v7;
	s22 =	rddreg [dreg:$0xc];
	[sflag:s19] =	ssyncadd.s32 $0xFFFF7000  }
0x265: {  	[hbm4b:s22+s2] =	stream.linear.scatter [tilespmem:s5], [sflag:$0x3], $0x9000, $0x38;
	[tilespmem:$0x1EB80] =	vst v63  }
0x266: {  	_ =	swait.ge [sflag:s1], $0x9000  }
0x267: {  	[sflag:s1] =	ssyncset.done $0x0  }
0x268: {  	[sflag:s1] =	ssyncadd.s32 $0xFFFF7000  }
0x269: {  	v15 =	vld.idx.msk [tilespmem:v15+s28+$0x0], $0xffff  }
0x26a: {  	s29 =	sadd.s32 $0x190, s16  }
0x26b: {  	v49 =	vadd.s32 s29, v7;
	_ =	sdelay $0x2  }
0x26c: {  	v50 =	vadd.s32 v3, v15  }
0x26d: {  	[tilespmem:$0xCA80] =	vst v50  }
0x26e: {  	v16 =	vld.idx.msk [tilespmem:v49+s28+$0x0], $0xffff  }
0x26f: {  	s30 =	sadd.s32 $0x1A0, s16  }
0x270: {  	v51 =	vadd.s32 s30, v7  }
0x271: {  	v17 =	vshrl.u32 v50, $0x3  }
0x272: {  	v17 =	vmul.u32 $0x30, v17  }
0x273: {  	v15 =	vand.u32 $0x7, v15;
	v16 =	vadd.s32 v3, v16  }
0x274: {  	v15 =	vor.u32 v15, v17;
	[tilespmem:$0xCA90] =	vst v16  }
0x275: {  	v17 =	vperm.xlane v15, v12;
	v16 =	vld.idx.msk [tilespmem:v51+s28+$0x0], $0xffff;
	_ =	sdelay $0x1  }
0x276: {  	v17 =	vadd.s32 v13, v17;
	_ =	sdelay $0x2  }
0x277: {  	v16 =	vadd.s32 v3, v16  }
0x278: {  	v15 =	vperm.xlane v15, v14;
	[tilespmem:$0xCAA0] =	vst v16  }
0x279: {  	[tilespmem:s5], [sflag:$0x1] =	stream.indirect_vreg.gather [hbm4b:s15+s2], $0x80, v17, vm0, $0xb8;
	[tilespmem:$0x1EB80] =	vst v63  }
0x27a: {  	s8 =	simm.s32 $0xD380;
	v15 =	vadd.s32 v13, v15  }
0x27b: {  	[tilespmem:s8], [sflag:$0x1] =	stream.indirect_vreg.gather [hbm4b:s7+s2], $0x80, v17, vm0, $0xb8;
	[tilespmem:$0x1EB80] =	vst v63  }
0x27c: {  	s10 =	simm.s32 $0xDB80  }
0x27d: {  	[tilespmem:s10], [sflag:$0x1] =	stream.indirect_vreg.gather [hbm4b:s9+s2], $0x80, v17, vm0, $0xb8;
	[tilespmem:$0x1EB80] =	vst v63  }
0x27e: {  	s11 =	simm.s32 $0xE380  }
0x27f: {  	[tilespmem:s11], [sflag:$0x1] =	stream.indirect_vreg.gather [hbm4b:s15+s2], $0x80, v15, vm0, $0xb8;
	[tilespmem:$0x1EB80] =	vst v63  }
0x280: {  	s12 =	simm.s32 $0xEB80  }
0x281: {  	[tilespmem:s12], [sflag:$0x1] =	stream.indirect_vreg.gather [hbm4b:s7+s2], $0x80, v15, vm0, $0xb8;
	[tilespmem:$0x1EB80] =	vst v63  }
0x282: {  	s20 =	simm.s32 $0xF380  }
0x283: {  	[tilespmem:s20], [sflag:$0x1] =	stream.indirect_vreg.gather [hbm4b:s9+s2], $0x80, v15, vm0, $0xb8;
	[tilespmem:$0x1EB80] =	vst v63  }
0x284: {  	v15 =	vld [tilespmem:$0xCA90];
	_ =	sdelay $0x4  }
0x285: {  	v52 =	vshrl.u32 v15, $0x3  }
0x286: {  	v16 =	vmul.u32 $0x30, v52  }
0x287: {  	v15 =	vand.u32 $0x7, v15  }
0x288: {  	v15 =	vor.u32 v15, v16  }
0x289: {  	v16 =	vperm.xlane v15, v12;
	_ =	sdelay $0x1  }
0x28a: {  	v16 =	vadd.s32 v13, v16;
	_ =	sdelay $0x3  }
0x28b: {  	s21 =	simm.s32 $0xFB80;
	v15 =	vperm.xlane v15, v14  }
0x28c: {  	[tilespmem:s21], [sflag:$0x1] =	stream.indirect_vreg.gather [hbm4b:s15+s2], $0x80, v16, vm0, $0xb8;
	[tilespmem:$0x1EB80] =	vst v63  }
0x28d: {  	s17 =	simm.s32 $0x10380;
	v15 =	vadd.s32 v13, v15  }
0x28e: {  	[tilespmem:s17], [sflag:$0x1] =	stream.indirect_vreg.gather [hbm4b:s7+s2], $0x80, v16, vm0, $0xb8;
	[tilespmem:$0x1EB80] =	vst v63  }
0x28f: {  	s18 =	simm.s32 $0x10B80  }
0x290: {  	[tilespmem:s18], [sflag:$0x1] =	stream.indirect_vreg.gather [hbm4b:s9+s2], $0x80, v16, vm0, $0xb8;
	[tilespmem:$0x1EB80] =	vst v63  }
0x291: {  	s20 =	simm.s32 $0x11380  }
0x292: {  	[tilespmem:s20], [sflag:$0x1] =	stream.indirect_vreg.gather [hbm4b:s15+s2], $0x80, v15, vm0, $0xb8;
	[tilespmem:$0x1EB80] =	vst v63  }
0x293: {  	s21 =	simm.s32 $0x11B80  }
0x294: {  	[tilespmem:s21], [sflag:$0x1] =	stream.indirect_vreg.gather [hbm4b:s7+s2], $0x80, v15, vm0, $0xb8;
	[tilespmem:$0x1EB80] =	vst v63  }
0x295: {  	s30 =	simm.s32 $0x12380  }
0x296: {  	[tilespmem:s30], [sflag:$0x1] =	stream.indirect_vreg.gather [hbm4b:s9+s2], $0x80, v15, vm0, $0xb8;
	[tilespmem:$0x1EB80] =	vst v63  }
0x297: {  	v15 =	vld [tilespmem:$0xCAA0];
	_ =	sdelay $0x4  }
0x298: {  	v53 =	vshrl.u32 v15, $0x3  }
0x299: {  	v16 =	vmul.u32 $0x30, v53  }
0x29a: {  	v15 =	vand.u32 $0x7, v15  }
0x29b: {  	v15 =	vor.u32 v15, v16  }
0x29c: {  	v16 =	vperm.xlane v15, v12;
	_ =	sdelay $0x1  }
0x29d: {  	v16 =	vadd.s32 v13, v16;
	_ =	sdelay $0x3  }
0x29e: {  	s0 =	simm.s32 $0x12B80;
	v15 =	vperm.xlane v15, v14  }
0x29f: {  	[tilespmem:s0], [sflag:$0x1] =	stream.indirect_vreg.gather [hbm4b:s15+s2], $0x80, v16, vm0, $0xb8;
	[tilespmem:$0x1EB80] =	vst v63  }
0x2a0: {  	v15 =	vadd.s32 v13, v15;
	s0 =	simm.s32 $0x13380  }
0x2a1: {  	[tilespmem:s0], [sflag:$0x1] =	stream.indirect_vreg.gather [hbm4b:s7+s2], $0x80, v16, vm0, $0xb8;
	[tilespmem:$0x1EB80] =	vst v63  }
0x2a2: {  	s0 =	simm.s32 $0x13B80  }
0x2a3: {  	[tilespmem:s0], [sflag:$0x1] =	stream.indirect_vreg.gather [hbm4b:s9+s2], $0x80, v16, vm0, $0xb8;
	[tilespmem:$0x1EB80] =	vst v63  }
0x2a4: {  	s0 =	simm.s32 $0x14380  }
0x2a5: {  	[tilespmem:s0], [sflag:$0x1] =	stream.indirect_vreg.gather [hbm4b:s15+s2], $0x80, v15, vm0, $0xb8;
	[tilespmem:$0x1EB80] =	vst v63  }
0x2a6: {  	s0 =	simm.s32 $0x14B80  }
0x2a7: {  	[tilespmem:s0], [sflag:$0x1] =	stream.indirect_vreg.gather [hbm4b:s7+s2], $0x80, v15, vm0, $0xb8;
	[tilespmem:$0x1EB80] =	vst v63  }
0x2a8: {  	s31 =	simm.s32 $0x15380  }
0x2a9: {  	[tilespmem:s31], [sflag:$0x1] =	stream.indirect_vreg.gather [hbm4b:s9+s2], $0x80, v15, vm0, $0xb8;
	[tilespmem:$0x1EB80] =	vst v63  }
0x2aa: {  	_ =	swait.ge [sflag:s3], $0x9000  }
0x2ab: {  	s31 =	sadd.s32 $0x1B0, s16;
	[sflag:s3] =	ssyncset.done $0x0  }
0x2ac: {  	v15 =	vadd.s32 s31, v7;
	s31 =	rddreg [dreg:$0xd];
	[sflag:s3] =	ssyncadd.s32 $0xFFFF7000  }
0x2ad: {  	[hbm4b:s31+s2] =	stream.linear.scatter [tilespmem:s6], [sflag:$0x4], $0x9000, $0x38;
	[tilespmem:$0x1EB80] =	vst v63  }
0x2ae: {  	_ =	swait.ge [sflag:s4], $0x9000  }
0x2af: {  	[sflag:s4] =	ssyncset.done $0x0  }
0x2b0: {  	[sflag:s4] =	ssyncadd.s32 $0xFFFF7000  }
0x2b1: {  	v15 =	vld.idx.msk [tilespmem:v15+s28+$0x0], $0xffff  }
0x2b2: {  	s31 =	sadd.s32 $0x1C0, s16  }
0x2b3: {  	v54 =	vadd.s32 s31, v7;
	_ =	sdelay $0x2  }
0x2b4: {  	v55 =	vadd.s32 v3, v15  }
0x2b5: {  	[tilespmem:$0xCB00] =	vst v55  }
0x2b6: {  	v16 =	vld.idx.msk [tilespmem:v54+s28+$0x0], $0xffff  }
0x2b7: {  	s31 =	sadd.s32 $0x1D0, s16  }
0x2b8: {  	v56 =	vadd.s32 s31, v7  }
0x2b9: {  	v17 =	vshrl.u32 v55, $0x3  }
0x2ba: {  	v17 =	vmul.u32 $0x30, v17  }
0x2bb: {  	v15 =	vand.u32 $0x7, v15;
	v16 =	vadd.s32 v3, v16  }
0x2bc: {  	v15 =	vor.u32 v15, v17;
	[tilespmem:$0xCB10] =	vst v16  }
0x2bd: {  	v17 =	vperm.xlane v15, v12;
	v16 =	vld.idx.msk [tilespmem:v56+s28+$0x0], $0xffff;
	_ =	sdelay $0x1  }
0x2be: {  	v17 =	vadd.s32 v13, v17;
	_ =	sdelay $0x2  }
0x2bf: {  	v16 =	vadd.s32 v3, v16  }
0x2c0: {  	v15 =	vperm.xlane v15, v14;
	[tilespmem:$0xCB20] =	vst v16  }
0x2c1: {  	[tilespmem:s6], [sflag:$0x2] =	stream.indirect_vreg.gather [hbm4b:s15+s2], $0x80, v17, vm0, $0xb8;
	[tilespmem:$0x1EB80] =	vst v63  }
0x2c2: {  	s31 =	simm.s32 $0x16380;
	v15 =	vadd.s32 v13, v15  }
0x2c3: {  	[tilespmem:s31], [sflag:$0x2] =	stream.indirect_vreg.gather [hbm4b:s7+s2], $0x80, v17, vm0, $0xb8;
	[tilespmem:$0x1EB80] =	vst v63  }
0x2c4: {  	s31 =	simm.s32 $0x16B80  }
0x2c5: {  	[tilespmem:s31], [sflag:$0x2] =	stream.indirect_vreg.gather [hbm4b:s9+s2], $0x80, v17, vm0, $0xb8;
	[tilespmem:$0x1EB80] =	vst v63  }
0x2c6: {  	s31 =	simm.s32 $0x17380  }
0x2c7: {  	[tilespmem:s31], [sflag:$0x2] =	stream.indirect_vreg.gather [hbm4b:s15+s2], $0x80, v15, vm0, $0xb8;
	[tilespmem:$0x1EB80] =	vst v63  }
0x2c8: {  	s31 =	simm.s32 $0x17B80  }
0x2c9: {  	[tilespmem:s31], [sflag:$0x2] =	stream.indirect_vreg.gather [hbm4b:s7+s2], $0x80, v15, vm0, $0xb8;
	[tilespmem:$0x1EB80] =	vst v63  }
0x2ca: {  	s31 =	simm.s32 $0x18380  }
0x2cb: {  	[tilespmem:s31], [sflag:$0x2] =	stream.indirect_vreg.gather [hbm4b:s9+s2], $0x80, v15, vm0, $0xb8;
	[tilespmem:$0x1EB80] =	vst v63  }
0x2cc: {  	v15 =	vld [tilespmem:$0xCB10];
	_ =	sdelay $0x4  }
0x2cd: {  	v57 =	vshrl.u32 v15, $0x3  }
0x2ce: {  	v16 =	vmul.u32 $0x30, v57  }
0x2cf: {  	v15 =	vand.u32 $0x7, v15  }
0x2d0: {  	v15 =	vor.u32 v15, v16  }
0x2d1: {  	v16 =	vperm.xlane v15, v12;
	_ =	sdelay $0x1  }
0x2d2: {  	v16 =	vadd.s32 v13, v16;
	_ =	sdelay $0x3  }
0x2d3: {  	s31 =	simm.s32 $0x18B80;
	v15 =	vperm.xlane v15, v14  }
0x2d4: {  	[tilespmem:s31], [sflag:$0x2] =	stream.indirect_vreg.gather [hbm4b:s15+s2], $0x80, v16, vm0, $0xb8;
	[tilespmem:$0x1EB80] =	vst v63  }
0x2d5: {  	v15 =	vadd.s32 v13, v15;
	s31 =	simm.s32 $0x19380  }
0x2d6: {  	[tilespmem:s31], [sflag:$0x2] =	stream.indirect_vreg.gather [hbm4b:s7+s2], $0x80, v16, vm0, $0xb8;
	[tilespmem:$0x1EB80] =	vst v63  }
0x2d7: {  	s31 =	simm.s32 $0x19B80  }
0x2d8: {  	[tilespmem:s31], [sflag:$0x2] =	stream.indirect_vreg.gather [hbm4b:s9+s2], $0x80, v16, vm0, $0xb8;
	[tilespmem:$0x1EB80] =	vst v63  }
0x2d9: {  	s31 =	simm.s32 $0x1A380  }
0x2da: {  	[tilespmem:s31], [sflag:$0x2] =	stream.indirect_vreg.gather [hbm4b:s15+s2], $0x80, v15, vm0, $0xb8;
	[tilespmem:$0x1EB80] =	vst v63  }
0x2db: {  	s31 =	simm.s32 $0x1AB80  }
0x2dc: {  	[tilespmem:s31], [sflag:$0x2] =	stream.indirect_vreg.gather [hbm4b:s7+s2], $0x80, v15, vm0, $0xb8;
	[tilespmem:$0x1EB80] =	vst v63  }
0x2dd: {  	s31 =	simm.s32 $0x1B380  }
0x2de: {  	[tilespmem:s31], [sflag:$0x2] =	stream.indirect_vreg.gather [hbm4b:s9+s2], $0x80, v15, vm0, $0xb8;
	[tilespmem:$0x1EB80] =	vst v63  }
0x2df: {  	v15 =	vld [tilespmem:$0xCB20];
	_ =	sdelay $0x4  }
0x2e0: {  	v58 =	vshrl.u32 v15, $0x3  }
0x2e1: {  	v16 =	vmul.u32 $0x30, v58  }
0x2e2: {  	v15 =	vand.u32 $0x7, v15  }
0x2e3: {  	v15 =	vor.u32 v15, v16  }
0x2e4: {  	v16 =	vperm.xlane v15, v12;
	_ =	sdelay $0x1  }
0x2e5: {  	v16 =	vadd.s32 v13, v16;
	_ =	sdelay $0x3  }
0x2e6: {  	s31 =	simm.s32 $0x1BB80;
	v15 =	vperm.xlane v15, v14  }
0x2e7: {  	[tilespmem:s31], [sflag:$0x2] =	stream.indirect_vreg.gather [hbm4b:s15+s2], $0x80, v16, vm0, $0xb8;
	[tilespmem:$0x1EB80] =	vst v63  }
0x2e8: {  	v15 =	vadd.s32 v13, v15;
	s31 =	simm.s32 $0x1C380  }
0x2e9: {  	[tilespmem:s31], [sflag:$0x2] =	stream.indirect_vreg.gather [hbm4b:s7+s2], $0x80, v16, vm0, $0xb8;
	[tilespmem:$0x1EB80] =	vst v63  }
0x2ea: {  	s31 =	simm.s32 $0x1CB80  }
0x2eb: {  	[tilespmem:s31], [sflag:$0x2] =	stream.indirect_vreg.gather [hbm4b:s9+s2], $0x80, v16, vm0, $0xb8;
	[tilespmem:$0x1EB80] =	vst v63  }
0x2ec: {  	s31 =	simm.s32 $0x1D380  }
0x2ed: {  	[tilespmem:s31], [sflag:$0x2] =	stream.indirect_vreg.gather [hbm4b:s15+s2], $0x80, v15, vm0, $0xb8;
	[tilespmem:$0x1EB80] =	vst v63  }
0x2ee: {  	s31 =	simm.s32 $0x1DB80  }
0x2ef: {  	[tilespmem:s31], [sflag:$0x2] =	stream.indirect_vreg.gather [hbm4b:s7+s2], $0x80, v15, vm0, $0xb8;
	[tilespmem:$0x1EB80] =	vst v63  }
0x2f0: {  	s31 =	simm.s32 $0x1E380  }
0x2f1: {  	[tilespmem:s31], [sflag:$0x2] =	stream.indirect_vreg.gather [hbm4b:s9+s2], $0x80, v15, vm0, $0xb8;
	[tilespmem:$0x1EB80] =	vst v63  }
0x2f2: {  	_ =	swait.ge [sflag:s19], $0x9000  }
0x2f3: {  	s31 =	sadd.s32 $0x1E0, s16;
	[sflag:s19] =	ssyncset.done $0x0  }
0x2f4: {  	v15 =	vadd.s32 s31, v7;
	s31 =	rddreg [dreg:$0xe];
	[sflag:s19] =	ssyncadd.s32 $0xFFFF7000  }
0x2f5: {  	[hbm4b:s31+s2] =	stream.linear.scatter [tilespmem:s5], [sflag:$0x3], $0x9000, $0x38;
	[tilespmem:$0x1EB80] =	vst v63  }
0x2f6: {  	_ =	swait.ge [sflag:s1], $0x9000  }
0x2f7: {  	[sflag:s1] =	ssyncset.done $0x0  }
0x2f8: {  	[sflag:s1] =	ssyncadd.s32 $0xFFFF7000  }
0x2f9: {  	v15 =	vld.idx.msk [tilespmem:v15+s28+$0x0], $0xffff;
	_ =	sdelay $0x3  }
0x2fa: {  	s16 =	sadd.s32 $0x1F0, s16  }
0x2fb: {  	v59 =	vadd.s32 s16, v7;
	v60 =	vadd.s32 v3, v15  }
0x2fc: {  	v61 =	vshrl.u32 v60, $0x3  }
0x2fd: {  	v18 =	vmul.u32 $0x30, v61  }
0x2fe: {  	v15 =	vand.u32 $0x7, v15  }
0x2ff: {  	[tilespmem:$0xCA80] =	vst v60;
	v15 =	vor.u32 v15, v18  }
0x300: {  	v16 =	vld.idx.msk [tilespmem:v59+s28+$0x0], $0xffff;
	v62 =	vperm.xlane v15, v12;
	_ =	sdelay $0x1  }
0x301: {  	v17 =	vadd.s32 v13, v62;
	_ =	sdelay $0x2  }
0x302: {  	v16 =	vadd.s32 v3, v16  }
0x303: {  	v15 =	vperm.xlane v15, v14;
	[tilespmem:$0xCA90] =	vst v16  }
0x304: {  	[tilespmem:s5], [sflag:$0x1] =	stream.indirect_vreg.gather [hbm4b:s15+s2], $0x80, v17, vm0, $0xb8;
	[tilespmem:$0x1EB80] =	vst v63  }
0x305: {  	s8 =	simm.s32 $0xD380;
	v15 =	vadd.s32 v13, v15  }
0x306: {  	[tilespmem:s8], [sflag:$0x1] =	stream.indirect_vreg.gather [hbm4b:s7+s2], $0x80, v17, vm0, $0xb8;
	[tilespmem:$0x1EB80] =	vst v63  }
0x307: {  	s10 =	simm.s32 $0xDB80  }
0x308: {  	[tilespmem:s10], [sflag:$0x1] =	stream.indirect_vreg.gather [hbm4b:s9+s2], $0x80, v17, vm0, $0xb8;
	[tilespmem:$0x1EB80] =	vst v63  }
0x309: {  	s11 =	simm.s32 $0xE380  }
0x30a: {  	[tilespmem:s11], [sflag:$0x1] =	stream.indirect_vreg.gather [hbm4b:s15+s2], $0x80, v15, vm0, $0xb8;
	[tilespmem:$0x1EB80] =	vst v63  }
0x30b: {  	s12 =	simm.s32 $0xEB80  }
0x30c: {  	[tilespmem:s12], [sflag:$0x1] =	stream.indirect_vreg.gather [hbm4b:s7+s2], $0x80, v15, vm0, $0xb8;
	[tilespmem:$0x1EB80] =	vst v63  }
0x30d: {  	s22 =	simm.s32 $0xF380  }
0x30e: {  	[tilespmem:s22], [sflag:$0x1] =	stream.indirect_vreg.gather [hbm4b:s9+s2], $0x80, v15, vm0, $0xb8;
	[tilespmem:$0x1EB80] =	vst v63  }
0x30f: {  	v15 =	vld [tilespmem:$0xCA90];
	_ =	sdelay $0x4  }
0x310: {  	v63 =	vshrl.u32 v15, $0x3  }
0x311: {  	v16 =	vmul.u32 $0x30, v63  }
0x312: {  	v15 =	vand.u32 $0x7, v15  }
0x313: {  	v15 =	vor.u32 v15, v16  }
0x314: {  	v16 =	vperm.xlane v15, v12;
	_ =	sdelay $0x1  }
0x315: {  	v16 =	vadd.s32 v13, v16;
	_ =	sdelay $0x3  }
0x316: {  	s29 =	simm.s32 $0xFB80;
	v14 =	vperm.xlane v15, v14  }
0x317: {  	[tilespmem:s29], [sflag:$0x1] =	stream.indirect_vreg.gather [hbm4b:s15+s2], $0x80, v16, vm0, $0xb8;
	[tilespmem:$0x1EB80] =	vst v63  }
0x318: {  	s17 =	simm.s32 $0x10380;
	v13 =	vadd.s32 v13, v14  }
0x319: {  	[tilespmem:s17], [sflag:$0x1] =	stream.indirect_vreg.gather [hbm4b:s7+s2], $0x80, v16, vm0, $0xb8;
	[tilespmem:$0x1EB80] =	vst v63  }
0x31a: {  	s18 =	simm.s32 $0x10B80  }
0x31b: {  	[tilespmem:s18], [sflag:$0x1] =	stream.indirect_vreg.gather [hbm4b:s9+s2], $0x80, v16, vm0, $0xb8;
	[tilespmem:$0x1EB80] =	vst v63  }
0x31c: {  	s20 =	simm.s32 $0x11380  }
0x31d: {  	[tilespmem:s20], [sflag:$0x1] =	stream.indirect_vreg.gather [hbm4b:s15+s2], $0x80, v13, vm0, $0xb8;
	[tilespmem:$0x1EB80] =	vst v63  }
0x31e: {  	s21 =	simm.s32 $0x11B80  }
0x31f: {  	[tilespmem:s21], [sflag:$0x1] =	stream.indirect_vreg.gather [hbm4b:s7+s2], $0x80, v13, vm0, $0xb8;
	[tilespmem:$0x1EB80] =	vst v63  }
0x320: {  	s30 =	simm.s32 $0x12380  }
0x321: {  	[tilespmem:s30], [sflag:$0x1] =	stream.indirect_vreg.gather [hbm4b:s9+s2], $0x80, v13, vm0, $0xb8;
	[tilespmem:$0x1EB80] =	vst v63  }
0x322: {  	_ =	swait.ge [sflag:s3], $0x9000  }
0x323: {  	[sflag:s3] =	ssyncset.done $0x0  }
0x324: {  	s29 =	rddreg [dreg:$0xf];
	[sflag:s3] =	ssyncadd.s32 $0xFFFF7000  }
0x325: {  	[hbm4b:s29+s2] =	stream.linear.scatter [tilespmem:s6], [sflag:$0x4], $0x9000, $0x38;
	[tilespmem:$0x1EB80] =	vst v63  }
0x326: {  	_ =	swait.ge [sflag:s19], $0x6000  }
0x327: {  	[sflag:s19] =	ssyncset.done $0x0  }
0x328: {  	s30 =	rddreg [dreg:$0x10];
	[sflag:s19] =	ssyncadd.s32 $0xFFFFA000  }
0x329: {  	[hbm4b:s30+s2] =	stream.linear.scatter [tilespmem:s5], [sflag:$0x3], $0x6000, $0x38;
	[tilespmem:$0x1EB80] =	vst v63  }
0x32a: {  	_ =	swait.ge [sflag:s4], $0x9000  }
0x32b: {  	[sflag:s4] =	ssyncset.done $0x0  }
0x32c: {  	[sflag:s4] =	ssyncadd.s32 $0xFFFF7000  }
0x32d: {  	_ =	swait.ge [sflag:s1], $0x6000  }
0x32e: {  	s13 =	sadd.s32 $0x1, s13;
	s31 =	rddreg [dreg:$0x11]  }
0x32f: {  	p0 =	sne.s32 s13, s31  }
.Ltmp1:
0x330: {  	_ = 	snop;
	(pc) =	sbr.rel @!p0 .LBB2_57-.Ltmp1, $3  }
0x331: {  	_ =	sdelay $0x1  }
0x332: {  	[sflag:s1] =	ssyncset.done $0x0  }
0x333: {  	[sflag:s1] =	ssyncadd.s32 $0xFFFFA000  }
.LBB2_1:
0x334: {  	s0 =	rddreg [dreg:$0x5]  }
0x335: {  	s3 =	simm.s32 $0x80;
	s6 =	simm.s32 $0x200;
	s29 =	simm.s32 $0x5  }
0x336: {  	[tilespmem:s2], [sflag:$0x5] =	stream.strided.gather [hbm4b:s0+s3], $0x2000, s6, s3, $0x38;
	[tilespmem:$0x1EB80] =	vst v63  }
0x337: {  	_ =	swait.ge [sflag:s29], $0x2000  }
0x338: {  	s30 =	sand.u32 $0x70, s2;
	s31 =	sand.u32 $0xC00, s2;
	[sflag:s29] =	ssyncset.done $0x0  }
0x339: {  	s0 =	sor.u32 s30, s31;
	[sflag:s29] =	ssyncadd.s32 $0xFFFFE000  }
0x33a: {  	[tilespmem:s0+$0xAB00] =	vst v0  }
0x33b: {  	[tilespmem:s0+$0xAB80] =	vst v0  }
0x33c: {  	[tilespmem:s0+$0xAC00] =	vst v0  }
0x33d: {  	[tilespmem:s0+$0xAC80] =	vst v0  }
0x33e: {  	s1 =	smov.u32 s13;
	[tilespmem:s0+$0xAD00] =	vst v0  }
0x33f: {  	s16 =	sor.u32 s2, s2;
	s3 =	simm.s32 $0x10;
	s6 =	simm.s32 $0x0;
	[tilespmem:s0+$0xAD80] =	vst v0  }
.LBB2_2:
0x340: {  	p0 =	sne.s32 s3, $0x1F0;
	[tilespmem:s0+$0xAA80] =	vst v0;
	s16 =	sor.u32 $0x380, s16  }
0x341: {  	[tilespmem:s16+$0xAA80] =	vst v0  }
0x342: {  	[tilespmem:s0+$0xBA80] =	vst v0  }
0x343: {  	[tilespmem:s0+$0xBB00] =	vst v0  }
0x344: {  	[tilespmem:s0+$0xBB80] =	vst v0  }
0x345: {  	[tilespmem:s0+$0xBC00] =	vst v0  }
0x346: {  	[tilespmem:s0+$0xBC80] =	vst v0  }
0x347: {  	s6 =	sadd.s32 $0x80, s6;
	[tilespmem:s0+$0xBD00] =	vst v0  }
0x348: {  	s16 =	sand.u32 $0x70, s3;
	s17 =	sand.u32 $0xC00, s6;
	[tilespmem:s0+$0xBD80] =	vst v0  }
0x349: {  	[tilespmem:s0+$0xBE00] =	vst v0;
	s0 =	sor.u32 s16, s17  }
0x34a: {  	[tilespmem:s0+$0xAB00] =	vst v0  }
.Ltmp2:
0x34b: {  	[tilespmem:s0+$0xAB80] =	vst v0;
	(pc) =	sbr.rel @p0 .LBB2_2-.Ltmp2, $4  }
0x34c: {  	[tilespmem:s0+$0xAC00] =	vst v0  }
0x34d: {  	[tilespmem:s0+$0xAC80] =	vst v0  }
0x34e: {  	[tilespmem:s0+$0xAD00] =	vst v0  }
0x34f: {  	s16 =	sor.u32 s6, s3;
	s3 =	sadd.s32 $0x10, s3;
	[tilespmem:s0+$0xAD80] =	vst v0  }
0x350: {  	[tilespmem:s0+$0xAA80] =	vst v0;
	s3 =	sor.u32 $0x380, s16  }
0x351: {  	[tilespmem:s3+$0xAA80] =	vst v0  }
0x352: {  	[tilespmem:s0+$0xBA80] =	vst v0  }
0x353: {  	[tilespmem:s0+$0xBB00] =	vst v0  }
0x354: {  	[tilespmem:s0+$0xBB80] =	vst v0  }
0x355: {  	[tilespmem:s0+$0xBC00] =	vst v0  }
0x356: {  	[tilespmem:s0+$0xBC80] =	vst v0  }
0x357: {  	[tilespmem:s0+$0xBD00] =	vst v0  }
0x358: {  	[tilespmem:s0+$0xBD80] =	vst v0  }
0x359: {  	[tilespmem:s0+$0xBE00] =	vst v0;
	s0 =	simm.s32 $0x0  }
.LBB2_4:
0x35a: {  	s3 =	sshra.s32 s0, $0x2  }
0x35b: {  	v13 =	vld [tilespmem:s3+$0x0];
	_ =	sdelay $0x4  }
0x35c: {  	v13 =	vxor.u32 $0x7FFFFFFF, v13  }
0x35d: {  	v14 =	vshrl.u32 v13, $0x16;
	v13 =	vshrl.u32 v13, $0x13  }
0x35e: {  	v14 =	vand.u32 $0x7F, v14;
	v13 =	vand.u32 $0x1C00, v13  }
0x35f: {  	v13 =	vor.u32 v14, v13  }
0x360: {  	v13 =	vadd.s32 v6, v13;
	_ =	sdelay $0x4  }
0x361: {  	[tilespmem:v13+s24+$0x0] =	vst.idx.add.s32.msk $0xffff, v8  }
0x362: {  	v13 =	vld [tilespmem:s3+$0x10];
	_ =	sdelay $0x4  }
0x363: {  	v13 =	vxor.u32 $0x7FFFFFFF, v13  }
0x364: {  	v14 =	vshrl.u32 v13, $0x16;
	v13 =	vshrl.u32 v13, $0x13  }
0x365: {  	v14 =	vand.u32 $0x7F, v14;
	v13 =	vand.u32 $0x1C00, v13  }
0x366: {  	v13 =	vor.u32 v14, v13  }
0x367: {  	v13 =	vadd.s32 v6, v13;
	_ =	sdelay $0x4  }
0x368: {  	[tilespmem:v13+s24+$0x0] =	vst.idx.add.s32.msk $0xffff, v8  }
0x369: {  	v13 =	vld [tilespmem:s3+$0x20];
	_ =	sdelay $0x4  }
0x36a: {  	v13 =	vxor.u32 $0x7FFFFFFF, v13  }
0x36b: {  	v14 =	vshrl.u32 v13, $0x16;
	v13 =	vshrl.u32 v13, $0x13  }
0x36c: {  	v14 =	vand.u32 $0x7F, v14;
	v13 =	vand.u32 $0x1C00, v13  }
0x36d: {  	v13 =	vor.u32 v14, v13  }
0x36e: {  	v13 =	vadd.s32 v6, v13;
	_ =	sdelay $0x4  }
0x36f: {  	[tilespmem:v13+s24+$0x0] =	vst.idx.add.s32.msk $0xffff, v8  }
0x370: {  	v13 =	vld [tilespmem:s3+$0x30];
	_ =	sdelay $0x4  }
0x371: {  	v13 =	vxor.u32 $0x7FFFFFFF, v13  }
0x372: {  	v14 =	vshrl.u32 v13, $0x16;
	v13 =	vshrl.u32 v13, $0x13  }
0x373: {  	v14 =	vand.u32 $0x7F, v14;
	v13 =	vand.u32 $0x1C00, v13  }
0x374: {  	v13 =	vor.u32 v14, v13  }
0x375: {  	p0 =	sne.s32 s0, $0x7F00;
	v13 =	vadd.s32 v6, v13  }
.Ltmp3:
0x376: {  	_ = 	snop;
	(pc) =	sbr.rel @p0 .LBB2_4-.Ltmp3, $2  }
0x377: {  	_ =	sdelay $0x2  }
0x378: {  	s0 =	sadd.s32 $0x100, s0;
	[tilespmem:v13+s24+$0x0] =	vst.idx.add.s32.msk $0xffff, v8  }
0x379: {  	[tilespmem:$0xA200] =	vst v0  }
0x37a: {  	[tilespmem:$0xA210] =	vst v0  }
0x37b: {  	[tilespmem:$0xA220] =	vst v0  }
0x37c: {  	[tilespmem:$0xA230] =	vst v0  }
0x37d: {  	[tilespmem:$0xA240] =	vst v0  }
0x37e: {  	[tilespmem:$0xA250] =	vst v0  }
0x37f: {  	[tilespmem:$0xA260] =	vst v0  }
0x380: {  	[tilespmem:$0xA270] =	vst v0  }
0x381: {  	[tilespmem:$0xA280] =	vst v0  }
0x382: {  	[tilespmem:$0xA290] =	vst v0  }
0x383: {  	[tilespmem:$0xA2A0] =	vst v0  }
0x384: {  	[tilespmem:$0xA2B0] =	vst v0  }
0x385: {  	[tilespmem:$0xA2C0] =	vst v0  }
0x386: {  	[tilespmem:$0xA2D0] =	vst v0  }
0x387: {  	[tilespmem:$0xA2E0] =	vst v0  }
0x388: {  	[tilespmem:$0xA2F0] =	vst v0  }
0x389: {  	[tilespmem:$0xA300] =	vst v0  }
0x38a: {  	[tilespmem:$0xA310] =	vst v0  }
0x38b: {  	[tilespmem:$0xA320] =	vst v0  }
0x38c: {  	[tilespmem:$0xA330] =	vst v0  }
0x38d: {  	[tilespmem:$0xA340] =	vst v0  }
0x38e: {  	[tilespmem:$0xA350] =	vst v0  }
0x38f: {  	[tilespmem:$0xA360] =	vst v0  }
0x390: {  	[tilespmem:$0xA370] =	vst v0  }
0x391: {  	[tilespmem:$0xA380] =	vst v0  }
0x392: {  	[tilespmem:$0xA390] =	vst v0  }
0x393: {  	[tilespmem:$0xA3A0] =	vst v0  }
0x394: {  	[tilespmem:$0xA3B0] =	vst v0  }
0x395: {  	[tilespmem:$0xA3C0] =	vst v0  }
0x396: {  	[tilespmem:$0xA3D0] =	vst v0  }
0x397: {  	[tilespmem:$0xA3E0] =	vst v0;
	s16 =	simm.s32 $0x0  }
0x398: {  	[tilespmem:$0xA3F0] =	vst v0;
	s0 =	sand.u32 $0x70, s16;
	s3 =	sand.u32 $0xC00, s16  }
0x399: {  	[tilespmem:$0xA400] =	vst v0;
	s0 =	sor.u32 s0, s3  }
0x39a: {  	v13 =	vld [tilespmem:s0+$0xAB00]  }
0x39b: {  	v14 =	vld [tilespmem:s0+$0xAA80]  }
0x39c: {  	v15 =	vld [tilespmem:s0+$0xAB80]  }
0x39d: {  	v16 =	vld [tilespmem:s0+$0xAC00]  }
0x39e: {  	v17 =	vld [tilespmem:s0+$0xAC80]  }
0x39f: {  	v18 =	vld [tilespmem:s0+$0xAD00]  }
0x3a0: {  	v13 =	vadd.s32 v14, v13;
	v14 =	vld [tilespmem:s0+$0xAD80]  }
0x3a1: {  	v13 =	vadd.s32 v15, v13;
	v15 =	vld [tilespmem:s0+$0xAE00]  }
0x3a2: {  	v58 =	vld [tilespmem:s0+$0xBA80];
	v13 =	vadd.s32 v16, v13  }
0x3a3: {  	v59 =	vld [tilespmem:s0+$0xBB00];
	v13 =	vadd.s32 v17, v13  }
0x3a4: {  	v60 =	vld [tilespmem:s0+$0xBB80];
	v13 =	vadd.s32 v18, v13  }
0x3a5: {  	v13 =	vadd.s32 v14, v13;
	v14 =	vld [tilespmem:s0+$0xBC00]  }
0x3a6: {  	v13 =	vadd.s32 v15, v13;
	v15 =	vld [tilespmem:s0+$0xBC80]  }
0x3a7: {  	v61 =	vld [tilespmem:s0+$0xBD00];
	v13 =	vadd.s32 v58, v13  }
0x3a8: {  	v62 =	vld [tilespmem:s0+$0xBD80];
	v13 =	vadd.s32 v59, v13  }
0x3a9: {  	v63 =	vld [tilespmem:s0+$0xBE00];
	v13 =	vadd.s32 v60, v13  }
0x3aa: {  	v13 =	vadd.s32 v14, v13  }
0x3ab: {  	v13 =	vadd.s32 v15, v13  }
0x3ac: {  	v13 =	vadd.s32 v61, v13  }
0x3ad: {  	s31 =	simm.s32 $0x10;
	s17 =	simm.s32 $0x80;
	v13 =	vadd.s32 v62, v13  }
0x3ae: {  	s6 =	sand.u32 $0xC00, s17;
	s3 =	sand.u32 $0x70, s31;
	s0 =	simm.s32 $0xA200;
	v13 =	vadd.s32 v63, v13  }
0x3af: {  	s3 =	sor.u32 s3, s6;
	s6 =	simm.s32 $0x20;
	[tilespmem:s0+$0x0] =	vst v13  }
.LBB2_6:
0x3b0: {  	p0 =	sne.s32 s6, $0x1F0;
	v13 =	vld [tilespmem:s3+$0xAB00]  }
0x3b1: {  	v14 =	vld [tilespmem:s3+$0xAA80]  }
0x3b2: {  	v15 =	vld [tilespmem:s3+$0xAB80]  }
0x3b3: {  	v16 =	vld [tilespmem:s3+$0xAC00]  }
0x3b4: {  	v17 =	vld [tilespmem:s3+$0xAC80]  }
0x3b5: {  	v18 =	vld [tilespmem:s3+$0xAD00]  }
0x3b6: {  	v13 =	vadd.s32 v14, v13;
	v14 =	vld [tilespmem:s3+$0xAD80]  }
0x3b7: {  	v13 =	vadd.s32 v15, v13;
	v15 =	vld [tilespmem:s3+$0xAE00]  }
0x3b8: {  	v13 =	vadd.s32 v16, v13;
	v16 =	vld [tilespmem:s3+$0xBA80]  }
0x3b9: {  	v13 =	vadd.s32 v17, v13;
	v17 =	vld [tilespmem:s3+$0xBB00]  }
0x3ba: {  	v13 =	vadd.s32 v18, v13;
	v18 =	vld [tilespmem:s3+$0xBB80]  }
0x3bb: {  	v13 =	vadd.s32 v14, v13;
	v14 =	vld [tilespmem:s3+$0xBC00]  }
0x3bc: {  	v13 =	vadd.s32 v15, v13;
	v15 =	vld [tilespmem:s3+$0xBC80]  }
0x3bd: {  	v13 =	vadd.s32 v16, v13;
	v16 =	vld [tilespmem:s3+$0xBD00]  }
0x3be: {  	v13 =	vadd.s32 v17, v13;
	v17 =	vld [tilespmem:s3+$0xBD80]  }
0x3bf: {  	v13 =	vadd.s32 v18, v13;
	v18 =	vld [tilespmem:s3+$0xBE00]  }
0x3c0: {  	v13 =	vadd.s32 v14, v13  }
.Ltmp4:
0x3c1: {  	v13 =	vadd.s32 v15, v13;
	(pc) =	sbr.rel @p0 .LBB2_6-.Ltmp4, $4  }
0x3c2: {  	v13 =	vadd.s32 v16, v13  }
0x3c3: {  	s17 =	sadd.s32 $0x80, s17;
	v13 =	vadd.s32 v17, v13  }
0x3c4: {  	s0 =	sadd.s32 $0x10, s0;
	s18 =	sand.u32 $0xC00, s17;
	s3 =	sand.u32 $0x70, s6;
	v13 =	vadd.s32 v18, v13  }
0x3c5: {  	s6 =	sadd.s32 $0x10, s6;
	s3 =	sor.u32 s3, s18;
	[tilespmem:s0+$0x0] =	vst v13  }
0x3c6: {  	v13 =	vld [tilespmem:s3+$0xAB00]  }
0x3c7: {  	v14 =	vld [tilespmem:s3+$0xAA80]  }
0x3c8: {  	v15 =	vld [tilespmem:s3+$0xAB80]  }
0x3c9: {  	v16 =	vld [tilespmem:s3+$0xAC00]  }
0x3ca: {  	v17 =	vld [tilespmem:s3+$0xAC80]  }
0x3cb: {  	v18 =	vld [tilespmem:s3+$0xAD00]  }
0x3cc: {  	v13 =	vadd.s32 v14, v13;
	v14 =	vld [tilespmem:s3+$0xAD80]  }
0x3cd: {  	v13 =	vadd.s32 v15, v13;
	v15 =	vld [tilespmem:s3+$0xAE00]  }
0x3ce: {  	v58 =	vld [tilespmem:s3+$0xBA80];
	v13 =	vadd.s32 v16, v13  }
0x3cf: {  	v59 =	vld [tilespmem:s3+$0xBB00];
	v13 =	vadd.s32 v17, v13  }
0x3d0: {  	v60 =	vld [tilespmem:s3+$0xBB80];
	v13 =	vadd.s32 v18, v13  }
0x3d1: {  	v13 =	vadd.s32 v14, v13;
	v14 =	vld [tilespmem:s3+$0xBC00]  }
0x3d2: {  	v13 =	vadd.s32 v15, v13;
	v15 =	vld [tilespmem:s3+$0xBC80]  }
0x3d3: {  	v61 =	vld [tilespmem:s3+$0xBD00];
	v13 =	vadd.s32 v58, v13  }
0x3d4: {  	v62 =	vld [tilespmem:s3+$0xBD80];
	v13 =	vadd.s32 v59, v13  }
0x3d5: {  	v63 =	vld [tilespmem:s3+$0xBE00];
	v13 =	vadd.s32 v60, v13  }
0x3d6: {  	v13 =	vadd.s32 v14, v13  }
0x3d7: {  	v13 =	vadd.s32 v15, v13  }
0x3d8: {  	v13 =	vadd.s32 v61, v13  }
0x3d9: {  	v13 =	vadd.s32 v62, v13  }
0x3da: {  	s0 =	sadd.s32 $0x10, s0;
	v13 =	vadd.s32 v63, v13  }
0x3db: {  	s31 =	simm.s32 $0x0;
	[tilespmem:s0+$0x0] =	vst v13  }
0x3dc: {  	v13 =	vld [tilespmem:s31+$0xA200];
	_ =	sdelay $0x4  }
0x3dd: {  	(xrf0) =	vadd.scan.msk.s32 $0xffff, v13;
	_ =	sdelay $0x5  }
0x3de: {  	v14, _, _ =	vpop (xrf0)  }
0x3df: {  	v15 =	vxor.u32 $0x80000000, v14  }
0x3e0: {  	(xrf0) =	vmax.scan.msk.u32 $0xffff, v15;
	_ =	sdelay $0x4  }
0x3e1: {  	v13 =	vsub.s32 s16, v13  }
0x3e2: {  	v13 =	vadd.s32 v14, v13;
	v14, _, _ =	vpop (xrf0)  }
0x3e3: {  	s3 =	simm.s32 $0x80;
	s0 =	simm.s32 $0x10;
	[tilespmem:s31+$0xA200] =	vst v13;
	(v2sf) =	vpush v14, $0xF  }
.LBB2_8:
0x3e4: {  	p0 =	sne.s32 s3, $0x800;
	v13 =	vld [tilespmem:s0+$0xA200];
	_ =	sdelay $0x4  }
0x3e5: {  	(xrf0) =	vadd.scan.msk.s32 $0xffff, v13;
	_ =	sdelay $0x5  }
0x3e6: {  	v14, _, _ =	vpop (xrf0)  }
0x3e7: {  	v15 =	vxor.u32 $0x80000000, v14  }
0x3e8: {  	(xrf0) =	vmax.scan.msk.u32 $0xffff, v15  }
0x3e9: {  	s6 =	spop (v2sf)  }
0x3ea: {  	s6 =	sadd.s32 s6, s16  }
.Ltmp5:
0x3eb: {  	s16 =	sadd.s32 $0x80000000, s6;
	(pc) =	sbr.rel @p0 .LBB2_8-.Ltmp5, $4  }
0x3ec: {  	v15 =	vsub.s32 s16, v13  }
0x3ed: {  	v14 =	vadd.s32 v14, v15  }
0x3ee: {  	[tilespmem:s0+$0xA200] =	vst v14;
	v13, _, _ =	vpop (xrf0)  }
0x3ef: {  	s0 =	sshra.s32 s3, $0x2;
	s3 =	sadd.s32 $0x40, s3;
	(v2sf) =	vpush v13, $0xF  }
0x3f0: {  	_ =	sdelay $0x5  }
0x3f1: {  	v13 =	vld [tilespmem:s0+$0xA200];
	_ =	sdelay $0x4  }
0x3f2: {  	(xrf0) =	vadd.scan.msk.s32 $0xffff, v13;
	_ =	sdelay $0x2  }
0x3f3: {  	s6 =	simm.s32 $0x0;
	s3 =	spop (v2sf)  }
0x3f4: {  	v14 =	vadd.s32 s6, v9;
	s3 =	sadd.s32 s3, s16  }
0x3f5: {  	s3 =	sadd.s32 $0x80000000, s3  }
0x3f6: {  	v15, _, _ =	vpop (xrf0);
	v13 =	vsub.s32 s3, v13  }
0x3f7: {  	v13 =	vadd.s32 v15, v13  }
0x3f8: {  	[tilespmem:s0+$0xA200] =	vst v13  }
0x3f9: {  	s13 =	simm.s32 $0xA200;
	v13 =	vld.idx.msk [tilespmem:v14+s25+$0x0], $0xffff  }
0x3fa: {  	v14 =	vld [tilespmem:s13+$0x0];
	_ =	sdelay $0x1  }
0x3fb: {  	s16 =	simm.s32 $0x10  }
0x3fc: {  	v16 =	vadd.s32 s16, v9;
	v15 =	vxor.u32 $0x80000000, v15  }
0x3fd: {  	v17 =	vmov s6;
	(xrf0) =	vmax.scan.msk.u32 $0xffff, v15  }
0x3fe: {  	vm2 =	vlt.u32 v17, $0x200;
	vm1 =	vgt.s32 v13, v4;
	vm3 =	vlt.s32 v14, v1  }
0x3ff: {  	v15 =	vor.u32 s6, v10;
	vm1 =	vmand vm2, vm1;
	vm2 =	vmand vm2, vm3  }
0x400: {  	s18 =	simm.s32 $0x20;
	v17 =	vnsel vm1, $0xFFFFFFFF, v15;
	v15 =	vnsel vm2, $0x7FFFFFFF, v15  }
0x401: {  	s17 =	simm.s32 $0xA210;
	v18 =	vadd.s32 s18, v9;
	v16 =	vld.idx.msk [tilespmem:v16+s25+$0x0], $0xffff;
	(xrf0) =	vmin.scan.msk.u32 $0xffff, v17  }
0x402: {  	v17 =	vld [tilespmem:s17+$0x0]  }
0x403: {  	(xrf0) =	vmax.scan.msk.u32 $0xffff, v15;
	v15, _, _ =	vpop (xrf0)  }
0x404: {  	v13 =	vxor.u32 $0x80000000, v13;
	(v2sf) =	vpush v15, $0xF;
	v15 =	vmov s16  }
0x405: {  	v14 =	vxor.u32 $0x80000000, v14;
	v13 =	vnsel vm2, $0x7FFFFFFF, v13  }
0x406: {  	s21 =	simm.s32 $0xA220;
	v14 =	vnsel vm1, $0xFFFFFFFF, v14;
	vm1 =	vgt.s32 v16, v4;
	(xrf0) =	vmax.scan.msk.u32 $0xffff, v13;
	v13 =	vld.idx.msk [tilespmem:v18+s25+$0x0], $0xffff;
	vm3 =	vlt.u32 v15, $0x200  }
0x407: {  	v18 =	vor.u32 s16, v10;
	vm2 =	vlt.s32 v17, v1;
	vm1 =	vmand vm3, vm1;
	v15, _, _ =	vpop (xrf0);
	(xrf0) =	vmin.scan.msk.u32 $0xffff, v14;
	v14 =	vld [tilespmem:s21+$0x0]  }
0x408: {  	vm2 =	vmand vm3, vm2;
	v19 =	vnsel vm1, $0xFFFFFFFF, v18  }
0x409: {  	s20 =	simm.s32 $0x30;
	v16 =	vxor.u32 $0x80000000, v16;
	(v2sf) =	vpush v15, $0xF;
	v20, _, _ =	vpop (xrf0);
	v18 =	vnsel vm2, $0x7FFFFFFF, v18;
	(xrf0) =	vmin.scan.msk.u32 $0xffff, v19  }
0x40a: {  	v17 =	vxor.u32 $0x80000000, v17;
	v15 =	vadd.s32 s20, v9;
	v16 =	vnsel vm2, $0x7FFFFFFF, v16;
	(xrf0) =	vmax.scan.msk.u32 $0xffff, v18  }
0x40b: {  	(v2sf) =	vpush v20, $0xF;
	v18 =	vmov s18;
	(xrf0) =	vmax.scan.msk.u32 $0xffff, v16;
	v16 =	vnsel vm1, $0xFFFFFFFF, v17  }
0x40c: {  	vm1 =	vgt.s32 v13, v4;
	vm2 =	vlt.u32 v18, $0x200;
	vm3 =	vlt.s32 v14, v1  }
0x40d: {  	v17, _, _ =	vpop (xrf0);
	(xrf0) =	vmin.scan.msk.u32 $0xffff, v16;
	v16 =	vor.u32 s18, v10;
	vm1 =	vmand vm2, vm1;
	vm2 =	vmand vm2, vm3  }
0x40e: {  	(v2sf) =	vpush v17, $0xF;
	v19 =	vnsel vm1, $0xFFFFFFFF, v16;
	v18, _, _ =	vpop (xrf0);
	v16 =	vnsel vm2, $0x7FFFFFFF, v16  }
0x40f: {  	v13 =	vxor.u32 $0x80000000, v13;
	(xrf0) =	vmin.scan.msk.u32 $0xffff, v19;
	(v2sf) =	vpush v18, $0xF;
	v18, _, _ =	vpop (xrf0)  }
0x410: {  	v14 =	vxor.u32 $0x80000000, v14;
	v13 =	vnsel vm2, $0x7FFFFFFF, v13;
	(v2sf) =	vpush v18, $0xF;
	v18, _, _ =	vpop (xrf0);
	(xrf0) =	vmax.scan.msk.u32 $0xffff, v16  }
0x411: {  	v14 =	vnsel vm1, $0xFFFFFFFF, v14;
	v16, _, _ =	vpop (xrf0);
	(xrf0) =	vmax.scan.msk.u32 $0xffff, v13  }
0x412: {  	(v2sf) =	vpush v18, $0xF;
	v18 =	vmov s20  }
0x413: {  	s22 =	simm.s32 $0xA230;
	v15 =	vld.idx.msk [tilespmem:v15+s25+$0x0], $0xffff  }
0x414: {  	v17 =	vld [tilespmem:s22+$0x0];
	(v2sf) =	vpush v16, $0xF;
	(xrf0) =	vmin.scan.msk.u32 $0xffff, v14;
	v14, _, _ =	vpop (xrf0)  }
0x415: {  	s21 =	simm.s32 $0x40;
	vm3 =	vlt.u32 v18, $0x200;
	(v2sf) =	vpush v14, $0xF;
	v18, _, _ =	vpop (xrf0)  }
0x416: {  	v13 =	vadd.s32 s21, v9;
	s29 =	spop (v2sf);
	(v2sf) =	vpush v18, $0xF;
	v18, _, _ =	vpop (xrf0)  }
0x417: {  	(v2sf) =	vpush v18, $0xF;
	v20, _, _ =	vpop (xrf0)  }
0x418: {  	vm1 =	vgt.s32 v15, v4;
	s0 =	spop (v2sf);
	(v2sf) =	vpush v20, $0xF  }
0x419: {  	vm2 =	vlt.s32 v17, v1;
	v14 =	vor.u32 s20, v10;
	vm1 =	vmand vm3, vm1  }
0x41a: {  	v16 =	vxor.u32 $0x80000000, v15;
	vm2 =	vmand vm3, vm2;
	v15 =	vnsel vm1, $0xFFFFFFFF, v14  }
0x41b: {  	s31 =	simm.s32 $0xFFFFFFFF;
	s3 =	simm.s32 $0xA240;
	s6 =	simm.s32 $0x60;
	v14 =	vnsel vm2, $0x7FFFFFFF, v14;
	(xrf0) =	vmin.scan.msk.u32 $0xffff, v15;
	v13 =	vld.idx.msk [tilespmem:v13+s25+$0x0], $0xffff  }
0x41c: {  	s17 =	simm.s32 $0xFFFFFFFF;
	s16 =	simm.s32 $0x7FFFFFFF;
	s18 =	simm.s32 $0x50;
	v17 =	vxor.u32 $0x80000000, v17;
	v19 =	vnsel vm2, $0x7FFFFFFF, v16;
	(xrf0) =	vmax.scan.msk.u32 $0xffff, v14;
	v14 =	vld [tilespmem:s3+$0x0]  }
0x41d: {  	v16 =	vnsel vm1, $0xFFFFFFFF, v17;
	v17 =	vmov s21;
	v15 =	vadd.s32 s18, v9;
	(xrf0) =	vmax.scan.msk.u32 $0xffff, v19;
	s30 =	sxor.u32 $0x80000000, s0;
	v18, _, _ =	vpop (xrf0);
	s22 =	spop (v2sf);
	s0 =	simm.s32 $0x7FFFFFFF  }
.LBB2_10:
0x41e: {  	s10 =	smov.u32 s31;
	s11 =	smov.u32 s0;
	s12 =	smov.u32 s17  }
0x41f: {  	s13 =	smov.u32 s16;
	s3 =	sadd.s32 $0x10, s3;
	p0 =	slt.s32 s16, s30  }
0x420: {  	s20 =	smov.u32 s6;
	s31 =	sxor.u32 $0x80000000, s22;
	s16 =	smov.u32 s30  }
0x421: {  	vm1 =	vgt.s32 v13, v4;
	vm2 =	vlt.s32 v14, v1;
	s29 =	sadd.s32 $0x10, s6;
	(xrf0) =	vmin.scan.msk.u32 $0xffff, v16;
	(v2sf) =	vpush v18, $0xF;
	s0 =	spop (v2sf);
	s16 =	smov.u32 @p0 s13  }
0x422: {  	vm3 =	vlt.u32 v17, $0x200;
	v17 =	vxor.u32 $0x80000000, v13;
	v16 =	vor.u32 s21, v10;
	p0 =	sne.s32 s6, $0x200;
	v13 =	vld.idx.msk [tilespmem:v15+s25+$0x0], $0xffff;
	s17 =	sxor.u32 $0x80000000, s0;
	s0 =	spop (v2sf)  }
.Ltmp6:
0x423: {  	vm1 =	vmand vm3, vm1;
	vm2 =	vmand vm3, vm2;
	v18 =	vxor.u32 $0x80000000, v14;
	v14 =	vld [tilespmem:s3+$0x0];
	s0 =	sxor.u32 $0x80000000, s0;
	p1 =	sgt.s32 s12, s17;
	(pc) =	sbr.rel @p0 .LBB2_10-.Ltmp6, $4  }
0x424: {  	v15 =	vadd.s32 s20, v9;
	v22 =	vnsel vm1, $0xFFFFFFFF, v16;
	v20 =	vnsel vm2, $0x7FFFFFFF, v16;
	v21, _, _ =	vpop (xrf0);
	p2 =	slt.s32 s11, s0;
	s17 =	smov.u32 @p1 s12  }
0x425: {  	s21 =	smov.u32 s18;
	v16 =	vnsel vm1, $0xFFFFFFFF, v18;
	v23 =	vnsel vm2, $0x7FFFFFFF, v17;
	p1 =	sgt.s32 s10, s31;
	(xrf0) =	vmin.scan.msk.u32 $0xffff, v22;
	(v2sf) =	vpush v21, $0xF;
	v17, _, _ =	vpop (xrf0);
	s0 =	smov.u32 @p2 s11  }
0x426: {  	s18 =	smov.u32 s20;
	s31 =	smov.u32 @p1 s10;
	(xrf0) =	vmax.scan.msk.u32 $0xffff, v20;
	(v2sf) =	vpush v17, $0xF;
	v19, _, _ =	vpop (xrf0);
	s6 =	spop (v2sf)  }
0x427: {  	v17 =	vmov s21;
	(xrf0) =	vmax.scan.msk.u32 $0xffff, v23;
	v18, _, _ =	vpop (xrf0);
	(v2sf) =	vpush v19, $0xF;
	s30 =	sxor.u32 $0x80000000, s6;
	s22 =	spop (v2sf);
	s6 =	smov.u32 s29  }
0x428: {  	_ =	sdelay $0x3  }
0x429: {  	vm1 =	vgt.s32 v13, v4;
	s3 =	sadd.s32 $0x10, s3;
	v15 =	vld.idx.msk [tilespmem:v15+s25+$0x0], $0xffff  }
0x42a: {  	vm2 =	vlt.s32 v14, v1;
	vm3 =	vlt.u32 v17, $0x200;
	(v2sf) =	vpush v18, $0xF;
	v17 =	vld [tilespmem:s3+$0x0]  }
0x42b: {  	(xrf0) =	vmin.scan.msk.u32 $0xffff, v16;
	v16 =	vor.u32 s21, v10;
	v13 =	vxor.u32 $0x80000000, v13;
	vm1 =	vmand vm3, vm1  }
0x42c: {  	v14 =	vxor.u32 $0x80000000, v14;
	vm2 =	vmand vm3, vm2;
	v19 =	vnsel vm1, $0xFFFFFFFF, v16;
	v62, _, _ =	vpop (xrf0)  }
0x42d: {  	v16 =	vnsel vm2, $0x7FFFFFFF, v16;
	v13 =	vnsel vm2, $0x7FFFFFFF, v13;
	(xrf0) =	vmin.scan.msk.u32 $0xffff, v19;
	(v2sf) =	vpush v62, $0xF;
	v63, _, _ =	vpop (xrf0)  }
0x42e: {  	v14 =	vnsel vm1, $0xFFFFFFFF, v14;
	(xrf0) =	vmax.scan.msk.u32 $0xffff, v16;
	v16 =	vmov s18;
	(v2sf) =	vpush v63, $0xF  }
0x42f: {  	s13 =	spop (v2sf);
	(xrf0) =	vmax.scan.msk.u32 $0xffff, v13;
	vm1 =	vgt.s32 v15, v4;
	vm2 =	vlt.u32 v16, $0x200;
	vm3 =	vlt.s32 v17, v1  }
0x430: {  	s6 =	spop (v2sf);
	v13, _, _ =	vpop (xrf0);
	(xrf0) =	vmin.scan.msk.u32 $0xffff, v14;
	v14 =	vor.u32 s18, v10;
	vm1 =	vmand vm2, vm1;
	vm2 =	vmand vm2, vm3  }
0x431: {  	p0 =	slt.s32 s16, s30;
	s10 =	sxor.u32 $0x80000000, s22;
	s11 =	spop (v2sf);
	(v2sf) =	vpush v13, $0xF;
	v16, _, _ =	vpop (xrf0);
	v13 =	vnsel vm1, $0xFFFFFFFF, v14;
	v14 =	vnsel vm2, $0x7FFFFFFF, v14  }
0x432: {  	s3 =	sxor.u32 $0x80000000, s13;
	s6 =	sxor.u32 $0x80000000, s6;
	s12 =	spop (v2sf);
	v15 =	vxor.u32 $0x80000000, v15;
	(v2sf) =	vpush v16, $0xF;
	(xrf0) =	vmin.scan.msk.u32 $0xffff, v13;
	v13 =	vxor.u32 $0x80000000, v17  }
0x433: {  	s30 =	smov.u32 @p0 s16;
	p1 =	sgt.s32 s17, s3;
	p0 =	slt.s32 s0, s6;
	v15 =	vnsel vm2, $0x7FFFFFFF, v15;
	v16, _, _ =	vpop (xrf0);
	(xrf0) =	vmax.scan.msk.u32 $0xffff, v14;
	v13 =	vnsel vm1, $0xFFFFFFFF, v13  }
0x434: {  	s3 =	smov.u32 @p1 s17;
	p1 =	sgt.s32 s31, s10;
	s13 =	spop (v2sf);
	(v2sf) =	vpush v16, $0xF;
	v14, _, _ =	vpop (xrf0);
	(xrf0) =	vmax.scan.msk.u32 $0xffff, v15  }
0x435: {  	s6 =	smov.u32 @p0 s0;
	s0 =	sxor.u32 $0x80000000, s11;
	s18 =	spop (v2sf);
	(v2sf) =	vpush v14, $0xF;
	v14, _, _ =	vpop (xrf0);
	(xrf0) =	vmin.scan.msk.u32 $0xffff, v13  }
0x436: {  	s10 =	smov.u32 @p1 s31;
	p0 =	slt.s32 s30, s0;
	s13 =	sxor.u32 $0x80000000, s13;
	v13, _, _ =	vpop (xrf0);
	(v2sf) =	vpush v14, $0xF  }
0x437: {  	s12 =	sxor.u32 $0x80000000, s12;
	p1 =	sgt.s32 s3, s13;
	s0 =	smov.u32 @p0 s30;
	(v2sf) =	vpush v13, $0xF  }
0x438: {  	s13 =	smov.u32 @p1 s3;
	p1 =	sgt.s32 s10, s12;
	s20 =	spop (v2sf);
	v13, _, _ =	vpop (xrf0)  }
0x439: {  	s12 =	smov.u32 @p1 s10;
	s11 =	sxor.u32 $0x80000000, s18;
	s21 =	spop (v2sf);
	(v2sf) =	vpush v13, $0xF;
	v13, _, _ =	vpop (xrf0)  }
0x43a: {  	p0 =	slt.s32 s6, s11;
	s10 =	sxor.u32 $0x80000000, s20;
	s22 =	spop (v2sf);
	(v2sf) =	vpush v13, $0xF;
	v13, _, _ =	vpop (xrf0)  }
0x43b: {  	s11 =	smov.u32 @p0 s6;
	p0 =	slt.s32 s0, s10;
	s29 =	spop (v2sf);
	v14, _, _ =	vpop (xrf0);
	(v2sf) =	vpush v13, $0xF  }
0x43c: {  	s17 =	sxor.u32 $0x80000000, s21;
	s3 =	sxor.u32 $0x80000000, s22;
	s6 =	sxor.u32 $0x80000000, s29;
	(v2sf) =	vpush v14, $0xF  }
0x43d: {  	s10 =	smov.u32 @p0 s0;
	p1 =	sgt.s32 s13, s3;
	p0 =	slt.s32 s11, s6  }
0x43e: {  	s3 =	smov.u32 @p1 s13;
	p1 =	sgt.s32 s12, s17;
	s30 =	spop (v2sf)  }
0x43f: {  	s6 =	smov.u32 @p0 s11;
	s31 =	spop (v2sf);
	s0 =	sxor.u32 $0x80000000, s30  }
0x440: {  	s17 =	smov.u32 @p1 s12;
	p0 =	slt.s32 s10, s0;
	s4 =	spop (v2sf)  }
0x441: {  	s12 =	sxor.u32 $0x80000000, s31;
	s11 =	sxor.u32 $0x80000000, s4;
	s8 =	spop (v2sf)  }
0x442: {  	s0 =	smov.u32 @p0 s10;
	p1 =	sgt.s32 s3, s11;
	s13 =	sxor.u32 $0x80000000, s8  }
0x443: {  	s11 =	smov.u32 @p1 s3;
	p1 =	sgt.s32 s17, s12;
	s16 =	spop (v2sf)  }
0x444: {  	p0 =	slt.s32 s6, s13;
	s12 =	smov.u32 @p1 s17;
	s18 =	spop (v2sf)  }
0x445: {  	s13 =	smov.u32 @p0 s6;
	s3 =	sxor.u32 $0x80000000, s16;
	s20 =	spop (v2sf)  }
0x446: {  	p0 =	slt.s32 s0, s3;
	s6 =	sxor.u32 $0x80000000, s18;
	s21 =	spop (v2sf)  }
0x447: {  	s3 =	smov.u32 @p0 s0;
	s10 =	sxor.u32 $0x80000000, s20;
	s17 =	sxor.u32 $0x80000000, s21  }
0x448: {  	p1 =	sgt.s32 s11, s10;
	s22 =	spop (v2sf);
	p0 =	slt.s32 s13, s17  }
0x449: {  	s10 =	smov.u32 @p1 s11;
	p1 =	sgt.s32 s12, s6;
	s29 =	spop (v2sf)  }
0x44a: {  	s17 =	smov.u32 @p0 s13;
	s13 =	sxor.u32 $0x80000000, s22;
	s30 =	spop (v2sf)  }
0x44b: {  	s6 =	smov.u32 @p1 s12;
	s11 =	sxor.u32 $0x80000000, s29;
	s31 =	spop (v2sf)  }
0x44c: {  	p0 =	slt.s32 s3, s13;
	p1 =	sgt.s32 s6, s11;
	s16 =	sxor.u32 $0x80000000, s31  }
0x44d: {  	s0 =	sxor.u32 $0x80000000, s30;
	s13 =	smov.u32 @p0 s3;
	p0 =	slt.s32 s17, s16  }
0x44e: {  	s11 =	smov.u32 @p1 s6;
	s16 =	smov.u32 @p0 s17;
	p0 =	sgt.s32 s10, s0  }
0x44f: {  	s3 =	simm.s32 $0x0;
	v13 =	vmov s13;
	v14 =	vmov s11;
	s17 =	simm.s32 $0x20;
	s0 =	smov.u32 @p0 s10;
	v15 =	vmov s16  }
.LBB2_12:
0x450: {  	v16 =	vld [tilespmem:s17+$0xFFFFFFE0];
	_ =	sdelay $0x4  }
0x451: {  	v16 =	vxor.u32 $0x7FFFFFFF, v16  }
0x452: {  	v17 =	vshrl.u32 v16, $0x16  }
0x453: {  	(xrf1) =	vunique.msk.u32 $0xffff, v17;
	_ =	sdelay $0x9  }
0x454: {  	v18 =	vld.idx.msk [tilespmem:v17+s25+$0x0], $0xffff;
	_ =	sdelay $0x3  }
0x455: {  	vm1 =	vge.s32 v17, v13;
	vm2 =	vle.s32 v17, v14;
	_, v19, vm3 =	vpop (xrf1)  }
0x456: {  	vm1 =	vmand vm1, vm2;
	v18 =	vsub.s32 v18, v15;
	v19 =	vsub.s32 v19, v2  }
0x457: {  	v18 =	vadd.s32 v18, v19;
	_ =	sdelay $0x4  }
0x458: {  	[tilespmem:v18+s26+$0x0] =	vst.idx.msk vm1, v16;
	v16 =	vor.u32 s3, v7  }
0x459: {  	[tilespmem:v18+s28+$0x0] =	vst.idx.msk vm1, v16;
	v16 =	vadd.s32 $0x1, v19  }
0x45a: {  	[tilespmem:v17+s25+$0x0] =	vst.idx.add.s32.msk vm3, v16  }
0x45b: {  	v16 =	vld [tilespmem:s17+$0xFFFFFFF0];
	_ =	sdelay $0x4  }
0x45c: {  	v16 =	vxor.u32 $0x7FFFFFFF, v16  }
0x45d: {  	v17 =	vshrl.u32 v16, $0x16  }
0x45e: {  	(xrf1) =	vunique.msk.u32 $0xffff, v17;
	_ =	sdelay $0x9  }
0x45f: {  	v18 =	vld.idx.msk [tilespmem:v17+s25+$0x0], $0xffff;
	_ =	sdelay $0x3  }
0x460: {  	vm1 =	vge.s32 v17, v13;
	vm2 =	vle.s32 v17, v14;
	_, v61, vm3 =	vpop (xrf1)  }
0x461: {  	vm1 =	vmand vm1, vm2;
	v18 =	vsub.s32 v18, v15;
	v19 =	vsub.s32 v61, v2  }
0x462: {  	v18 =	vadd.s32 v18, v19;
	_ =	sdelay $0x3  }
0x463: {  	s6 =	sadd.s32 $0x10, s3  }
0x464: {  	[tilespmem:v18+s26+$0x0] =	vst.idx.msk vm1, v16;
	v16 =	vor.u32 s6, v7  }
0x465: {  	[tilespmem:v18+s28+$0x0] =	vst.idx.msk vm1, v16;
	v16 =	vadd.s32 $0x1, v19  }
0x466: {  	[tilespmem:v17+s25+$0x0] =	vst.idx.add.s32.msk vm3, v16  }
0x467: {  	v16 =	vld [tilespmem:s17+$0x0];
	_ =	sdelay $0x4  }
0x468: {  	v16 =	vxor.u32 $0x7FFFFFFF, v16  }
0x469: {  	v17 =	vshrl.u32 v16, $0x16  }
0x46a: {  	(xrf1) =	vunique.msk.u32 $0xffff, v17;
	_ =	sdelay $0x9  }
0x46b: {  	v18 =	vld.idx.msk [tilespmem:v17+s25+$0x0], $0xffff;
	_ =	sdelay $0x3  }
0x46c: {  	vm1 =	vge.s32 v17, v13;
	vm2 =	vle.s32 v17, v14;
	_, v62, vm3 =	vpop (xrf1)  }
0x46d: {  	vm1 =	vmand vm1, vm2;
	v18 =	vsub.s32 v18, v15;
	v19 =	vsub.s32 v62, v2  }
0x46e: {  	v18 =	vadd.s32 v18, v19;
	_ =	sdelay $0x3  }
0x46f: {  	s30 =	sadd.s32 $0x20, s3  }
0x470: {  	[tilespmem:v18+s26+$0x0] =	vst.idx.msk vm1, v16;
	v16 =	vor.u32 s30, v7  }
0x471: {  	[tilespmem:v18+s28+$0x0] =	vst.idx.msk vm1, v16;
	v16 =	vadd.s32 $0x1, v19  }
0x472: {  	[tilespmem:v17+s25+$0x0] =	vst.idx.add.s32.msk vm3, v16  }
0x473: {  	v16 =	vld [tilespmem:s17+$0x10];
	_ =	sdelay $0x4  }
0x474: {  	v16 =	vxor.u32 $0x7FFFFFFF, v16  }
0x475: {  	v17 =	vshrl.u32 v16, $0x16  }
0x476: {  	(xrf1) =	vunique.msk.u32 $0xffff, v17;
	_ =	sdelay $0x9  }
0x477: {  	v18 =	vld.idx.msk [tilespmem:v17+s25+$0x0], $0xffff;
	_ =	sdelay $0x3  }
0x478: {  	vm1 =	vge.s32 v17, v13;
	vm2 =	vle.s32 v17, v14;
	_, v63, vm3 =	vpop (xrf1)  }
0x479: {  	vm1 =	vmand vm1, vm2;
	v18 =	vsub.s32 v18, v15;
	v19 =	vsub.s32 v63, v2  }
0x47a: {  	v18 =	vadd.s32 v18, v19;
	_ =	sdelay $0x1  }
0x47b: {  	p0 =	sne.s32 s3, $0x1FC0  }
.Ltmp7:
0x47c: {  	_ = 	snop;
	(pc) =	sbr.rel @p0 .LBB2_12-.Ltmp7, $4  }
0x47d: {  	s31 =	sadd.s32 $0x30, s3  }
0x47e: {  	[tilespmem:v18+s26+$0x0] =	vst.idx.msk vm1, v16;
	v16 =	vor.u32 s31, v7  }
0x47f: {  	[tilespmem:v18+s28+$0x0] =	vst.idx.msk vm1, v16;
	v16 =	vadd.s32 $0x1, v19  }
0x480: {  	s3 =	sadd.s32 $0x40, s3;
	s17 =	sadd.s32 $0x40, s17;
	[tilespmem:v17+s25+$0x0] =	vst.idx.add.s32.msk vm3, v16  }
0x481: {  	s3 =	ssub.s32 s0, s16  }
0x482: {  	v13 =	vadd.s32 s3, v7;
	_ =	sdelay $0x3  }
0x483: {  	s0 =	simm.s32 $0x2000  }
0x484: {  	[tilespmem:v13+s0+$0x0] =	vst.idx.msk $0xffff, v11  }
0x485: {  	[tilespmem:v13+s28+$0x0] =	vst.idx.msk $0xffff, v0  }
0x486: {  	[tilespmem:$0xA200] =	vst v0  }
0x487: {  	[tilespmem:$0xA210] =	vst v0  }
0x488: {  	[tilespmem:$0xA220] =	vst v0  }
0x489: {  	[tilespmem:$0xA230] =	vst v0  }
0x48a: {  	[tilespmem:$0xA240] =	vst v0  }
0x48b: {  	[tilespmem:$0xA250] =	vst v0  }
0x48c: {  	[tilespmem:$0xA260] =	vst v0  }
0x48d: {  	[tilespmem:$0xA270] =	vst v0  }
0x48e: {  	[tilespmem:$0xA280] =	vst v0  }
0x48f: {  	s3 =	sadd.s32 $0xF, s3;
	[tilespmem:$0xA290] =	vst v0  }
0x490: {  	s17 =	sshrl.u32 s3, $0x4;
	[tilespmem:$0xA2A0] =	vst v0  }
0x491: {  	p0 =	sne.s32 s17, $0x0;
	[tilespmem:$0xA2B0] =	vst v0  }
.Ltmp8:
0x492: {  	[tilespmem:$0xA2C0] =	vst v0;
	(pc) =	sbr.rel @!p0 .LBB2_14-.Ltmp8, $4  }
0x493: {  	[tilespmem:$0xA2D0] =	vst v0  }
0x494: {  	[tilespmem:$0xA2E0] =	vst v0  }
0x495: {  	[tilespmem:$0xA2F0] =	vst v0  }
0x496: {  	[tilespmem:$0xA300] =	vst v0  }
0x497: {  	p1 =	seq.s32 s17, $0x1  }
.Ltmp9:
0x498: {  	_ = 	snop;
	(pc) =	sbr.rel @p1 .LBB2_42-.Ltmp9, $2  }
0x499: {  	_ =	sdelay $0x2  }
0x49a: {  	v13 =	vld [tilespmem:s0+$0x0];
	s3 =	sadd.s32 $0xFFFFFFFF, s17  }
.LBB2_41:
0x49b: {  	p1 =	seq.s32 s3, $0x1;
	_ =	sdelay $0x3  }
0x49c: {  	v13 =	vand.u32 $0xFF, v13  }
0x49d: {  	(xrf1) =	vunique.msk.u32 $0xffff, v13;
	_ =	sdelay $0xd  }
0x49e: {  	_, v14, vm1 =	vpop (xrf1);
	_ =	sdelay $0x2  }
.Ltmp10:
0x49f: {  	(pc) =	sbr.rel @!p1 .LBB2_41-.Ltmp10, $4  }
0x4a0: {  	_ = 	snop  }
0x4a1: {  	v14 =	vadd.s32 v14, v5  }
0x4a2: {  	s0 =	sadd.s32 $0x10, s0;
	[tilespmem:v13+s25+$0x0] =	vst.idx.add.s32.msk vm1, v14  }
0x4a3: {  	s3 =	sadd.s32 $0xFFFFFFFF, s3;
	v13 =	vld [tilespmem:s0+$0x0]  }
.LBB2_42:
0x4a4: {  	_ =	sdelay $0x3  }
0x4a5: {  	v13 =	vand.u32 $0xFF, v13  }
0x4a6: {  	(xrf1) =	vunique.msk.u32 $0xffff, v13;
	_ =	sdelay $0xd  }
0x4a7: {  	_, v14, vm1 =	vpop (xrf1);
	_ =	sdelay $0x4  }
0x4a8: {  	v14 =	vadd.s32 v14, v5  }
0x4a9: {  	[tilespmem:v13+s25+$0x0] =	vst.idx.add.s32.msk vm1, v14  }
.LBB2_14:
0x4aa: {  	s3 =	simm.s32 $0x0  }
0x4ab: {  	v13 =	vld [tilespmem:s3+$0xA200];
	_ =	sdelay $0x4  }
0x4ac: {  	(xrf0) =	vadd.scan.msk.s32 $0xffff, v13;
	_ =	sdelay $0x5  }
0x4ad: {  	v14, _, _ =	vpop (xrf0)  }
0x4ae: {  	v15 =	vxor.u32 $0x80000000, v14  }
0x4af: {  	(xrf0) =	vmax.scan.msk.u32 $0xffff, v15;
	_ =	sdelay $0x3  }
0x4b0: {  	s0 =	simm.s32 $0x0  }
0x4b1: {  	v13 =	vsub.s32 s0, v13  }
0x4b2: {  	v13 =	vadd.s32 v14, v13;
	v14, _, _ =	vpop (xrf0)  }
0x4b3: {  	s6 =	simm.s32 $0x80;
	[tilespmem:s3+$0xA200] =	vst v13;
	s3 =	simm.s32 $0x10;
	(v2sf) =	vpush v14, $0xF  }
.LBB2_15:
0x4b4: {  	p1 =	seq.s32 s6, $0x400;
	v13 =	vld [tilespmem:s3+$0xA200];
	_ =	sdelay $0x4  }
0x4b5: {  	(xrf0) =	vadd.scan.msk.s32 $0xffff, v13;
	_ =	sdelay $0x5  }
0x4b6: {  	v14, _, _ =	vpop (xrf0)  }
0x4b7: {  	v15 =	vxor.u32 $0x80000000, v14  }
0x4b8: {  	(xrf0) =	vmax.scan.msk.u32 $0xffff, v15  }
0x4b9: {  	s10 =	spop (v2sf)  }
0x4ba: {  	s0 =	sadd.s32 s10, s0  }
.Ltmp11:
0x4bb: {  	s0 =	sadd.s32 $0x80000000, s0;
	(pc) =	sbr.rel @!p1 .LBB2_15-.Ltmp11, $4  }
0x4bc: {  	v15 =	vsub.s32 s0, v13  }
0x4bd: {  	v14 =	vadd.s32 v14, v15  }
0x4be: {  	[tilespmem:s3+$0xA200] =	vst v14;
	v13, _, _ =	vpop (xrf0)  }
0x4bf: {  	s3 =	sshra.s32 s6, $0x2;
	s6 =	sadd.s32 $0x40, s6;
	(v2sf) =	vpush v13, $0xF  }
0x4c0: {  	v13 =	vld [tilespmem:s3+$0xA200];
	_ =	sdelay $0x4  }
0x4c1: {  	(xrf0) =	vadd.scan.msk.s32 $0xffff, v13;
	_ =	sdelay $0x5  }
0x4c2: {  	v14, _, _ =	vpop (xrf0)  }
0x4c3: {  	v15 =	vxor.u32 $0x80000000, v14  }
0x4c4: {  	(xrf0) =	vmax.scan.msk.u32 $0xffff, v15;
	_ =	sdelay $0x5  }
0x4c5: {  	v15, _, _ =	vpop (xrf0)  }
0x4c6: {  	(v2sf) =	vpush v15, $0xF;
	_ =	sdelay $0x9  }
0x4c7: {  	p1 =	seq.s32 s17, $0x0;
	s6 =	spop (v2sf)  }
.Ltmp12:
0x4c8: {  	s0 =	sadd.s32 s6, s0;
	(pc) =	sbr.rel @p1 .LBB2_20-.Ltmp12, $4  }
0x4c9: {  	s0 =	sadd.s32 $0x80000000, s0  }
0x4ca: {  	v13 =	vsub.s32 s0, v13  }
0x4cb: {  	v13 =	vadd.s32 v14, v13  }
0x4cc: {  	[tilespmem:s3+$0xA200] =	vst v13;
	s31 =	spop (v2sf)  }
0x4cd: {  	p2 =	seq.s32 s17, $0x1  }
.Ltmp13:
0x4ce: {  	_ = 	snop;
	(pc) =	sbr.rel @p2 .LBB2_19-.Ltmp13, $4  }
0x4cf: {  	s0 =	simm.s32 $0x2000  }
0x4d0: {  	v13 =	vld [tilespmem:s0+$0x0]  }
0x4d1: {  	s3 =	simm.s32 $0x4080  }
0x4d2: {  	s6 =	sadd.s32 $0xFFFFFFFF, s17;
	v14 =	vld [tilespmem:s3+$0x0]  }
.LBB2_18:
0x4d3: {  	p2 =	seq.s32 s6, $0x1;
	_ =	sdelay $0x1  }
0x4d4: {  	v15 =	vand.u32 $0xFF, v13  }
0x4d5: {  	(xrf1) =	vunique.msk.u32 $0xffff, v15;
	_ =	sdelay $0x9  }
0x4d6: {  	v16 =	vld.idx.msk [tilespmem:v15+s25+$0x0], $0xffff;
	_ =	sdelay $0x3  }
0x4d7: {  	_, v17, vm1 =	vpop (xrf1)  }
0x4d8: {  	v17 =	vsub.s32 v17, v2  }
0x4d9: {  	v16 =	vadd.s32 v16, v17;
	v17 =	vadd.s32 $0x1, v17;
	_ =	sdelay $0x4  }
0x4da: {  	[tilespmem:v16+s23+$0x0] =	vst.idx.msk $0xffff, v13  }
.Ltmp14:
0x4db: {  	[tilespmem:v16+s14+$0x0] =	vst.idx.msk $0xffff, v14;
	(pc) =	sbr.rel @!p2 .LBB2_18-.Ltmp14, $4  }
0x4dc: {  	s0 =	sadd.s32 $0x10, s0;
	[tilespmem:v15+s25+$0x0] =	vst.idx.add.s32.msk vm1, v17  }
0x4dd: {  	s3 =	sadd.s32 $0x10, s3;
	v13 =	vld [tilespmem:s0+$0x0]  }
0x4de: {  	v14 =	vld [tilespmem:s3+$0x0]  }
0x4df: {  	s6 =	sadd.s32 $0xFFFFFFFF, s6  }
.LBB2_19:
0x4e0: {  	_ =	sdelay $0x1  }
0x4e1: {  	v15 =	vand.u32 $0xFF, v13  }
0x4e2: {  	(xrf1) =	vunique.msk.u32 $0xffff, v15;
	_ =	sdelay $0xa  }
0x4e3: {  	v16 =	vld.idx.msk [tilespmem:v15+s25+$0x0], $0xffff;
	_ =	sdelay $0x2  }
0x4e4: {  	_, v17, vm1 =	vpop (xrf1)  }
0x4e5: {  	v17 =	vsub.s32 v17, v2  }
0x4e6: {  	v16 =	vadd.s32 v16, v17;
	_ =	sdelay $0x4  }
0x4e7: {  	[tilespmem:v16+s23+$0x0] =	vst.idx.msk $0xffff, v13  }
0x4e8: {  	v13 =	vadd.s32 $0x1, v17;
	[tilespmem:v16+s14+$0x0] =	vst.idx.msk $0xffff, v14  }
0x4e9: {  	[tilespmem:v15+s25+$0x0] =	vst.idx.add.s32.msk vm1, v13  }
.LBB2_20:
0x4ea: {  	[tilespmem:$0xA200] =	vst v0  }
0x4eb: {  	[tilespmem:$0xA210] =	vst v0  }
0x4ec: {  	[tilespmem:$0xA220] =	vst v0  }
0x4ed: {  	[tilespmem:$0xA230] =	vst v0  }
0x4ee: {  	[tilespmem:$0xA240] =	vst v0  }
0x4ef: {  	[tilespmem:$0xA250] =	vst v0  }
0x4f0: {  	[tilespmem:$0xA260] =	vst v0  }
0x4f1: {  	[tilespmem:$0xA270] =	vst v0  }
0x4f2: {  	[tilespmem:$0xA280] =	vst v0  }
0x4f3: {  	[tilespmem:$0xA290] =	vst v0  }
0x4f4: {  	[tilespmem:$0xA2A0] =	vst v0  }
0x4f5: {  	[tilespmem:$0xA2B0] =	vst v0  }
.Ltmp15:
0x4f6: {  	[tilespmem:$0xA2C0] =	vst v0;
	(pc) =	sbr.rel @!p0 .LBB2_21-.Ltmp15, $4  }
0x4f7: {  	[tilespmem:$0xA2D0] =	vst v0  }
0x4f8: {  	[tilespmem:$0xA2E0] =	vst v0  }
0x4f9: {  	[tilespmem:$0xA2F0] =	vst v0  }
0x4fa: {  	[tilespmem:$0xA300] =	vst v0;
	s0 =	simm.s32 $0x6100  }
0x4fb: {  	p2 =	seq.s32 s17, $0x1  }
.Ltmp16:
0x4fc: {  	_ = 	snop;
	(pc) =	sbr.rel @p2 .LBB2_45-.Ltmp16, $2  }
0x4fd: {  	_ =	sdelay $0x2  }
0x4fe: {  	v13 =	vld [tilespmem:s0+$0x0];
	s3 =	sadd.s32 $0xFFFFFFFF, s17  }
.LBB2_44:
0x4ff: {  	p2 =	seq.s32 s3, $0x1;
	_ =	sdelay $0x3  }
0x500: {  	v13 =	vshrl.u32 v13, $0x8  }
0x501: {  	v13 =	vand.u32 $0xFF, v13  }
0x502: {  	(xrf1) =	vunique.msk.u32 $0xffff, v13;
	_ =	sdelay $0xd  }
0x503: {  	_, v14, vm1 =	vpop (xrf1);
	_ =	sdelay $0x2  }
.Ltmp17:
0x504: {  	(pc) =	sbr.rel @!p2 .LBB2_44-.Ltmp17, $4  }
0x505: {  	_ = 	snop  }
0x506: {  	v14 =	vadd.s32 v14, v5  }
0x507: {  	s0 =	sadd.s32 $0x10, s0;
	[tilespmem:v13+s25+$0x0] =	vst.idx.add.s32.msk vm1, v14  }
0x508: {  	s3 =	sadd.s32 $0xFFFFFFFF, s3;
	v13 =	vld [tilespmem:s0+$0x0]  }
.LBB2_45:
0x509: {  	_ =	sdelay $0x3  }
0x50a: {  	v13 =	vshrl.u32 v13, $0x8  }
0x50b: {  	v13 =	vand.u32 $0xFF, v13  }
0x50c: {  	(xrf1) =	vunique.msk.u32 $0xffff, v13;
	_ =	sdelay $0xd  }
0x50d: {  	_, v14, vm1 =	vpop (xrf1);
	_ =	sdelay $0x4  }
0x50e: {  	v14 =	vadd.s32 v14, v5  }
0x50f: {  	[tilespmem:v13+s25+$0x0] =	vst.idx.add.s32.msk vm1, v14  }
.LBB2_21:
0x510: {  	s3 =	simm.s32 $0x0  }
0x511: {  	v13 =	vld [tilespmem:s3+$0xA200];
	_ =	sdelay $0x4  }
0x512: {  	(xrf0) =	vadd.scan.msk.s32 $0xffff, v13;
	_ =	sdelay $0x5  }
0x513: {  	v14, _, _ =	vpop (xrf0)  }
0x514: {  	v15 =	vxor.u32 $0x80000000, v14  }
0x515: {  	(xrf0) =	vmax.scan.msk.u32 $0xffff, v15;
	_ =	sdelay $0x3  }
0x516: {  	s0 =	simm.s32 $0x0  }
0x517: {  	v13 =	vsub.s32 s0, v13  }
0x518: {  	v13 =	vadd.s32 v14, v13;
	v14, _, _ =	vpop (xrf0)  }
0x519: {  	s6 =	simm.s32 $0x80;
	[tilespmem:s3+$0xA200] =	vst v13;
	s3 =	simm.s32 $0x10;
	(v2sf) =	vpush v14, $0xF  }
.LBB2_22:
0x51a: {  	p2 =	seq.s32 s6, $0x400;
	v13 =	vld [tilespmem:s3+$0xA200];
	_ =	sdelay $0x4  }
0x51b: {  	(xrf0) =	vadd.scan.msk.s32 $0xffff, v13;
	_ =	sdelay $0x5  }
0x51c: {  	v14, _, _ =	vpop (xrf0)  }
0x51d: {  	v15 =	vxor.u32 $0x80000000, v14  }
0x51e: {  	(xrf0) =	vmax.scan.msk.u32 $0xffff, v15  }
0x51f: {  	s10 =	spop (v2sf)  }
0x520: {  	s0 =	sadd.s32 s10, s0  }
.Ltmp18:
0x521: {  	s0 =	sadd.s32 $0x80000000, s0;
	(pc) =	sbr.rel @!p2 .LBB2_22-.Ltmp18, $4  }
0x522: {  	v15 =	vsub.s32 s0, v13  }
0x523: {  	v14 =	vadd.s32 v14, v15  }
0x524: {  	[tilespmem:s3+$0xA200] =	vst v14;
	v13, _, _ =	vpop (xrf0)  }
0x525: {  	s3 =	sshra.s32 s6, $0x2;
	s6 =	sadd.s32 $0x40, s6;
	(v2sf) =	vpush v13, $0xF  }
0x526: {  	v13 =	vld [tilespmem:s3+$0xA200];
	_ =	sdelay $0x4  }
0x527: {  	(xrf0) =	vadd.scan.msk.s32 $0xffff, v13;
	_ =	sdelay $0x5  }
0x528: {  	v14, _, _ =	vpop (xrf0)  }
0x529: {  	v15 =	vxor.u32 $0x80000000, v14  }
0x52a: {  	(xrf0) =	vmax.scan.msk.u32 $0xffff, v15;
	_ =	sdelay $0x5  }
0x52b: {  	v15, _, _ =	vpop (xrf0)  }
0x52c: {  	(v2sf) =	vpush v15, $0xF;
	_ =	sdelay $0x9  }
0x52d: {  	s6 =	spop (v2sf)  }
.Ltmp19:
0x52e: {  	s0 =	sadd.s32 s6, s0;
	(pc) =	sbr.rel @p1 .LBB2_27-.Ltmp19, $4  }
0x52f: {  	s0 =	sadd.s32 $0x80000000, s0  }
0x530: {  	v13 =	vsub.s32 s0, v13  }
0x531: {  	v13 =	vadd.s32 v14, v13  }
0x532: {  	[tilespmem:s3+$0xA200] =	vst v13;
	s31 =	spop (v2sf)  }
0x533: {  	p2 =	seq.s32 s17, $0x1  }
.Ltmp20:
0x534: {  	_ = 	snop;
	(pc) =	sbr.rel @p2 .LBB2_26-.Ltmp20, $4  }
0x535: {  	s0 =	simm.s32 $0x6100  }
0x536: {  	v13 =	vld [tilespmem:s0+$0x0]  }
0x537: {  	s3 =	simm.s32 $0x8180  }
0x538: {  	s6 =	sadd.s32 $0xFFFFFFFF, s17;
	v14 =	vld [tilespmem:s3+$0x0]  }
.LBB2_25:
0x539: {  	p2 =	seq.s32 s6, $0x1;
	_ =	sdelay $0x1  }
0x53a: {  	v15 =	vshrl.u32 v13, $0x8  }
0x53b: {  	v15 =	vand.u32 $0xFF, v15  }
0x53c: {  	(xrf1) =	vunique.msk.u32 $0xffff, v15;
	_ =	sdelay $0x9  }
0x53d: {  	v16 =	vld.idx.msk [tilespmem:v15+s25+$0x0], $0xffff;
	_ =	sdelay $0x3  }
0x53e: {  	_, v17, vm1 =	vpop (xrf1)  }
0x53f: {  	v17 =	vsub.s32 v17, v2  }
0x540: {  	v16 =	vadd.s32 v16, v17;
	v17 =	vadd.s32 $0x1, v17;
	_ =	sdelay $0x4  }
0x541: {  	[tilespmem:v16+s26+$0x0] =	vst.idx.msk $0xffff, v13  }
.Ltmp21:
0x542: {  	[tilespmem:v16+s28+$0x0] =	vst.idx.msk $0xffff, v14;
	(pc) =	sbr.rel @!p2 .LBB2_25-.Ltmp21, $4  }
0x543: {  	s0 =	sadd.s32 $0x10, s0;
	[tilespmem:v15+s25+$0x0] =	vst.idx.add.s32.msk vm1, v17  }
0x544: {  	s3 =	sadd.s32 $0x10, s3;
	v13 =	vld [tilespmem:s0+$0x0]  }
0x545: {  	v14 =	vld [tilespmem:s3+$0x0]  }
0x546: {  	s6 =	sadd.s32 $0xFFFFFFFF, s6  }
.LBB2_26:
0x547: {  	_ =	sdelay $0x1  }
0x548: {  	v15 =	vshrl.u32 v13, $0x8  }
0x549: {  	v15 =	vand.u32 $0xFF, v15  }
0x54a: {  	(xrf1) =	vunique.msk.u32 $0xffff, v15;
	_ =	sdelay $0xa  }
0x54b: {  	v16 =	vld.idx.msk [tilespmem:v15+s25+$0x0], $0xffff;
	_ =	sdelay $0x2  }
0x54c: {  	_, v17, vm1 =	vpop (xrf1)  }
0x54d: {  	v17 =	vsub.s32 v17, v2  }
0x54e: {  	v16 =	vadd.s32 v16, v17;
	_ =	sdelay $0x4  }
0x54f: {  	[tilespmem:v16+s26+$0x0] =	vst.idx.msk $0xffff, v13  }
0x550: {  	v13 =	vadd.s32 $0x1, v17;
	[tilespmem:v16+s28+$0x0] =	vst.idx.msk $0xffff, v14  }
0x551: {  	[tilespmem:v15+s25+$0x0] =	vst.idx.add.s32.msk vm1, v13  }
.LBB2_27:
0x552: {  	[tilespmem:$0xA200] =	vst v0  }
0x553: {  	[tilespmem:$0xA210] =	vst v0  }
0x554: {  	[tilespmem:$0xA220] =	vst v0  }
0x555: {  	[tilespmem:$0xA230] =	vst v0  }
0x556: {  	[tilespmem:$0xA240] =	vst v0  }
0x557: {  	[tilespmem:$0xA250] =	vst v0  }
0x558: {  	[tilespmem:$0xA260] =	vst v0  }
0x559: {  	[tilespmem:$0xA270] =	vst v0  }
0x55a: {  	[tilespmem:$0xA280] =	vst v0  }
0x55b: {  	[tilespmem:$0xA290] =	vst v0  }
0x55c: {  	[tilespmem:$0xA2A0] =	vst v0  }
0x55d: {  	[tilespmem:$0xA2B0] =	vst v0  }
.Ltmp22:
0x55e: {  	[tilespmem:$0xA2C0] =	vst v0;
	(pc) =	sbr.rel @!p0 .LBB2_28-.Ltmp22, $4  }
0x55f: {  	[tilespmem:$0xA2D0] =	vst v0  }
0x560: {  	[tilespmem:$0xA2E0] =	vst v0  }
0x561: {  	[tilespmem:$0xA2F0] =	vst v0  }
0x562: {  	[tilespmem:$0xA300] =	vst v0;
	s0 =	simm.s32 $0x2000  }
0x563: {  	p2 =	seq.s32 s17, $0x1  }
.Ltmp23:
0x564: {  	_ = 	snop;
	(pc) =	sbr.rel @p2 .LBB2_48-.Ltmp23, $2  }
0x565: {  	_ =	sdelay $0x2  }
0x566: {  	v13 =	vld [tilespmem:s0+$0x0];
	s3 =	sadd.s32 $0xFFFFFFFF, s17  }
.LBB2_47:
0x567: {  	p2 =	seq.s32 s3, $0x1;
	_ =	sdelay $0x3  }
0x568: {  	v13 =	vshrl.u32 v13, $0x10  }
0x569: {  	v13 =	vand.u32 $0xFF, v13  }
0x56a: {  	(xrf1) =	vunique.msk.u32 $0xffff, v13;
	_ =	sdelay $0xd  }
0x56b: {  	_, v14, vm1 =	vpop (xrf1);
	_ =	sdelay $0x2  }
.Ltmp24:
0x56c: {  	(pc) =	sbr.rel @!p2 .LBB2_47-.Ltmp24, $4  }
0x56d: {  	_ = 	snop  }
0x56e: {  	v14 =	vadd.s32 v14, v5  }
0x56f: {  	s0 =	sadd.s32 $0x10, s0;
	[tilespmem:v13+s25+$0x0] =	vst.idx.add.s32.msk vm1, v14  }
0x570: {  	s3 =	sadd.s32 $0xFFFFFFFF, s3;
	v13 =	vld [tilespmem:s0+$0x0]  }
.LBB2_48:
0x571: {  	_ =	sdelay $0x3  }
0x572: {  	v13 =	vshrl.u32 v13, $0x10  }
0x573: {  	v13 =	vand.u32 $0xFF, v13  }
0x574: {  	(xrf1) =	vunique.msk.u32 $0xffff, v13;
	_ =	sdelay $0xd  }
0x575: {  	_, v14, vm1 =	vpop (xrf1);
	_ =	sdelay $0x4  }
0x576: {  	v14 =	vadd.s32 v14, v5  }
0x577: {  	[tilespmem:v13+s25+$0x0] =	vst.idx.add.s32.msk vm1, v14  }
.LBB2_28:
0x578: {  	s3 =	simm.s32 $0x0  }
0x579: {  	v13 =	vld [tilespmem:s3+$0xA200];
	_ =	sdelay $0x4  }
0x57a: {  	(xrf0) =	vadd.scan.msk.s32 $0xffff, v13;
	_ =	sdelay $0x5  }
0x57b: {  	v14, _, _ =	vpop (xrf0)  }
0x57c: {  	v15 =	vxor.u32 $0x80000000, v14  }
0x57d: {  	(xrf0) =	vmax.scan.msk.u32 $0xffff, v15;
	_ =	sdelay $0x3  }
0x57e: {  	s0 =	simm.s32 $0x0  }
0x57f: {  	v13 =	vsub.s32 s0, v13  }
0x580: {  	v13 =	vadd.s32 v14, v13;
	v14, _, _ =	vpop (xrf0)  }
0x581: {  	s6 =	simm.s32 $0x80;
	[tilespmem:s3+$0xA200] =	vst v13;
	s3 =	simm.s32 $0x10;
	(v2sf) =	vpush v14, $0xF  }
.LBB2_29:
0x582: {  	p2 =	seq.s32 s6, $0x400;
	v13 =	vld [tilespmem:s3+$0xA200];
	_ =	sdelay $0x4  }
0x583: {  	(xrf0) =	vadd.scan.msk.s32 $0xffff, v13;
	_ =	sdelay $0x5  }
0x584: {  	v14, _, _ =	vpop (xrf0)  }
0x585: {  	v15 =	vxor.u32 $0x80000000, v14  }
0x586: {  	(xrf0) =	vmax.scan.msk.u32 $0xffff, v15  }
0x587: {  	s10 =	spop (v2sf)  }
0x588: {  	s0 =	sadd.s32 s10, s0  }
.Ltmp25:
0x589: {  	s0 =	sadd.s32 $0x80000000, s0;
	(pc) =	sbr.rel @!p2 .LBB2_29-.Ltmp25, $4  }
0x58a: {  	v15 =	vsub.s32 s0, v13  }
0x58b: {  	v14 =	vadd.s32 v14, v15  }
0x58c: {  	[tilespmem:s3+$0xA200] =	vst v14;
	v13, _, _ =	vpop (xrf0)  }
0x58d: {  	s3 =	sshra.s32 s6, $0x2;
	s6 =	sadd.s32 $0x40, s6;
	(v2sf) =	vpush v13, $0xF  }
0x58e: {  	v13 =	vld [tilespmem:s3+$0xA200];
	_ =	sdelay $0x4  }
0x58f: {  	(xrf0) =	vadd.scan.msk.s32 $0xffff, v13;
	_ =	sdelay $0x5  }
0x590: {  	v14, _, _ =	vpop (xrf0)  }
0x591: {  	v15 =	vxor.u32 $0x80000000, v14  }
0x592: {  	(xrf0) =	vmax.scan.msk.u32 $0xffff, v15;
	_ =	sdelay $0x5  }
0x593: {  	v15, _, _ =	vpop (xrf0)  }
0x594: {  	(v2sf) =	vpush v15, $0xF;
	_ =	sdelay $0x9  }
0x595: {  	s6 =	spop (v2sf)  }
.Ltmp26:
0x596: {  	s0 =	sadd.s32 s6, s0;
	(pc) =	sbr.rel @p1 .LBB2_34-.Ltmp26, $4  }
0x597: {  	s0 =	sadd.s32 $0x80000000, s0  }
0x598: {  	v13 =	vsub.s32 s0, v13  }
0x599: {  	v13 =	vadd.s32 v14, v13  }
0x59a: {  	[tilespmem:s3+$0xA200] =	vst v13;
	s31 =	spop (v2sf)  }
0x59b: {  	p2 =	seq.s32 s17, $0x1  }
.Ltmp27:
0x59c: {  	_ = 	snop;
	(pc) =	sbr.rel @p2 .LBB2_33-.Ltmp27, $4  }
0x59d: {  	s0 =	simm.s32 $0x2000  }
0x59e: {  	v13 =	vld [tilespmem:s0+$0x0]  }
0x59f: {  	s3 =	simm.s32 $0x4080  }
0x5a0: {  	s6 =	sadd.s32 $0xFFFFFFFF, s17;
	v14 =	vld [tilespmem:s3+$0x0]  }
.LBB2_32:
0x5a1: {  	p2 =	seq.s32 s6, $0x1;
	_ =	sdelay $0x1  }
0x5a2: {  	v15 =	vshrl.u32 v13, $0x10  }
0x5a3: {  	v15 =	vand.u32 $0xFF, v15  }
0x5a4: {  	(xrf1) =	vunique.msk.u32 $0xffff, v15;
	_ =	sdelay $0x9  }
0x5a5: {  	v16 =	vld.idx.msk [tilespmem:v15+s25+$0x0], $0xffff;
	_ =	sdelay $0x3  }
0x5a6: {  	_, v17, vm1 =	vpop (xrf1)  }
0x5a7: {  	v17 =	vsub.s32 v17, v2  }
0x5a8: {  	v16 =	vadd.s32 v16, v17;
	v17 =	vadd.s32 $0x1, v17;
	_ =	sdelay $0x4  }
0x5a9: {  	[tilespmem:v16+s23+$0x0] =	vst.idx.msk $0xffff, v13  }
.Ltmp28:
0x5aa: {  	[tilespmem:v16+s14+$0x0] =	vst.idx.msk $0xffff, v14;
	(pc) =	sbr.rel @!p2 .LBB2_32-.Ltmp28, $4  }
0x5ab: {  	s0 =	sadd.s32 $0x10, s0;
	[tilespmem:v15+s25+$0x0] =	vst.idx.add.s32.msk vm1, v17  }
0x5ac: {  	s3 =	sadd.s32 $0x10, s3;
	v13 =	vld [tilespmem:s0+$0x0]  }
0x5ad: {  	v14 =	vld [tilespmem:s3+$0x0]  }
0x5ae: {  	s6 =	sadd.s32 $0xFFFFFFFF, s6  }
.LBB2_33:
0x5af: {  	_ =	sdelay $0x1  }
0x5b0: {  	v15 =	vshrl.u32 v13, $0x10  }
0x5b1: {  	v15 =	vand.u32 $0xFF, v15  }
0x5b2: {  	(xrf1) =	vunique.msk.u32 $0xffff, v15;
	_ =	sdelay $0xa  }
0x5b3: {  	v16 =	vld.idx.msk [tilespmem:v15+s25+$0x0], $0xffff;
	_ =	sdelay $0x2  }
0x5b4: {  	_, v17, vm1 =	vpop (xrf1)  }
0x5b5: {  	v17 =	vsub.s32 v17, v2  }
0x5b6: {  	v16 =	vadd.s32 v16, v17;
	_ =	sdelay $0x4  }
0x5b7: {  	[tilespmem:v16+s23+$0x0] =	vst.idx.msk $0xffff, v13  }
0x5b8: {  	v13 =	vadd.s32 $0x1, v17;
	[tilespmem:v16+s14+$0x0] =	vst.idx.msk $0xffff, v14  }
0x5b9: {  	[tilespmem:v15+s25+$0x0] =	vst.idx.add.s32.msk vm1, v13  }
.LBB2_34:
0x5ba: {  	[tilespmem:$0xA200] =	vst v0  }
0x5bb: {  	[tilespmem:$0xA210] =	vst v0  }
0x5bc: {  	[tilespmem:$0xA220] =	vst v0  }
0x5bd: {  	[tilespmem:$0xA230] =	vst v0  }
0x5be: {  	[tilespmem:$0xA240] =	vst v0  }
0x5bf: {  	[tilespmem:$0xA250] =	vst v0  }
0x5c0: {  	[tilespmem:$0xA260] =	vst v0  }
0x5c1: {  	[tilespmem:$0xA270] =	vst v0  }
0x5c2: {  	[tilespmem:$0xA280] =	vst v0  }
0x5c3: {  	[tilespmem:$0xA290] =	vst v0  }
0x5c4: {  	[tilespmem:$0xA2A0] =	vst v0  }
0x5c5: {  	[tilespmem:$0xA2B0] =	vst v0  }
.Ltmp29:
0x5c6: {  	[tilespmem:$0xA2C0] =	vst v0;
	(pc) =	sbr.rel @!p0 .LBB2_35-.Ltmp29, $4  }
0x5c7: {  	[tilespmem:$0xA2D0] =	vst v0  }
0x5c8: {  	[tilespmem:$0xA2E0] =	vst v0  }
0x5c9: {  	[tilespmem:$0xA2F0] =	vst v0  }
0x5ca: {  	[tilespmem:$0xA300] =	vst v0;
	s0 =	simm.s32 $0x6100  }
0x5cb: {  	p0 =	seq.s32 s17, $0x1  }
.Ltmp30:
0x5cc: {  	_ = 	snop;
	(pc) =	sbr.rel @p0 .LBB2_51-.Ltmp30, $2  }
0x5cd: {  	_ =	sdelay $0x2  }
0x5ce: {  	v13 =	vld [tilespmem:s0+$0x0];
	s3 =	sadd.s32 $0xFFFFFFFF, s17  }
.LBB2_50:
0x5cf: {  	p0 =	seq.s32 s3, $0x1;
	_ =	sdelay $0x3  }
0x5d0: {  	v13 =	vshrl.u32 v13, $0x18  }
0x5d1: {  	(xrf1) =	vunique.msk.u32 $0xffff, v13;
	_ =	sdelay $0xd  }
0x5d2: {  	_, v14, vm1 =	vpop (xrf1);
	_ =	sdelay $0x2  }
.Ltmp31:
0x5d3: {  	(pc) =	sbr.rel @!p0 .LBB2_50-.Ltmp31, $4  }
0x5d4: {  	_ = 	snop  }
0x5d5: {  	v14 =	vadd.s32 v14, v5  }
0x5d6: {  	s0 =	sadd.s32 $0x10, s0;
	[tilespmem:v13+s25+$0x0] =	vst.idx.add.s32.msk vm1, v14  }
0x5d7: {  	s3 =	sadd.s32 $0xFFFFFFFF, s3;
	v13 =	vld [tilespmem:s0+$0x0]  }
.LBB2_51:
0x5d8: {  	_ =	sdelay $0x3  }
0x5d9: {  	v13 =	vshrl.u32 v13, $0x18  }
0x5da: {  	(xrf1) =	vunique.msk.u32 $0xffff, v13;
	_ =	sdelay $0xd  }
0x5db: {  	_, v14, vm1 =	vpop (xrf1);
	_ =	sdelay $0x4  }
0x5dc: {  	v14 =	vadd.s32 v14, v5  }
0x5dd: {  	[tilespmem:v13+s25+$0x0] =	vst.idx.add.s32.msk vm1, v14  }
.LBB2_35:
0x5de: {  	s3 =	simm.s32 $0x0  }
0x5df: {  	v13 =	vld [tilespmem:s3+$0xA200];
	_ =	sdelay $0x4  }
0x5e0: {  	(xrf0) =	vadd.scan.msk.s32 $0xffff, v13;
	_ =	sdelay $0x5  }
0x5e1: {  	v14, _, _ =	vpop (xrf0)  }
0x5e2: {  	v15 =	vxor.u32 $0x80000000, v14  }
0x5e3: {  	(xrf0) =	vmax.scan.msk.u32 $0xffff, v15;
	_ =	sdelay $0x3  }
0x5e4: {  	s0 =	simm.s32 $0x0  }
0x5e5: {  	v13 =	vsub.s32 s0, v13  }
0x5e6: {  	v13 =	vadd.s32 v14, v13;
	v14, _, _ =	vpop (xrf0)  }
0x5e7: {  	s6 =	simm.s32 $0x80;
	[tilespmem:s3+$0xA200] =	vst v13;
	s3 =	simm.s32 $0x10;
	(v2sf) =	vpush v14, $0xF  }
.LBB2_36:
0x5e8: {  	p0 =	seq.s32 s6, $0x400;
	v13 =	vld [tilespmem:s3+$0xA200];
	_ =	sdelay $0x4  }
0x5e9: {  	(xrf0) =	vadd.scan.msk.s32 $0xffff, v13;
	_ =	sdelay $0x5  }
0x5ea: {  	v14, _, _ =	vpop (xrf0)  }
0x5eb: {  	v15 =	vxor.u32 $0x80000000, v14  }
0x5ec: {  	(xrf0) =	vmax.scan.msk.u32 $0xffff, v15  }
0x5ed: {  	s10 =	spop (v2sf)  }
0x5ee: {  	s0 =	sadd.s32 s10, s0  }
.Ltmp32:
0x5ef: {  	s0 =	sadd.s32 $0x80000000, s0;
	(pc) =	sbr.rel @!p0 .LBB2_36-.Ltmp32, $4  }
0x5f0: {  	v15 =	vsub.s32 s0, v13  }
0x5f1: {  	v14 =	vadd.s32 v14, v15  }
0x5f2: {  	[tilespmem:s3+$0xA200] =	vst v14;
	v13, _, _ =	vpop (xrf0)  }
0x5f3: {  	s3 =	sshra.s32 s6, $0x2;
	s6 =	sadd.s32 $0x40, s6;
	(v2sf) =	vpush v13, $0xF  }
0x5f4: {  	v13 =	vld [tilespmem:s3+$0xA200];
	_ =	sdelay $0x4  }
0x5f5: {  	(xrf0) =	vadd.scan.msk.s32 $0xffff, v13;
	_ =	sdelay $0x5  }
0x5f6: {  	v14, _, _ =	vpop (xrf0)  }
0x5f7: {  	v15 =	vxor.u32 $0x80000000, v14  }
0x5f8: {  	(xrf0) =	vmax.scan.msk.u32 $0xffff, v15;
	_ =	sdelay $0x5  }
0x5f9: {  	v15, _, _ =	vpop (xrf0)  }
0x5fa: {  	(v2sf) =	vpush v15, $0xF;
	_ =	sdelay $0x9  }
0x5fb: {  	s6 =	spop (v2sf)  }
.Ltmp33:
0x5fc: {  	s0 =	sadd.s32 s6, s0;
	(pc) =	sbr.rel @p1 .LBB2_56-.Ltmp33, $4  }
0x5fd: {  	s0 =	sadd.s32 $0x80000000, s0  }
0x5fe: {  	v13 =	vsub.s32 s0, v13  }
0x5ff: {  	v13 =	vadd.s32 v14, v13  }
0x600: {  	s13 =	smov.u32 s1;
	[tilespmem:s3+$0xA200] =	vst v13;
	s31 =	spop (v2sf)  }
0x601: {  	s3 =	simm.s32 $0x6100;
	p1 =	sne.s32 s17, $0x1  }
.Ltmp34:
0x602: {  	v13 =	vld [tilespmem:s3+$0x0];
	(pc) =	sbr.rel @!p1 .LBB2_39-.Ltmp34, $2  }
0x603: {  	_ =	sdelay $0x2  }
0x604: {  	s0 =	simm.s32 $0x8180;
	p0 =	por $0x0, $0x0;
	s3 =	sadd.s32 $0xFFFFFFFF, s17  }
0x605: {  	v13 =	vshrl.u32 v13, $0x18  }
0x606: {  	(xrf1) =	vunique.msk.u32 $0xffff, v13;
	_ =	sdelay $0xa  }
0x607: {  	v14 =	vld.idx.msk [tilespmem:v13+s25+$0x0], $0xffff;
	_ =	sdelay $0x2  }
0x608: {  	_, v15, vm1 =	vpop (xrf1)  }
0x609: {  	v15 =	vsub.s32 v15, v2  }
0x60a: {  	v16 =	vld [tilespmem:s0+$0x0];
	v14 =	vadd.s32 v14, v15;
	_ =	sdelay $0x4  }
0x60b: {  	[tilespmem:v14+s28+$0x0] =	vst.idx.msk $0xffff, v16;
	v14 =	vadd.s32 $0x1, v15  }
0x60c: {  	p1 =	sne.s32 s3, $0x1;
	s6 =	simm.s32 $0x6110;
	[tilespmem:v13+s25+$0x0] =	vst.idx.add.s32.msk vm1, v14  }
.Ltmp35:
0x60d: {  	v13 =	vld [tilespmem:s6+$0x0];
	(pc) =	sbr.rel @!p1 .LBB2_53-.Ltmp35, $2  }
0x60e: {  	_ =	sdelay $0x2  }
0x60f: {  	s17 =	sadd.s32 $0xFFFFFFFF, s3;
	p0 =	por $0x1, $0x1;
	s3 =	simm.s32 $0x8180  }
.LBB2_54:
0x610: {  	p1 =	sne.s32 s17, $0x1;
	_ =	sdelay $0x2  }
0x611: {  	v13 =	vshrl.u32 v13, $0x18  }
0x612: {  	(xrf1) =	vunique.msk.u32 $0xffff, v13;
	_ =	sdelay $0x9  }
0x613: {  	v14 =	vld.idx.msk [tilespmem:v13+s25+$0x0], $0xffff;
	_ =	sdelay $0x3  }
0x614: {  	_, v15, vm1 =	vpop (xrf1)  }
0x615: {  	s3 =	sadd.s32 $0x10, s3;
	v15 =	vsub.s32 v15, v2  }
0x616: {  	v16 =	vld [tilespmem:s3+$0x0];
	v14 =	vadd.s32 v14, v15;
	_ =	sdelay $0x3  }
.Ltmp36:
0x617: {  	(pc) =	sbr.rel @p1 .LBB2_54-.Ltmp36, $4  }
0x618: {  	[tilespmem:v14+s28+$0x0] =	vst.idx.msk $0xffff, v16;
	v14 =	vadd.s32 $0x1, v15  }
0x619: {  	s6 =	sadd.s32 $0x10, s6;
	[tilespmem:v13+s25+$0x0] =	vst.idx.add.s32.msk vm1, v14  }
0x61a: {  	v13 =	vld [tilespmem:s6+$0x0]  }
0x61b: {  	s17 =	sadd.s32 $0xFFFFFFFF, s17  }
.Ltmp37:
0x61c: {  	_ = 	snop;
	(pc) =	sbr.rel .LBB2_55-.Ltmp37, $1  }
0x61d: {  	_ =	sdelay $0x3  }
.LBB2_53:
.Ltmp38:
0x61e: {  	(pc) =	sbr.rel .LBB2_55-.Ltmp38, $2  }
0x61f: {  	_ =	sdelay $0x2  }
0x620: {  	s3 =	simm.s32 $0x8180  }
.LBB2_57:
0x621: {  	_ =	sfence.sel $0x180000  }
0x622: {  	[bflag:$0x0] =	sbarrier.arrive $0xFFFF  }
0x623: {  	_ =	strace $0x90000047  }
0x624: {  	s0 =	stileid.u32;
	[bflag:$0x2] =	sbarrier.arrive $0xFFFF  }
0x625: {  	p0 =	sne.s32 s0, $0x0;
	s0 =	rddreg [dreg:$0x3]  }
0x626: {  	s0 =	sadd.s32 @!p0 $0x100000, s0  }
0x627: {  	[sflag:s0] =	ssyncadd.tile.s32 @!p0 $0x1;
	_ =	shalt  }
.Lfunc_end2:
_tile_overlayer_lowered:
.L_overlay_start_2:
0x628: {  	(tag) =	ssettag $0x2  }
0x629: {  	s0 =	rddreg [dreg:$0x0];
	s2 =	stileid.u32  }
0x62a: {  	s1 =	rddreg [dreg:$0x1];
	p0 =	sne.s32 s2, $0x0  }
0x62b: {  	s3 =	rddreg [dreg:$0x2];
	[bflag:$0x3] =	sbarrier.arrive $0xFFFF;
	s2 =	simm.s32 @!p0 $0x1C05  }
0x62c: {  	[timem:s3], [sflag:s2] =	dma.local @!p0 [hbm:s0], s1  }
0x62d: {  	s0 =	simm.s32 @!p0 $0x5  }
0x62e: {  	_ =	swait.ge @!p0 [sflag:s0], s1  }
0x62f: {  	s1 =	ssub.s32 @!p0 $0x0, s1;
	[sflag:s0] =	ssyncset.done @!p0 $0x0  }
0x630: {  	[sflag:s0] =	ssyncadd.s32 @!p0 s1  }
0x631: {  	[bflag:$0x3] =	sbarrier.arrive $0xFFFF  }
0x632: {  	_ =	shalt  }

</sc_bundles>
